<compile_context>
chip_gen: v7x
topology: tpu7x:2x2x1
jax: 0.10.2.dev20260603
libtpu: 0.0.44.dev20260713+nightly
codegen_flags: <defaults>
</compile_context>

<pallas_src>
import functools

import jax
import jax.numpy as jnp
from jax import lax
from jax.experimental import pallas as pl
from jax.experimental.pallas import tpu as pltpu
from jax.experimental.pallas import tpu_sc as plsc

B, T, D, F, E, K = 2, 2048, 1024, 4096, 8, 2
N = B * T
NK = N * K
BM = 256
P = NK + E * BM
NBLK = P // BM
BF = 1024

NC, NS, L = 2, 16, 16
NW = NC * NS
RPW = P // NW
RCH = RPW // 8
assert RPW % (8 * 8) == 0 and RCH <= 128
TPW = N // NW
TCH = 16

GR = 128
NG = N // GR


def _router_kernel(x_ref, wr_ref, pos_ref, wts_ref, be_ref):
    x = x_ref[...]
    logits = lax.dot_general(
        x, wr_ref[...], (((1,), (1,)), ((), ())),
        preferred_element_type=jnp.float32)
    i0 = jnp.argmax(logits, axis=-1)
    m0 = jnp.max(logits, axis=-1)
    eids = lax.broadcasted_iota(jnp.int32, (N, E), 1)
    masked = jnp.where(eids == i0[:, None], -jnp.inf, logits)
    i1 = jnp.argmax(masked, axis=-1)
    m1 = jnp.max(masked, axis=-1)
    w0 = 1.0 / (1.0 + jnp.exp(m1 - m0))
    M0 = (eids == i0[:, None]).astype(jnp.float32)
    M1 = (eids == i1[:, None]).astype(jnp.float32)
    Msum = M0 + M1

    a_ids = lax.broadcasted_iota(jnp.int32, (GR, GR), 1)
    b_ids = lax.broadcasted_iota(jnp.int32, (GR, GR), 0)
    tlow = (a_ids < b_ids).astype(jnp.float32)
    run = jnp.zeros((1, E), jnp.float32)
    c_parts = []
    for g in range(NG):
        chunk = Msum[g * GR:(g + 1) * GR, :]
        pin = lax.dot_general(
            tlow, chunk, (((1,), (0,)), ((), ())),
            preferred_element_type=jnp.float32)
        c_parts.append(pin + run)
        run = run + jnp.sum(chunk, axis=0, keepdims=True)
    C = jnp.concatenate(c_parts, axis=0)
    counts = run

    padded = jnp.ceil(counts * (1.0 / BM)) * BM
    e_a = lax.broadcasted_iota(jnp.int32, (E, E), 0)
    e_b = lax.broadcasted_iota(jnp.int32, (E, E), 1)
    tlow8 = (e_a < e_b).astype(jnp.float32)
    off = lax.dot_general(
        padded, tlow8, (((1,), (0,)), ((), ())),
        preferred_element_type=jnp.float32)
    dstf = off + C
    dst0 = jnp.sum(M0 * dstf, axis=1).astype(jnp.int32)
    dst1 = jnp.sum(M1 * dstf, axis=1).astype(jnp.int32)
    pos_ref[...] = jnp.concatenate(
        [dst0[:, None], dst1[:, None]], axis=1)
    wts_ref[...] = jnp.concatenate(
        [w0[:, None], (1.0 - w0)[:, None]], axis=1)

    off_end = off + padded
    blk = (lax.broadcasted_iota(jnp.int32, (NBLK, E), 0) * BM
           ).astype(jnp.float32)
    be = jnp.sum((blk >= off_end).astype(jnp.int32), axis=1, keepdims=True)
    be_ref[...] = jnp.minimum(be, E - 1)


def _gmm_kernel(be_ref, xs_ref, w1_ref, w2_ref, ys_ref):
    f = pl.program_id(0)
    b = pl.program_id(1)
    xb = xs_ref[...]
    h = lax.dot_general(
        xb, w1_ref[0], (((1,), (1,)), ((), ())),
        preferred_element_type=jnp.float32)
    h = 0.5 * h * (1.0 + lax.erf(h * 0.7071067811865476))
    contrib = lax.dot_general(
        h, w2_ref[0], (((1,), (1,)), ((), ())),
        preferred_element_type=jnp.float32)
    row0 = b * BM

    @pl.when(f == 0)
    def _init():
        ys_ref[pl.ds(row0, BM), :] = contrib

    @pl.when(f != 0)
    def _acc():
        ys_ref[pl.ds(row0, BM), :] += contrib


def _sc_dispatch_body(xf_hbm, dst_hbm, xs_hbm, dst_v, ptok_v,
                      rows0_v, rows1_v, gsem0, gsem1, osem0, osem1):
    wid = lax.axis_index("s") * NC + lax.axis_index("c")
    base = wid * RPW
    pltpu.sync_copy(dst_hbm, dst_v)

    zero16 = jnp.zeros((L,), jnp.int32)

    def _init(i, _):
        ptok_v[pl.ds(i * L, L)] = zero16
        return 0
    lax.fori_loop(0, RPW // L, _init, 0, unroll=4)

    lane = lax.broadcasted_iota(jnp.int32, (L,), 0)

    def _scan(i, _):
        d = dst_v[pl.ds(i * L, L)]
        tok = lax.shift_right_logical(lane + i * L, 1)
        loc = d - base
        m = jnp.logical_and(loc >= 0, loc < RPW)
        locc = jnp.clip(loc, 0, RPW - 1)
        plsc.store_scatter(ptok_v, [locc], tok, mask=m)
        return 0
    lax.fori_loop(0, NK // L, _scan, 0, unroll=8)

    bufs = (rows0_v, rows1_v)
    gsems = (gsem0, gsem1)
    osems = (osem0, osem1)
    nch = RPW // RCH

    def _gather(ci, buf, sem):
        idx = ptok_v.at[pl.ds(ci * RCH, RCH)]
        return pltpu.async_copy(xf_hbm.at[idx], buf, sem)

    g_next = _gather(0, bufs[0], gsems[0])
    out_pending = [None, None]
    for ci in range(nch):
        b = ci % 2
        g_next.wait()
        if ci + 1 < nch:
            nb = 1 - b
            if out_pending[nb] is not None:
                out_pending[nb].wait()
                out_pending[nb] = None
            g_next = _gather(ci + 1, bufs[nb], gsems[nb])
        if out_pending[b] is not None:
            out_pending[b].wait()
            out_pending[b] = None
        out_pending[b] = pltpu.async_copy(
            bufs[b], xs_hbm.at[pl.ds(base + ci * RCH, RCH)], osems[b])
    for d in out_pending:
        if d is not None:
            d.wait()


def _sc_combine_body(ys_hbm, pos_hbm, wts_hbm, out_hbm,
                     pos0_v, pos1_v, w0_v, w1_v, rows0_v, rows1_v,
                     out0_v, out1_v, gsem0, gsem1, osem0, osem1):
    wid = lax.axis_index("s") * NC + lax.axis_index("c")
    lane = lax.broadcasted_iota(jnp.int32, (L,), 0)

    posb = (pos0_v, pos1_v)
    wb = (w0_v, w1_v)
    rows = (rows0_v, rows1_v)
    outs = (out0_v, out1_v)
    gsems = (gsem0, gsem1)
    osems = (osem0, osem1)
    nch = TPW // TCH

    def _gather(ci, b):
        tb = wid * TPW + ci * TCH
        pltpu.sync_copy(pos_hbm.at[pl.ds(2 * tb, 2 * TCH)], posb[b])
        pltpu.sync_copy(wts_hbm.at[pl.ds(2 * tb, 2 * TCH)], wb[b])
        return pltpu.async_copy(ys_hbm.at[posb[b]], rows[b], gsems[b])

    g_next = _gather(0, 0)
    out_pending = [None, None]
    for ci in range(nch):
        b = ci % 2
        g_next.wait()
        if ci + 1 < nch:
            g_next = _gather(ci + 1, 1 - b)
        if out_pending[b] is not None:
            out_pending[b].wait()
            out_pending[b] = None
        rows_v, w_v, out_v = rows[b], wb[b], outs[b]

        def _token(j, _):
            f0 = jnp.full((L,), 2 * j, jnp.int32)
            f1 = jnp.full((L,), 2 * j + 1, jnp.int32)
            w0 = plsc.load_gather(w_v, [f0])
            w1 = plsc.load_gather(w_v, [f1])
            fj = jnp.full((L,), j, jnp.int32)

            def _vec(v, _):
                cols = lane + v * L
                r0 = plsc.load_gather(rows_v, [f0, cols])
                r1 = plsc.load_gather(rows_v, [f1, cols])
                plsc.store_scatter(out_v, [fj, cols], w0 * r0 + w1 * r1)
                return 0
            lax.fori_loop(0, D // L, _vec, 0, unroll=8)
            return 0
        lax.fori_loop(0, TCH, _token, 0)
        tb = wid * TPW + ci * TCH
        out_pending[b] = pltpu.async_copy(
            out_v, out_hbm.at[pl.ds(tb, TCH)], osems[b])
    for d in out_pending:
        if d is not None:
            d.wait()


@functools.lru_cache(maxsize=1)
def _make_sc_kernels():
    mesh = plsc.VectorSubcoreMesh(
        core_axis_name="c", subcore_axis_name="s",
        num_cores=NC, num_subcores=NS)
    sc_params = pltpu.CompilerParams(needs_layout_passes=False)
    dispatch = pl.kernel(
        _sc_dispatch_body,
        out_type=jax.ShapeDtypeStruct((P, D), jnp.float32),
        mesh=mesh,
        compiler_params=sc_params,
        scratch_types=[
            pltpu.VMEM((NK,), jnp.int32),
            pltpu.VMEM((RPW,), jnp.int32),
            pltpu.VMEM((RCH, D), jnp.float32),
            pltpu.VMEM((RCH, D), jnp.float32),
            pltpu.SemaphoreType.DMA,
            pltpu.SemaphoreType.DMA,
            pltpu.SemaphoreType.DMA,
            pltpu.SemaphoreType.DMA,
        ],
    )
    combine = pl.kernel(
        _sc_combine_body,
        out_type=jax.ShapeDtypeStruct((N, D), jnp.float32),
        mesh=mesh,
        compiler_params=sc_params,
        scratch_types=[
            pltpu.VMEM((2 * TCH,), jnp.int32),
            pltpu.VMEM((2 * TCH,), jnp.int32),
            pltpu.VMEM((2 * TCH,), jnp.float32),
            pltpu.VMEM((2 * TCH,), jnp.float32),
            pltpu.VMEM((2 * TCH, D), jnp.float32),
            pltpu.VMEM((2 * TCH, D), jnp.float32),
            pltpu.VMEM((TCH, D), jnp.float32),
            pltpu.VMEM((TCH, D), jnp.float32),
            pltpu.SemaphoreType.DMA,
            pltpu.SemaphoreType.DMA,
            pltpu.SemaphoreType.DMA,
            pltpu.SemaphoreType.DMA,
        ],
    )
    return dispatch, combine


@jax.jit
def kernel(x, Wr, W1, W2):
    xf = x.reshape(N, D)
    _sc_dispatch, _sc_combine = _make_sc_kernels()

    pos, wts, be = pl.pallas_call(
        _router_kernel,
        in_specs=[
            pl.BlockSpec((N, D), lambda: (0, 0)),
            pl.BlockSpec((E, D), lambda: (0, 0)),
        ],
        out_specs=[
            pl.BlockSpec((N, K), lambda: (0, 0)),
            pl.BlockSpec((N, K), lambda: (0, 0)),
            pl.BlockSpec((NBLK, 1), lambda: (0, 0)),
        ],
        out_shape=[
            jax.ShapeDtypeStruct((N, K), jnp.int32),
            jax.ShapeDtypeStruct((N, K), jnp.float32),
            jax.ShapeDtypeStruct((NBLK, 1), jnp.int32),
        ],
    )(xf, Wr)

    pos_flat = pos.reshape(NK)
    xs = _sc_dispatch(xf, pos_flat)

    ys = pl.pallas_call(
        _gmm_kernel,
        grid_spec=pltpu.PrefetchScalarGridSpec(
            num_scalar_prefetch=1,
            grid=(F // BF, NBLK),
            in_specs=[
                pl.BlockSpec((BM, D), lambda f, b, be: (b, 0)),
                pl.BlockSpec((1, BF, D), lambda f, b, be: (be[b, 0], f, 0)),
                pl.BlockSpec((1, D, BF), lambda f, b, be: (be[b, 0], 0, f)),
            ],
            out_specs=pl.BlockSpec((P, D), lambda f, b, be: (0, 0)),
        ),
        out_shape=jax.ShapeDtypeStruct((P, D), jnp.float32),
        compiler_params=pltpu.CompilerParams(
            vmem_limit_bytes=100 * 1024 * 1024),
    )(be, xs, W1, W2)

    out = _sc_combine(ys, pos_flat, wts.reshape(NK))
    return out.reshape(B, T, D)

# --- scband reference (transcript-rebuilt; emitter-appended) ---
"""Pipeline reference for scband-mo-elayer-13039520711498 (READ-ONLY COPY).

The authoritative reference and input builder live on the scoring server;
editing this copy changes nothing except your own understanding.
"""

import jax, jax.numpy as jnp
import numpy as np

B, T, D, F, E, K = 2, 2048, 1024, 4096, 8, 2

def setup_inputs(seed: int = 0) -> dict:
    key = jax.random.key(seed)
    k1, k2, k3, k4 = jax.random.split(key, 4)
    x = jax.random.normal(k1, (B, T, D), dtype=jnp.float32)
    Wr = jax.random.normal(k2, (E, D), dtype=jnp.float32) * 0.02   # router weight [n_experts, d_model]
    W1 = jax.random.normal(k3, (E, F, D), dtype=jnp.float32) * 0.02  # per-expert w1 [d_ffn, d_model]
    W2 = jax.random.normal(k4, (E, D, F), dtype=jnp.float32) * 0.02  # per-expert w2 [d_model, d_ffn]
    return {"x": x, "Wr": Wr, "W1": W1, "W2": W2}

def reference(x, Wr, W1, W2):
    # router: [B, T, E]
    router_logits = jnp.einsum('btd,ed->bte', x, Wr)
    top_k_logits, top_k_indices = jax.lax.top_k(router_logits, K)
    topk_weights = jax.nn.softmax(top_k_logits, axis=-1)  # [B, T, K]
    # combined per-expert weight: sum_k topk_weights[..., k] * 1[idx_k == e]
    onehot = jax.nn.one_hot(top_k_indices, E, dtype=x.dtype)  # [B, T, K, E]
    combined = jnp.einsum('btk,btke->bte', topk_weights, onehot)  # [B, T, E]
    output = jnp.zeros_like(x)
    for e in range(E):
        h = jax.nn.gelu(jnp.einsum('btd,fd->btf', x, W1[e]), approximate=False)
        expert_out = jnp.einsum('btf,df->btd', h, W2[e])
        output = output + combined[..., e:e + 1] * expert_out
    return output

if __name__ == "__main__":
    import jax
    _d = setup_inputs()
    print(jax.jit(kernel)(*tuple(_d.values())))

</pallas_src>

<mosaic_0001>
#map = affine_map<(d0, d1) -> (0, 0)>
#map1 = affine_map<(d0, d1) -> (0)>
module attributes {stable_mosaic.version = 14 : i64} {
  func.func @_sc_dispatch_body(%arg0: i32, %arg1: i32, %arg2: memref<4096x1024xf32, #tpu.memory_space<hbm>>, %arg3: memref<8192xi32, #tpu.memory_space<hbm>>, %arg4: memref<10240x1024xf32, #tpu.memory_space<hbm>>, %arg5: memref<8192xi32, #tpu.memory_space<vmem>>, %arg6: memref<320xi32, #tpu.memory_space<vmem>>, %arg7: memref<40x1024xf32, #tpu.memory_space<vmem>>, %arg8: memref<40x1024xf32, #tpu.memory_space<vmem>>, %arg9: memref<!tpu.dma_semaphore, #tpu.memory_space<semaphore_mem>>, %arg10: memref<!tpu.dma_semaphore, #tpu.memory_space<semaphore_mem>>, %arg11: memref<!tpu.dma_semaphore, #tpu.memory_space<semaphore_mem>>, %arg12: memref<!tpu.dma_semaphore, #tpu.memory_space<semaphore_mem>>) attributes {dimension_semantics = [#tpu.dimension_semantics<core_parallel>, #tpu.dimension_semantics<subcore_parallel>], iteration_bounds = array<i64: 2, 16>, scalar_prefetch = 0 : i64, scratch_operands = 8 : i64, tpu.core_type = #tpu.core_type<sc_vector_subcore>, window_params = [{transform_indices = #map}, {transform_indices = #map1}, {transform_indices = #map}]} {
    %mul3A = arith.constant 2 : i32
    %mul3A_0 = arith.muli %arg1, %mul3A : i32
    %add3A = arith.addi %mul3A_0, %arg0 : i32
    %mul3A_1 = arith.constant 320 : i32
    %mul3A_2 = arith.muli %add3A, %mul3A_1 : i32
    "tpu.region"() ({
      %run_scoped3A = tpu.sem_alloc : memref<!tpu.dma_semaphore, #tpu.memory_space<semaphore_mem>>
      tpu.enqueue_dma source(%arg3 : memref<8192xi32, #tpu.memory_space<hbm>>) target(%arg5 : memref<8192xi32, #tpu.memory_space<vmem>>) target_semaphore(%run_scoped3A : memref<!tpu.dma_semaphore, #tpu.memory_space<semaphore_mem>>)
      tpu.wait_dma2 semaphore(%run_scoped3A : memref<!tpu.dma_semaphore, #tpu.memory_space<semaphore_mem>>) src(%arg3 : memref<8192xi32, #tpu.memory_space<hbm>>) dst(%arg5 : memref<8192xi32, #tpu.memory_space<vmem>>)
      tpu.yield
    }) : () -> ()
    %broadcast_in_dim3A = arith.constant 0 : i32
    %broadcast_in_dim3A_3 = vector.broadcast %broadcast_in_dim3A : i32 to vector<16xi32>
    %scan3A = arith.constant 0 : i32
    %scan3A_4 = arith.constant 0 : i32
    %scan3A_5 = arith.constant 20 : i32
    %scan3A_6 = arith.addi %scan3A_4, %scan3A_5 : i32
    %scan3A_7 = arith.constant 4 : i32
    %scan3A_8 = scf.for %scan3A_175 = %scan3A_4 to %scan3A_6 step %scan3A_7 iter_args(%scan3A_176 = %scan3A) -> (i32)  : i32 {
      %mul3A_177 = arith.constant 16 : i32
      %mul3A_178 = arith.muli %scan3A_175, %mul3A_177 : i32
      %swap3A = arith.index_cast %mul3A_178 : i32 to index
      %swap3A_179 = tpu.vector_load %arg6[%swap3A] {strides = array<i32>} : memref<320xi32, #tpu.memory_space<vmem>>, vector<16xi32>,
      tpu.vector_store %arg6[%swap3A], %broadcast_in_dim3A_3 {strides = array<i32>} : memref<320xi32, #tpu.memory_space<vmem>>, vector<16xi32>,
      %scan3A_180 = arith.constant 0 : i32
      %scan3A_181 = arith.constant 1 : i32
      %scan3A_182 = arith.addi %scan3A_175, %scan3A_181 : i32
      %mul3A_183 = arith.constant 16 : i32
      %mul3A_184 = arith.muli %scan3A_182, %mul3A_183 : i32
      %swap3A_185 = arith.index_cast %mul3A_184 : i32 to index
      %swap3A_186 = tpu.vector_load %arg6[%swap3A_185] {strides = array<i32>} : memref<320xi32, #tpu.memory_space<vmem>>, vector<16xi32>,
      tpu.vector_store %arg6[%swap3A_185], %broadcast_in_dim3A_3 {strides = array<i32>} : memref<320xi32, #tpu.memory_space<vmem>>, vector<16xi32>,
      %scan3A_187 = arith.constant 0 : i32
      %scan3A_188 = arith.constant 2 : i32
      %scan3A_189 = arith.addi %scan3A_175, %scan3A_188 : i32
      %mul3A_190 = arith.constant 16 : i32
      %mul3A_191 = arith.muli %scan3A_189, %mul3A_190 : i32
      %swap3A_192 = arith.index_cast %mul3A_191 : i32 to index
      %swap3A_193 = tpu.vector_load %arg6[%swap3A_192] {strides = array<i32>} : memref<320xi32, #tpu.memory_space<vmem>>, vector<16xi32>,
      tpu.vector_store %arg6[%swap3A_192], %broadcast_in_dim3A_3 {strides = array<i32>} : memref<320xi32, #tpu.memory_space<vmem>>, vector<16xi32>,
      %scan3A_194 = arith.constant 0 : i32
      %scan3A_195 = arith.constant 3 : i32
      %scan3A_196 = arith.addi %scan3A_175, %scan3A_195 : i32
      %mul3A_197 = arith.constant 16 : i32
      %mul3A_198 = arith.muli %scan3A_196, %mul3A_197 : i32
      %swap3A_199 = arith.index_cast %mul3A_198 : i32 to index
      %swap3A_200 = tpu.vector_load %arg6[%swap3A_199] {strides = array<i32>} : memref<320xi32, #tpu.memory_space<vmem>>, vector<16xi32>,
      tpu.vector_store %arg6[%swap3A_199], %broadcast_in_dim3A_3 {strides = array<i32>} : memref<320xi32, #tpu.memory_space<vmem>>, vector<16xi32>,
      %scan3A_201 = arith.constant 0 : i32
      scf.yield %scan3A_201 : i32
    }
    %scan3A_9 = arith.constant 20 : i32
    %iota3A = tpu.iota {dimensions = array<i32: 0>} : vector<16xi32>
    %scan3A_10 = arith.constant 0 : i32
    %scan3A_11 = arith.constant 0 : i32
    %scan3A_12 = arith.constant 512 : i32
    %scan3A_13 = arith.addi %scan3A_11, %scan3A_12 : i32
    %scan3A_14 = arith.constant 8 : i32
    %scan3A_15 = scf.for %scan3A_175 = %scan3A_11 to %scan3A_13 step %scan3A_14 iter_args(%scan3A_176 = %scan3A_10) -> (i32)  : i32 {
      %mul3A_177 = arith.constant 16 : i32
      %mul3A_178 = arith.muli %scan3A_175, %mul3A_177 : i32
      %get3A = arith.index_cast %mul3A_178 : i32 to index
      %get3A_179 = tpu.vector_load %arg5[%get3A] {strides = array<i32>} : memref<8192xi32, #tpu.memory_space<vmem>>, vector<16xi32>,
      %mul3A_180 = arith.constant 16 : i32
      %mul3A_181 = arith.muli %scan3A_175, %mul3A_180 : i32
      %add3A_182 = vector.broadcast %mul3A_181 : i32 to vector<16xi32>
      %add3A_183 = arith.addi %iota3A, %add3A_182 : vector<16xi32>
      %shift_right_logical3A = arith.constant 1 : i32
      %shift_right_logical3A_184 = vector.broadcast %shift_right_logical3A : i32 to vector<16xi32>
      %shift_right_logical3A_185 = arith.shrui %add3A_183, %shift_right_logical3A_184 : vector<16xi32>
      %sub3A = vector.broadcast %mul3A_2 : i32 to vector<16xi32>
      %sub3A_186 = arith.subi %get3A_179, %sub3A : vector<16xi32>
      %ge3A = arith.constant 0 : i32
      %ge3A_187 = vector.broadcast %ge3A : i32 to vector<16xi32>
      %ge3A_188 = arith.cmpi sge, %sub3A_186, %ge3A_187 : vector<16xi32>
      %lt3A = arith.constant 320 : i32
      %lt3A_189 = vector.broadcast %lt3A : i32 to vector<16xi32>
      %lt3A_190 = arith.cmpi slt, %sub3A_186, %lt3A_189 : vector<16xi32>
      %and3A = arith.andi %ge3A_188, %lt3A_190 : vector<16xi1>
      %jit3A = arith.constant 0 : i32
      %jit3A_191 = arith.constant 319 : i32
      %max3A = vector.broadcast %jit3A : i32 to vector<16xi32>
      %max3A_192 = arith.maxsi %max3A, %sub3A_186 : vector<16xi32>
      %min3A = vector.broadcast %jit3A_191 : i32 to vector<16xi32>
      %min3A_193 = arith.minsi %min3A, %max3A_192 : vector<16xi32>
      tpu.vector_store_idx %arg6[%min3A_193], %shift_right_logical3A_185 masked %and3A : memref<320xi32, #tpu.memory_space<vmem>>[vector<16xi32>], vector<16xi32>, vector<16xi1>
      %scan3A_194 = arith.constant 0 : i32
      %scan3A_195 = arith.constant 1 : i32
      %scan3A_196 = arith.addi %scan3A_175, %scan3A_195 : i32
      %mul3A_197 = arith.constant 16 : i32
      %mul3A_198 = arith.muli %scan3A_196, %mul3A_197 : i32
      %get3A_199 = arith.index_cast %mul3A_198 : i32 to index
      %get3A_200 = tpu.vector_load %arg5[%get3A_199] {strides = array<i32>} : memref<8192xi32, #tpu.memory_space<vmem>>, vector<16xi32>,
      %mul3A_201 = arith.constant 16 : i32
      %mul3A_202 = arith.muli %scan3A_196, %mul3A_201 : i32
      %add3A_203 = vector.broadcast %mul3A_202 : i32 to vector<16xi32>
      %add3A_204 = arith.addi %iota3A, %add3A_203 : vector<16xi32>
      %shift_right_logical3A_205 = arith.constant 1 : i32
      %shift_right_logical3A_206 = vector.broadcast %shift_right_logical3A_205 : i32 to vector<16xi32>
      %shift_right_logical3A_207 = arith.shrui %add3A_204, %shift_right_logical3A_206 : vector<16xi32>
      %sub3A_208 = vector.broadcast %mul3A_2 : i32 to vector<16xi32>
      %sub3A_209 = arith.subi %get3A_200, %sub3A_208 : vector<16xi32>
      %ge3A_210 = arith.constant 0 : i32
      %ge3A_211 = vector.broadcast %ge3A_210 : i32 to vector<16xi32>
      %ge3A_212 = arith.cmpi sge, %sub3A_209, %ge3A_211 : vector<16xi32>
      %lt3A_213 = arith.constant 320 : i32
      %lt3A_214 = vector.broadcast %lt3A_213 : i32 to vector<16xi32>
      %lt3A_215 = arith.cmpi slt, %sub3A_209, %lt3A_214 : vector<16xi32>
      %and3A_216 = arith.andi %ge3A_212, %lt3A_215 : vector<16xi1>
      %jit3A_217 = arith.constant 0 : i32
      %jit3A_218 = arith.constant 319 : i32
      %max3A_219 = vector.broadcast %jit3A_217 : i32 to vector<16xi32>
      %max3A_220 = arith.maxsi %max3A_219, %sub3A_209 : vector<16xi32>
      %min3A_221 = vector.broadcast %jit3A_218 : i32 to vector<16xi32>
      %min3A_222 = arith.minsi %min3A_221, %max3A_220 : vector<16xi32>
      tpu.vector_store_idx %arg6[%min3A_222], %shift_right_logical3A_207 masked %and3A_216 : memref<320xi32, #tpu.memory_space<vmem>>[vector<16xi32>], vector<16xi32>, vector<16xi1>
      %scan3A_223 = arith.constant 0 : i32
      %scan3A_224 = arith.constant 2 : i32
      %scan3A_225 = arith.addi %scan3A_175, %scan3A_224 : i32
      %mul3A_226 = arith.constant 16 : i32
      %mul3A_227 = arith.muli %scan3A_225, %mul3A_226 : i32
      %get3A_228 = arith.index_cast %mul3A_227 : i32 to index
      %get3A_229 = tpu.vector_load %arg5[%get3A_228] {strides = array<i32>} : memref<8192xi32, #tpu.memory_space<vmem>>, vector<16xi32>,
      %mul3A_230 = arith.constant 16 : i32
      %mul3A_231 = arith.muli %scan3A_225, %mul3A_230 : i32
      %add3A_232 = vector.broadcast %mul3A_231 : i32 to vector<16xi32>
      %add3A_233 = arith.addi %iota3A, %add3A_232 : vector<16xi32>
      %shift_right_logical3A_234 = arith.constant 1 : i32
      %shift_right_logical3A_235 = vector.broadcast %shift_right_logical3A_234 : i32 to vector<16xi32>
      %shift_right_logical3A_236 = arith.shrui %add3A_233, %shift_right_logical3A_235 : vector<16xi32>
      %sub3A_237 = vector.broadcast %mul3A_2 : i32 to vector<16xi32>
      %sub3A_238 = arith.subi %get3A_229, %sub3A_237 : vector<16xi32>
      %ge3A_239 = arith.constant 0 : i32
      %ge3A_240 = vector.broadcast %ge3A_239 : i32 to vector<16xi32>
      %ge3A_241 = arith.cmpi sge, %sub3A_238, %ge3A_240 : vector<16xi32>
      %lt3A_242 = arith.constant 320 : i32
      %lt3A_243 = vector.broadcast %lt3A_242 : i32 to vector<16xi32>
      %lt3A_244 = arith.cmpi slt, %sub3A_238, %lt3A_243 : vector<16xi32>
      %and3A_245 = arith.andi %ge3A_241, %lt3A_244 : vector<16xi1>
      %jit3A_246 = arith.constant 0 : i32
      %jit3A_247 = arith.constant 319 : i32
      %max3A_248 = vector.broadcast %jit3A_246 : i32 to vector<16xi32>
      %max3A_249 = arith.maxsi %max3A_248, %sub3A_238 : vector<16xi32>
      %min3A_250 = vector.broadcast %jit3A_247 : i32 to vector<16xi32>
      %min3A_251 = arith.minsi %min3A_250, %max3A_249 : vector<16xi32>
      tpu.vector_store_idx %arg6[%min3A_251], %shift_right_logical3A_236 masked %and3A_245 : memref<320xi32, #tpu.memory_space<vmem>>[vector<16xi32>], vector<16xi32>, vector<16xi1>
      %scan3A_252 = arith.constant 0 : i32
      %scan3A_253 = arith.constant 3 : i32
      %scan3A_254 = arith.addi %scan3A_175, %scan3A_253 : i32
      %mul3A_255 = arith.constant 16 : i32
      %mul3A_256 = arith.muli %scan3A_254, %mul3A_255 : i32
      %get3A_257 = arith.index_cast %mul3A_256 : i32 to index
      %get3A_258 = tpu.vector_load %arg5[%get3A_257] {strides = array<i32>} : memref<8192xi32, #tpu.memory_space<vmem>>, vector<16xi32>,
      %mul3A_259 = arith.constant 16 : i32
      %mul3A_260 = arith.muli %scan3A_254, %mul3A_259 : i32
      %add3A_261 = vector.broadcast %mul3A_260 : i32 to vector<16xi32>
      %add3A_262 = arith.addi %iota3A, %add3A_261 : vector<16xi32>
      %shift_right_logical3A_263 = arith.constant 1 : i32
      %shift_right_logical3A_264 = vector.broadcast %shift_right_logical3A_263 : i32 to vector<16xi32>
      %shift_right_logical3A_265 = arith.shrui %add3A_262, %shift_right_logical3A_264 : vector<16xi32>
      %sub3A_266 = vector.broadcast %mul3A_2 : i32 to vector<16xi32>
      %sub3A_267 = arith.subi %get3A_258, %sub3A_266 : vector<16xi32>
      %ge3A_268 = arith.constant 0 : i32
      %ge3A_269 = vector.broadcast %ge3A_268 : i32 to vector<16xi32>
      %ge3A_270 = arith.cmpi sge, %sub3A_267, %ge3A_269 : vector<16xi32>
      %lt3A_271 = arith.constant 320 : i32
      %lt3A_272 = vector.broadcast %lt3A_271 : i32 to vector<16xi32>
      %lt3A_273 = arith.cmpi slt, %sub3A_267, %lt3A_272 : vector<16xi32>
      %and3A_274 = arith.andi %ge3A_270, %lt3A_273 : vector<16xi1>
      %jit3A_275 = arith.constant 0 : i32
      %jit3A_276 = arith.constant 319 : i32
      %max3A_277 = vector.broadcast %jit3A_275 : i32 to vector<16xi32>
      %max3A_278 = arith.maxsi %max3A_277, %sub3A_267 : vector<16xi32>
      %min3A_279 = vector.broadcast %jit3A_276 : i32 to vector<16xi32>
      %min3A_280 = arith.minsi %min3A_279, %max3A_278 : vector<16xi32>
      tpu.vector_store_idx %arg6[%min3A_280], %shift_right_logical3A_265 masked %and3A_274 : memref<320xi32, #tpu.memory_space<vmem>>[vector<16xi32>], vector<16xi32>, vector<16xi1>
      %scan3A_281 = arith.constant 0 : i32
      %scan3A_282 = arith.constant 4 : i32
      %scan3A_283 = arith.addi %scan3A_175, %scan3A_282 : i32
      %mul3A_284 = arith.constant 16 : i32
      %mul3A_285 = arith.muli %scan3A_283, %mul3A_284 : i32
      %get3A_286 = arith.index_cast %mul3A_285 : i32 to index
      %get3A_287 = tpu.vector_load %arg5[%get3A_286] {strides = array<i32>} : memref<8192xi32, #tpu.memory_space<vmem>>, vector<16xi32>,
      %mul3A_288 = arith.constant 16 : i32
      %mul3A_289 = arith.muli %scan3A_283, %mul3A_288 : i32
      %add3A_290 = vector.broadcast %mul3A_289 : i32 to vector<16xi32>
      %add3A_291 = arith.addi %iota3A, %add3A_290 : vector<16xi32>
      %shift_right_logical3A_292 = arith.constant 1 : i32
      %shift_right_logical3A_293 = vector.broadcast %shift_right_logical3A_292 : i32 to vector<16xi32>
      %shift_right_logical3A_294 = arith.shrui %add3A_291, %shift_right_logical3A_293 : vector<16xi32>
      %sub3A_295 = vector.broadcast %mul3A_2 : i32 to vector<16xi32>
      %sub3A_296 = arith.subi %get3A_287, %sub3A_295 : vector<16xi32>
      %ge3A_297 = arith.constant 0 : i32
      %ge3A_298 = vector.broadcast %ge3A_297 : i32 to vector<16xi32>
      %ge3A_299 = arith.cmpi sge, %sub3A_296, %ge3A_298 : vector<16xi32>
      %lt3A_300 = arith.constant 320 : i32
      %lt3A_301 = vector.broadcast %lt3A_300 : i32 to vector<16xi32>
      %lt3A_302 = arith.cmpi slt, %sub3A_296, %lt3A_301 : vector<16xi32>
      %and3A_303 = arith.andi %ge3A_299, %lt3A_302 : vector<16xi1>
      %jit3A_304 = arith.constant 0 : i32
      %jit3A_305 = arith.constant 319 : i32
      %max3A_306 = vector.broadcast %jit3A_304 : i32 to vector<16xi32>
      %max3A_307 = arith.maxsi %max3A_306, %sub3A_296 : vector<16xi32>
      %min3A_308 = vector.broadcast %jit3A_305 : i32 to vector<16xi32>
      %min3A_309 = arith.minsi %min3A_308, %max3A_307 : vector<16xi32>
      tpu.vector_store_idx %arg6[%min3A_309], %shift_right_logical3A_294 masked %and3A_303 : memref<320xi32, #tpu.memory_space<vmem>>[vector<16xi32>], vector<16xi32>, vector<16xi1>
      %scan3A_310 = arith.constant 0 : i32
      %scan3A_311 = arith.constant 5 : i32
      %scan3A_312 = arith.addi %scan3A_175, %scan3A_311 : i32
      %mul3A_313 = arith.constant 16 : i32
      %mul3A_314 = arith.muli %scan3A_312, %mul3A_313 : i32
      %get3A_315 = arith.index_cast %mul3A_314 : i32 to index
      %get3A_316 = tpu.vector_load %arg5[%get3A_315] {strides = array<i32>} : memref<8192xi32, #tpu.memory_space<vmem>>, vector<16xi32>,
      %mul3A_317 = arith.constant 16 : i32
      %mul3A_318 = arith.muli %scan3A_312, %mul3A_317 : i32
      %add3A_319 = vector.broadcast %mul3A_318 : i32 to vector<16xi32>
      %add3A_320 = arith.addi %iota3A, %add3A_319 : vector<16xi32>
      %shift_right_logical3A_321 = arith.constant 1 : i32
      %shift_right_logical3A_322 = vector.broadcast %shift_right_logical3A_321 : i32 to vector<16xi32>
      %shift_right_logical3A_323 = arith.shrui %add3A_320, %shift_right_logical3A_322 : vector<16xi32>
      %sub3A_324 = vector.broadcast %mul3A_2 : i32 to vector<16xi32>
      %sub3A_325 = arith.subi %get3A_316, %sub3A_324 : vector<16xi32>
      %ge3A_326 = arith.constant 0 : i32
      %ge3A_327 = vector.broadcast %ge3A_326 : i32 to vector<16xi32>
      %ge3A_328 = arith.cmpi sge, %sub3A_325, %ge3A_327 : vector<16xi32>
      %lt3A_329 = arith.constant 320 : i32
      %lt3A_330 = vector.broadcast %lt3A_329 : i32 to vector<16xi32>
      %lt3A_331 = arith.cmpi slt, %sub3A_325, %lt3A_330 : vector<16xi32>
      %and3A_332 = arith.andi %ge3A_328, %lt3A_331 : vector<16xi1>
      %jit3A_333 = arith.constant 0 : i32
      %jit3A_334 = arith.constant 319 : i32
      %max3A_335 = vector.broadcast %jit3A_333 : i32 to vector<16xi32>
      %max3A_336 = arith.maxsi %max3A_335, %sub3A_325 : vector<16xi32>
      %min3A_337 = vector.broadcast %jit3A_334 : i32 to vector<16xi32>
      %min3A_338 = arith.minsi %min3A_337, %max3A_336 : vector<16xi32>
      tpu.vector_store_idx %arg6[%min3A_338], %shift_right_logical3A_323 masked %and3A_332 : memref<320xi32, #tpu.memory_space<vmem>>[vector<16xi32>], vector<16xi32>, vector<16xi1>
      %scan3A_339 = arith.constant 0 : i32
      %scan3A_340 = arith.constant 6 : i32
      %scan3A_341 = arith.addi %scan3A_175, %scan3A_340 : i32
      %mul3A_342 = arith.constant 16 : i32
      %mul3A_343 = arith.muli %scan3A_341, %mul3A_342 : i32
      %get3A_344 = arith.index_cast %mul3A_343 : i32 to index
      %get3A_345 = tpu.vector_load %arg5[%get3A_344] {strides = array<i32>} : memref<8192xi32, #tpu.memory_space<vmem>>, vector<16xi32>,
      %mul3A_346 = arith.constant 16 : i32
      %mul3A_347 = arith.muli %scan3A_341, %mul3A_346 : i32
      %add3A_348 = vector.broadcast %mul3A_347 : i32 to vector<16xi32>
      %add3A_349 = arith.addi %iota3A, %add3A_348 : vector<16xi32>
      %shift_right_logical3A_350 = arith.constant 1 : i32
      %shift_right_logical3A_351 = vector.broadcast %shift_right_logical3A_350 : i32 to vector<16xi32>
      %shift_right_logical3A_352 = arith.shrui %add3A_349, %shift_right_logical3A_351 : vector<16xi32>
      %sub3A_353 = vector.broadcast %mul3A_2 : i32 to vector<16xi32>
      %sub3A_354 = arith.subi %get3A_345, %sub3A_353 : vector<16xi32>
      %ge3A_355 = arith.constant 0 : i32
      %ge3A_356 = vector.broadcast %ge3A_355 : i32 to vector<16xi32>
      %ge3A_357 = arith.cmpi sge, %sub3A_354, %ge3A_356 : vector<16xi32>
      %lt3A_358 = arith.constant 320 : i32
      %lt3A_359 = vector.broadcast %lt3A_358 : i32 to vector<16xi32>
      %lt3A_360 = arith.cmpi slt, %sub3A_354, %lt3A_359 : vector<16xi32>
      %and3A_361 = arith.andi %ge3A_357, %lt3A_360 : vector<16xi1>
      %jit3A_362 = arith.constant 0 : i32
      %jit3A_363 = arith.constant 319 : i32
      %max3A_364 = vector.broadcast %jit3A_362 : i32 to vector<16xi32>
      %max3A_365 = arith.maxsi %max3A_364, %sub3A_354 : vector<16xi32>
      %min3A_366 = vector.broadcast %jit3A_363 : i32 to vector<16xi32>
      %min3A_367 = arith.minsi %min3A_366, %max3A_365 : vector<16xi32>
      tpu.vector_store_idx %arg6[%min3A_367], %shift_right_logical3A_352 masked %and3A_361 : memref<320xi32, #tpu.memory_space<vmem>>[vector<16xi32>], vector<16xi32>, vector<16xi1>
      %scan3A_368 = arith.constant 0 : i32
      %scan3A_369 = arith.constant 7 : i32
      %scan3A_370 = arith.addi %scan3A_175, %scan3A_369 : i32
      %mul3A_371 = arith.constant 16 : i32
      %mul3A_372 = arith.muli %scan3A_370, %mul3A_371 : i32
      %get3A_373 = arith.index_cast %mul3A_372 : i32 to index
      %get3A_374 = tpu.vector_load %arg5[%get3A_373] {strides = array<i32>} : memref<8192xi32, #tpu.memory_space<vmem>>, vector<16xi32>,
      %mul3A_375 = arith.constant 16 : i32
      %mul3A_376 = arith.muli %scan3A_370, %mul3A_375 : i32
      %add3A_377 = vector.broadcast %mul3A_376 : i32 to vector<16xi32>
      %add3A_378 = arith.addi %iota3A, %add3A_377 : vector<16xi32>
      %shift_right_logical3A_379 = arith.constant 1 : i32
      %shift_right_logical3A_380 = vector.broadcast %shift_right_logical3A_379 : i32 to vector<16xi32>
      %shift_right_logical3A_381 = arith.shrui %add3A_378, %shift_right_logical3A_380 : vector<16xi32>
      %sub3A_382 = vector.broadcast %mul3A_2 : i32 to vector<16xi32>
      %sub3A_383 = arith.subi %get3A_374, %sub3A_382 : vector<16xi32>
      %ge3A_384 = arith.constant 0 : i32
      %ge3A_385 = vector.broadcast %ge3A_384 : i32 to vector<16xi32>
      %ge3A_386 = arith.cmpi sge, %sub3A_383, %ge3A_385 : vector<16xi32>
      %lt3A_387 = arith.constant 320 : i32
      %lt3A_388 = vector.broadcast %lt3A_387 : i32 to vector<16xi32>
      %lt3A_389 = arith.cmpi slt, %sub3A_383, %lt3A_388 : vector<16xi32>
      %and3A_390 = arith.andi %ge3A_386, %lt3A_389 : vector<16xi1>
      %jit3A_391 = arith.constant 0 : i32
      %jit3A_392 = arith.constant 319 : i32
      %max3A_393 = vector.broadcast %jit3A_391 : i32 to vector<16xi32>
      %max3A_394 = arith.maxsi %max3A_393, %sub3A_383 : vector<16xi32>
      %min3A_395 = vector.broadcast %jit3A_392 : i32 to vector<16xi32>
      %min3A_396 = arith.minsi %min3A_395, %max3A_394 : vector<16xi32>
      tpu.vector_store_idx %arg6[%min3A_396], %shift_right_logical3A_381 masked %and3A_390 : memref<320xi32, #tpu.memory_space<vmem>>[vector<16xi32>], vector<16xi32>, vector<16xi1>
      %scan3A_397 = arith.constant 0 : i32
      scf.yield %scan3A_397 : i32
    }
    %scan3A_16 = arith.constant 512 : i32
    %dma_start3A = arith.constant 0 : i32
    %dma_start3A_17 = tpu.memref_slice %arg6[%dma_start3A] : memref<320xi32, #tpu.memory_space<vmem>> -> memref<40xi32, #tpu.memory_space<vmem>>
    %dma_start3A_18 = arith.constant 0 : i32
    %dma_start3A_19 = arith.constant 0 : i32
    %dma_start3A_20 = tpu.memref_slice %arg2[%dma_start3A_18, %dma_start3A_19] : memref<4096x1024xf32, #tpu.memory_space<hbm>> -> memref<4096x1024xf32, #tpu.memory_space<hbm>>
    tpu.enqueue_indirect_dma source(%dma_start3A_20 : memref<4096x1024xf32, #tpu.memory_space<hbm>>) target(%arg7 : memref<40x1024xf32, #tpu.memory_space<vmem>>) offsets(%dma_start3A_17 : memref<40xi32, #tpu.memory_space<vmem>>) semaphore(%arg9 : memref<!tpu.dma_semaphore, #tpu.memory_space<semaphore_mem>>)
    %dma_wait3A = arith.constant 0 : i32
    %dma_wait3A_21 = tpu.memref_slice %arg6[%dma_wait3A] : memref<320xi32, #tpu.memory_space<vmem>> -> memref<40xi32, #tpu.memory_space<vmem>>
    %dma_wait3A_22 = arith.constant 0 : i32
    %dma_wait3A_23 = arith.constant 0 : i32
    %dma_wait3A_24 = tpu.memref_slice %arg2[%dma_wait3A_22, %dma_wait3A_23] : memref<4096x1024xf32, #tpu.memory_space<hbm>> -> memref<4096x1024xf32, #tpu.memory_space<hbm>>
    tpu.wait_indirect_dma semaphore(%arg9 : memref<!tpu.dma_semaphore, #tpu.memory_space<semaphore_mem>>) src(%dma_wait3A_24 : memref<4096x1024xf32, #tpu.memory_space<hbm>>) dst(%arg7 : memref<40x1024xf32, #tpu.memory_space<vmem>>)
    %dma_start3A_25 = arith.constant 40 : i32
    %dma_start3A_26 = tpu.memref_slice %arg6[%dma_start3A_25] : memref<320xi32, #tpu.memory_space<vmem>> -> memref<40xi32, #tpu.memory_space<vmem>>
    %dma_start3A_27 = arith.constant 0 : i32
    %dma_start3A_28 = arith.constant 0 : i32
    %dma_start3A_29 = tpu.memref_slice %arg2[%dma_start3A_27, %dma_start3A_28] : memref<4096x1024xf32, #tpu.memory_space<hbm>> -> memref<4096x1024xf32, #tpu.memory_space<hbm>>
    tpu.enqueue_indirect_dma source(%dma_start3A_29 : memref<4096x1024xf32, #tpu.memory_space<hbm>>) target(%arg8 : memref<40x1024xf32, #tpu.memory_space<vmem>>) offsets(%dma_start3A_26 : memref<40xi32, #tpu.memory_space<vmem>>) semaphore(%arg10 : memref<!tpu.dma_semaphore, #tpu.memory_space<semaphore_mem>>)
    %add3A_30 = arith.constant 0 : i32
    %add3A_31 = arith.addi %mul3A_2, %add3A_30 : i32
    %dma_start3A_32 = arith.constant 0 : i32
    %dma_start3A_33 = tpu.memref_slice %arg4[%add3A_31, %dma_start3A_32] : memref<10240x1024xf32, #tpu.memory_space<hbm>> -> memref<40x1024xf32, #tpu.memory_space<hbm>>
    %dma_start3A_34 = arith.constant 0 : i32
    %dma_start3A_35 = tpu.memref_slice %arg4[%add3A_31, %dma_start3A_34] : memref<10240x1024xf32, #tpu.memory_space<hbm>> -> memref<40x1024xf32, #tpu.memory_space<hbm>>
    tpu.enqueue_dma source(%arg7 : memref<40x1024xf32, #tpu.memory_space<vmem>>) target(%dma_start3A_35 : memref<40x1024xf32, #tpu.memory_space<hbm>>) target_semaphore(%arg11 : memref<!tpu.dma_semaphore, #tpu.memory_space<semaphore_mem>>)
    %dma_wait3A_36 = arith.constant 40 : i32
    %dma_wait3A_37 = tpu.memref_slice %arg6[%dma_wait3A_36] : memref<320xi32, #tpu.memory_space<vmem>> -> memref<40xi32, #tpu.memory_space<vmem>>
    %dma_wait3A_38 = arith.constant 0 : i32
    %dma_wait3A_39 = arith.constant 0 : i32
    %dma_wait3A_40 = tpu.memref_slice %arg2[%dma_wait3A_38, %dma_wait3A_39] : memref<4096x1024xf32, #tpu.memory_space<hbm>> -> memref<4096x1024xf32, #tpu.memory_space<hbm>>
    tpu.wait_indirect_dma semaphore(%arg10 : memref<!tpu.dma_semaphore, #tpu.memory_space<semaphore_mem>>) src(%dma_wait3A_40 : memref<4096x1024xf32, #tpu.memory_space<hbm>>) dst(%arg8 : memref<40x1024xf32, #tpu.memory_space<vmem>>)
    %dma_wait3A_41 = arith.constant 0 : i32
    %dma_wait3A_42 = tpu.memref_slice %arg4[%add3A_31, %dma_wait3A_41] : memref<10240x1024xf32, #tpu.memory_space<hbm>> -> memref<40x1024xf32, #tpu.memory_space<hbm>>
    %dma_wait3A_43 = arith.constant 0 : i32
    %dma_wait3A_44 = tpu.memref_slice %arg4[%add3A_31, %dma_wait3A_43] : memref<10240x1024xf32, #tpu.memory_space<hbm>> -> memref<40x1024xf32, #tpu.memory_space<hbm>>
    tpu.wait_dma2 semaphore(%arg11 : memref<!tpu.dma_semaphore, #tpu.memory_space<semaphore_mem>>) src(%arg7 : memref<40x1024xf32, #tpu.memory_space<vmem>>) dst(%dma_wait3A_44 : memref<40x1024xf32, #tpu.memory_space<hbm>>)
    %dma_start3A_45 = arith.constant 80 : i32
    %dma_start3A_46 = tpu.memref_slice %arg6[%dma_start3A_45] : memref<320xi32, #tpu.memory_space<vmem>> -> memref<40xi32, #tpu.memory_space<vmem>>
    %dma_start3A_47 = arith.constant 0 : i32
    %dma_start3A_48 = arith.constant 0 : i32
    %dma_start3A_49 = tpu.memref_slice %arg2[%dma_start3A_47, %dma_start3A_48] : memref<4096x1024xf32, #tpu.memory_space<hbm>> -> memref<4096x1024xf32, #tpu.memory_space<hbm>>
    tpu.enqueue_indirect_dma source(%dma_start3A_49 : memref<4096x1024xf32, #tpu.memory_space<hbm>>) target(%arg7 : memref<40x1024xf32, #tpu.memory_space<vmem>>) offsets(%dma_start3A_46 : memref<40xi32, #tpu.memory_space<vmem>>) semaphore(%arg9 : memref<!tpu.dma_semaphore, #tpu.memory_space<semaphore_mem>>)
    %add3A_50 = arith.constant 40 : i32
    %add3A_51 = arith.addi %mul3A_2, %add3A_50 : i32
    %dma_start3A_52 = arith.constant 0 : i32
    %dma_start3A_53 = tpu.memref_slice %arg4[%add3A_51, %dma_start3A_52] : memref<10240x1024xf32, #tpu.memory_space<hbm>> -> memref<40x1024xf32, #tpu.memory_space<hbm>>
    %dma_start3A_54 = arith.constant 0 : i32
    %dma_start3A_55 = tpu.memref_slice %arg4[%add3A_51, %dma_start3A_54] : memref<10240x1024xf32, #tpu.memory_space<hbm>> -> memref<40x1024xf32, #tpu.memory_space<hbm>>
    tpu.enqueue_dma source(%arg8 : memref<40x1024xf32, #tpu.memory_space<vmem>>) target(%dma_start3A_55 : memref<40x1024xf32, #tpu.memory_space<hbm>>) target_semaphore(%arg12 : memref<!tpu.dma_semaphore, #tpu.memory_space<semaphore_mem>>)
    %dma_wait3A_56 = arith.constant 80 : i32
    %dma_wait3A_57 = tpu.memref_slice %arg6[%dma_wait3A_56] : memref<320xi32, #tpu.memory_space<vmem>> -> memref<40xi32, #tpu.memory_space<vmem>>
    %dma_wait3A_58 = arith.constant 0 : i32
    %dma_wait3A_59 = arith.constant 0 : i32
    %dma_wait3A_60 = tpu.memref_slice %arg2[%dma_wait3A_58, %dma_wait3A_59] : memref<4096x1024xf32, #tpu.memory_space<hbm>> -> memref<4096x1024xf32, #tpu.memory_space<hbm>>
    tpu.wait_indirect_dma semaphore(%arg9 : memref<!tpu.dma_semaphore, #tpu.memory_space<semaphore_mem>>) src(%dma_wait3A_60 : memref<4096x1024xf32, #tpu.memory_space<hbm>>) dst(%arg7 : memref<40x1024xf32, #tpu.memory_space<vmem>>)
    %dma_wait3A_61 = arith.constant 0 : i32
    %dma_wait3A_62 = tpu.memref_slice %arg4[%add3A_51, %dma_wait3A_61] : memref<10240x1024xf32, #tpu.memory_space<hbm>> -> memref<40x1024xf32, #tpu.memory_space<hbm>>
    %dma_wait3A_63 = arith.constant 0 : i32
    %dma_wait3A_64 = tpu.memref_slice %arg4[%add3A_51, %dma_wait3A_63] : memref<10240x1024xf32, #tpu.memory_space<hbm>> -> memref<40x1024xf32, #tpu.memory_space<hbm>>
    tpu.wait_dma2 semaphore(%arg12 : memref<!tpu.dma_semaphore, #tpu.memory_space<semaphore_mem>>) src(%arg8 : memref<40x1024xf32, #tpu.memory_space<vmem>>) dst(%dma_wait3A_64 : memref<40x1024xf32, #tpu.memory_space<hbm>>)
    %dma_start3A_65 = arith.constant 120 : i32
    %dma_start3A_66 = tpu.memref_slice %arg6[%dma_start3A_65] : memref<320xi32, #tpu.memory_space<vmem>> -> memref<40xi32, #tpu.memory_space<vmem>>
    %dma_start3A_67 = arith.constant 0 : i32
    %dma_start3A_68 = arith.constant 0 : i32
    %dma_start3A_69 = tpu.memref_slice %arg2[%dma_start3A_67, %dma_start3A_68] : memref<4096x1024xf32, #tpu.memory_space<hbm>> -> memref<4096x1024xf32, #tpu.memory_space<hbm>>
    tpu.enqueue_indirect_dma source(%dma_start3A_69 : memref<4096x1024xf32, #tpu.memory_space<hbm>>) target(%arg8 : memref<40x1024xf32, #tpu.memory_space<vmem>>) offsets(%dma_start3A_66 : memref<40xi32, #tpu.memory_space<vmem>>) semaphore(%arg10 : memref<!tpu.dma_semaphore, #tpu.memory_space<semaphore_mem>>)
    %add3A_70 = arith.constant 80 : i32
    %add3A_71 = arith.addi %mul3A_2, %add3A_70 : i32
    %dma_start3A_72 = arith.constant 0 : i32
    %dma_start3A_73 = tpu.memref_slice %arg4[%add3A_71, %dma_start3A_72] : memref<10240x1024xf32, #tpu.memory_space<hbm>> -> memref<40x1024xf32, #tpu.memory_space<hbm>>
    %dma_start3A_74 = arith.constant 0 : i32
    %dma_start3A_75 = tpu.memref_slice %arg4[%add3A_71, %dma_start3A_74] : memref<10240x1024xf32, #tpu.memory_space<hbm>> -> memref<40x1024xf32, #tpu.memory_space<hbm>>
    tpu.enqueue_dma source(%arg7 : memref<40x1024xf32, #tpu.memory_space<vmem>>) target(%dma_start3A_75 : memref<40x1024xf32, #tpu.memory_space<hbm>>) target_semaphore(%arg11 : memref<!tpu.dma_semaphore, #tpu.memory_space<semaphore_mem>>)
    %dma_wait3A_76 = arith.constant 120 : i32
    %dma_wait3A_77 = tpu.memref_slice %arg6[%dma_wait3A_76] : memref<320xi32, #tpu.memory_space<vmem>> -> memref<40xi32, #tpu.memory_space<vmem>>
    %dma_wait3A_78 = arith.constant 0 : i32
    %dma_wait3A_79 = arith.constant 0 : i32
    %dma_wait3A_80 = tpu.memref_slice %arg2[%dma_wait3A_78, %dma_wait3A_79] : memref<4096x1024xf32, #tpu.memory_space<hbm>> -> memref<4096x1024xf32, #tpu.memory_space<hbm>>
    tpu.wait_indirect_dma semaphore(%arg10 : memref<!tpu.dma_semaphore, #tpu.memory_space<semaphore_mem>>) src(%dma_wait3A_80 : memref<4096x1024xf32, #tpu.memory_space<hbm>>) dst(%arg8 : memref<40x1024xf32, #tpu.memory_space<vmem>>)
    %dma_wait3A_81 = arith.constant 0 : i32
    %dma_wait3A_82 = tpu.memref_slice %arg4[%add3A_71, %dma_wait3A_81] : memref<10240x1024xf32, #tpu.memory_space<hbm>> -> memref<40x1024xf32, #tpu.memory_space<hbm>>
    %dma_wait3A_83 = arith.constant 0 : i32
    %dma_wait3A_84 = tpu.memref_slice %arg4[%add3A_71, %dma_wait3A_83] : memref<10240x1024xf32, #tpu.memory_space<hbm>> -> memref<40x1024xf32, #tpu.memory_space<hbm>>
    tpu.wait_dma2 semaphore(%arg11 : memref<!tpu.dma_semaphore, #tpu.memory_space<semaphore_mem>>) src(%arg7 : memref<40x1024xf32, #tpu.memory_space<vmem>>) dst(%dma_wait3A_84 : memref<40x1024xf32, #tpu.memory_space<hbm>>)
    %dma_start3A_85 = arith.constant 160 : i32
    %dma_start3A_86 = tpu.memref_slice %arg6[%dma_start3A_85] : memref<320xi32, #tpu.memory_space<vmem>> -> memref<40xi32, #tpu.memory_space<vmem>>
    %dma_start3A_87 = arith.constant 0 : i32
    %dma_start3A_88 = arith.constant 0 : i32
    %dma_start3A_89 = tpu.memref_slice %arg2[%dma_start3A_87, %dma_start3A_88] : memref<4096x1024xf32, #tpu.memory_space<hbm>> -> memref<4096x1024xf32, #tpu.memory_space<hbm>>
    tpu.enqueue_indirect_dma source(%dma_start3A_89 : memref<4096x1024xf32, #tpu.memory_space<hbm>>) target(%arg7 : memref<40x1024xf32, #tpu.memory_space<vmem>>) offsets(%dma_start3A_86 : memref<40xi32, #tpu.memory_space<vmem>>) semaphore(%arg9 : memref<!tpu.dma_semaphore, #tpu.memory_space<semaphore_mem>>)
    %add3A_90 = arith.constant 120 : i32
    %add3A_91 = arith.addi %mul3A_2, %add3A_90 : i32
    %dma_start3A_92 = arith.constant 0 : i32
    %dma_start3A_93 = tpu.memref_slice %arg4[%add3A_91, %dma_start3A_92] : memref<10240x1024xf32, #tpu.memory_space<hbm>> -> memref<40x1024xf32, #tpu.memory_space<hbm>>
    %dma_start3A_94 = arith.constant 0 : i32
    %dma_start3A_95 = tpu.memref_slice %arg4[%add3A_91, %dma_start3A_94] : memref<10240x1024xf32, #tpu.memory_space<hbm>> -> memref<40x1024xf32, #tpu.memory_space<hbm>>
    tpu.enqueue_dma source(%arg8 : memref<40x1024xf32, #tpu.memory_space<vmem>>) target(%dma_start3A_95 : memref<40x1024xf32, #tpu.memory_space<hbm>>) target_semaphore(%arg12 : memref<!tpu.dma_semaphore, #tpu.memory_space<semaphore_mem>>)
    %dma_wait3A_96 = arith.constant 160 : i32
    %dma_wait3A_97 = tpu.memref_slice %arg6[%dma_wait3A_96] : memref<320xi32, #tpu.memory_space<vmem>> -> memref<40xi32, #tpu.memory_space<vmem>>
    %dma_wait3A_98 = arith.constant 0 : i32
    %dma_wait3A_99 = arith.constant 0 : i32
    %dma_wait3A_100 = tpu.memref_slice %arg2[%dma_wait3A_98, %dma_wait3A_99] : memref<4096x1024xf32, #tpu.memory_space<hbm>> -> memref<4096x1024xf32, #tpu.memory_space<hbm>>
    tpu.wait_indirect_dma semaphore(%arg9 : memref<!tpu.dma_semaphore, #tpu.memory_space<semaphore_mem>>) src(%dma_wait3A_100 : memref<4096x1024xf32, #tpu.memory_space<hbm>>) dst(%arg7 : memref<40x1024xf32, #tpu.memory_space<vmem>>)
    %dma_wait3A_101 = arith.constant 0 : i32
    %dma_wait3A_102 = tpu.memref_slice %arg4[%add3A_91, %dma_wait3A_101] : memref<10240x1024xf32, #tpu.memory_space<hbm>> -> memref<40x1024xf32, #tpu.memory_space<hbm>>
    %dma_wait3A_103 = arith.constant 0 : i32
    %dma_wait3A_104 = tpu.memref_slice %arg4[%add3A_91, %dma_wait3A_103] : memref<10240x1024xf32, #tpu.memory_space<hbm>> -> memref<40x1024xf32, #tpu.memory_space<hbm>>
    tpu.wait_dma2 semaphore(%arg12 : memref<!tpu.dma_semaphore, #tpu.memory_space<semaphore_mem>>) src(%arg8 : memref<40x1024xf32, #tpu.memory_space<vmem>>) dst(%dma_wait3A_104 : memref<40x1024xf32, #tpu.memory_space<hbm>>)
    %dma_start3A_105 = arith.constant 200 : i32
    %dma_start3A_106 = tpu.memref_slice %arg6[%dma_start3A_105] : memref<320xi32, #tpu.memory_space<vmem>> -> memref<40xi32, #tpu.memory_space<vmem>>
    %dma_start3A_107 = arith.constant 0 : i32
    %dma_start3A_108 = arith.constant 0 : i32
    %dma_start3A_109 = tpu.memref_slice %arg2[%dma_start3A_107, %dma_start3A_108] : memref<4096x1024xf32, #tpu.memory_space<hbm>> -> memref<4096x1024xf32, #tpu.memory_space<hbm>>
    tpu.enqueue_indirect_dma source(%dma_start3A_109 : memref<4096x1024xf32, #tpu.memory_space<hbm>>) target(%arg8 : memref<40x1024xf32, #tpu.memory_space<vmem>>) offsets(%dma_start3A_106 : memref<40xi32, #tpu.memory_space<vmem>>) semaphore(%arg10 : memref<!tpu.dma_semaphore, #tpu.memory_space<semaphore_mem>>)
    %add3A_110 = arith.constant 160 : i32
    %add3A_111 = arith.addi %mul3A_2, %add3A_110 : i32
    %dma_start3A_112 = arith.constant 0 : i32
    %dma_start3A_113 = tpu.memref_slice %arg4[%add3A_111, %dma_start3A_112] : memref<10240x1024xf32, #tpu.memory_space<hbm>> -> memref<40x1024xf32, #tpu.memory_space<hbm>>
    %dma_start3A_114 = arith.constant 0 : i32
    %dma_start3A_115 = tpu.memref_slice %arg4[%add3A_111, %dma_start3A_114] : memref<10240x1024xf32, #tpu.memory_space<hbm>> -> memref<40x1024xf32, #tpu.memory_space<hbm>>
    tpu.enqueue_dma source(%arg7 : memref<40x1024xf32, #tpu.memory_space<vmem>>) target(%dma_start3A_115 : memref<40x1024xf32, #tpu.memory_space<hbm>>) target_semaphore(%arg11 : memref<!tpu.dma_semaphore, #tpu.memory_space<semaphore_mem>>)
    %dma_wait3A_116 = arith.constant 200 : i32
    %dma_wait3A_117 = tpu.memref_slice %arg6[%dma_wait3A_116] : memref<320xi32, #tpu.memory_space<vmem>> -> memref<40xi32, #tpu.memory_space<vmem>>
    %dma_wait3A_118 = arith.constant 0 : i32
    %dma_wait3A_119 = arith.constant 0 : i32
    %dma_wait3A_120 = tpu.memref_slice %arg2[%dma_wait3A_118, %dma_wait3A_119] : memref<4096x1024xf32, #tpu.memory_space<hbm>> -> memref<4096x1024xf32, #tpu.memory_space<hbm>>
    tpu.wait_indirect_dma semaphore(%arg10 : memref<!tpu.dma_semaphore, #tpu.memory_space<semaphore_mem>>) src(%dma_wait3A_120 : memref<4096x1024xf32, #tpu.memory_space<hbm>>) dst(%arg8 : memref<40x1024xf32, #tpu.memory_space<vmem>>)
    %dma_wait3A_121 = arith.constant 0 : i32
    %dma_wait3A_122 = tpu.memref_slice %arg4[%add3A_111, %dma_wait3A_121] : memref<10240x1024xf32, #tpu.memory_space<hbm>> -> memref<40x1024xf32, #tpu.memory_space<hbm>>
    %dma_wait3A_123 = arith.constant 0 : i32
    %dma_wait3A_124 = tpu.memref_slice %arg4[%add3A_111, %dma_wait3A_123] : memref<10240x1024xf32, #tpu.memory_space<hbm>> -> memref<40x1024xf32, #tpu.memory_space<hbm>>
    tpu.wait_dma2 semaphore(%arg11 : memref<!tpu.dma_semaphore, #tpu.memory_space<semaphore_mem>>) src(%arg7 : memref<40x1024xf32, #tpu.memory_space<vmem>>) dst(%dma_wait3A_124 : memref<40x1024xf32, #tpu.memory_space<hbm>>)
    %dma_start3A_125 = arith.constant 240 : i32
    %dma_start3A_126 = tpu.memref_slice %arg6[%dma_start3A_125] : memref<320xi32, #tpu.memory_space<vmem>> -> memref<40xi32, #tpu.memory_space<vmem>>
    %dma_start3A_127 = arith.constant 0 : i32
    %dma_start3A_128 = arith.constant 0 : i32
    %dma_start3A_129 = tpu.memref_slice %arg2[%dma_start3A_127, %dma_start3A_128] : memref<4096x1024xf32, #tpu.memory_space<hbm>> -> memref<4096x1024xf32, #tpu.memory_space<hbm>>
    tpu.enqueue_indirect_dma source(%dma_start3A_129 : memref<4096x1024xf32, #tpu.memory_space<hbm>>) target(%arg7 : memref<40x1024xf32, #tpu.memory_space<vmem>>) offsets(%dma_start3A_126 : memref<40xi32, #tpu.memory_space<vmem>>) semaphore(%arg9 : memref<!tpu.dma_semaphore, #tpu.memory_space<semaphore_mem>>)
    %add3A_130 = arith.constant 200 : i32
    %add3A_131 = arith.addi %mul3A_2, %add3A_130 : i32
    %dma_start3A_132 = arith.constant 0 : i32
    %dma_start3A_133 = tpu.memref_slice %arg4[%add3A_131, %dma_start3A_132] : memref<10240x1024xf32, #tpu.memory_space<hbm>> -> memref<40x1024xf32, #tpu.memory_space<hbm>>
    %dma_start3A_134 = arith.constant 0 : i32
    %dma_start3A_135 = tpu.memref_slice %arg4[%add3A_131, %dma_start3A_134] : memref<10240x1024xf32, #tpu.memory_space<hbm>> -> memref<40x1024xf32, #tpu.memory_space<hbm>>
    tpu.enqueue_dma source(%arg8 : memref<40x1024xf32, #tpu.memory_space<vmem>>) target(%dma_start3A_135 : memref<40x1024xf32, #tpu.memory_space<hbm>>) target_semaphore(%arg12 : memref<!tpu.dma_semaphore, #tpu.memory_space<semaphore_mem>>)
    %dma_wait3A_136 = arith.constant 240 : i32
    %dma_wait3A_137 = tpu.memref_slice %arg6[%dma_wait3A_136] : memref<320xi32, #tpu.memory_space<vmem>> -> memref<40xi32, #tpu.memory_space<vmem>>
    %dma_wait3A_138 = arith.constant 0 : i32
    %dma_wait3A_139 = arith.constant 0 : i32
    %dma_wait3A_140 = tpu.memref_slice %arg2[%dma_wait3A_138, %dma_wait3A_139] : memref<4096x1024xf32, #tpu.memory_space<hbm>> -> memref<4096x1024xf32, #tpu.memory_space<hbm>>
    tpu.wait_indirect_dma semaphore(%arg9 : memref<!tpu.dma_semaphore, #tpu.memory_space<semaphore_mem>>) src(%dma_wait3A_140 : memref<4096x1024xf32, #tpu.memory_space<hbm>>) dst(%arg7 : memref<40x1024xf32, #tpu.memory_space<vmem>>)
    %dma_wait3A_141 = arith.constant 0 : i32
    %dma_wait3A_142 = tpu.memref_slice %arg4[%add3A_131, %dma_wait3A_141] : memref<10240x1024xf32, #tpu.memory_space<hbm>> -> memref<40x1024xf32, #tpu.memory_space<hbm>>
    %dma_wait3A_143 = arith.constant 0 : i32
    %dma_wait3A_144 = tpu.memref_slice %arg4[%add3A_131, %dma_wait3A_143] : memref<10240x1024xf32, #tpu.memory_space<hbm>> -> memref<40x1024xf32, #tpu.memory_space<hbm>>
    tpu.wait_dma2 semaphore(%arg12 : memref<!tpu.dma_semaphore, #tpu.memory_space<semaphore_mem>>) src(%arg8 : memref<40x1024xf32, #tpu.memory_space<vmem>>) dst(%dma_wait3A_144 : memref<40x1024xf32, #tpu.memory_space<hbm>>)
    %dma_start3A_145 = arith.constant 280 : i32
    %dma_start3A_146 = tpu.memref_slice %arg6[%dma_start3A_145] : memref<320xi32, #tpu.memory_space<vmem>> -> memref<40xi32, #tpu.memory_space<vmem>>
    %dma_start3A_147 = arith.constant 0 : i32
    %dma_start3A_148 = arith.constant 0 : i32
    %dma_start3A_149 = tpu.memref_slice %arg2[%dma_start3A_147, %dma_start3A_148] : memref<4096x1024xf32, #tpu.memory_space<hbm>> -> memref<4096x1024xf32, #tpu.memory_space<hbm>>
    tpu.enqueue_indirect_dma source(%dma_start3A_149 : memref<4096x1024xf32, #tpu.memory_space<hbm>>) target(%arg8 : memref<40x1024xf32, #tpu.memory_space<vmem>>) offsets(%dma_start3A_146 : memref<40xi32, #tpu.memory_space<vmem>>) semaphore(%arg10 : memref<!tpu.dma_semaphore, #tpu.memory_space<semaphore_mem>>)
    %add3A_150 = arith.constant 240 : i32
    %add3A_151 = arith.addi %mul3A_2, %add3A_150 : i32
    %dma_start3A_152 = arith.constant 0 : i32
    %dma_start3A_153 = tpu.memref_slice %arg4[%add3A_151, %dma_start3A_152] : memref<10240x1024xf32, #tpu.memory_space<hbm>> -> memref<40x1024xf32, #tpu.memory_space<hbm>>
    %dma_start3A_154 = arith.constant 0 : i32
    %dma_start3A_155 = tpu.memref_slice %arg4[%add3A_151, %dma_start3A_154] : memref<10240x1024xf32, #tpu.memory_space<hbm>> -> memref<40x1024xf32, #tpu.memory_space<hbm>>
    tpu.enqueue_dma source(%arg7 : memref<40x1024xf32, #tpu.memory_space<vmem>>) target(%dma_start3A_155 : memref<40x1024xf32, #tpu.memory_space<hbm>>) target_semaphore(%arg11 : memref<!tpu.dma_semaphore, #tpu.memory_space<semaphore_mem>>)
    %dma_wait3A_156 = arith.constant 280 : i32
    %dma_wait3A_157 = tpu.memref_slice %arg6[%dma_wait3A_156] : memref<320xi32, #tpu.memory_space<vmem>> -> memref<40xi32, #tpu.memory_space<vmem>>
    %dma_wait3A_158 = arith.constant 0 : i32
    %dma_wait3A_159 = arith.constant 0 : i32
    %dma_wait3A_160 = tpu.memref_slice %arg2[%dma_wait3A_158, %dma_wait3A_159] : memref<4096x1024xf32, #tpu.memory_space<hbm>> -> memref<4096x1024xf32, #tpu.memory_space<hbm>>
    tpu.wait_indirect_dma semaphore(%arg10 : memref<!tpu.dma_semaphore, #tpu.memory_space<semaphore_mem>>) src(%dma_wait3A_160 : memref<4096x1024xf32, #tpu.memory_space<hbm>>) dst(%arg8 : memref<40x1024xf32, #tpu.memory_space<vmem>>)
    %add3A_161 = arith.constant 280 : i32
    %add3A_162 = arith.addi %mul3A_2, %add3A_161 : i32
    %dma_start3A_163 = arith.constant 0 : i32
    %dma_start3A_164 = tpu.memref_slice %arg4[%add3A_162, %dma_start3A_163] : memref<10240x1024xf32, #tpu.memory_space<hbm>> -> memref<40x1024xf32, #tpu.memory_space<hbm>>
    %dma_start3A_165 = arith.constant 0 : i32
    %dma_start3A_166 = tpu.memref_slice %arg4[%add3A_162, %dma_start3A_165] : memref<10240x1024xf32, #tpu.memory_space<hbm>> -> memref<40x1024xf32, #tpu.memory_space<hbm>>
    tpu.enqueue_dma source(%arg8 : memref<40x1024xf32, #tpu.memory_space<vmem>>) target(%dma_start3A_166 : memref<40x1024xf32, #tpu.memory_space<hbm>>) target_semaphore(%arg12 : memref<!tpu.dma_semaphore, #tpu.memory_space<semaphore_mem>>)
    %dma_wait3A_167 = arith.constant 0 : i32
    %dma_wait3A_168 = tpu.memref_slice %arg4[%add3A_151, %dma_wait3A_167] : memref<10240x1024xf32, #tpu.memory_space<hbm>> -> memref<40x1024xf32, #tpu.memory_space<hbm>>
    %dma_wait3A_169 = arith.constant 0 : i32
    %dma_wait3A_170 = tpu.memref_slice %arg4[%add3A_151, %dma_wait3A_169] : memref<10240x1024xf32, #tpu.memory_space<hbm>> -> memref<40x1024xf32, #tpu.memory_space<hbm>>
    tpu.wait_dma2 semaphore(%arg11 : memref<!tpu.dma_semaphore, #tpu.memory_space<semaphore_mem>>) src(%arg7 : memref<40x1024xf32, #tpu.memory_space<vmem>>) dst(%dma_wait3A_170 : memref<40x1024xf32, #tpu.memory_space<hbm>>)
    %dma_wait3A_171 = arith.constant 0 : i32
    %dma_wait3A_172 = tpu.memref_slice %arg4[%add3A_162, %dma_wait3A_171] : memref<10240x1024xf32, #tpu.memory_space<hbm>> -> memref<40x1024xf32, #tpu.memory_space<hbm>>
    %dma_wait3A_173 = arith.constant 0 : i32
    %dma_wait3A_174 = tpu.memref_slice %arg4[%add3A_162, %dma_wait3A_173] : memref<10240x1024xf32, #tpu.memory_space<hbm>> -> memref<40x1024xf32, #tpu.memory_space<hbm>>
    tpu.wait_dma2 semaphore(%arg12 : memref<!tpu.dma_semaphore, #tpu.memory_space<semaphore_mem>>) src(%arg8 : memref<40x1024xf32, #tpu.memory_space<vmem>>) dst(%dma_wait3A_174 : memref<40x1024xf32, #tpu.memory_space<hbm>>)
    return
  }
}

#map = affine_map<(d0, d1) -> (0, 0)>
#map1 = affine_map<(d0, d1) -> (0)>
module attributes {stable_mosaic.version = 14 : i64} {
  func.func @_sc_combine_body(%arg0: i32, %arg1: i32, %arg2: memref<10240x1024xf32, #tpu.memory_space<hbm>>, %arg3: memref<8192xi32, #tpu.memory_space<hbm>>, %arg4: memref<8192xf32, #tpu.memory_space<hbm>>, %arg5: memref<4096x1024xf32, #tpu.memory_space<hbm>>, %arg6: memref<32xi32, #tpu.memory_space<vmem>>, %arg7: memref<32xi32, #tpu.memory_space<vmem>>, %arg8: memref<32xf32, #tpu.memory_space<vmem>>, %arg9: memref<32xf32, #tpu.memory_space<vmem>>, %arg10: memref<32x1024xf32, #tpu.memory_space<vmem>>, %arg11: memref<32x1024xf32, #tpu.memory_space<vmem>>, %arg12: memref<16x1024xf32, #tpu.memory_space<vmem>>, %arg13: memref<16x1024xf32, #tpu.memory_space<vmem>>, %arg14: memref<!tpu.dma_semaphore, #tpu.memory_space<semaphore_mem>>, %arg15: memref<!tpu.dma_semaphore, #tpu.memory_space<semaphore_mem>>, %arg16: memref<!tpu.dma_semaphore, #tpu.memory_space<semaphore_mem>>, %arg17: memref<!tpu.dma_semaphore, #tpu.memory_space<semaphore_mem>>) attributes {dimension_semantics = [#tpu.dimension_semantics<core_parallel>, #tpu.dimension_semantics<subcore_parallel>], iteration_bounds = array<i64: 2, 16>, scalar_prefetch = 0 : i64, scratch_operands = 12 : i64, tpu.core_type = #tpu.core_type<sc_vector_subcore>, window_params = [{transform_indices = #map}, {transform_indices = #map1}, {transform_indices = #map1}, {transform_indices = #map}]} {
    %mul3A = arith.constant 2 : i32
    %mul3A_0 = arith.muli %arg1, %mul3A : i32
    %add3A = arith.addi %mul3A_0, %arg0 : i32
    %iota3A = tpu.iota {dimensions = array<i32: 0>} : vector<16xi32>
    %mul3A_1 = arith.constant 128 : i32
    %mul3A_2 = arith.muli %add3A, %mul3A_1 : i32
    %add3A_3 = arith.constant 0 : i32
    %add3A_4 = arith.addi %mul3A_2, %add3A_3 : i32
    %mul3A_5 = arith.constant 2 : i32
    %mul3A_6 = arith.muli %mul3A_5, %add3A_4 : i32
    "tpu.region"() ({
      %run_scoped3A = tpu.sem_alloc : memref<!tpu.dma_semaphore, #tpu.memory_space<semaphore_mem>>
      %dma_start3A_262 = tpu.memref_slice %arg3[%mul3A_6] : memref<8192xi32, #tpu.memory_space<hbm>> -> memref<32xi32, #tpu.memory_space<hbm>>
      %dma_start3A_263 = tpu.memref_slice %arg3[%mul3A_6] : memref<8192xi32, #tpu.memory_space<hbm>> -> memref<32xi32, #tpu.memory_space<hbm>>
      tpu.enqueue_dma source(%dma_start3A_263 : memref<32xi32, #tpu.memory_space<hbm>>) target(%arg6 : memref<32xi32, #tpu.memory_space<vmem>>) target_semaphore(%run_scoped3A : memref<!tpu.dma_semaphore, #tpu.memory_space<semaphore_mem>>)
      %dma_wait3A_264 = tpu.memref_slice %arg3[%mul3A_6] : memref<8192xi32, #tpu.memory_space<hbm>> -> memref<32xi32, #tpu.memory_space<hbm>>
      %dma_wait3A_265 = tpu.memref_slice %arg3[%mul3A_6] : memref<8192xi32, #tpu.memory_space<hbm>> -> memref<32xi32, #tpu.memory_space<hbm>>
      tpu.wait_dma2 semaphore(%run_scoped3A : memref<!tpu.dma_semaphore, #tpu.memory_space<semaphore_mem>>) src(%dma_wait3A_265 : memref<32xi32, #tpu.memory_space<hbm>>) dst(%arg6 : memref<32xi32, #tpu.memory_space<vmem>>)
      tpu.yield
    }) : () -> ()
    %mul3A_7 = arith.constant 2 : i32
    %mul3A_8 = arith.muli %mul3A_7, %add3A_4 : i32
    "tpu.region"() ({
      %run_scoped3A = tpu.sem_alloc : memref<!tpu.dma_semaphore, #tpu.memory_space<semaphore_mem>>
      %dma_start3A_262 = tpu.memref_slice %arg4[%mul3A_8] : memref<8192xf32, #tpu.memory_space<hbm>> -> memref<32xf32, #tpu.memory_space<hbm>>
      %dma_start3A_263 = tpu.memref_slice %arg4[%mul3A_8] : memref<8192xf32, #tpu.memory_space<hbm>> -> memref<32xf32, #tpu.memory_space<hbm>>
      tpu.enqueue_dma source(%dma_start3A_263 : memref<32xf32, #tpu.memory_space<hbm>>) target(%arg8 : memref<32xf32, #tpu.memory_space<vmem>>) target_semaphore(%run_scoped3A : memref<!tpu.dma_semaphore, #tpu.memory_space<semaphore_mem>>)
      %dma_wait3A_264 = tpu.memref_slice %arg4[%mul3A_8] : memref<8192xf32, #tpu.memory_space<hbm>> -> memref<32xf32, #tpu.memory_space<hbm>>
      %dma_wait3A_265 = tpu.memref_slice %arg4[%mul3A_8] : memref<8192xf32, #tpu.memory_space<hbm>> -> memref<32xf32, #tpu.memory_space<hbm>>
      tpu.wait_dma2 semaphore(%run_scoped3A : memref<!tpu.dma_semaphore, #tpu.memory_space<semaphore_mem>>) src(%dma_wait3A_265 : memref<32xf32, #tpu.memory_space<hbm>>) dst(%arg8 : memref<32xf32, #tpu.memory_space<vmem>>)
      tpu.yield
    }) : () -> ()
    %dma_start3A = arith.constant 0 : i32
    %dma_start3A_9 = arith.constant 0 : i32
    %dma_start3A_10 = tpu.memref_slice %arg2[%dma_start3A, %dma_start3A_9] : memref<10240x1024xf32, #tpu.memory_space<hbm>> -> memref<10240x1024xf32, #tpu.memory_space<hbm>>
    tpu.enqueue_indirect_dma source(%dma_start3A_10 : memref<10240x1024xf32, #tpu.memory_space<hbm>>) target(%arg10 : memref<32x1024xf32, #tpu.memory_space<vmem>>) offsets(%arg6 : memref<32xi32, #tpu.memory_space<vmem>>) semaphore(%arg14 : memref<!tpu.dma_semaphore, #tpu.memory_space<semaphore_mem>>)
    %dma_wait3A = arith.constant 0 : i32
    %dma_wait3A_11 = arith.constant 0 : i32
    %dma_wait3A_12 = tpu.memref_slice %arg2[%dma_wait3A, %dma_wait3A_11] : memref<10240x1024xf32, #tpu.memory_space<hbm>> -> memref<10240x1024xf32, #tpu.memory_space<hbm>>
    tpu.wait_indirect_dma semaphore(%arg14 : memref<!tpu.dma_semaphore, #tpu.memory_space<semaphore_mem>>) src(%dma_wait3A_12 : memref<10240x1024xf32, #tpu.memory_space<hbm>>) dst(%arg10 : memref<32x1024xf32, #tpu.memory_space<vmem>>)
    %mul3A_13 = arith.constant 128 : i32
    %mul3A_14 = arith.muli %add3A, %mul3A_13 : i32
    %add3A_15 = arith.constant 16 : i32
    %add3A_16 = arith.addi %mul3A_14, %add3A_15 : i32
    %mul3A_17 = arith.constant 2 : i32
    %mul3A_18 = arith.muli %mul3A_17, %add3A_16 : i32
    "tpu.region"() ({
      %run_scoped3A = tpu.sem_alloc : memref<!tpu.dma_semaphore, #tpu.memory_space<semaphore_mem>>
      %dma_start3A_262 = tpu.memref_slice %arg3[%mul3A_18] : memref<8192xi32, #tpu.memory_space<hbm>> -> memref<32xi32, #tpu.memory_space<hbm>>
      %dma_start3A_263 = tpu.memref_slice %arg3[%mul3A_18] : memref<8192xi32, #tpu.memory_space<hbm>> -> memref<32xi32, #tpu.memory_space<hbm>>
      tpu.enqueue_dma source(%dma_start3A_263 : memref<32xi32, #tpu.memory_space<hbm>>) target(%arg7 : memref<32xi32, #tpu.memory_space<vmem>>) target_semaphore(%run_scoped3A : memref<!tpu.dma_semaphore, #tpu.memory_space<semaphore_mem>>)
      %dma_wait3A_264 = tpu.memref_slice %arg3[%mul3A_18] : memref<8192xi32, #tpu.memory_space<hbm>> -> memref<32xi32, #tpu.memory_space<hbm>>
      %dma_wait3A_265 = tpu.memref_slice %arg3[%mul3A_18] : memref<8192xi32, #tpu.memory_space<hbm>> -> memref<32xi32, #tpu.memory_space<hbm>>
      tpu.wait_dma2 semaphore(%run_scoped3A : memref<!tpu.dma_semaphore, #tpu.memory_space<semaphore_mem>>) src(%dma_wait3A_265 : memref<32xi32, #tpu.memory_space<hbm>>) dst(%arg7 : memref<32xi32, #tpu.memory_space<vmem>>)
      tpu.yield
    }) : () -> ()
    %mul3A_19 = arith.constant 2 : i32
    %mul3A_20 = arith.muli %mul3A_19, %add3A_16 : i32
    "tpu.region"() ({
      %run_scoped3A = tpu.sem_alloc : memref<!tpu.dma_semaphore, #tpu.memory_space<semaphore_mem>>
      %dma_start3A_262 = tpu.memref_slice %arg4[%mul3A_20] : memref<8192xf32, #tpu.memory_space<hbm>> -> memref<32xf32, #tpu.memory_space<hbm>>
      %dma_start3A_263 = tpu.memref_slice %arg4[%mul3A_20] : memref<8192xf32, #tpu.memory_space<hbm>> -> memref<32xf32, #tpu.memory_space<hbm>>
      tpu.enqueue_dma source(%dma_start3A_263 : memref<32xf32, #tpu.memory_space<hbm>>) target(%arg9 : memref<32xf32, #tpu.memory_space<vmem>>) target_semaphore(%run_scoped3A : memref<!tpu.dma_semaphore, #tpu.memory_space<semaphore_mem>>)
      %dma_wait3A_264 = tpu.memref_slice %arg4[%mul3A_20] : memref<8192xf32, #tpu.memory_space<hbm>> -> memref<32xf32, #tpu.memory_space<hbm>>
      %dma_wait3A_265 = tpu.memref_slice %arg4[%mul3A_20] : memref<8192xf32, #tpu.memory_space<hbm>> -> memref<32xf32, #tpu.memory_space<hbm>>
      tpu.wait_dma2 semaphore(%run_scoped3A : memref<!tpu.dma_semaphore, #tpu.memory_space<semaphore_mem>>) src(%dma_wait3A_265 : memref<32xf32, #tpu.memory_space<hbm>>) dst(%arg9 : memref<32xf32, #tpu.memory_space<vmem>>)
      tpu.yield
    }) : () -> ()
    %dma_start3A_21 = arith.constant 0 : i32
    %dma_start3A_22 = arith.constant 0 : i32
    %dma_start3A_23 = tpu.memref_slice %arg2[%dma_start3A_21, %dma_start3A_22] : memref<10240x1024xf32, #tpu.memory_space<hbm>> -> memref<10240x1024xf32, #tpu.memory_space<hbm>>
    tpu.enqueue_indirect_dma source(%dma_start3A_23 : memref<10240x1024xf32, #tpu.memory_space<hbm>>) target(%arg11 : memref<32x1024xf32, #tpu.memory_space<vmem>>) offsets(%arg7 : memref<32xi32, #tpu.memory_space<vmem>>) semaphore(%arg15 : memref<!tpu.dma_semaphore, #tpu.memory_space<semaphore_mem>>)
    %scan3A = arith.constant 0 : i32
    %scan3A_24 = arith.constant 0 : i32
    %scan3A_25 = arith.constant 16 : i32
    %scan3A_26 = arith.addi %scan3A_24, %scan3A_25 : i32
    %scan3A_27 = arith.constant 1 : i32
    %scan3A_28 = scf.for %scan3A_262 = %scan3A_24 to %scan3A_26 step %scan3A_27 iter_args(%scan3A_263 = %scan3A) -> (i32)  : i32 {
      %mul3A_264 = arith.constant 2 : i32
      %mul3A_265 = arith.muli %mul3A_264, %scan3A_262 : i32
      %broadcast_in_dim3A = vector.broadcast %mul3A_265 : i32 to vector<16xi32>
      %mul3A_266 = arith.constant 2 : i32
      %mul3A_267 = arith.muli %mul3A_266, %scan3A_262 : i32
      %add3A_268 = arith.constant 1 : i32
      %add3A_269 = arith.addi %mul3A_267, %add3A_268 : i32
      %broadcast_in_dim3A_270 = vector.broadcast %add3A_269 : i32 to vector<16xi32>
      %gather3A = tpu.vector_load_idx %arg8[%broadcast_in_dim3A] : memref<32xf32, #tpu.memory_space<vmem>>[vector<16xi32>], vector<16xf32>,
      %gather3A_271 = tpu.vector_load_idx %arg8[%broadcast_in_dim3A_270] : memref<32xf32, #tpu.memory_space<vmem>>[vector<16xi32>], vector<16xf32>,
      %broadcast_in_dim3A_272 = vector.broadcast %scan3A_262 : i32 to vector<16xi32>
      %scan3A_273 = arith.constant 0 : i32
      %scan3A_274 = arith.constant 0 : i32
      %scan3A_275 = arith.constant 64 : i32
      %scan3A_276 = arith.addi %scan3A_274, %scan3A_275 : i32
      %scan3A_277 = arith.constant 8 : i32
      %scan3A_278 = scf.for %scan3A_281 = %scan3A_274 to %scan3A_276 step %scan3A_277 iter_args(%scan3A_282 = %scan3A_273) -> (i32)  : i32 {
        %mul3A_283 = arith.constant 16 : i32
        %mul3A_284 = arith.muli %scan3A_281, %mul3A_283 : i32
        %add3A_285 = vector.broadcast %mul3A_284 : i32 to vector<16xi32>
        %add3A_286 = arith.addi %iota3A, %add3A_285 : vector<16xi32>
        %gather3A_287 = tpu.vector_load_idx %arg10[%broadcast_in_dim3A, %add3A_286] : memref<32x1024xf32, #tpu.memory_space<vmem>>[vector<16xi32>, vector<16xi32>], vector<16xf32>,
        %gather3A_288 = tpu.vector_load_idx %arg10[%broadcast_in_dim3A_270, %add3A_286] : memref<32x1024xf32, #tpu.memory_space<vmem>>[vector<16xi32>, vector<16xi32>], vector<16xf32>,
        %mul3A_289 = arith.mulf %gather3A, %gather3A_287 : vector<16xf32>
        %mul3A_290 = arith.mulf %gather3A_271, %gather3A_288 : vector<16xf32>
        %add3A_291 = arith.addf %mul3A_289, %mul3A_290 : vector<16xf32>
        tpu.vector_store_idx %arg12[%broadcast_in_dim3A_272, %add3A_286], %add3A_291 : memref<16x1024xf32, #tpu.memory_space<vmem>>[vector<16xi32>, vector<16xi32>], vector<16xf32>,
        %scan3A_292 = arith.constant 0 : i32
        %scan3A_293 = arith.constant 1 : i32
        %scan3A_294 = arith.addi %scan3A_281, %scan3A_293 : i32
        %mul3A_295 = arith.constant 16 : i32
        %mul3A_296 = arith.muli %scan3A_294, %mul3A_295 : i32
        %add3A_297 = vector.broadcast %mul3A_296 : i32 to vector<16xi32>
        %add3A_298 = arith.addi %iota3A, %add3A_297 : vector<16xi32>
        %gather3A_299 = tpu.vector_load_idx %arg10[%broadcast_in_dim3A, %add3A_298] : memref<32x1024xf32, #tpu.memory_space<vmem>>[vector<16xi32>, vector<16xi32>], vector<16xf32>,
        %gather3A_300 = tpu.vector_load_idx %arg10[%broadcast_in_dim3A_270, %add3A_298] : memref<32x1024xf32, #tpu.memory_space<vmem>>[vector<16xi32>, vector<16xi32>], vector<16xf32>,
        %mul3A_301 = arith.mulf %gather3A, %gather3A_299 : vector<16xf32>
        %mul3A_302 = arith.mulf %gather3A_271, %gather3A_300 : vector<16xf32>
        %add3A_303 = arith.addf %mul3A_301, %mul3A_302 : vector<16xf32>
        tpu.vector_store_idx %arg12[%broadcast_in_dim3A_272, %add3A_298], %add3A_303 : memref<16x1024xf32, #tpu.memory_space<vmem>>[vector<16xi32>, vector<16xi32>], vector<16xf32>,
        %scan3A_304 = arith.constant 0 : i32
        %scan3A_305 = arith.constant 2 : i32
        %scan3A_306 = arith.addi %scan3A_281, %scan3A_305 : i32
        %mul3A_307 = arith.constant 16 : i32
        %mul3A_308 = arith.muli %scan3A_306, %mul3A_307 : i32
        %add3A_309 = vector.broadcast %mul3A_308 : i32 to vector<16xi32>
        %add3A_310 = arith.addi %iota3A, %add3A_309 : vector<16xi32>
        %gather3A_311 = tpu.vector_load_idx %arg10[%broadcast_in_dim3A, %add3A_310] : memref<32x1024xf32, #tpu.memory_space<vmem>>[vector<16xi32>, vector<16xi32>], vector<16xf32>,
        %gather3A_312 = tpu.vector_load_idx %arg10[%broadcast_in_dim3A_270, %add3A_310] : memref<32x1024xf32, #tpu.memory_space<vmem>>[vector<16xi32>, vector<16xi32>], vector<16xf32>,
        %mul3A_313 = arith.mulf %gather3A, %gather3A_311 : vector<16xf32>
        %mul3A_314 = arith.mulf %gather3A_271, %gather3A_312 : vector<16xf32>
        %add3A_315 = arith.addf %mul3A_313, %mul3A_314 : vector<16xf32>
        tpu.vector_store_idx %arg12[%broadcast_in_dim3A_272, %add3A_310], %add3A_315 : memref<16x1024xf32, #tpu.memory_space<vmem>>[vector<16xi32>, vector<16xi32>], vector<16xf32>,
        %scan3A_316 = arith.constant 0 : i32
        %scan3A_317 = arith.constant 3 : i32
        %scan3A_318 = arith.addi %scan3A_281, %scan3A_317 : i32
        %mul3A_319 = arith.constant 16 : i32
        %mul3A_320 = arith.muli %scan3A_318, %mul3A_319 : i32
        %add3A_321 = vector.broadcast %mul3A_320 : i32 to vector<16xi32>
        %add3A_322 = arith.addi %iota3A, %add3A_321 : vector<16xi32>
        %gather3A_323 = tpu.vector_load_idx %arg10[%broadcast_in_dim3A, %add3A_322] : memref<32x1024xf32, #tpu.memory_space<vmem>>[vector<16xi32>, vector<16xi32>], vector<16xf32>,
        %gather3A_324 = tpu.vector_load_idx %arg10[%broadcast_in_dim3A_270, %add3A_322] : memref<32x1024xf32, #tpu.memory_space<vmem>>[vector<16xi32>, vector<16xi32>], vector<16xf32>,
        %mul3A_325 = arith.mulf %gather3A, %gather3A_323 : vector<16xf32>
        %mul3A_326 = arith.mulf %gather3A_271, %gather3A_324 : vector<16xf32>
        %add3A_327 = arith.addf %mul3A_325, %mul3A_326 : vector<16xf32>
        tpu.vector_store_idx %arg12[%broadcast_in_dim3A_272, %add3A_322], %add3A_327 : memref<16x1024xf32, #tpu.memory_space<vmem>>[vector<16xi32>, vector<16xi32>], vector<16xf32>,
        %scan3A_328 = arith.constant 0 : i32
        %scan3A_329 = arith.constant 4 : i32
        %scan3A_330 = arith.addi %scan3A_281, %scan3A_329 : i32
        %mul3A_331 = arith.constant 16 : i32
        %mul3A_332 = arith.muli %scan3A_330, %mul3A_331 : i32
        %add3A_333 = vector.broadcast %mul3A_332 : i32 to vector<16xi32>
        %add3A_334 = arith.addi %iota3A, %add3A_333 : vector<16xi32>
        %gather3A_335 = tpu.vector_load_idx %arg10[%broadcast_in_dim3A, %add3A_334] : memref<32x1024xf32, #tpu.memory_space<vmem>>[vector<16xi32>, vector<16xi32>], vector<16xf32>,
        %gather3A_336 = tpu.vector_load_idx %arg10[%broadcast_in_dim3A_270, %add3A_334] : memref<32x1024xf32, #tpu.memory_space<vmem>>[vector<16xi32>, vector<16xi32>], vector<16xf32>,
        %mul3A_337 = arith.mulf %gather3A, %gather3A_335 : vector<16xf32>
        %mul3A_338 = arith.mulf %gather3A_271, %gather3A_336 : vector<16xf32>
        %add3A_339 = arith.addf %mul3A_337, %mul3A_338 : vector<16xf32>
        tpu.vector_store_idx %arg12[%broadcast_in_dim3A_272, %add3A_334], %add3A_339 : memref<16x1024xf32, #tpu.memory_space<vmem>>[vector<16xi32>, vector<16xi32>], vector<16xf32>,
        %scan3A_340 = arith.constant 0 : i32
        %scan3A_341 = arith.constant 5 : i32
        %scan3A_342 = arith.addi %scan3A_281, %scan3A_341 : i32
        %mul3A_343 = arith.constant 16 : i32
        %mul3A_344 = arith.muli %scan3A_342, %mul3A_343 : i32
        %add3A_345 = vector.broadcast %mul3A_344 : i32 to vector<16xi32>
        %add3A_346 = arith.addi %iota3A, %add3A_345 : vector<16xi32>
        %gather3A_347 = tpu.vector_load_idx %arg10[%broadcast_in_dim3A, %add3A_346] : memref<32x1024xf32, #tpu.memory_space<vmem>>[vector<16xi32>, vector<16xi32>], vector<16xf32>,
        %gather3A_348 = tpu.vector_load_idx %arg10[%broadcast_in_dim3A_270, %add3A_346] : memref<32x1024xf32, #tpu.memory_space<vmem>>[vector<16xi32>, vector<16xi32>], vector<16xf32>,
        %mul3A_349 = arith.mulf %gather3A, %gather3A_347 : vector<16xf32>
        %mul3A_350 = arith.mulf %gather3A_271, %gather3A_348 : vector<16xf32>
        %add3A_351 = arith.addf %mul3A_349, %mul3A_350 : vector<16xf32>
        tpu.vector_store_idx %arg12[%broadcast_in_dim3A_272, %add3A_346], %add3A_351 : memref<16x1024xf32, #tpu.memory_space<vmem>>[vector<16xi32>, vector<16xi32>], vector<16xf32>,
        %scan3A_352 = arith.constant 0 : i32
        %scan3A_353 = arith.constant 6 : i32
        %scan3A_354 = arith.addi %scan3A_281, %scan3A_353 : i32
        %mul3A_355 = arith.constant 16 : i32
        %mul3A_356 = arith.muli %scan3A_354, %mul3A_355 : i32
        %add3A_357 = vector.broadcast %mul3A_356 : i32 to vector<16xi32>
        %add3A_358 = arith.addi %iota3A, %add3A_357 : vector<16xi32>
        %gather3A_359 = tpu.vector_load_idx %arg10[%broadcast_in_dim3A, %add3A_358] : memref<32x1024xf32, #tpu.memory_space<vmem>>[vector<16xi32>, vector<16xi32>], vector<16xf32>,
        %gather3A_360 = tpu.vector_load_idx %arg10[%broadcast_in_dim3A_270, %add3A_358] : memref<32x1024xf32, #tpu.memory_space<vmem>>[vector<16xi32>, vector<16xi32>], vector<16xf32>,
        %mul3A_361 = arith.mulf %gather3A, %gather3A_359 : vector<16xf32>
        %mul3A_362 = arith.mulf %gather3A_271, %gather3A_360 : vector<16xf32>
        %add3A_363 = arith.addf %mul3A_361, %mul3A_362 : vector<16xf32>
        tpu.vector_store_idx %arg12[%broadcast_in_dim3A_272, %add3A_358], %add3A_363 : memref<16x1024xf32, #tpu.memory_space<vmem>>[vector<16xi32>, vector<16xi32>], vector<16xf32>,
        %scan3A_364 = arith.constant 0 : i32
        %scan3A_365 = arith.constant 7 : i32
        %scan3A_366 = arith.addi %scan3A_281, %scan3A_365 : i32
        %mul3A_367 = arith.constant 16 : i32
        %mul3A_368 = arith.muli %scan3A_366, %mul3A_367 : i32
        %add3A_369 = vector.broadcast %mul3A_368 : i32 to vector<16xi32>
        %add3A_370 = arith.addi %iota3A, %add3A_369 : vector<16xi32>
        %gather3A_371 = tpu.vector_load_idx %arg10[%broadcast_in_dim3A, %add3A_370] : memref<32x1024xf32, #tpu.memory_space<vmem>>[vector<16xi32>, vector<16xi32>], vector<16xf32>,
        %gather3A_372 = tpu.vector_load_idx %arg10[%broadcast_in_dim3A_270, %add3A_370] : memref<32x1024xf32, #tpu.memory_space<vmem>>[vector<16xi32>, vector<16xi32>], vector<16xf32>,
        %mul3A_373 = arith.mulf %gather3A, %gather3A_371 : vector<16xf32>
        %mul3A_374 = arith.mulf %gather3A_271, %gather3A_372 : vector<16xf32>
        %add3A_375 = arith.addf %mul3A_373, %mul3A_374 : vector<16xf32>
        tpu.vector_store_idx %arg12[%broadcast_in_dim3A_272, %add3A_370], %add3A_375 : memref<16x1024xf32, #tpu.memory_space<vmem>>[vector<16xi32>, vector<16xi32>], vector<16xf32>,
        %scan3A_376 = arith.constant 0 : i32
        scf.yield %scan3A_376 : i32
      }
      %scan3A_279 = arith.constant 64 : i32
      %scan3A_280 = arith.constant 0 : i32
      scf.yield %scan3A_280 : i32
    }
    %scan3A_29 = arith.constant 16 : i32
    %mul3A_30 = arith.constant 128 : i32
    %mul3A_31 = arith.muli %add3A, %mul3A_30 : i32
    %add3A_32 = arith.constant 0 : i32
    %add3A_33 = arith.addi %mul3A_31, %add3A_32 : i32
    %dma_start3A_34 = arith.constant 0 : i32
    %dma_start3A_35 = tpu.memref_slice %arg5[%add3A_33, %dma_start3A_34] : memref<4096x1024xf32, #tpu.memory_space<hbm>> -> memref<16x1024xf32, #tpu.memory_space<hbm>>
    %dma_start3A_36 = arith.constant 0 : i32
    %dma_start3A_37 = tpu.memref_slice %arg5[%add3A_33, %dma_start3A_36] : memref<4096x1024xf32, #tpu.memory_space<hbm>> -> memref<16x1024xf32, #tpu.memory_space<hbm>>
    tpu.enqueue_dma source(%arg12 : memref<16x1024xf32, #tpu.memory_space<vmem>>) target(%dma_start3A_37 : memref<16x1024xf32, #tpu.memory_space<hbm>>) target_semaphore(%arg16 : memref<!tpu.dma_semaphore, #tpu.memory_space<semaphore_mem>>)
    %dma_wait3A_38 = arith.constant 0 : i32
    %dma_wait3A_39 = arith.constant 0 : i32
    %dma_wait3A_40 = tpu.memref_slice %arg2[%dma_wait3A_38, %dma_wait3A_39] : memref<10240x1024xf32, #tpu.memory_space<hbm>> -> memref<10240x1024xf32, #tpu.memory_space<hbm>>
    tpu.wait_indirect_dma semaphore(%arg15 : memref<!tpu.dma_semaphore, #tpu.memory_space<semaphore_mem>>) src(%dma_wait3A_40 : memref<10240x1024xf32, #tpu.memory_space<hbm>>) dst(%arg11 : memref<32x1024xf32, #tpu.memory_space<vmem>>)
    %mul3A_41 = arith.constant 128 : i32
    %mul3A_42 = arith.muli %add3A, %mul3A_41 : i32
    %add3A_43 = arith.constant 32 : i32
    %add3A_44 = arith.addi %mul3A_42, %add3A_43 : i32
    %mul3A_45 = arith.constant 2 : i32
    %mul3A_46 = arith.muli %mul3A_45, %add3A_44 : i32
    "tpu.region"() ({
      %run_scoped3A = tpu.sem_alloc : memref<!tpu.dma_semaphore, #tpu.memory_space<semaphore_mem>>
      %dma_start3A_262 = tpu.memref_slice %arg3[%mul3A_46] : memref<8192xi32, #tpu.memory_space<hbm>> -> memref<32xi32, #tpu.memory_space<hbm>>
      %dma_start3A_263 = tpu.memref_slice %arg3[%mul3A_46] : memref<8192xi32, #tpu.memory_space<hbm>> -> memref<32xi32, #tpu.memory_space<hbm>>
      tpu.enqueue_dma source(%dma_start3A_263 : memref<32xi32, #tpu.memory_space<hbm>>) target(%arg6 : memref<32xi32, #tpu.memory_space<vmem>>) target_semaphore(%run_scoped3A : memref<!tpu.dma_semaphore, #tpu.memory_space<semaphore_mem>>)
      %dma_wait3A_264 = tpu.memref_slice %arg3[%mul3A_46] : memref<8192xi32, #tpu.memory_space<hbm>> -> memref<32xi32, #tpu.memory_space<hbm>>
      %dma_wait3A_265 = tpu.memref_slice %arg3[%mul3A_46] : memref<8192xi32, #tpu.memory_space<hbm>> -> memref<32xi32, #tpu.memory_space<hbm>>
      tpu.wait_dma2 semaphore(%run_scoped3A : memref<!tpu.dma_semaphore, #tpu.memory_space<semaphore_mem>>) src(%dma_wait3A_265 : memref<32xi32, #tpu.memory_space<hbm>>) dst(%arg6 : memref<32xi32, #tpu.memory_space<vmem>>)
      tpu.yield
    }) : () -> ()
    %mul3A_47 = arith.constant 2 : i32
    %mul3A_48 = arith.muli %mul3A_47, %add3A_44 : i32
    "tpu.region"() ({
      %run_scoped3A = tpu.sem_alloc : memref<!tpu.dma_semaphore, #tpu.memory_space<semaphore_mem>>
      %dma_start3A_262 = tpu.memref_slice %arg4[%mul3A_48] : memref<8192xf32, #tpu.memory_space<hbm>> -> memref<32xf32, #tpu.memory_space<hbm>>
      %dma_start3A_263 = tpu.memref_slice %arg4[%mul3A_48] : memref<8192xf32, #tpu.memory_space<hbm>> -> memref<32xf32, #tpu.memory_space<hbm>>
      tpu.enqueue_dma source(%dma_start3A_263 : memref<32xf32, #tpu.memory_space<hbm>>) target(%arg8 : memref<32xf32, #tpu.memory_space<vmem>>) target_semaphore(%run_scoped3A : memref<!tpu.dma_semaphore, #tpu.memory_space<semaphore_mem>>)
      %dma_wait3A_264 = tpu.memref_slice %arg4[%mul3A_48] : memref<8192xf32, #tpu.memory_space<hbm>> -> memref<32xf32, #tpu.memory_space<hbm>>
      %dma_wait3A_265 = tpu.memref_slice %arg4[%mul3A_48] : memref<8192xf32, #tpu.memory_space<hbm>> -> memref<32xf32, #tpu.memory_space<hbm>>
      tpu.wait_dma2 semaphore(%run_scoped3A : memref<!tpu.dma_semaphore, #tpu.memory_space<semaphore_mem>>) src(%dma_wait3A_265 : memref<32xf32, #tpu.memory_space<hbm>>) dst(%arg8 : memref<32xf32, #tpu.memory_space<vmem>>)
      tpu.yield
    }) : () -> ()
    %dma_start3A_49 = arith.constant 0 : i32
    %dma_start3A_50 = arith.constant 0 : i32
    %dma_start3A_51 = tpu.memref_slice %arg2[%dma_start3A_49, %dma_start3A_50] : memref<10240x1024xf32, #tpu.memory_space<hbm>> -> memref<10240x1024xf32, #tpu.memory_space<hbm>>
    tpu.enqueue_indirect_dma source(%dma_start3A_51 : memref<10240x1024xf32, #tpu.memory_space<hbm>>) target(%arg10 : memref<32x1024xf32, #tpu.memory_space<vmem>>) offsets(%arg6 : memref<32xi32, #tpu.memory_space<vmem>>) semaphore(%arg14 : memref<!tpu.dma_semaphore, #tpu.memory_space<semaphore_mem>>)
    %scan3A_52 = arith.constant 0 : i32
    %scan3A_53 = arith.constant 0 : i32
    %scan3A_54 = arith.constant 16 : i32
    %scan3A_55 = arith.addi %scan3A_53, %scan3A_54 : i32
    %scan3A_56 = arith.constant 1 : i32
    %scan3A_57 = scf.for %scan3A_262 = %scan3A_53 to %scan3A_55 step %scan3A_56 iter_args(%scan3A_263 = %scan3A_52) -> (i32)  : i32 {
      %mul3A_264 = arith.constant 2 : i32
      %mul3A_265 = arith.muli %mul3A_264, %scan3A_262 : i32
      %broadcast_in_dim3A = vector.broadcast %mul3A_265 : i32 to vector<16xi32>
      %mul3A_266 = arith.constant 2 : i32
      %mul3A_267 = arith.muli %mul3A_266, %scan3A_262 : i32
      %add3A_268 = arith.constant 1 : i32
      %add3A_269 = arith.addi %mul3A_267, %add3A_268 : i32
      %broadcast_in_dim3A_270 = vector.broadcast %add3A_269 : i32 to vector<16xi32>
      %gather3A = tpu.vector_load_idx %arg9[%broadcast_in_dim3A] : memref<32xf32, #tpu.memory_space<vmem>>[vector<16xi32>], vector<16xf32>,
      %gather3A_271 = tpu.vector_load_idx %arg9[%broadcast_in_dim3A_270] : memref<32xf32, #tpu.memory_space<vmem>>[vector<16xi32>], vector<16xf32>,
      %broadcast_in_dim3A_272 = vector.broadcast %scan3A_262 : i32 to vector<16xi32>
      %scan3A_273 = arith.constant 0 : i32
      %scan3A_274 = arith.constant 0 : i32
      %scan3A_275 = arith.constant 64 : i32
      %scan3A_276 = arith.addi %scan3A_274, %scan3A_275 : i32
      %scan3A_277 = arith.constant 8 : i32
      %scan3A_278 = scf.for %scan3A_281 = %scan3A_274 to %scan3A_276 step %scan3A_277 iter_args(%scan3A_282 = %scan3A_273) -> (i32)  : i32 {
        %mul3A_283 = arith.constant 16 : i32
        %mul3A_284 = arith.muli %scan3A_281, %mul3A_283 : i32
        %add3A_285 = vector.broadcast %mul3A_284 : i32 to vector<16xi32>
        %add3A_286 = arith.addi %iota3A, %add3A_285 : vector<16xi32>
        %gather3A_287 = tpu.vector_load_idx %arg11[%broadcast_in_dim3A, %add3A_286] : memref<32x1024xf32, #tpu.memory_space<vmem>>[vector<16xi32>, vector<16xi32>], vector<16xf32>,
        %gather3A_288 = tpu.vector_load_idx %arg11[%broadcast_in_dim3A_270, %add3A_286] : memref<32x1024xf32, #tpu.memory_space<vmem>>[vector<16xi32>, vector<16xi32>], vector<16xf32>,
        %mul3A_289 = arith.mulf %gather3A, %gather3A_287 : vector<16xf32>
        %mul3A_290 = arith.mulf %gather3A_271, %gather3A_288 : vector<16xf32>
        %add3A_291 = arith.addf %mul3A_289, %mul3A_290 : vector<16xf32>
        tpu.vector_store_idx %arg13[%broadcast_in_dim3A_272, %add3A_286], %add3A_291 : memref<16x1024xf32, #tpu.memory_space<vmem>>[vector<16xi32>, vector<16xi32>], vector<16xf32>,
        %scan3A_292 = arith.constant 0 : i32
        %scan3A_293 = arith.constant 1 : i32
        %scan3A_294 = arith.addi %scan3A_281, %scan3A_293 : i32
        %mul3A_295 = arith.constant 16 : i32
        %mul3A_296 = arith.muli %scan3A_294, %mul3A_295 : i32
        %add3A_297 = vector.broadcast %mul3A_296 : i32 to vector<16xi32>
        %add3A_298 = arith.addi %iota3A, %add3A_297 : vector<16xi32>
        %gather3A_299 = tpu.vector_load_idx %arg11[%broadcast_in_dim3A, %add3A_298] : memref<32x1024xf32, #tpu.memory_space<vmem>>[vector<16xi32>, vector<16xi32>], vector<16xf32>,
        %gather3A_300 = tpu.vector_load_idx %arg11[%broadcast_in_dim3A_270, %add3A_298] : memref<32x1024xf32, #tpu.memory_space<vmem>>[vector<16xi32>, vector<16xi32>], vector<16xf32>,
        %mul3A_301 = arith.mulf %gather3A, %gather3A_299 : vector<16xf32>
        %mul3A_302 = arith.mulf %gather3A_271, %gather3A_300 : vector<16xf32>
        %add3A_303 = arith.addf %mul3A_301, %mul3A_302 : vector<16xf32>
        tpu.vector_store_idx %arg13[%broadcast_in_dim3A_272, %add3A_298], %add3A_303 : memref<16x1024xf32, #tpu.memory_space<vmem>>[vector<16xi32>, vector<16xi32>], vector<16xf32>,
        %scan3A_304 = arith.constant 0 : i32
        %scan3A_305 = arith.constant 2 : i32
        %scan3A_306 = arith.addi %scan3A_281, %scan3A_305 : i32
        %mul3A_307 = arith.constant 16 : i32
        %mul3A_308 = arith.muli %scan3A_306, %mul3A_307 : i32
        %add3A_309 = vector.broadcast %mul3A_308 : i32 to vector<16xi32>
        %add3A_310 = arith.addi %iota3A, %add3A_309 : vector<16xi32>
        %gather3A_311 = tpu.vector_load_idx %arg11[%broadcast_in_dim3A, %add3A_310] : memref<32x1024xf32, #tpu.memory_space<vmem>>[vector<16xi32>, vector<16xi32>], vector<16xf32>,
        %gather3A_312 = tpu.vector_load_idx %arg11[%broadcast_in_dim3A_270, %add3A_310] : memref<32x1024xf32, #tpu.memory_space<vmem>>[vector<16xi32>, vector<16xi32>], vector<16xf32>,
        %mul3A_313 = arith.mulf %gather3A, %gather3A_311 : vector<16xf32>
        %mul3A_314 = arith.mulf %gather3A_271, %gather3A_312 : vector<16xf32>
        %add3A_315 = arith.addf %mul3A_313, %mul3A_314 : vector<16xf32>
        tpu.vector_store_idx %arg13[%broadcast_in_dim3A_272, %add3A_310], %add3A_315 : memref<16x1024xf32, #tpu.memory_space<vmem>>[vector<16xi32>, vector<16xi32>], vector<16xf32>,
        %scan3A_316 = arith.constant 0 : i32
        %scan3A_317 = arith.constant 3 : i32
        %scan3A_318 = arith.addi %scan3A_281, %scan3A_317 : i32
        %mul3A_319 = arith.constant 16 : i32
        %mul3A_320 = arith.muli %scan3A_318, %mul3A_319 : i32
        %add3A_321 = vector.broadcast %mul3A_320 : i32 to vector<16xi32>
        %add3A_322 = arith.addi %iota3A, %add3A_321 : vector<16xi32>
        %gather3A_323 = tpu.vector_load_idx %arg11[%broadcast_in_dim3A, %add3A_322] : memref<32x1024xf32, #tpu.memory_space<vmem>>[vector<16xi32>, vector<16xi32>], vector<16xf32>,
        %gather3A_324 = tpu.vector_load_idx %arg11[%broadcast_in_dim3A_270, %add3A_322] : memref<32x1024xf32, #tpu.memory_space<vmem>>[vector<16xi32>, vector<16xi32>], vector<16xf32>,
        %mul3A_325 = arith.mulf %gather3A, %gather3A_323 : vector<16xf32>
        %mul3A_326 = arith.mulf %gather3A_271, %gather3A_324 : vector<16xf32>
        %add3A_327 = arith.addf %mul3A_325, %mul3A_326 : vector<16xf32>
        tpu.vector_store_idx %arg13[%broadcast_in_dim3A_272, %add3A_322], %add3A_327 : memref<16x1024xf32, #tpu.memory_space<vmem>>[vector<16xi32>, vector<16xi32>], vector<16xf32>,
        %scan3A_328 = arith.constant 0 : i32
        %scan3A_329 = arith.constant 4 : i32
        %scan3A_330 = arith.addi %scan3A_281, %scan3A_329 : i32
        %mul3A_331 = arith.constant 16 : i32
        %mul3A_332 = arith.muli %scan3A_330, %mul3A_331 : i32
        %add3A_333 = vector.broadcast %mul3A_332 : i32 to vector<16xi32>
        %add3A_334 = arith.addi %iota3A, %add3A_333 : vector<16xi32>
        %gather3A_335 = tpu.vector_load_idx %arg11[%broadcast_in_dim3A, %add3A_334] : memref<32x1024xf32, #tpu.memory_space<vmem>>[vector<16xi32>, vector<16xi32>], vector<16xf32>,
        %gather3A_336 = tpu.vector_load_idx %arg11[%broadcast_in_dim3A_270, %add3A_334] : memref<32x1024xf32, #tpu.memory_space<vmem>>[vector<16xi32>, vector<16xi32>], vector<16xf32>,
        %mul3A_337 = arith.mulf %gather3A, %gather3A_335 : vector<16xf32>
        %mul3A_338 = arith.mulf %gather3A_271, %gather3A_336 : vector<16xf32>
        %add3A_339 = arith.addf %mul3A_337, %mul3A_338 : vector<16xf32>
        tpu.vector_store_idx %arg13[%broadcast_in_dim3A_272, %add3A_334], %add3A_339 : memref<16x1024xf32, #tpu.memory_space<vmem>>[vector<16xi32>, vector<16xi32>], vector<16xf32>,
        %scan3A_340 = arith.constant 0 : i32
        %scan3A_341 = arith.constant 5 : i32
        %scan3A_342 = arith.addi %scan3A_281, %scan3A_341 : i32
        %mul3A_343 = arith.constant 16 : i32
        %mul3A_344 = arith.muli %scan3A_342, %mul3A_343 : i32
        %add3A_345 = vector.broadcast %mul3A_344 : i32 to vector<16xi32>
        %add3A_346 = arith.addi %iota3A, %add3A_345 : vector<16xi32>
        %gather3A_347 = tpu.vector_load_idx %arg11[%broadcast_in_dim3A, %add3A_346] : memref<32x1024xf32, #tpu.memory_space<vmem>>[vector<16xi32>, vector<16xi32>], vector<16xf32>,
        %gather3A_348 = tpu.vector_load_idx %arg11[%broadcast_in_dim3A_270, %add3A_346] : memref<32x1024xf32, #tpu.memory_space<vmem>>[vector<16xi32>, vector<16xi32>], vector<16xf32>,
        %mul3A_349 = arith.mulf %gather3A, %gather3A_347 : vector<16xf32>
        %mul3A_350 = arith.mulf %gather3A_271, %gather3A_348 : vector<16xf32>
        %add3A_351 = arith.addf %mul3A_349, %mul3A_350 : vector<16xf32>
        tpu.vector_store_idx %arg13[%broadcast_in_dim3A_272, %add3A_346], %add3A_351 : memref<16x1024xf32, #tpu.memory_space<vmem>>[vector<16xi32>, vector<16xi32>], vector<16xf32>,
        %scan3A_352 = arith.constant 0 : i32
        %scan3A_353 = arith.constant 6 : i32
        %scan3A_354 = arith.addi %scan3A_281, %scan3A_353 : i32
        %mul3A_355 = arith.constant 16 : i32
        %mul3A_356 = arith.muli %scan3A_354, %mul3A_355 : i32
        %add3A_357 = vector.broadcast %mul3A_356 : i32 to vector<16xi32>
        %add3A_358 = arith.addi %iota3A, %add3A_357 : vector<16xi32>
        %gather3A_359 = tpu.vector_load_idx %arg11[%broadcast_in_dim3A, %add3A_358] : memref<32x1024xf32, #tpu.memory_space<vmem>>[vector<16xi32>, vector<16xi32>], vector<16xf32>,
        %gather3A_360 = tpu.vector_load_idx %arg11[%broadcast_in_dim3A_270, %add3A_358] : memref<32x1024xf32, #tpu.memory_space<vmem>>[vector<16xi32>, vector<16xi32>], vector<16xf32>,
        %mul3A_361 = arith.mulf %gather3A, %gather3A_359 : vector<16xf32>
        %mul3A_362 = arith.mulf %gather3A_271, %gather3A_360 : vector<16xf32>
        %add3A_363 = arith.addf %mul3A_361, %mul3A_362 : vector<16xf32>
        tpu.vector_store_idx %arg13[%broadcast_in_dim3A_272, %add3A_358], %add3A_363 : memref<16x1024xf32, #tpu.memory_space<vmem>>[vector<16xi32>, vector<16xi32>], vector<16xf32>,
        %scan3A_364 = arith.constant 0 : i32
        %scan3A_365 = arith.constant 7 : i32
        %scan3A_366 = arith.addi %scan3A_281, %scan3A_365 : i32
        %mul3A_367 = arith.constant 16 : i32
        %mul3A_368 = arith.muli %scan3A_366, %mul3A_367 : i32
        %add3A_369 = vector.broadcast %mul3A_368 : i32 to vector<16xi32>
        %add3A_370 = arith.addi %iota3A, %add3A_369 : vector<16xi32>
        %gather3A_371 = tpu.vector_load_idx %arg11[%broadcast_in_dim3A, %add3A_370] : memref<32x1024xf32, #tpu.memory_space<vmem>>[vector<16xi32>, vector<16xi32>], vector<16xf32>,
        %gather3A_372 = tpu.vector_load_idx %arg11[%broadcast_in_dim3A_270, %add3A_370] : memref<32x1024xf32, #tpu.memory_space<vmem>>[vector<16xi32>, vector<16xi32>], vector<16xf32>,
        %mul3A_373 = arith.mulf %gather3A, %gather3A_371 : vector<16xf32>
        %mul3A_374 = arith.mulf %gather3A_271, %gather3A_372 : vector<16xf32>
        %add3A_375 = arith.addf %mul3A_373, %mul3A_374 : vector<16xf32>
        tpu.vector_store_idx %arg13[%broadcast_in_dim3A_272, %add3A_370], %add3A_375 : memref<16x1024xf32, #tpu.memory_space<vmem>>[vector<16xi32>, vector<16xi32>], vector<16xf32>,
        %scan3A_376 = arith.constant 0 : i32
        scf.yield %scan3A_376 : i32
      }
      %scan3A_279 = arith.constant 64 : i32
      %scan3A_280 = arith.constant 0 : i32
      scf.yield %scan3A_280 : i32
    }
    %scan3A_58 = arith.constant 16 : i32
    %mul3A_59 = arith.constant 128 : i32
    %mul3A_60 = arith.muli %add3A, %mul3A_59 : i32
    %add3A_61 = arith.constant 16 : i32
    %add3A_62 = arith.addi %mul3A_60, %add3A_61 : i32
    %dma_start3A_63 = arith.constant 0 : i32
    %dma_start3A_64 = tpu.memref_slice %arg5[%add3A_62, %dma_start3A_63] : memref<4096x1024xf32, #tpu.memory_space<hbm>> -> memref<16x1024xf32, #tpu.memory_space<hbm>>
    %dma_start3A_65 = arith.constant 0 : i32
    %dma_start3A_66 = tpu.memref_slice %arg5[%add3A_62, %dma_start3A_65] : memref<4096x1024xf32, #tpu.memory_space<hbm>> -> memref<16x1024xf32, #tpu.memory_space<hbm>>
    tpu.enqueue_dma source(%arg13 : memref<16x1024xf32, #tpu.memory_space<vmem>>) target(%dma_start3A_66 : memref<16x1024xf32, #tpu.memory_space<hbm>>) target_semaphore(%arg17 : memref<!tpu.dma_semaphore, #tpu.memory_space<semaphore_mem>>)
    %dma_wait3A_67 = arith.constant 0 : i32
    %dma_wait3A_68 = arith.constant 0 : i32
    %dma_wait3A_69 = tpu.memref_slice %arg2[%dma_wait3A_67, %dma_wait3A_68] : memref<10240x1024xf32, #tpu.memory_space<hbm>> -> memref<10240x1024xf32, #tpu.memory_space<hbm>>
    tpu.wait_indirect_dma semaphore(%arg14 : memref<!tpu.dma_semaphore, #tpu.memory_space<semaphore_mem>>) src(%dma_wait3A_69 : memref<10240x1024xf32, #tpu.memory_space<hbm>>) dst(%arg10 : memref<32x1024xf32, #tpu.memory_space<vmem>>)
    %mul3A_70 = arith.constant 128 : i32
    %mul3A_71 = arith.muli %add3A, %mul3A_70 : i32
    %add3A_72 = arith.constant 48 : i32
    %add3A_73 = arith.addi %mul3A_71, %add3A_72 : i32
    %mul3A_74 = arith.constant 2 : i32
    %mul3A_75 = arith.muli %mul3A_74, %add3A_73 : i32
    "tpu.region"() ({
      %run_scoped3A = tpu.sem_alloc : memref<!tpu.dma_semaphore, #tpu.memory_space<semaphore_mem>>
      %dma_start3A_262 = tpu.memref_slice %arg3[%mul3A_75] : memref<8192xi32, #tpu.memory_space<hbm>> -> memref<32xi32, #tpu.memory_space<hbm>>
      %dma_start3A_263 = tpu.memref_slice %arg3[%mul3A_75] : memref<8192xi32, #tpu.memory_space<hbm>> -> memref<32xi32, #tpu.memory_space<hbm>>
      tpu.enqueue_dma source(%dma_start3A_263 : memref<32xi32, #tpu.memory_space<hbm>>) target(%arg7 : memref<32xi32, #tpu.memory_space<vmem>>) target_semaphore(%run_scoped3A : memref<!tpu.dma_semaphore, #tpu.memory_space<semaphore_mem>>)
      %dma_wait3A_264 = tpu.memref_slice %arg3[%mul3A_75] : memref<8192xi32, #tpu.memory_space<hbm>> -> memref<32xi32, #tpu.memory_space<hbm>>
      %dma_wait3A_265 = tpu.memref_slice %arg3[%mul3A_75] : memref<8192xi32, #tpu.memory_space<hbm>> -> memref<32xi32, #tpu.memory_space<hbm>>
      tpu.wait_dma2 semaphore(%run_scoped3A : memref<!tpu.dma_semaphore, #tpu.memory_space<semaphore_mem>>) src(%dma_wait3A_265 : memref<32xi32, #tpu.memory_space<hbm>>) dst(%arg7 : memref<32xi32, #tpu.memory_space<vmem>>)
      tpu.yield
    }) : () -> ()
    %mul3A_76 = arith.constant 2 : i32
    %mul3A_77 = arith.muli %mul3A_76, %add3A_73 : i32
    "tpu.region"() ({
      %run_scoped3A = tpu.sem_alloc : memref<!tpu.dma_semaphore, #tpu.memory_space<semaphore_mem>>
      %dma_start3A_262 = tpu.memref_slice %arg4[%mul3A_77] : memref<8192xf32, #tpu.memory_space<hbm>> -> memref<32xf32, #tpu.memory_space<hbm>>
      %dma_start3A_263 = tpu.memref_slice %arg4[%mul3A_77] : memref<8192xf32, #tpu.memory_space<hbm>> -> memref<32xf32, #tpu.memory_space<hbm>>
      tpu.enqueue_dma source(%dma_start3A_263 : memref<32xf32, #tpu.memory_space<hbm>>) target(%arg9 : memref<32xf32, #tpu.memory_space<vmem>>) target_semaphore(%run_scoped3A : memref<!tpu.dma_semaphore, #tpu.memory_space<semaphore_mem>>)
      %dma_wait3A_264 = tpu.memref_slice %arg4[%mul3A_77] : memref<8192xf32, #tpu.memory_space<hbm>> -> memref<32xf32, #tpu.memory_space<hbm>>
      %dma_wait3A_265 = tpu.memref_slice %arg4[%mul3A_77] : memref<8192xf32, #tpu.memory_space<hbm>> -> memref<32xf32, #tpu.memory_space<hbm>>
      tpu.wait_dma2 semaphore(%run_scoped3A : memref<!tpu.dma_semaphore, #tpu.memory_space<semaphore_mem>>) src(%dma_wait3A_265 : memref<32xf32, #tpu.memory_space<hbm>>) dst(%arg9 : memref<32xf32, #tpu.memory_space<vmem>>)
      tpu.yield
    }) : () -> ()
    %dma_start3A_78 = arith.constant 0 : i32
    %dma_start3A_79 = arith.constant 0 : i32
    %dma_start3A_80 = tpu.memref_slice %arg2[%dma_start3A_78, %dma_start3A_79] : memref<10240x1024xf32, #tpu.memory_space<hbm>> -> memref<10240x1024xf32, #tpu.memory_space<hbm>>
    tpu.enqueue_indirect_dma source(%dma_start3A_80 : memref<10240x1024xf32, #tpu.memory_space<hbm>>) target(%arg11 : memref<32x1024xf32, #tpu.memory_space<vmem>>) offsets(%arg7 : memref<32xi32, #tpu.memory_space<vmem>>) semaphore(%arg15 : memref<!tpu.dma_semaphore, #tpu.memory_space<semaphore_mem>>)
    %dma_wait3A_81 = arith.constant 0 : i32
    %dma_wait3A_82 = tpu.memref_slice %arg5[%add3A_33, %dma_wait3A_81] : memref<4096x1024xf32, #tpu.memory_space<hbm>> -> memref<16x1024xf32, #tpu.memory_space<hbm>>
    %dma_wait3A_83 = arith.constant 0 : i32
    %dma_wait3A_84 = tpu.memref_slice %arg5[%add3A_33, %dma_wait3A_83] : memref<4096x1024xf32, #tpu.memory_space<hbm>> -> memref<16x1024xf32, #tpu.memory_space<hbm>>
    tpu.wait_dma2 semaphore(%arg16 : memref<!tpu.dma_semaphore, #tpu.memory_space<semaphore_mem>>) src(%arg12 : memref<16x1024xf32, #tpu.memory_space<vmem>>) dst(%dma_wait3A_84 : memref<16x1024xf32, #tpu.memory_space<hbm>>)
    %scan3A_85 = arith.constant 0 : i32
    %scan3A_86 = arith.constant 0 : i32
    %scan3A_87 = arith.constant 16 : i32
    %scan3A_88 = arith.addi %scan3A_86, %scan3A_87 : i32
    %scan3A_89 = arith.constant 1 : i32
    %scan3A_90 = scf.for %scan3A_262 = %scan3A_86 to %scan3A_88 step %scan3A_89 iter_args(%scan3A_263 = %scan3A_85) -> (i32)  : i32 {
      %mul3A_264 = arith.constant 2 : i32
      %mul3A_265 = arith.muli %mul3A_264, %scan3A_262 : i32
      %broadcast_in_dim3A = vector.broadcast %mul3A_265 : i32 to vector<16xi32>
      %mul3A_266 = arith.constant 2 : i32
      %mul3A_267 = arith.muli %mul3A_266, %scan3A_262 : i32
      %add3A_268 = arith.constant 1 : i32
      %add3A_269 = arith.addi %mul3A_267, %add3A_268 : i32
      %broadcast_in_dim3A_270 = vector.broadcast %add3A_269 : i32 to vector<16xi32>
      %gather3A = tpu.vector_load_idx %arg8[%broadcast_in_dim3A] : memref<32xf32, #tpu.memory_space<vmem>>[vector<16xi32>], vector<16xf32>,
      %gather3A_271 = tpu.vector_load_idx %arg8[%broadcast_in_dim3A_270] : memref<32xf32, #tpu.memory_space<vmem>>[vector<16xi32>], vector<16xf32>,
      %broadcast_in_dim3A_272 = vector.broadcast %scan3A_262 : i32 to vector<16xi32>
      %scan3A_273 = arith.constant 0 : i32
      %scan3A_274 = arith.constant 0 : i32
      %scan3A_275 = arith.constant 64 : i32
      %scan3A_276 = arith.addi %scan3A_274, %scan3A_275 : i32
      %scan3A_277 = arith.constant 8 : i32
      %scan3A_278 = scf.for %scan3A_281 = %scan3A_274 to %scan3A_276 step %scan3A_277 iter_args(%scan3A_282 = %scan3A_273) -> (i32)  : i32 {
        %mul3A_283 = arith.constant 16 : i32
        %mul3A_284 = arith.muli %scan3A_281, %mul3A_283 : i32
        %add3A_285 = vector.broadcast %mul3A_284 : i32 to vector<16xi32>
        %add3A_286 = arith.addi %iota3A, %add3A_285 : vector<16xi32>
        %gather3A_287 = tpu.vector_load_idx %arg10[%broadcast_in_dim3A, %add3A_286] : memref<32x1024xf32, #tpu.memory_space<vmem>>[vector<16xi32>, vector<16xi32>], vector<16xf32>,
        %gather3A_288 = tpu.vector_load_idx %arg10[%broadcast_in_dim3A_270, %add3A_286] : memref<32x1024xf32, #tpu.memory_space<vmem>>[vector<16xi32>, vector<16xi32>], vector<16xf32>,
        %mul3A_289 = arith.mulf %gather3A, %gather3A_287 : vector<16xf32>
        %mul3A_290 = arith.mulf %gather3A_271, %gather3A_288 : vector<16xf32>
        %add3A_291 = arith.addf %mul3A_289, %mul3A_290 : vector<16xf32>
        tpu.vector_store_idx %arg12[%broadcast_in_dim3A_272, %add3A_286], %add3A_291 : memref<16x1024xf32, #tpu.memory_space<vmem>>[vector<16xi32>, vector<16xi32>], vector<16xf32>,
        %scan3A_292 = arith.constant 0 : i32
        %scan3A_293 = arith.constant 1 : i32
        %scan3A_294 = arith.addi %scan3A_281, %scan3A_293 : i32
        %mul3A_295 = arith.constant 16 : i32
        %mul3A_296 = arith.muli %scan3A_294, %mul3A_295 : i32
        %add3A_297 = vector.broadcast %mul3A_296 : i32 to vector<16xi32>
        %add3A_298 = arith.addi %iota3A, %add3A_297 : vector<16xi32>
        %gather3A_299 = tpu.vector_load_idx %arg10[%broadcast_in_dim3A, %add3A_298] : memref<32x1024xf32, #tpu.memory_space<vmem>>[vector<16xi32>, vector<16xi32>], vector<16xf32>,
        %gather3A_300 = tpu.vector_load_idx %arg10[%broadcast_in_dim3A_270, %add3A_298] : memref<32x1024xf32, #tpu.memory_space<vmem>>[vector<16xi32>, vector<16xi32>], vector<16xf32>,
        %mul3A_301 = arith.mulf %gather3A, %gather3A_299 : vector<16xf32>
        %mul3A_302 = arith.mulf %gather3A_271, %gather3A_300 : vector<16xf32>
        %add3A_303 = arith.addf %mul3A_301, %mul3A_302 : vector<16xf32>
        tpu.vector_store_idx %arg12[%broadcast_in_dim3A_272, %add3A_298], %add3A_303 : memref<16x1024xf32, #tpu.memory_space<vmem>>[vector<16xi32>, vector<16xi32>], vector<16xf32>,
        %scan3A_304 = arith.constant 0 : i32
        %scan3A_305 = arith.constant 2 : i32
        %scan3A_306 = arith.addi %scan3A_281, %scan3A_305 : i32
        %mul3A_307 = arith.constant 16 : i32
        %mul3A_308 = arith.muli %scan3A_306, %mul3A_307 : i32
        %add3A_309 = vector.broadcast %mul3A_308 : i32 to vector<16xi32>
        %add3A_310 = arith.addi %iota3A, %add3A_309 : vector<16xi32>
        %gather3A_311 = tpu.vector_load_idx %arg10[%broadcast_in_dim3A, %add3A_310] : memref<32x1024xf32, #tpu.memory_space<vmem>>[vector<16xi32>, vector<16xi32>], vector<16xf32>,
        %gather3A_312 = tpu.vector_load_idx %arg10[%broadcast_in_dim3A_270, %add3A_310] : memref<32x1024xf32, #tpu.memory_space<vmem>>[vector<16xi32>, vector<16xi32>], vector<16xf32>,
        %mul3A_313 = arith.mulf %gather3A, %gather3A_311 : vector<16xf32>
        %mul3A_314 = arith.mulf %gather3A_271, %gather3A_312 : vector<16xf32>
        %add3A_315 = arith.addf %mul3A_313, %mul3A_314 : vector<16xf32>
        tpu.vector_store_idx %arg12[%broadcast_in_dim3A_272, %add3A_310], %add3A_315 : memref<16x1024xf32, #tpu.memory_space<vmem>>[vector<16xi32>, vector<16xi32>], vector<16xf32>,
        %scan3A_316 = arith.constant 0 : i32
        %scan3A_317 = arith.constant 3 : i32
        %scan3A_318 = arith.addi %scan3A_281, %scan3A_317 : i32
        %mul3A_319 = arith.constant 16 : i32
        %mul3A_320 = arith.muli %scan3A_318, %mul3A_319 : i32
        %add3A_321 = vector.broadcast %mul3A_320 : i32 to vector<16xi32>
        %add3A_322 = arith.addi %iota3A, %add3A_321 : vector<16xi32>
        %gather3A_323 = tpu.vector_load_idx %arg10[%broadcast_in_dim3A, %add3A_322] : memref<32x1024xf32, #tpu.memory_space<vmem>>[vector<16xi32>, vector<16xi32>], vector<16xf32>,
        %gather3A_324 = tpu.vector_load_idx %arg10[%broadcast_in_dim3A_270, %add3A_322] : memref<32x1024xf32, #tpu.memory_space<vmem>>[vector<16xi32>, vector<16xi32>], vector<16xf32>,
        %mul3A_325 = arith.mulf %gather3A, %gather3A_323 : vector<16xf32>
        %mul3A_326 = arith.mulf %gather3A_271, %gather3A_324 : vector<16xf32>
        %add3A_327 = arith.addf %mul3A_325, %mul3A_326 : vector<16xf32>
        tpu.vector_store_idx %arg12[%broadcast_in_dim3A_272, %add3A_322], %add3A_327 : memref<16x1024xf32, #tpu.memory_space<vmem>>[vector<16xi32>, vector<16xi32>], vector<16xf32>,
        %scan3A_328 = arith.constant 0 : i32
        %scan3A_329 = arith.constant 4 : i32
        %scan3A_330 = arith.addi %scan3A_281, %scan3A_329 : i32
        %mul3A_331 = arith.constant 16 : i32
        %mul3A_332 = arith.muli %scan3A_330, %mul3A_331 : i32
        %add3A_333 = vector.broadcast %mul3A_332 : i32 to vector<16xi32>
        %add3A_334 = arith.addi %iota3A, %add3A_333 : vector<16xi32>
        %gather3A_335 = tpu.vector_load_idx %arg10[%broadcast_in_dim3A, %add3A_334] : memref<32x1024xf32, #tpu.memory_space<vmem>>[vector<16xi32>, vector<16xi32>], vector<16xf32>,
        %gather3A_336 = tpu.vector_load_idx %arg10[%broadcast_in_dim3A_270, %add3A_334] : memref<32x1024xf32, #tpu.memory_space<vmem>>[vector<16xi32>, vector<16xi32>], vector<16xf32>,
        %mul3A_337 = arith.mulf %gather3A, %gather3A_335 : vector<16xf32>
        %mul3A_338 = arith.mulf %gather3A_271, %gather3A_336 : vector<16xf32>
        %add3A_339 = arith.addf %mul3A_337, %mul3A_338 : vector<16xf32>
        tpu.vector_store_idx %arg12[%broadcast_in_dim3A_272, %add3A_334], %add3A_339 : memref<16x1024xf32, #tpu.memory_space<vmem>>[vector<16xi32>, vector<16xi32>], vector<16xf32>,
        %scan3A_340 = arith.constant 0 : i32
        %scan3A_341 = arith.constant 5 : i32
        %scan3A_342 = arith.addi %scan3A_281, %scan3A_341 : i32
        %mul3A_343 = arith.constant 16 : i32
        %mul3A_344 = arith.muli %scan3A_342, %mul3A_343 : i32
        %add3A_345 = vector.broadcast %mul3A_344 : i32 to vector<16xi32>
        %add3A_346 = arith.addi %iota3A, %add3A_345 : vector<16xi32>
        %gather3A_347 = tpu.vector_load_idx %arg10[%broadcast_in_dim3A, %add3A_346] : memref<32x1024xf32, #tpu.memory_space<vmem>>[vector<16xi32>, vector<16xi32>], vector<16xf32>,
        %gather3A_348 = tpu.vector_load_idx %arg10[%broadcast_in_dim3A_270, %add3A_346] : memref<32x1024xf32, #tpu.memory_space<vmem>>[vector<16xi32>, vector<16xi32>], vector<16xf32>,
        %mul3A_349 = arith.mulf %gather3A, %gather3A_347 : vector<16xf32>
        %mul3A_350 = arith.mulf %gather3A_271, %gather3A_348 : vector<16xf32>
        %add3A_351 = arith.addf %mul3A_349, %mul3A_350 : vector<16xf32>
        tpu.vector_store_idx %arg12[%broadcast_in_dim3A_272, %add3A_346], %add3A_351 : memref<16x1024xf32, #tpu.memory_space<vmem>>[vector<16xi32>, vector<16xi32>], vector<16xf32>,
        %scan3A_352 = arith.constant 0 : i32
        %scan3A_353 = arith.constant 6 : i32
        %scan3A_354 = arith.addi %scan3A_281, %scan3A_353 : i32
        %mul3A_355 = arith.constant 16 : i32
        %mul3A_356 = arith.muli %scan3A_354, %mul3A_355 : i32
        %add3A_357 = vector.broadcast %mul3A_356 : i32 to vector<16xi32>
        %add3A_358 = arith.addi %iota3A, %add3A_357 : vector<16xi32>
        %gather3A_359 = tpu.vector_load_idx %arg10[%broadcast_in_dim3A, %add3A_358] : memref<32x1024xf32, #tpu.memory_space<vmem>>[vector<16xi32>, vector<16xi32>], vector<16xf32>,
        %gather3A_360 = tpu.vector_load_idx %arg10[%broadcast_in_dim3A_270, %add3A_358] : memref<32x1024xf32, #tpu.memory_space<vmem>>[vector<16xi32>, vector<16xi32>], vector<16xf32>,
        %mul3A_361 = arith.mulf %gather3A, %gather3A_359 : vector<16xf32>
        %mul3A_362 = arith.mulf %gather3A_271, %gather3A_360 : vector<16xf32>
        %add3A_363 = arith.addf %mul3A_361, %mul3A_362 : vector<16xf32>
        tpu.vector_store_idx %arg12[%broadcast_in_dim3A_272, %add3A_358], %add3A_363 : memref<16x1024xf32, #tpu.memory_space<vmem>>[vector<16xi32>, vector<16xi32>], vector<16xf32>,
        %scan3A_364 = arith.constant 0 : i32
        %scan3A_365 = arith.constant 7 : i32
        %scan3A_366 = arith.addi %scan3A_281, %scan3A_365 : i32
        %mul3A_367 = arith.constant 16 : i32
        %mul3A_368 = arith.muli %scan3A_366, %mul3A_367 : i32
        %add3A_369 = vector.broadcast %mul3A_368 : i32 to vector<16xi32>
        %add3A_370 = arith.addi %iota3A, %add3A_369 : vector<16xi32>
        %gather3A_371 = tpu.vector_load_idx %arg10[%broadcast_in_dim3A, %add3A_370] : memref<32x1024xf32, #tpu.memory_space<vmem>>[vector<16xi32>, vector<16xi32>], vector<16xf32>,
        %gather3A_372 = tpu.vector_load_idx %arg10[%broadcast_in_dim3A_270, %add3A_370] : memref<32x1024xf32, #tpu.memory_space<vmem>>[vector<16xi32>, vector<16xi32>], vector<16xf32>,
        %mul3A_373 = arith.mulf %gather3A, %gather3A_371 : vector<16xf32>
        %mul3A_374 = arith.mulf %gather3A_271, %gather3A_372 : vector<16xf32>
        %add3A_375 = arith.addf %mul3A_373, %mul3A_374 : vector<16xf32>
        tpu.vector_store_idx %arg12[%broadcast_in_dim3A_272, %add3A_370], %add3A_375 : memref<16x1024xf32, #tpu.memory_space<vmem>>[vector<16xi32>, vector<16xi32>], vector<16xf32>,
        %scan3A_376 = arith.constant 0 : i32
        scf.yield %scan3A_376 : i32
      }
      %scan3A_279 = arith.constant 64 : i32
      %scan3A_280 = arith.constant 0 : i32
      scf.yield %scan3A_280 : i32
    }
    %scan3A_91 = arith.constant 16 : i32
    %mul3A_92 = arith.constant 128 : i32
    %mul3A_93 = arith.muli %add3A, %mul3A_92 : i32
    %add3A_94 = arith.constant 32 : i32
    %add3A_95 = arith.addi %mul3A_93, %add3A_94 : i32
    %dma_start3A_96 = arith.constant 0 : i32
    %dma_start3A_97 = tpu.memref_slice %arg5[%add3A_95, %dma_start3A_96] : memref<4096x1024xf32, #tpu.memory_space<hbm>> -> memref<16x1024xf32, #tpu.memory_space<hbm>>
    %dma_start3A_98 = arith.constant 0 : i32
    %dma_start3A_99 = tpu.memref_slice %arg5[%add3A_95, %dma_start3A_98] : memref<4096x1024xf32, #tpu.memory_space<hbm>> -> memref<16x1024xf32, #tpu.memory_space<hbm>>
    tpu.enqueue_dma source(%arg12 : memref<16x1024xf32, #tpu.memory_space<vmem>>) target(%dma_start3A_99 : memref<16x1024xf32, #tpu.memory_space<hbm>>) target_semaphore(%arg16 : memref<!tpu.dma_semaphore, #tpu.memory_space<semaphore_mem>>)
    %dma_wait3A_100 = arith.constant 0 : i32
    %dma_wait3A_101 = arith.constant 0 : i32
    %dma_wait3A_102 = tpu.memref_slice %arg2[%dma_wait3A_100, %dma_wait3A_101] : memref<10240x1024xf32, #tpu.memory_space<hbm>> -> memref<10240x1024xf32, #tpu.memory_space<hbm>>
    tpu.wait_indirect_dma semaphore(%arg15 : memref<!tpu.dma_semaphore, #tpu.memory_space<semaphore_mem>>) src(%dma_wait3A_102 : memref<10240x1024xf32, #tpu.memory_space<hbm>>) dst(%arg11 : memref<32x1024xf32, #tpu.memory_space<vmem>>)
    %mul3A_103 = arith.constant 128 : i32
    %mul3A_104 = arith.muli %add3A, %mul3A_103 : i32
    %add3A_105 = arith.constant 64 : i32
    %add3A_106 = arith.addi %mul3A_104, %add3A_105 : i32
    %mul3A_107 = arith.constant 2 : i32
    %mul3A_108 = arith.muli %mul3A_107, %add3A_106 : i32
    "tpu.region"() ({
      %run_scoped3A = tpu.sem_alloc : memref<!tpu.dma_semaphore, #tpu.memory_space<semaphore_mem>>
      %dma_start3A_262 = tpu.memref_slice %arg3[%mul3A_108] : memref<8192xi32, #tpu.memory_space<hbm>> -> memref<32xi32, #tpu.memory_space<hbm>>
      %dma_start3A_263 = tpu.memref_slice %arg3[%mul3A_108] : memref<8192xi32, #tpu.memory_space<hbm>> -> memref<32xi32, #tpu.memory_space<hbm>>
      tpu.enqueue_dma source(%dma_start3A_263 : memref<32xi32, #tpu.memory_space<hbm>>) target(%arg6 : memref<32xi32, #tpu.memory_space<vmem>>) target_semaphore(%run_scoped3A : memref<!tpu.dma_semaphore, #tpu.memory_space<semaphore_mem>>)
      %dma_wait3A_264 = tpu.memref_slice %arg3[%mul3A_108] : memref<8192xi32, #tpu.memory_space<hbm>> -> memref<32xi32, #tpu.memory_space<hbm>>
      %dma_wait3A_265 = tpu.memref_slice %arg3[%mul3A_108] : memref<8192xi32, #tpu.memory_space<hbm>> -> memref<32xi32, #tpu.memory_space<hbm>>
      tpu.wait_dma2 semaphore(%run_scoped3A : memref<!tpu.dma_semaphore, #tpu.memory_space<semaphore_mem>>) src(%dma_wait3A_265 : memref<32xi32, #tpu.memory_space<hbm>>) dst(%arg6 : memref<32xi32, #tpu.memory_space<vmem>>)
      tpu.yield
    }) : () -> ()
    %mul3A_109 = arith.constant 2 : i32
    %mul3A_110 = arith.muli %mul3A_109, %add3A_106 : i32
    "tpu.region"() ({
      %run_scoped3A = tpu.sem_alloc : memref<!tpu.dma_semaphore, #tpu.memory_space<semaphore_mem>>
      %dma_start3A_262 = tpu.memref_slice %arg4[%mul3A_110] : memref<8192xf32, #tpu.memory_space<hbm>> -> memref<32xf32, #tpu.memory_space<hbm>>
      %dma_start3A_263 = tpu.memref_slice %arg4[%mul3A_110] : memref<8192xf32, #tpu.memory_space<hbm>> -> memref<32xf32, #tpu.memory_space<hbm>>
      tpu.enqueue_dma source(%dma_start3A_263 : memref<32xf32, #tpu.memory_space<hbm>>) target(%arg8 : memref<32xf32, #tpu.memory_space<vmem>>) target_semaphore(%run_scoped3A : memref<!tpu.dma_semaphore, #tpu.memory_space<semaphore_mem>>)
      %dma_wait3A_264 = tpu.memref_slice %arg4[%mul3A_110] : memref<8192xf32, #tpu.memory_space<hbm>> -> memref<32xf32, #tpu.memory_space<hbm>>
      %dma_wait3A_265 = tpu.memref_slice %arg4[%mul3A_110] : memref<8192xf32, #tpu.memory_space<hbm>> -> memref<32xf32, #tpu.memory_space<hbm>>
      tpu.wait_dma2 semaphore(%run_scoped3A : memref<!tpu.dma_semaphore, #tpu.memory_space<semaphore_mem>>) src(%dma_wait3A_265 : memref<32xf32, #tpu.memory_space<hbm>>) dst(%arg8 : memref<32xf32, #tpu.memory_space<vmem>>)
      tpu.yield
    }) : () -> ()
    %dma_start3A_111 = arith.constant 0 : i32
    %dma_start3A_112 = arith.constant 0 : i32
    %dma_start3A_113 = tpu.memref_slice %arg2[%dma_start3A_111, %dma_start3A_112] : memref<10240x1024xf32, #tpu.memory_space<hbm>> -> memref<10240x1024xf32, #tpu.memory_space<hbm>>
    tpu.enqueue_indirect_dma source(%dma_start3A_113 : memref<10240x1024xf32, #tpu.memory_space<hbm>>) target(%arg10 : memref<32x1024xf32, #tpu.memory_space<vmem>>) offsets(%arg6 : memref<32xi32, #tpu.memory_space<vmem>>) semaphore(%arg14 : memref<!tpu.dma_semaphore, #tpu.memory_space<semaphore_mem>>)
    %dma_wait3A_114 = arith.constant 0 : i32
    %dma_wait3A_115 = tpu.memref_slice %arg5[%add3A_62, %dma_wait3A_114] : memref<4096x1024xf32, #tpu.memory_space<hbm>> -> memref<16x1024xf32, #tpu.memory_space<hbm>>
    %dma_wait3A_116 = arith.constant 0 : i32
    %dma_wait3A_117 = tpu.memref_slice %arg5[%add3A_62, %dma_wait3A_116] : memref<4096x1024xf32, #tpu.memory_space<hbm>> -> memref<16x1024xf32, #tpu.memory_space<hbm>>
    tpu.wait_dma2 semaphore(%arg17 : memref<!tpu.dma_semaphore, #tpu.memory_space<semaphore_mem>>) src(%arg13 : memref<16x1024xf32, #tpu.memory_space<vmem>>) dst(%dma_wait3A_117 : memref<16x1024xf32, #tpu.memory_space<hbm>>)
    %scan3A_118 = arith.constant 0 : i32
    %scan3A_119 = arith.constant 0 : i32
    %scan3A_120 = arith.constant 16 : i32
    %scan3A_121 = arith.addi %scan3A_119, %scan3A_120 : i32
    %scan3A_122 = arith.constant 1 : i32
    %scan3A_123 = scf.for %scan3A_262 = %scan3A_119 to %scan3A_121 step %scan3A_122 iter_args(%scan3A_263 = %scan3A_118) -> (i32)  : i32 {
      %mul3A_264 = arith.constant 2 : i32
      %mul3A_265 = arith.muli %mul3A_264, %scan3A_262 : i32
      %broadcast_in_dim3A = vector.broadcast %mul3A_265 : i32 to vector<16xi32>
      %mul3A_266 = arith.constant 2 : i32
      %mul3A_267 = arith.muli %mul3A_266, %scan3A_262 : i32
      %add3A_268 = arith.constant 1 : i32
      %add3A_269 = arith.addi %mul3A_267, %add3A_268 : i32
      %broadcast_in_dim3A_270 = vector.broadcast %add3A_269 : i32 to vector<16xi32>
      %gather3A = tpu.vector_load_idx %arg9[%broadcast_in_dim3A] : memref<32xf32, #tpu.memory_space<vmem>>[vector<16xi32>], vector<16xf32>,
      %gather3A_271 = tpu.vector_load_idx %arg9[%broadcast_in_dim3A_270] : memref<32xf32, #tpu.memory_space<vmem>>[vector<16xi32>], vector<16xf32>,
      %broadcast_in_dim3A_272 = vector.broadcast %scan3A_262 : i32 to vector<16xi32>
      %scan3A_273 = arith.constant 0 : i32
      %scan3A_274 = arith.constant 0 : i32
      %scan3A_275 = arith.constant 64 : i32
      %scan3A_276 = arith.addi %scan3A_274, %scan3A_275 : i32
      %scan3A_277 = arith.constant 8 : i32
      %scan3A_278 = scf.for %scan3A_281 = %scan3A_274 to %scan3A_276 step %scan3A_277 iter_args(%scan3A_282 = %scan3A_273) -> (i32)  : i32 {
        %mul3A_283 = arith.constant 16 : i32
        %mul3A_284 = arith.muli %scan3A_281, %mul3A_283 : i32
        %add3A_285 = vector.broadcast %mul3A_284 : i32 to vector<16xi32>
        %add3A_286 = arith.addi %iota3A, %add3A_285 : vector<16xi32>
        %gather3A_287 = tpu.vector_load_idx %arg11[%broadcast_in_dim3A, %add3A_286] : memref<32x1024xf32, #tpu.memory_space<vmem>>[vector<16xi32>, vector<16xi32>], vector<16xf32>,
        %gather3A_288 = tpu.vector_load_idx %arg11[%broadcast_in_dim3A_270, %add3A_286] : memref<32x1024xf32, #tpu.memory_space<vmem>>[vector<16xi32>, vector<16xi32>], vector<16xf32>,
        %mul3A_289 = arith.mulf %gather3A, %gather3A_287 : vector<16xf32>
        %mul3A_290 = arith.mulf %gather3A_271, %gather3A_288 : vector<16xf32>
        %add3A_291 = arith.addf %mul3A_289, %mul3A_290 : vector<16xf32>
        tpu.vector_store_idx %arg13[%broadcast_in_dim3A_272, %add3A_286], %add3A_291 : memref<16x1024xf32, #tpu.memory_space<vmem>>[vector<16xi32>, vector<16xi32>], vector<16xf32>,
        %scan3A_292 = arith.constant 0 : i32
        %scan3A_293 = arith.constant 1 : i32
        %scan3A_294 = arith.addi %scan3A_281, %scan3A_293 : i32
        %mul3A_295 = arith.constant 16 : i32
        %mul3A_296 = arith.muli %scan3A_294, %mul3A_295 : i32
        %add3A_297 = vector.broadcast %mul3A_296 : i32 to vector<16xi32>
        %add3A_298 = arith.addi %iota3A, %add3A_297 : vector<16xi32>
        %gather3A_299 = tpu.vector_load_idx %arg11[%broadcast_in_dim3A, %add3A_298] : memref<32x1024xf32, #tpu.memory_space<vmem>>[vector<16xi32>, vector<16xi32>], vector<16xf32>,
        %gather3A_300 = tpu.vector_load_idx %arg11[%broadcast_in_dim3A_270, %add3A_298] : memref<32x1024xf32, #tpu.memory_space<vmem>>[vector<16xi32>, vector<16xi32>], vector<16xf32>,
        %mul3A_301 = arith.mulf %gather3A, %gather3A_299 : vector<16xf32>
        %mul3A_302 = arith.mulf %gather3A_271, %gather3A_300 : vector<16xf32>
        %add3A_303 = arith.addf %mul3A_301, %mul3A_302 : vector<16xf32>
        tpu.vector_store_idx %arg13[%broadcast_in_dim3A_272, %add3A_298], %add3A_303 : memref<16x1024xf32, #tpu.memory_space<vmem>>[vector<16xi32>, vector<16xi32>], vector<16xf32>,
        %scan3A_304 = arith.constant 0 : i32
        %scan3A_305 = arith.constant 2 : i32
        %scan3A_306 = arith.addi %scan3A_281, %scan3A_305 : i32
        %mul3A_307 = arith.constant 16 : i32
        %mul3A_308 = arith.muli %scan3A_306, %mul3A_307 : i32
        %add3A_309 = vector.broadcast %mul3A_308 : i32 to vector<16xi32>
        %add3A_310 = arith.addi %iota3A, %add3A_309 : vector<16xi32>
        %gather3A_311 = tpu.vector_load_idx %arg11[%broadcast_in_dim3A, %add3A_310] : memref<32x1024xf32, #tpu.memory_space<vmem>>[vector<16xi32>, vector<16xi32>], vector<16xf32>,
        %gather3A_312 = tpu.vector_load_idx %arg11[%broadcast_in_dim3A_270, %add3A_310] : memref<32x1024xf32, #tpu.memory_space<vmem>>[vector<16xi32>, vector<16xi32>], vector<16xf32>,
        %mul3A_313 = arith.mulf %gather3A, %gather3A_311 : vector<16xf32>
        %mul3A_314 = arith.mulf %gather3A_271, %gather3A_312 : vector<16xf32>
        %add3A_315 = arith.addf %mul3A_313, %mul3A_314 : vector<16xf32>
        tpu.vector_store_idx %arg13[%broadcast_in_dim3A_272, %add3A_310], %add3A_315 : memref<16x1024xf32, #tpu.memory_space<vmem>>[vector<16xi32>, vector<16xi32>], vector<16xf32>,
        %scan3A_316 = arith.constant 0 : i32
        %scan3A_317 = arith.constant 3 : i32
        %scan3A_318 = arith.addi %scan3A_281, %scan3A_317 : i32
        %mul3A_319 = arith.constant 16 : i32
        %mul3A_320 = arith.muli %scan3A_318, %mul3A_319 : i32
        %add3A_321 = vector.broadcast %mul3A_320 : i32 to vector<16xi32>
        %add3A_322 = arith.addi %iota3A, %add3A_321 : vector<16xi32>
        %gather3A_323 = tpu.vector_load_idx %arg11[%broadcast_in_dim3A, %add3A_322] : memref<32x1024xf32, #tpu.memory_space<vmem>>[vector<16xi32>, vector<16xi32>], vector<16xf32>,
        %gather3A_324 = tpu.vector_load_idx %arg11[%broadcast_in_dim3A_270, %add3A_322] : memref<32x1024xf32, #tpu.memory_space<vmem>>[vector<16xi32>, vector<16xi32>], vector<16xf32>,
        %mul3A_325 = arith.mulf %gather3A, %gather3A_323 : vector<16xf32>
        %mul3A_326 = arith.mulf %gather3A_271, %gather3A_324 : vector<16xf32>
        %add3A_327 = arith.addf %mul3A_325, %mul3A_326 : vector<16xf32>
        tpu.vector_store_idx %arg13[%broadcast_in_dim3A_272, %add3A_322], %add3A_327 : memref<16x1024xf32, #tpu.memory_space<vmem>>[vector<16xi32>, vector<16xi32>], vector<16xf32>,
        %scan3A_328 = arith.constant 0 : i32
        %scan3A_329 = arith.constant 4 : i32
        %scan3A_330 = arith.addi %scan3A_281, %scan3A_329 : i32
        %mul3A_331 = arith.constant 16 : i32
        %mul3A_332 = arith.muli %scan3A_330, %mul3A_331 : i32
        %add3A_333 = vector.broadcast %mul3A_332 : i32 to vector<16xi32>
        %add3A_334 = arith.addi %iota3A, %add3A_333 : vector<16xi32>
        %gather3A_335 = tpu.vector_load_idx %arg11[%broadcast_in_dim3A, %add3A_334] : memref<32x1024xf32, #tpu.memory_space<vmem>>[vector<16xi32>, vector<16xi32>], vector<16xf32>,
        %gather3A_336 = tpu.vector_load_idx %arg11[%broadcast_in_dim3A_270, %add3A_334] : memref<32x1024xf32, #tpu.memory_space<vmem>>[vector<16xi32>, vector<16xi32>], vector<16xf32>,
        %mul3A_337 = arith.mulf %gather3A, %gather3A_335 : vector<16xf32>
        %mul3A_338 = arith.mulf %gather3A_271, %gather3A_336 : vector<16xf32>
        %add3A_339 = arith.addf %mul3A_337, %mul3A_338 : vector<16xf32>
        tpu.vector_store_idx %arg13[%broadcast_in_dim3A_272, %add3A_334], %add3A_339 : memref<16x1024xf32, #tpu.memory_space<vmem>>[vector<16xi32>, vector<16xi32>], vector<16xf32>,
        %scan3A_340 = arith.constant 0 : i32
        %scan3A_341 = arith.constant 5 : i32
        %scan3A_342 = arith.addi %scan3A_281, %scan3A_341 : i32
        %mul3A_343 = arith.constant 16 : i32
        %mul3A_344 = arith.muli %scan3A_342, %mul3A_343 : i32
        %add3A_345 = vector.broadcast %mul3A_344 : i32 to vector<16xi32>
        %add3A_346 = arith.addi %iota3A, %add3A_345 : vector<16xi32>
        %gather3A_347 = tpu.vector_load_idx %arg11[%broadcast_in_dim3A, %add3A_346] : memref<32x1024xf32, #tpu.memory_space<vmem>>[vector<16xi32>, vector<16xi32>], vector<16xf32>,
        %gather3A_348 = tpu.vector_load_idx %arg11[%broadcast_in_dim3A_270, %add3A_346] : memref<32x1024xf32, #tpu.memory_space<vmem>>[vector<16xi32>, vector<16xi32>], vector<16xf32>,
        %mul3A_349 = arith.mulf %gather3A, %gather3A_347 : vector<16xf32>
        %mul3A_350 = arith.mulf %gather3A_271, %gather3A_348 : vector<16xf32>
        %add3A_351 = arith.addf %mul3A_349, %mul3A_350 : vector<16xf32>
        tpu.vector_store_idx %arg13[%broadcast_in_dim3A_272, %add3A_346], %add3A_351 : memref<16x1024xf32, #tpu.memory_space<vmem>>[vector<16xi32>, vector<16xi32>], vector<16xf32>,
        %scan3A_352 = arith.constant 0 : i32
        %scan3A_353 = arith.constant 6 : i32
        %scan3A_354 = arith.addi %scan3A_281, %scan3A_353 : i32
        %mul3A_355 = arith.constant 16 : i32
        %mul3A_356 = arith.muli %scan3A_354, %mul3A_355 : i32
        %add3A_357 = vector.broadcast %mul3A_356 : i32 to vector<16xi32>
        %add3A_358 = arith.addi %iota3A, %add3A_357 : vector<16xi32>
        %gather3A_359 = tpu.vector_load_idx %arg11[%broadcast_in_dim3A, %add3A_358] : memref<32x1024xf32, #tpu.memory_space<vmem>>[vector<16xi32>, vector<16xi32>], vector<16xf32>,
        %gather3A_360 = tpu.vector_load_idx %arg11[%broadcast_in_dim3A_270, %add3A_358] : memref<32x1024xf32, #tpu.memory_space<vmem>>[vector<16xi32>, vector<16xi32>], vector<16xf32>,
        %mul3A_361 = arith.mulf %gather3A, %gather3A_359 : vector<16xf32>
        %mul3A_362 = arith.mulf %gather3A_271, %gather3A_360 : vector<16xf32>
        %add3A_363 = arith.addf %mul3A_361, %mul3A_362 : vector<16xf32>
        tpu.vector_store_idx %arg13[%broadcast_in_dim3A_272, %add3A_358], %add3A_363 : memref<16x1024xf32, #tpu.memory_space<vmem>>[vector<16xi32>, vector<16xi32>], vector<16xf32>,
        %scan3A_364 = arith.constant 0 : i32
        %scan3A_365 = arith.constant 7 : i32
        %scan3A_366 = arith.addi %scan3A_281, %scan3A_365 : i32
        %mul3A_367 = arith.constant 16 : i32
        %mul3A_368 = arith.muli %scan3A_366, %mul3A_367 : i32
        %add3A_369 = vector.broadcast %mul3A_368 : i32 to vector<16xi32>
        %add3A_370 = arith.addi %iota3A, %add3A_369 : vector<16xi32>
        %gather3A_371 = tpu.vector_load_idx %arg11[%broadcast_in_dim3A, %add3A_370] : memref<32x1024xf32, #tpu.memory_space<vmem>>[vector<16xi32>, vector<16xi32>], vector<16xf32>,
        %gather3A_372 = tpu.vector_load_idx %arg11[%broadcast_in_dim3A_270, %add3A_370] : memref<32x1024xf32, #tpu.memory_space<vmem>>[vector<16xi32>, vector<16xi32>], vector<16xf32>,
        %mul3A_373 = arith.mulf %gather3A, %gather3A_371 : vector<16xf32>
        %mul3A_374 = arith.mulf %gather3A_271, %gather3A_372 : vector<16xf32>
        %add3A_375 = arith.addf %mul3A_373, %mul3A_374 : vector<16xf32>
        tpu.vector_store_idx %arg13[%broadcast_in_dim3A_272, %add3A_370], %add3A_375 : memref<16x1024xf32, #tpu.memory_space<vmem>>[vector<16xi32>, vector<16xi32>], vector<16xf32>,
        %scan3A_376 = arith.constant 0 : i32
        scf.yield %scan3A_376 : i32
      }
      %scan3A_279 = arith.constant 64 : i32
      %scan3A_280 = arith.constant 0 : i32
      scf.yield %scan3A_280 : i32
    }
    %scan3A_124 = arith.constant 16 : i32
    %mul3A_125 = arith.constant 128 : i32
    %mul3A_126 = arith.muli %add3A, %mul3A_125 : i32
    %add3A_127 = arith.constant 48 : i32
    %add3A_128 = arith.addi %mul3A_126, %add3A_127 : i32
    %dma_start3A_129 = arith.constant 0 : i32
    %dma_start3A_130 = tpu.memref_slice %arg5[%add3A_128, %dma_start3A_129] : memref<4096x1024xf32, #tpu.memory_space<hbm>> -> memref<16x1024xf32, #tpu.memory_space<hbm>>
    %dma_start3A_131 = arith.constant 0 : i32
    %dma_start3A_132 = tpu.memref_slice %arg5[%add3A_128, %dma_start3A_131] : memref<4096x1024xf32, #tpu.memory_space<hbm>> -> memref<16x1024xf32, #tpu.memory_space<hbm>>
    tpu.enqueue_dma source(%arg13 : memref<16x1024xf32, #tpu.memory_space<vmem>>) target(%dma_start3A_132 : memref<16x1024xf32, #tpu.memory_space<hbm>>) target_semaphore(%arg17 : memref<!tpu.dma_semaphore, #tpu.memory_space<semaphore_mem>>)
    %dma_wait3A_133 = arith.constant 0 : i32
    %dma_wait3A_134 = arith.constant 0 : i32
    %dma_wait3A_135 = tpu.memref_slice %arg2[%dma_wait3A_133, %dma_wait3A_134] : memref<10240x1024xf32, #tpu.memory_space<hbm>> -> memref<10240x1024xf32, #tpu.memory_space<hbm>>
    tpu.wait_indirect_dma semaphore(%arg14 : memref<!tpu.dma_semaphore, #tpu.memory_space<semaphore_mem>>) src(%dma_wait3A_135 : memref<10240x1024xf32, #tpu.memory_space<hbm>>) dst(%arg10 : memref<32x1024xf32, #tpu.memory_space<vmem>>)
    %mul3A_136 = arith.constant 128 : i32
    %mul3A_137 = arith.muli %add3A, %mul3A_136 : i32
    %add3A_138 = arith.constant 80 : i32
    %add3A_139 = arith.addi %mul3A_137, %add3A_138 : i32
    %mul3A_140 = arith.constant 2 : i32
    %mul3A_141 = arith.muli %mul3A_140, %add3A_139 : i32
    "tpu.region"() ({
      %run_scoped3A = tpu.sem_alloc : memref<!tpu.dma_semaphore, #tpu.memory_space<semaphore_mem>>
      %dma_start3A_262 = tpu.memref_slice %arg3[%mul3A_141] : memref<8192xi32, #tpu.memory_space<hbm>> -> memref<32xi32, #tpu.memory_space<hbm>>
      %dma_start3A_263 = tpu.memref_slice %arg3[%mul3A_141] : memref<8192xi32, #tpu.memory_space<hbm>> -> memref<32xi32, #tpu.memory_space<hbm>>
      tpu.enqueue_dma source(%dma_start3A_263 : memref<32xi32, #tpu.memory_space<hbm>>) target(%arg7 : memref<32xi32, #tpu.memory_space<vmem>>) target_semaphore(%run_scoped3A : memref<!tpu.dma_semaphore, #tpu.memory_space<semaphore_mem>>)
      %dma_wait3A_264 = tpu.memref_slice %arg3[%mul3A_141] : memref<8192xi32, #tpu.memory_space<hbm>> -> memref<32xi32, #tpu.memory_space<hbm>>
      %dma_wait3A_265 = tpu.memref_slice %arg3[%mul3A_141] : memref<8192xi32, #tpu.memory_space<hbm>> -> memref<32xi32, #tpu.memory_space<hbm>>
      tpu.wait_dma2 semaphore(%run_scoped3A : memref<!tpu.dma_semaphore, #tpu.memory_space<semaphore_mem>>) src(%dma_wait3A_265 : memref<32xi32, #tpu.memory_space<hbm>>) dst(%arg7 : memref<32xi32, #tpu.memory_space<vmem>>)
      tpu.yield
    }) : () -> ()
    %mul3A_142 = arith.constant 2 : i32
    %mul3A_143 = arith.muli %mul3A_142, %add3A_139 : i32
    "tpu.region"() ({
      %run_scoped3A = tpu.sem_alloc : memref<!tpu.dma_semaphore, #tpu.memory_space<semaphore_mem>>
      %dma_start3A_262 = tpu.memref_slice %arg4[%mul3A_143] : memref<8192xf32, #tpu.memory_space<hbm>> -> memref<32xf32, #tpu.memory_space<hbm>>
      %dma_start3A_263 = tpu.memref_slice %arg4[%mul3A_143] : memref<8192xf32, #tpu.memory_space<hbm>> -> memref<32xf32, #tpu.memory_space<hbm>>
      tpu.enqueue_dma source(%dma_start3A_263 : memref<32xf32, #tpu.memory_space<hbm>>) target(%arg9 : memref<32xf32, #tpu.memory_space<vmem>>) target_semaphore(%run_scoped3A : memref<!tpu.dma_semaphore, #tpu.memory_space<semaphore_mem>>)
      %dma_wait3A_264 = tpu.memref_slice %arg4[%mul3A_143] : memref<8192xf32, #tpu.memory_space<hbm>> -> memref<32xf32, #tpu.memory_space<hbm>>
      %dma_wait3A_265 = tpu.memref_slice %arg4[%mul3A_143] : memref<8192xf32, #tpu.memory_space<hbm>> -> memref<32xf32, #tpu.memory_space<hbm>>
      tpu.wait_dma2 semaphore(%run_scoped3A : memref<!tpu.dma_semaphore, #tpu.memory_space<semaphore_mem>>) src(%dma_wait3A_265 : memref<32xf32, #tpu.memory_space<hbm>>) dst(%arg9 : memref<32xf32, #tpu.memory_space<vmem>>)
      tpu.yield
    }) : () -> ()
    %dma_start3A_144 = arith.constant 0 : i32
    %dma_start3A_145 = arith.constant 0 : i32
    %dma_start3A_146 = tpu.memref_slice %arg2[%dma_start3A_144, %dma_start3A_145] : memref<10240x1024xf32, #tpu.memory_space<hbm>> -> memref<10240x1024xf32, #tpu.memory_space<hbm>>
    tpu.enqueue_indirect_dma source(%dma_start3A_146 : memref<10240x1024xf32, #tpu.memory_space<hbm>>) target(%arg11 : memref<32x1024xf32, #tpu.memory_space<vmem>>) offsets(%arg7 : memref<32xi32, #tpu.memory_space<vmem>>) semaphore(%arg15 : memref<!tpu.dma_semaphore, #tpu.memory_space<semaphore_mem>>)
    %dma_wait3A_147 = arith.constant 0 : i32
    %dma_wait3A_148 = tpu.memref_slice %arg5[%add3A_95, %dma_wait3A_147] : memref<4096x1024xf32, #tpu.memory_space<hbm>> -> memref<16x1024xf32, #tpu.memory_space<hbm>>
    %dma_wait3A_149 = arith.constant 0 : i32
    %dma_wait3A_150 = tpu.memref_slice %arg5[%add3A_95, %dma_wait3A_149] : memref<4096x1024xf32, #tpu.memory_space<hbm>> -> memref<16x1024xf32, #tpu.memory_space<hbm>>
    tpu.wait_dma2 semaphore(%arg16 : memref<!tpu.dma_semaphore, #tpu.memory_space<semaphore_mem>>) src(%arg12 : memref<16x1024xf32, #tpu.memory_space<vmem>>) dst(%dma_wait3A_150 : memref<16x1024xf32, #tpu.memory_space<hbm>>)
    %scan3A_151 = arith.constant 0 : i32
    %scan3A_152 = arith.constant 0 : i32
    %scan3A_153 = arith.constant 16 : i32
    %scan3A_154 = arith.addi %scan3A_152, %scan3A_153 : i32
    %scan3A_155 = arith.constant 1 : i32
    %scan3A_156 = scf.for %scan3A_262 = %scan3A_152 to %scan3A_154 step %scan3A_155 iter_args(%scan3A_263 = %scan3A_151) -> (i32)  : i32 {
      %mul3A_264 = arith.constant 2 : i32
      %mul3A_265 = arith.muli %mul3A_264, %scan3A_262 : i32
      %broadcast_in_dim3A = vector.broadcast %mul3A_265 : i32 to vector<16xi32>
      %mul3A_266 = arith.constant 2 : i32
      %mul3A_267 = arith.muli %mul3A_266, %scan3A_262 : i32
      %add3A_268 = arith.constant 1 : i32
      %add3A_269 = arith.addi %mul3A_267, %add3A_268 : i32
      %broadcast_in_dim3A_270 = vector.broadcast %add3A_269 : i32 to vector<16xi32>
      %gather3A = tpu.vector_load_idx %arg8[%broadcast_in_dim3A] : memref<32xf32, #tpu.memory_space<vmem>>[vector<16xi32>], vector<16xf32>,
      %gather3A_271 = tpu.vector_load_idx %arg8[%broadcast_in_dim3A_270] : memref<32xf32, #tpu.memory_space<vmem>>[vector<16xi32>], vector<16xf32>,
      %broadcast_in_dim3A_272 = vector.broadcast %scan3A_262 : i32 to vector<16xi32>
      %scan3A_273 = arith.constant 0 : i32
      %scan3A_274 = arith.constant 0 : i32
      %scan3A_275 = arith.constant 64 : i32
      %scan3A_276 = arith.addi %scan3A_274, %scan3A_275 : i32
      %scan3A_277 = arith.constant 8 : i32
      %scan3A_278 = scf.for %scan3A_281 = %scan3A_274 to %scan3A_276 step %scan3A_277 iter_args(%scan3A_282 = %scan3A_273) -> (i32)  : i32 {
        %mul3A_283 = arith.constant 16 : i32
        %mul3A_284 = arith.muli %scan3A_281, %mul3A_283 : i32
        %add3A_285 = vector.broadcast %mul3A_284 : i32 to vector<16xi32>
        %add3A_286 = arith.addi %iota3A, %add3A_285 : vector<16xi32>
        %gather3A_287 = tpu.vector_load_idx %arg10[%broadcast_in_dim3A, %add3A_286] : memref<32x1024xf32, #tpu.memory_space<vmem>>[vector<16xi32>, vector<16xi32>], vector<16xf32>,
        %gather3A_288 = tpu.vector_load_idx %arg10[%broadcast_in_dim3A_270, %add3A_286] : memref<32x1024xf32, #tpu.memory_space<vmem>>[vector<16xi32>, vector<16xi32>], vector<16xf32>,
        %mul3A_289 = arith.mulf %gather3A, %gather3A_287 : vector<16xf32>
        %mul3A_290 = arith.mulf %gather3A_271, %gather3A_288 : vector<16xf32>
        %add3A_291 = arith.addf %mul3A_289, %mul3A_290 : vector<16xf32>
        tpu.vector_store_idx %arg12[%broadcast_in_dim3A_272, %add3A_286], %add3A_291 : memref<16x1024xf32, #tpu.memory_space<vmem>>[vector<16xi32>, vector<16xi32>], vector<16xf32>,
        %scan3A_292 = arith.constant 0 : i32
        %scan3A_293 = arith.constant 1 : i32
        %scan3A_294 = arith.addi %scan3A_281, %scan3A_293 : i32
        %mul3A_295 = arith.constant 16 : i32
        %mul3A_296 = arith.muli %scan3A_294, %mul3A_295 : i32
        %add3A_297 = vector.broadcast %mul3A_296 : i32 to vector<16xi32>
        %add3A_298 = arith.addi %iota3A, %add3A_297 : vector<16xi32>
        %gather3A_299 = tpu.vector_load_idx %arg10[%broadcast_in_dim3A, %add3A_298] : memref<32x1024xf32, #tpu.memory_space<vmem>>[vector<16xi32>, vector<16xi32>], vector<16xf32>,
        %gather3A_300 = tpu.vector_load_idx %arg10[%broadcast_in_dim3A_270, %add3A_298] : memref<32x1024xf32, #tpu.memory_space<vmem>>[vector<16xi32>, vector<16xi32>], vector<16xf32>,
        %mul3A_301 = arith.mulf %gather3A, %gather3A_299 : vector<16xf32>
        %mul3A_302 = arith.mulf %gather3A_271, %gather3A_300 : vector<16xf32>
        %add3A_303 = arith.addf %mul3A_301, %mul3A_302 : vector<16xf32>
        tpu.vector_store_idx %arg12[%broadcast_in_dim3A_272, %add3A_298], %add3A_303 : memref<16x1024xf32, #tpu.memory_space<vmem>>[vector<16xi32>, vector<16xi32>], vector<16xf32>,
        %scan3A_304 = arith.constant 0 : i32
        %scan3A_305 = arith.constant 2 : i32
        %scan3A_306 = arith.addi %scan3A_281, %scan3A_305 : i32
        %mul3A_307 = arith.constant 16 : i32
        %mul3A_308 = arith.muli %scan3A_306, %mul3A_307 : i32
        %add3A_309 = vector.broadcast %mul3A_308 : i32 to vector<16xi32>
        %add3A_310 = arith.addi %iota3A, %add3A_309 : vector<16xi32>
        %gather3A_311 = tpu.vector_load_idx %arg10[%broadcast_in_dim3A, %add3A_310] : memref<32x1024xf32, #tpu.memory_space<vmem>>[vector<16xi32>, vector<16xi32>], vector<16xf32>,
        %gather3A_312 = tpu.vector_load_idx %arg10[%broadcast_in_dim3A_270, %add3A_310] : memref<32x1024xf32, #tpu.memory_space<vmem>>[vector<16xi32>, vector<16xi32>], vector<16xf32>,
        %mul3A_313 = arith.mulf %gather3A, %gather3A_311 : vector<16xf32>
        %mul3A_314 = arith.mulf %gather3A_271, %gather3A_312 : vector<16xf32>
        %add3A_315 = arith.addf %mul3A_313, %mul3A_314 : vector<16xf32>
        tpu.vector_store_idx %arg12[%broadcast_in_dim3A_272, %add3A_310], %add3A_315 : memref<16x1024xf32, #tpu.memory_space<vmem>>[vector<16xi32>, vector<16xi32>], vector<16xf32>,
        %scan3A_316 = arith.constant 0 : i32
        %scan3A_317 = arith.constant 3 : i32
        %scan3A_318 = arith.addi %scan3A_281, %scan3A_317 : i32
        %mul3A_319 = arith.constant 16 : i32
        %mul3A_320 = arith.muli %scan3A_318, %mul3A_319 : i32
        %add3A_321 = vector.broadcast %mul3A_320 : i32 to vector<16xi32>
        %add3A_322 = arith.addi %iota3A, %add3A_321 : vector<16xi32>
        %gather3A_323 = tpu.vector_load_idx %arg10[%broadcast_in_dim3A, %add3A_322] : memref<32x1024xf32, #tpu.memory_space<vmem>>[vector<16xi32>, vector<16xi32>], vector<16xf32>,
        %gather3A_324 = tpu.vector_load_idx %arg10[%broadcast_in_dim3A_270, %add3A_322] : memref<32x1024xf32, #tpu.memory_space<vmem>>[vector<16xi32>, vector<16xi32>], vector<16xf32>,
        %mul3A_325 = arith.mulf %gather3A, %gather3A_323 : vector<16xf32>
        %mul3A_326 = arith.mulf %gather3A_271, %gather3A_324 : vector<16xf32>
        %add3A_327 = arith.addf %mul3A_325, %mul3A_326 : vector<16xf32>
        tpu.vector_store_idx %arg12[%broadcast_in_dim3A_272, %add3A_322], %add3A_327 : memref<16x1024xf32, #tpu.memory_space<vmem>>[vector<16xi32>, vector<16xi32>], vector<16xf32>,
        %scan3A_328 = arith.constant 0 : i32
        %scan3A_329 = arith.constant 4 : i32
        %scan3A_330 = arith.addi %scan3A_281, %scan3A_329 : i32
        %mul3A_331 = arith.constant 16 : i32
        %mul3A_332 = arith.muli %scan3A_330, %mul3A_331 : i32
        %add3A_333 = vector.broadcast %mul3A_332 : i32 to vector<16xi32>
        %add3A_334 = arith.addi %iota3A, %add3A_333 : vector<16xi32>
        %gather3A_335 = tpu.vector_load_idx %arg10[%broadcast_in_dim3A, %add3A_334] : memref<32x1024xf32, #tpu.memory_space<vmem>>[vector<16xi32>, vector<16xi32>], vector<16xf32>,
        %gather3A_336 = tpu.vector_load_idx %arg10[%broadcast_in_dim3A_270, %add3A_334] : memref<32x1024xf32, #tpu.memory_space<vmem>>[vector<16xi32>, vector<16xi32>], vector<16xf32>,
        %mul3A_337 = arith.mulf %gather3A, %gather3A_335 : vector<16xf32>
        %mul3A_338 = arith.mulf %gather3A_271, %gather3A_336 : vector<16xf32>
        %add3A_339 = arith.addf %mul3A_337, %mul3A_338 : vector<16xf32>
        tpu.vector_store_idx %arg12[%broadcast_in_dim3A_272, %add3A_334], %add3A_339 : memref<16x1024xf32, #tpu.memory_space<vmem>>[vector<16xi32>, vector<16xi32>], vector<16xf32>,
        %scan3A_340 = arith.constant 0 : i32
        %scan3A_341 = arith.constant 5 : i32
        %scan3A_342 = arith.addi %scan3A_281, %scan3A_341 : i32
        %mul3A_343 = arith.constant 16 : i32
        %mul3A_344 = arith.muli %scan3A_342, %mul3A_343 : i32
        %add3A_345 = vector.broadcast %mul3A_344 : i32 to vector<16xi32>
        %add3A_346 = arith.addi %iota3A, %add3A_345 : vector<16xi32>
        %gather3A_347 = tpu.vector_load_idx %arg10[%broadcast_in_dim3A, %add3A_346] : memref<32x1024xf32, #tpu.memory_space<vmem>>[vector<16xi32>, vector<16xi32>], vector<16xf32>,
        %gather3A_348 = tpu.vector_load_idx %arg10[%broadcast_in_dim3A_270, %add3A_346] : memref<32x1024xf32, #tpu.memory_space<vmem>>[vector<16xi32>, vector<16xi32>], vector<16xf32>,
        %mul3A_349 = arith.mulf %gather3A, %gather3A_347 : vector<16xf32>
        %mul3A_350 = arith.mulf %gather3A_271, %gather3A_348 : vector<16xf32>
        %add3A_351 = arith.addf %mul3A_349, %mul3A_350 : vector<16xf32>
        tpu.vector_store_idx %arg12[%broadcast_in_dim3A_272, %add3A_346], %add3A_351 : memref<16x1024xf32, #tpu.memory_space<vmem>>[vector<16xi32>, vector<16xi32>], vector<16xf32>,
        %scan3A_352 = arith.constant 0 : i32
        %scan3A_353 = arith.constant 6 : i32
        %scan3A_354 = arith.addi %scan3A_281, %scan3A_353 : i32
        %mul3A_355 = arith.constant 16 : i32
        %mul3A_356 = arith.muli %scan3A_354, %mul3A_355 : i32
        %add3A_357 = vector.broadcast %mul3A_356 : i32 to vector<16xi32>
        %add3A_358 = arith.addi %iota3A, %add3A_357 : vector<16xi32>
        %gather3A_359 = tpu.vector_load_idx %arg10[%broadcast_in_dim3A, %add3A_358] : memref<32x1024xf32, #tpu.memory_space<vmem>>[vector<16xi32>, vector<16xi32>], vector<16xf32>,
        %gather3A_360 = tpu.vector_load_idx %arg10[%broadcast_in_dim3A_270, %add3A_358] : memref<32x1024xf32, #tpu.memory_space<vmem>>[vector<16xi32>, vector<16xi32>], vector<16xf32>,
        %mul3A_361 = arith.mulf %gather3A, %gather3A_359 : vector<16xf32>
        %mul3A_362 = arith.mulf %gather3A_271, %gather3A_360 : vector<16xf32>
        %add3A_363 = arith.addf %mul3A_361, %mul3A_362 : vector<16xf32>
        tpu.vector_store_idx %arg12[%broadcast_in_dim3A_272, %add3A_358], %add3A_363 : memref<16x1024xf32, #tpu.memory_space<vmem>>[vector<16xi32>, vector<16xi32>], vector<16xf32>,
        %scan3A_364 = arith.constant 0 : i32
        %scan3A_365 = arith.constant 7 : i32
        %scan3A_366 = arith.addi %scan3A_281, %scan3A_365 : i32
        %mul3A_367 = arith.constant 16 : i32
        %mul3A_368 = arith.muli %scan3A_366, %mul3A_367 : i32
        %add3A_369 = vector.broadcast %mul3A_368 : i32 to vector<16xi32>
        %add3A_370 = arith.addi %iota3A, %add3A_369 : vector<16xi32>
        %gather3A_371 = tpu.vector_load_idx %arg10[%broadcast_in_dim3A, %add3A_370] : memref<32x1024xf32, #tpu.memory_space<vmem>>[vector<16xi32>, vector<16xi32>], vector<16xf32>,
        %gather3A_372 = tpu.vector_load_idx %arg10[%broadcast_in_dim3A_270, %add3A_370] : memref<32x1024xf32, #tpu.memory_space<vmem>>[vector<16xi32>, vector<16xi32>], vector<16xf32>,
        %mul3A_373 = arith.mulf %gather3A, %gather3A_371 : vector<16xf32>
        %mul3A_374 = arith.mulf %gather3A_271, %gather3A_372 : vector<16xf32>
        %add3A_375 = arith.addf %mul3A_373, %mul3A_374 : vector<16xf32>
        tpu.vector_store_idx %arg12[%broadcast_in_dim3A_272, %add3A_370], %add3A_375 : memref<16x1024xf32, #tpu.memory_space<vmem>>[vector<16xi32>, vector<16xi32>], vector<16xf32>,
        %scan3A_376 = arith.constant 0 : i32
        scf.yield %scan3A_376 : i32
      }
      %scan3A_279 = arith.constant 64 : i32
      %scan3A_280 = arith.constant 0 : i32
      scf.yield %scan3A_280 : i32
    }
    %scan3A_157 = arith.constant 16 : i32
    %mul3A_158 = arith.constant 128 : i32
    %mul3A_159 = arith.muli %add3A, %mul3A_158 : i32
    %add3A_160 = arith.constant 64 : i32
    %add3A_161 = arith.addi %mul3A_159, %add3A_160 : i32
    %dma_start3A_162 = arith.constant 0 : i32
    %dma_start3A_163 = tpu.memref_slice %arg5[%add3A_161, %dma_start3A_162] : memref<4096x1024xf32, #tpu.memory_space<hbm>> -> memref<16x1024xf32, #tpu.memory_space<hbm>>
    %dma_start3A_164 = arith.constant 0 : i32
    %dma_start3A_165 = tpu.memref_slice %arg5[%add3A_161, %dma_start3A_164] : memref<4096x1024xf32, #tpu.memory_space<hbm>> -> memref<16x1024xf32, #tpu.memory_space<hbm>>
    tpu.enqueue_dma source(%arg12 : memref<16x1024xf32, #tpu.memory_space<vmem>>) target(%dma_start3A_165 : memref<16x1024xf32, #tpu.memory_space<hbm>>) target_semaphore(%arg16 : memref<!tpu.dma_semaphore, #tpu.memory_space<semaphore_mem>>)
    %dma_wait3A_166 = arith.constant 0 : i32
    %dma_wait3A_167 = arith.constant 0 : i32
    %dma_wait3A_168 = tpu.memref_slice %arg2[%dma_wait3A_166, %dma_wait3A_167] : memref<10240x1024xf32, #tpu.memory_space<hbm>> -> memref<10240x1024xf32, #tpu.memory_space<hbm>>
    tpu.wait_indirect_dma semaphore(%arg15 : memref<!tpu.dma_semaphore, #tpu.memory_space<semaphore_mem>>) src(%dma_wait3A_168 : memref<10240x1024xf32, #tpu.memory_space<hbm>>) dst(%arg11 : memref<32x1024xf32, #tpu.memory_space<vmem>>)
    %mul3A_169 = arith.constant 128 : i32
    %mul3A_170 = arith.muli %add3A, %mul3A_169 : i32
    %add3A_171 = arith.constant 96 : i32
    %add3A_172 = arith.addi %mul3A_170, %add3A_171 : i32
    %mul3A_173 = arith.constant 2 : i32
    %mul3A_174 = arith.muli %mul3A_173, %add3A_172 : i32
    "tpu.region"() ({
      %run_scoped3A = tpu.sem_alloc : memref<!tpu.dma_semaphore, #tpu.memory_space<semaphore_mem>>
      %dma_start3A_262 = tpu.memref_slice %arg3[%mul3A_174] : memref<8192xi32, #tpu.memory_space<hbm>> -> memref<32xi32, #tpu.memory_space<hbm>>
      %dma_start3A_263 = tpu.memref_slice %arg3[%mul3A_174] : memref<8192xi32, #tpu.memory_space<hbm>> -> memref<32xi32, #tpu.memory_space<hbm>>
      tpu.enqueue_dma source(%dma_start3A_263 : memref<32xi32, #tpu.memory_space<hbm>>) target(%arg6 : memref<32xi32, #tpu.memory_space<vmem>>) target_semaphore(%run_scoped3A : memref<!tpu.dma_semaphore, #tpu.memory_space<semaphore_mem>>)
      %dma_wait3A_264 = tpu.memref_slice %arg3[%mul3A_174] : memref<8192xi32, #tpu.memory_space<hbm>> -> memref<32xi32, #tpu.memory_space<hbm>>
      %dma_wait3A_265 = tpu.memref_slice %arg3[%mul3A_174] : memref<8192xi32, #tpu.memory_space<hbm>> -> memref<32xi32, #tpu.memory_space<hbm>>
      tpu.wait_dma2 semaphore(%run_scoped3A : memref<!tpu.dma_semaphore, #tpu.memory_space<semaphore_mem>>) src(%dma_wait3A_265 : memref<32xi32, #tpu.memory_space<hbm>>) dst(%arg6 : memref<32xi32, #tpu.memory_space<vmem>>)
      tpu.yield
    }) : () -> ()
    %mul3A_175 = arith.constant 2 : i32
    %mul3A_176 = arith.muli %mul3A_175, %add3A_172 : i32
    "tpu.region"() ({
      %run_scoped3A = tpu.sem_alloc : memref<!tpu.dma_semaphore, #tpu.memory_space<semaphore_mem>>
      %dma_start3A_262 = tpu.memref_slice %arg4[%mul3A_176] : memref<8192xf32, #tpu.memory_space<hbm>> -> memref<32xf32, #tpu.memory_space<hbm>>
      %dma_start3A_263 = tpu.memref_slice %arg4[%mul3A_176] : memref<8192xf32, #tpu.memory_space<hbm>> -> memref<32xf32, #tpu.memory_space<hbm>>
      tpu.enqueue_dma source(%dma_start3A_263 : memref<32xf32, #tpu.memory_space<hbm>>) target(%arg8 : memref<32xf32, #tpu.memory_space<vmem>>) target_semaphore(%run_scoped3A : memref<!tpu.dma_semaphore, #tpu.memory_space<semaphore_mem>>)
      %dma_wait3A_264 = tpu.memref_slice %arg4[%mul3A_176] : memref<8192xf32, #tpu.memory_space<hbm>> -> memref<32xf32, #tpu.memory_space<hbm>>
      %dma_wait3A_265 = tpu.memref_slice %arg4[%mul3A_176] : memref<8192xf32, #tpu.memory_space<hbm>> -> memref<32xf32, #tpu.memory_space<hbm>>
      tpu.wait_dma2 semaphore(%run_scoped3A : memref<!tpu.dma_semaphore, #tpu.memory_space<semaphore_mem>>) src(%dma_wait3A_265 : memref<32xf32, #tpu.memory_space<hbm>>) dst(%arg8 : memref<32xf32, #tpu.memory_space<vmem>>)
      tpu.yield
    }) : () -> ()
    %dma_start3A_177 = arith.constant 0 : i32
    %dma_start3A_178 = arith.constant 0 : i32
    %dma_start3A_179 = tpu.memref_slice %arg2[%dma_start3A_177, %dma_start3A_178] : memref<10240x1024xf32, #tpu.memory_space<hbm>> -> memref<10240x1024xf32, #tpu.memory_space<hbm>>
    tpu.enqueue_indirect_dma source(%dma_start3A_179 : memref<10240x1024xf32, #tpu.memory_space<hbm>>) target(%arg10 : memref<32x1024xf32, #tpu.memory_space<vmem>>) offsets(%arg6 : memref<32xi32, #tpu.memory_space<vmem>>) semaphore(%arg14 : memref<!tpu.dma_semaphore, #tpu.memory_space<semaphore_mem>>)
    %dma_wait3A_180 = arith.constant 0 : i32
    %dma_wait3A_181 = tpu.memref_slice %arg5[%add3A_128, %dma_wait3A_180] : memref<4096x1024xf32, #tpu.memory_space<hbm>> -> memref<16x1024xf32, #tpu.memory_space<hbm>>
    %dma_wait3A_182 = arith.constant 0 : i32
    %dma_wait3A_183 = tpu.memref_slice %arg5[%add3A_128, %dma_wait3A_182] : memref<4096x1024xf32, #tpu.memory_space<hbm>> -> memref<16x1024xf32, #tpu.memory_space<hbm>>
    tpu.wait_dma2 semaphore(%arg17 : memref<!tpu.dma_semaphore, #tpu.memory_space<semaphore_mem>>) src(%arg13 : memref<16x1024xf32, #tpu.memory_space<vmem>>) dst(%dma_wait3A_183 : memref<16x1024xf32, #tpu.memory_space<hbm>>)
    %scan3A_184 = arith.constant 0 : i32
    %scan3A_185 = arith.constant 0 : i32
    %scan3A_186 = arith.constant 16 : i32
    %scan3A_187 = arith.addi %scan3A_185, %scan3A_186 : i32
    %scan3A_188 = arith.constant 1 : i32
    %scan3A_189 = scf.for %scan3A_262 = %scan3A_185 to %scan3A_187 step %scan3A_188 iter_args(%scan3A_263 = %scan3A_184) -> (i32)  : i32 {
      %mul3A_264 = arith.constant 2 : i32
      %mul3A_265 = arith.muli %mul3A_264, %scan3A_262 : i32
      %broadcast_in_dim3A = vector.broadcast %mul3A_265 : i32 to vector<16xi32>
      %mul3A_266 = arith.constant 2 : i32
      %mul3A_267 = arith.muli %mul3A_266, %scan3A_262 : i32
      %add3A_268 = arith.constant 1 : i32
      %add3A_269 = arith.addi %mul3A_267, %add3A_268 : i32
      %broadcast_in_dim3A_270 = vector.broadcast %add3A_269 : i32 to vector<16xi32>
      %gather3A = tpu.vector_load_idx %arg9[%broadcast_in_dim3A] : memref<32xf32, #tpu.memory_space<vmem>>[vector<16xi32>], vector<16xf32>,
      %gather3A_271 = tpu.vector_load_idx %arg9[%broadcast_in_dim3A_270] : memref<32xf32, #tpu.memory_space<vmem>>[vector<16xi32>], vector<16xf32>,
      %broadcast_in_dim3A_272 = vector.broadcast %scan3A_262 : i32 to vector<16xi32>
      %scan3A_273 = arith.constant 0 : i32
      %scan3A_274 = arith.constant 0 : i32
      %scan3A_275 = arith.constant 64 : i32
      %scan3A_276 = arith.addi %scan3A_274, %scan3A_275 : i32
      %scan3A_277 = arith.constant 8 : i32
      %scan3A_278 = scf.for %scan3A_281 = %scan3A_274 to %scan3A_276 step %scan3A_277 iter_args(%scan3A_282 = %scan3A_273) -> (i32)  : i32 {
        %mul3A_283 = arith.constant 16 : i32
        %mul3A_284 = arith.muli %scan3A_281, %mul3A_283 : i32
        %add3A_285 = vector.broadcast %mul3A_284 : i32 to vector<16xi32>
        %add3A_286 = arith.addi %iota3A, %add3A_285 : vector<16xi32>
        %gather3A_287 = tpu.vector_load_idx %arg11[%broadcast_in_dim3A, %add3A_286] : memref<32x1024xf32, #tpu.memory_space<vmem>>[vector<16xi32>, vector<16xi32>], vector<16xf32>,
        %gather3A_288 = tpu.vector_load_idx %arg11[%broadcast_in_dim3A_270, %add3A_286] : memref<32x1024xf32, #tpu.memory_space<vmem>>[vector<16xi32>, vector<16xi32>], vector<16xf32>,
        %mul3A_289 = arith.mulf %gather3A, %gather3A_287 : vector<16xf32>
        %mul3A_290 = arith.mulf %gather3A_271, %gather3A_288 : vector<16xf32>
        %add3A_291 = arith.addf %mul3A_289, %mul3A_290 : vector<16xf32>
        tpu.vector_store_idx %arg13[%broadcast_in_dim3A_272, %add3A_286], %add3A_291 : memref<16x1024xf32, #tpu.memory_space<vmem>>[vector<16xi32>, vector<16xi32>], vector<16xf32>,
        %scan3A_292 = arith.constant 0 : i32
        %scan3A_293 = arith.constant 1 : i32
        %scan3A_294 = arith.addi %scan3A_281, %scan3A_293 : i32
        %mul3A_295 = arith.constant 16 : i32
        %mul3A_296 = arith.muli %scan3A_294, %mul3A_295 : i32
        %add3A_297 = vector.broadcast %mul3A_296 : i32 to vector<16xi32>
        %add3A_298 = arith.addi %iota3A, %add3A_297 : vector<16xi32>
        %gather3A_299 = tpu.vector_load_idx %arg11[%broadcast_in_dim3A, %add3A_298] : memref<32x1024xf32, #tpu.memory_space<vmem>>[vector<16xi32>, vector<16xi32>], vector<16xf32>,
        %gather3A_300 = tpu.vector_load_idx %arg11[%broadcast_in_dim3A_270, %add3A_298] : memref<32x1024xf32, #tpu.memory_space<vmem>>[vector<16xi32>, vector<16xi32>], vector<16xf32>,
        %mul3A_301 = arith.mulf %gather3A, %gather3A_299 : vector<16xf32>
        %mul3A_302 = arith.mulf %gather3A_271, %gather3A_300 : vector<16xf32>
        %add3A_303 = arith.addf %mul3A_301, %mul3A_302 : vector<16xf32>
        tpu.vector_store_idx %arg13[%broadcast_in_dim3A_272, %add3A_298], %add3A_303 : memref<16x1024xf32, #tpu.memory_space<vmem>>[vector<16xi32>, vector<16xi32>], vector<16xf32>,
        %scan3A_304 = arith.constant 0 : i32
        %scan3A_305 = arith.constant 2 : i32
        %scan3A_306 = arith.addi %scan3A_281, %scan3A_305 : i32
        %mul3A_307 = arith.constant 16 : i32
        %mul3A_308 = arith.muli %scan3A_306, %mul3A_307 : i32
        %add3A_309 = vector.broadcast %mul3A_308 : i32 to vector<16xi32>
        %add3A_310 = arith.addi %iota3A, %add3A_309 : vector<16xi32>
        %gather3A_311 = tpu.vector_load_idx %arg11[%broadcast_in_dim3A, %add3A_310] : memref<32x1024xf32, #tpu.memory_space<vmem>>[vector<16xi32>, vector<16xi32>], vector<16xf32>,
        %gather3A_312 = tpu.vector_load_idx %arg11[%broadcast_in_dim3A_270, %add3A_310] : memref<32x1024xf32, #tpu.memory_space<vmem>>[vector<16xi32>, vector<16xi32>], vector<16xf32>,
        %mul3A_313 = arith.mulf %gather3A, %gather3A_311 : vector<16xf32>
        %mul3A_314 = arith.mulf %gather3A_271, %gather3A_312 : vector<16xf32>
        %add3A_315 = arith.addf %mul3A_313, %mul3A_314 : vector<16xf32>
        tpu.vector_store_idx %arg13[%broadcast_in_dim3A_272, %add3A_310], %add3A_315 : memref<16x1024xf32, #tpu.memory_space<vmem>>[vector<16xi32>, vector<16xi32>], vector<16xf32>,
        %scan3A_316 = arith.constant 0 : i32
        %scan3A_317 = arith.constant 3 : i32
        %scan3A_318 = arith.addi %scan3A_281, %scan3A_317 : i32
        %mul3A_319 = arith.constant 16 : i32
        %mul3A_320 = arith.muli %scan3A_318, %mul3A_319 : i32
        %add3A_321 = vector.broadcast %mul3A_320 : i32 to vector<16xi32>
        %add3A_322 = arith.addi %iota3A, %add3A_321 : vector<16xi32>
        %gather3A_323 = tpu.vector_load_idx %arg11[%broadcast_in_dim3A, %add3A_322] : memref<32x1024xf32, #tpu.memory_space<vmem>>[vector<16xi32>, vector<16xi32>], vector<16xf32>,
        %gather3A_324 = tpu.vector_load_idx %arg11[%broadcast_in_dim3A_270, %add3A_322] : memref<32x1024xf32, #tpu.memory_space<vmem>>[vector<16xi32>, vector<16xi32>], vector<16xf32>,
        %mul3A_325 = arith.mulf %gather3A, %gather3A_323 : vector<16xf32>
        %mul3A_326 = arith.mulf %gather3A_271, %gather3A_324 : vector<16xf32>
        %add3A_327 = arith.addf %mul3A_325, %mul3A_326 : vector<16xf32>
        tpu.vector_store_idx %arg13[%broadcast_in_dim3A_272, %add3A_322], %add3A_327 : memref<16x1024xf32, #tpu.memory_space<vmem>>[vector<16xi32>, vector<16xi32>], vector<16xf32>,
        %scan3A_328 = arith.constant 0 : i32
        %scan3A_329 = arith.constant 4 : i32
        %scan3A_330 = arith.addi %scan3A_281, %scan3A_329 : i32
        %mul3A_331 = arith.constant 16 : i32
        %mul3A_332 = arith.muli %scan3A_330, %mul3A_331 : i32
        %add3A_333 = vector.broadcast %mul3A_332 : i32 to vector<16xi32>
        %add3A_334 = arith.addi %iota3A, %add3A_333 : vector<16xi32>
        %gather3A_335 = tpu.vector_load_idx %arg11[%broadcast_in_dim3A, %add3A_334] : memref<32x1024xf32, #tpu.memory_space<vmem>>[vector<16xi32>, vector<16xi32>], vector<16xf32>,
        %gather3A_336 = tpu.vector_load_idx %arg11[%broadcast_in_dim3A_270, %add3A_334] : memref<32x1024xf32, #tpu.memory_space<vmem>>[vector<16xi32>, vector<16xi32>], vector<16xf32>,
        %mul3A_337 = arith.mulf %gather3A, %gather3A_335 : vector<16xf32>
        %mul3A_338 = arith.mulf %gather3A_271, %gather3A_336 : vector<16xf32>
        %add3A_339 = arith.addf %mul3A_337, %mul3A_338 : vector<16xf32>
        tpu.vector_store_idx %arg13[%broadcast_in_dim3A_272, %add3A_334], %add3A_339 : memref<16x1024xf32, #tpu.memory_space<vmem>>[vector<16xi32>, vector<16xi32>], vector<16xf32>,
        %scan3A_340 = arith.constant 0 : i32
        %scan3A_341 = arith.constant 5 : i32
        %scan3A_342 = arith.addi %scan3A_281, %scan3A_341 : i32
        %mul3A_343 = arith.constant 16 : i32
        %mul3A_344 = arith.muli %scan3A_342, %mul3A_343 : i32
        %add3A_345 = vector.broadcast %mul3A_344 : i32 to vector<16xi32>
        %add3A_346 = arith.addi %iota3A, %add3A_345 : vector<16xi32>
        %gather3A_347 = tpu.vector_load_idx %arg11[%broadcast_in_dim3A, %add3A_346] : memref<32x1024xf32, #tpu.memory_space<vmem>>[vector<16xi32>, vector<16xi32>], vector<16xf32>,
        %gather3A_348 = tpu.vector_load_idx %arg11[%broadcast_in_dim3A_270, %add3A_346] : memref<32x1024xf32, #tpu.memory_space<vmem>>[vector<16xi32>, vector<16xi32>], vector<16xf32>,
        %mul3A_349 = arith.mulf %gather3A, %gather3A_347 : vector<16xf32>
        %mul3A_350 = arith.mulf %gather3A_271, %gather3A_348 : vector<16xf32>
        %add3A_351 = arith.addf %mul3A_349, %mul3A_350 : vector<16xf32>
        tpu.vector_store_idx %arg13[%broadcast_in_dim3A_272, %add3A_346], %add3A_351 : memref<16x1024xf32, #tpu.memory_space<vmem>>[vector<16xi32>, vector<16xi32>], vector<16xf32>,
        %scan3A_352 = arith.constant 0 : i32
        %scan3A_353 = arith.constant 6 : i32
        %scan3A_354 = arith.addi %scan3A_281, %scan3A_353 : i32
        %mul3A_355 = arith.constant 16 : i32
        %mul3A_356 = arith.muli %scan3A_354, %mul3A_355 : i32
        %add3A_357 = vector.broadcast %mul3A_356 : i32 to vector<16xi32>
        %add3A_358 = arith.addi %iota3A, %add3A_357 : vector<16xi32>
        %gather3A_359 = tpu.vector_load_idx %arg11[%broadcast_in_dim3A, %add3A_358] : memref<32x1024xf32, #tpu.memory_space<vmem>>[vector<16xi32>, vector<16xi32>], vector<16xf32>,
        %gather3A_360 = tpu.vector_load_idx %arg11[%broadcast_in_dim3A_270, %add3A_358] : memref<32x1024xf32, #tpu.memory_space<vmem>>[vector<16xi32>, vector<16xi32>], vector<16xf32>,
        %mul3A_361 = arith.mulf %gather3A, %gather3A_359 : vector<16xf32>
        %mul3A_362 = arith.mulf %gather3A_271, %gather3A_360 : vector<16xf32>
        %add3A_363 = arith.addf %mul3A_361, %mul3A_362 : vector<16xf32>
        tpu.vector_store_idx %arg13[%broadcast_in_dim3A_272, %add3A_358], %add3A_363 : memref<16x1024xf32, #tpu.memory_space<vmem>>[vector<16xi32>, vector<16xi32>], vector<16xf32>,
        %scan3A_364 = arith.constant 0 : i32
        %scan3A_365 = arith.constant 7 : i32
        %scan3A_366 = arith.addi %scan3A_281, %scan3A_365 : i32
        %mul3A_367 = arith.constant 16 : i32
        %mul3A_368 = arith.muli %scan3A_366, %mul3A_367 : i32
        %add3A_369 = vector.broadcast %mul3A_368 : i32 to vector<16xi32>
        %add3A_370 = arith.addi %iota3A, %add3A_369 : vector<16xi32>
        %gather3A_371 = tpu.vector_load_idx %arg11[%broadcast_in_dim3A, %add3A_370] : memref<32x1024xf32, #tpu.memory_space<vmem>>[vector<16xi32>, vector<16xi32>], vector<16xf32>,
        %gather3A_372 = tpu.vector_load_idx %arg11[%broadcast_in_dim3A_270, %add3A_370] : memref<32x1024xf32, #tpu.memory_space<vmem>>[vector<16xi32>, vector<16xi32>], vector<16xf32>,
        %mul3A_373 = arith.mulf %gather3A, %gather3A_371 : vector<16xf32>
        %mul3A_374 = arith.mulf %gather3A_271, %gather3A_372 : vector<16xf32>
        %add3A_375 = arith.addf %mul3A_373, %mul3A_374 : vector<16xf32>
        tpu.vector_store_idx %arg13[%broadcast_in_dim3A_272, %add3A_370], %add3A_375 : memref<16x1024xf32, #tpu.memory_space<vmem>>[vector<16xi32>, vector<16xi32>], vector<16xf32>,
        %scan3A_376 = arith.constant 0 : i32
        scf.yield %scan3A_376 : i32
      }
      %scan3A_279 = arith.constant 64 : i32
      %scan3A_280 = arith.constant 0 : i32
      scf.yield %scan3A_280 : i32
    }
    %scan3A_190 = arith.constant 16 : i32
    %mul3A_191 = arith.constant 128 : i32
    %mul3A_192 = arith.muli %add3A, %mul3A_191 : i32
    %add3A_193 = arith.constant 80 : i32
    %add3A_194 = arith.addi %mul3A_192, %add3A_193 : i32
    %dma_start3A_195 = arith.constant 0 : i32
    %dma_start3A_196 = tpu.memref_slice %arg5[%add3A_194, %dma_start3A_195] : memref<4096x1024xf32, #tpu.memory_space<hbm>> -> memref<16x1024xf32, #tpu.memory_space<hbm>>
    %dma_start3A_197 = arith.constant 0 : i32
    %dma_start3A_198 = tpu.memref_slice %arg5[%add3A_194, %dma_start3A_197] : memref<4096x1024xf32, #tpu.memory_space<hbm>> -> memref<16x1024xf32, #tpu.memory_space<hbm>>
    tpu.enqueue_dma source(%arg13 : memref<16x1024xf32, #tpu.memory_space<vmem>>) target(%dma_start3A_198 : memref<16x1024xf32, #tpu.memory_space<hbm>>) target_semaphore(%arg17 : memref<!tpu.dma_semaphore, #tpu.memory_space<semaphore_mem>>)
    %dma_wait3A_199 = arith.constant 0 : i32
    %dma_wait3A_200 = arith.constant 0 : i32
    %dma_wait3A_201 = tpu.memref_slice %arg2[%dma_wait3A_199, %dma_wait3A_200] : memref<10240x1024xf32, #tpu.memory_space<hbm>> -> memref<10240x1024xf32, #tpu.memory_space<hbm>>
    tpu.wait_indirect_dma semaphore(%arg14 : memref<!tpu.dma_semaphore, #tpu.memory_space<semaphore_mem>>) src(%dma_wait3A_201 : memref<10240x1024xf32, #tpu.memory_space<hbm>>) dst(%arg10 : memref<32x1024xf32, #tpu.memory_space<vmem>>)
    %mul3A_202 = arith.constant 128 : i32
    %mul3A_203 = arith.muli %add3A, %mul3A_202 : i32
    %add3A_204 = arith.constant 112 : i32
    %add3A_205 = arith.addi %mul3A_203, %add3A_204 : i32
    %mul3A_206 = arith.constant 2 : i32
    %mul3A_207 = arith.muli %mul3A_206, %add3A_205 : i32
    "tpu.region"() ({
      %run_scoped3A = tpu.sem_alloc : memref<!tpu.dma_semaphore, #tpu.memory_space<semaphore_mem>>
      %dma_start3A_262 = tpu.memref_slice %arg3[%mul3A_207] : memref<8192xi32, #tpu.memory_space<hbm>> -> memref<32xi32, #tpu.memory_space<hbm>>
      %dma_start3A_263 = tpu.memref_slice %arg3[%mul3A_207] : memref<8192xi32, #tpu.memory_space<hbm>> -> memref<32xi32, #tpu.memory_space<hbm>>
      tpu.enqueue_dma source(%dma_start3A_263 : memref<32xi32, #tpu.memory_space<hbm>>) target(%arg7 : memref<32xi32, #tpu.memory_space<vmem>>) target_semaphore(%run_scoped3A : memref<!tpu.dma_semaphore, #tpu.memory_space<semaphore_mem>>)
      %dma_wait3A_264 = tpu.memref_slice %arg3[%mul3A_207] : memref<8192xi32, #tpu.memory_space<hbm>> -> memref<32xi32, #tpu.memory_space<hbm>>
      %dma_wait3A_265 = tpu.memref_slice %arg3[%mul3A_207] : memref<8192xi32, #tpu.memory_space<hbm>> -> memref<32xi32, #tpu.memory_space<hbm>>
      tpu.wait_dma2 semaphore(%run_scoped3A : memref<!tpu.dma_semaphore, #tpu.memory_space<semaphore_mem>>) src(%dma_wait3A_265 : memref<32xi32, #tpu.memory_space<hbm>>) dst(%arg7 : memref<32xi32, #tpu.memory_space<vmem>>)
      tpu.yield
    }) : () -> ()
    %mul3A_208 = arith.constant 2 : i32
    %mul3A_209 = arith.muli %mul3A_208, %add3A_205 : i32
    "tpu.region"() ({
      %run_scoped3A = tpu.sem_alloc : memref<!tpu.dma_semaphore, #tpu.memory_space<semaphore_mem>>
      %dma_start3A_262 = tpu.memref_slice %arg4[%mul3A_209] : memref<8192xf32, #tpu.memory_space<hbm>> -> memref<32xf32, #tpu.memory_space<hbm>>
      %dma_start3A_263 = tpu.memref_slice %arg4[%mul3A_209] : memref<8192xf32, #tpu.memory_space<hbm>> -> memref<32xf32, #tpu.memory_space<hbm>>
      tpu.enqueue_dma source(%dma_start3A_263 : memref<32xf32, #tpu.memory_space<hbm>>) target(%arg9 : memref<32xf32, #tpu.memory_space<vmem>>) target_semaphore(%run_scoped3A : memref<!tpu.dma_semaphore, #tpu.memory_space<semaphore_mem>>)
      %dma_wait3A_264 = tpu.memref_slice %arg4[%mul3A_209] : memref<8192xf32, #tpu.memory_space<hbm>> -> memref<32xf32, #tpu.memory_space<hbm>>
      %dma_wait3A_265 = tpu.memref_slice %arg4[%mul3A_209] : memref<8192xf32, #tpu.memory_space<hbm>> -> memref<32xf32, #tpu.memory_space<hbm>>
      tpu.wait_dma2 semaphore(%run_scoped3A : memref<!tpu.dma_semaphore, #tpu.memory_space<semaphore_mem>>) src(%dma_wait3A_265 : memref<32xf32, #tpu.memory_space<hbm>>) dst(%arg9 : memref<32xf32, #tpu.memory_space<vmem>>)
      tpu.yield
    }) : () -> ()
    %dma_start3A_210 = arith.constant 0 : i32
    %dma_start3A_211 = arith.constant 0 : i32
    %dma_start3A_212 = tpu.memref_slice %arg2[%dma_start3A_210, %dma_start3A_211] : memref<10240x1024xf32, #tpu.memory_space<hbm>> -> memref<10240x1024xf32, #tpu.memory_space<hbm>>
    tpu.enqueue_indirect_dma source(%dma_start3A_212 : memref<10240x1024xf32, #tpu.memory_space<hbm>>) target(%arg11 : memref<32x1024xf32, #tpu.memory_space<vmem>>) offsets(%arg7 : memref<32xi32, #tpu.memory_space<vmem>>) semaphore(%arg15 : memref<!tpu.dma_semaphore, #tpu.memory_space<semaphore_mem>>)
    %dma_wait3A_213 = arith.constant 0 : i32
    %dma_wait3A_214 = tpu.memref_slice %arg5[%add3A_161, %dma_wait3A_213] : memref<4096x1024xf32, #tpu.memory_space<hbm>> -> memref<16x1024xf32, #tpu.memory_space<hbm>>
    %dma_wait3A_215 = arith.constant 0 : i32
    %dma_wait3A_216 = tpu.memref_slice %arg5[%add3A_161, %dma_wait3A_215] : memref<4096x1024xf32, #tpu.memory_space<hbm>> -> memref<16x1024xf32, #tpu.memory_space<hbm>>
    tpu.wait_dma2 semaphore(%arg16 : memref<!tpu.dma_semaphore, #tpu.memory_space<semaphore_mem>>) src(%arg12 : memref<16x1024xf32, #tpu.memory_space<vmem>>) dst(%dma_wait3A_216 : memref<16x1024xf32, #tpu.memory_space<hbm>>)
    %scan3A_217 = arith.constant 0 : i32
    %scan3A_218 = arith.constant 0 : i32
    %scan3A_219 = arith.constant 16 : i32
    %scan3A_220 = arith.addi %scan3A_218, %scan3A_219 : i32
    %scan3A_221 = arith.constant 1 : i32
    %scan3A_222 = scf.for %scan3A_262 = %scan3A_218 to %scan3A_220 step %scan3A_221 iter_args(%scan3A_263 = %scan3A_217) -> (i32)  : i32 {
      %mul3A_264 = arith.constant 2 : i32
      %mul3A_265 = arith.muli %mul3A_264, %scan3A_262 : i32
      %broadcast_in_dim3A = vector.broadcast %mul3A_265 : i32 to vector<16xi32>
      %mul3A_266 = arith.constant 2 : i32
      %mul3A_267 = arith.muli %mul3A_266, %scan3A_262 : i32
      %add3A_268 = arith.constant 1 : i32
      %add3A_269 = arith.addi %mul3A_267, %add3A_268 : i32
      %broadcast_in_dim3A_270 = vector.broadcast %add3A_269 : i32 to vector<16xi32>
      %gather3A = tpu.vector_load_idx %arg8[%broadcast_in_dim3A] : memref<32xf32, #tpu.memory_space<vmem>>[vector<16xi32>], vector<16xf32>,
      %gather3A_271 = tpu.vector_load_idx %arg8[%broadcast_in_dim3A_270] : memref<32xf32, #tpu.memory_space<vmem>>[vector<16xi32>], vector<16xf32>,
      %broadcast_in_dim3A_272 = vector.broadcast %scan3A_262 : i32 to vector<16xi32>
      %scan3A_273 = arith.constant 0 : i32
      %scan3A_274 = arith.constant 0 : i32
      %scan3A_275 = arith.constant 64 : i32
      %scan3A_276 = arith.addi %scan3A_274, %scan3A_275 : i32
      %scan3A_277 = arith.constant 8 : i32
      %scan3A_278 = scf.for %scan3A_281 = %scan3A_274 to %scan3A_276 step %scan3A_277 iter_args(%scan3A_282 = %scan3A_273) -> (i32)  : i32 {
        %mul3A_283 = arith.constant 16 : i32
        %mul3A_284 = arith.muli %scan3A_281, %mul3A_283 : i32
        %add3A_285 = vector.broadcast %mul3A_284 : i32 to vector<16xi32>
        %add3A_286 = arith.addi %iota3A, %add3A_285 : vector<16xi32>
        %gather3A_287 = tpu.vector_load_idx %arg10[%broadcast_in_dim3A, %add3A_286] : memref<32x1024xf32, #tpu.memory_space<vmem>>[vector<16xi32>, vector<16xi32>], vector<16xf32>,
        %gather3A_288 = tpu.vector_load_idx %arg10[%broadcast_in_dim3A_270, %add3A_286] : memref<32x1024xf32, #tpu.memory_space<vmem>>[vector<16xi32>, vector<16xi32>], vector<16xf32>,
        %mul3A_289 = arith.mulf %gather3A, %gather3A_287 : vector<16xf32>
        %mul3A_290 = arith.mulf %gather3A_271, %gather3A_288 : vector<16xf32>
        %add3A_291 = arith.addf %mul3A_289, %mul3A_290 : vector<16xf32>
        tpu.vector_store_idx %arg12[%broadcast_in_dim3A_272, %add3A_286], %add3A_291 : memref<16x1024xf32, #tpu.memory_space<vmem>>[vector<16xi32>, vector<16xi32>], vector<16xf32>,
        %scan3A_292 = arith.constant 0 : i32
        %scan3A_293 = arith.constant 1 : i32
        %scan3A_294 = arith.addi %scan3A_281, %scan3A_293 : i32
        %mul3A_295 = arith.constant 16 : i32
        %mul3A_296 = arith.muli %scan3A_294, %mul3A_295 : i32
        %add3A_297 = vector.broadcast %mul3A_296 : i32 to vector<16xi32>
        %add3A_298 = arith.addi %iota3A, %add3A_297 : vector<16xi32>
        %gather3A_299 = tpu.vector_load_idx %arg10[%broadcast_in_dim3A, %add3A_298] : memref<32x1024xf32, #tpu.memory_space<vmem>>[vector<16xi32>, vector<16xi32>], vector<16xf32>,
        %gather3A_300 = tpu.vector_load_idx %arg10[%broadcast_in_dim3A_270, %add3A_298] : memref<32x1024xf32, #tpu.memory_space<vmem>>[vector<16xi32>, vector<16xi32>], vector<16xf32>,
        %mul3A_301 = arith.mulf %gather3A, %gather3A_299 : vector<16xf32>
        %mul3A_302 = arith.mulf %gather3A_271, %gather3A_300 : vector<16xf32>
        %add3A_303 = arith.addf %mul3A_301, %mul3A_302 : vector<16xf32>
        tpu.vector_store_idx %arg12[%broadcast_in_dim3A_272, %add3A_298], %add3A_303 : memref<16x1024xf32, #tpu.memory_space<vmem>>[vector<16xi32>, vector<16xi32>], vector<16xf32>,
        %scan3A_304 = arith.constant 0 : i32
        %scan3A_305 = arith.constant 2 : i32
        %scan3A_306 = arith.addi %scan3A_281, %scan3A_305 : i32
        %mul3A_307 = arith.constant 16 : i32
        %mul3A_308 = arith.muli %scan3A_306, %mul3A_307 : i32
        %add3A_309 = vector.broadcast %mul3A_308 : i32 to vector<16xi32>
        %add3A_310 = arith.addi %iota3A, %add3A_309 : vector<16xi32>
        %gather3A_311 = tpu.vector_load_idx %arg10[%broadcast_in_dim3A, %add3A_310] : memref<32x1024xf32, #tpu.memory_space<vmem>>[vector<16xi32>, vector<16xi32>], vector<16xf32>,
        %gather3A_312 = tpu.vector_load_idx %arg10[%broadcast_in_dim3A_270, %add3A_310] : memref<32x1024xf32, #tpu.memory_space<vmem>>[vector<16xi32>, vector<16xi32>], vector<16xf32>,
        %mul3A_313 = arith.mulf %gather3A, %gather3A_311 : vector<16xf32>
        %mul3A_314 = arith.mulf %gather3A_271, %gather3A_312 : vector<16xf32>
        %add3A_315 = arith.addf %mul3A_313, %mul3A_314 : vector<16xf32>
        tpu.vector_store_idx %arg12[%broadcast_in_dim3A_272, %add3A_310], %add3A_315 : memref<16x1024xf32, #tpu.memory_space<vmem>>[vector<16xi32>, vector<16xi32>], vector<16xf32>,
        %scan3A_316 = arith.constant 0 : i32
        %scan3A_317 = arith.constant 3 : i32
        %scan3A_318 = arith.addi %scan3A_281, %scan3A_317 : i32
        %mul3A_319 = arith.constant 16 : i32
        %mul3A_320 = arith.muli %scan3A_318, %mul3A_319 : i32
        %add3A_321 = vector.broadcast %mul3A_320 : i32 to vector<16xi32>
        %add3A_322 = arith.addi %iota3A, %add3A_321 : vector<16xi32>
        %gather3A_323 = tpu.vector_load_idx %arg10[%broadcast_in_dim3A, %add3A_322] : memref<32x1024xf32, #tpu.memory_space<vmem>>[vector<16xi32>, vector<16xi32>], vector<16xf32>,
        %gather3A_324 = tpu.vector_load_idx %arg10[%broadcast_in_dim3A_270, %add3A_322] : memref<32x1024xf32, #tpu.memory_space<vmem>>[vector<16xi32>, vector<16xi32>], vector<16xf32>,
        %mul3A_325 = arith.mulf %gather3A, %gather3A_323 : vector<16xf32>
        %mul3A_326 = arith.mulf %gather3A_271, %gather3A_324 : vector<16xf32>
        %add3A_327 = arith.addf %mul3A_325, %mul3A_326 : vector<16xf32>
        tpu.vector_store_idx %arg12[%broadcast_in_dim3A_272, %add3A_322], %add3A_327 : memref<16x1024xf32, #tpu.memory_space<vmem>>[vector<16xi32>, vector<16xi32>], vector<16xf32>,
        %scan3A_328 = arith.constant 0 : i32
        %scan3A_329 = arith.constant 4 : i32
        %scan3A_330 = arith.addi %scan3A_281, %scan3A_329 : i32
        %mul3A_331 = arith.constant 16 : i32
        %mul3A_332 = arith.muli %scan3A_330, %mul3A_331 : i32
        %add3A_333 = vector.broadcast %mul3A_332 : i32 to vector<16xi32>
        %add3A_334 = arith.addi %iota3A, %add3A_333 : vector<16xi32>
        %gather3A_335 = tpu.vector_load_idx %arg10[%broadcast_in_dim3A, %add3A_334] : memref<32x1024xf32, #tpu.memory_space<vmem>>[vector<16xi32>, vector<16xi32>], vector<16xf32>,
        %gather3A_336 = tpu.vector_load_idx %arg10[%broadcast_in_dim3A_270, %add3A_334] : memref<32x1024xf32, #tpu.memory_space<vmem>>[vector<16xi32>, vector<16xi32>], vector<16xf32>,
        %mul3A_337 = arith.mulf %gather3A, %gather3A_335 : vector<16xf32>
        %mul3A_338 = arith.mulf %gather3A_271, %gather3A_336 : vector<16xf32>
        %add3A_339 = arith.addf %mul3A_337, %mul3A_338 : vector<16xf32>
        tpu.vector_store_idx %arg12[%broadcast_in_dim3A_272, %add3A_334], %add3A_339 : memref<16x1024xf32, #tpu.memory_space<vmem>>[vector<16xi32>, vector<16xi32>], vector<16xf32>,
        %scan3A_340 = arith.constant 0 : i32
        %scan3A_341 = arith.constant 5 : i32
        %scan3A_342 = arith.addi %scan3A_281, %scan3A_341 : i32
        %mul3A_343 = arith.constant 16 : i32
        %mul3A_344 = arith.muli %scan3A_342, %mul3A_343 : i32
        %add3A_345 = vector.broadcast %mul3A_344 : i32 to vector<16xi32>
        %add3A_346 = arith.addi %iota3A, %add3A_345 : vector<16xi32>
        %gather3A_347 = tpu.vector_load_idx %arg10[%broadcast_in_dim3A, %add3A_346] : memref<32x1024xf32, #tpu.memory_space<vmem>>[vector<16xi32>, vector<16xi32>], vector<16xf32>,
        %gather3A_348 = tpu.vector_load_idx %arg10[%broadcast_in_dim3A_270, %add3A_346] : memref<32x1024xf32, #tpu.memory_space<vmem>>[vector<16xi32>, vector<16xi32>], vector<16xf32>,
        %mul3A_349 = arith.mulf %gather3A, %gather3A_347 : vector<16xf32>
        %mul3A_350 = arith.mulf %gather3A_271, %gather3A_348 : vector<16xf32>
        %add3A_351 = arith.addf %mul3A_349, %mul3A_350 : vector<16xf32>
        tpu.vector_store_idx %arg12[%broadcast_in_dim3A_272, %add3A_346], %add3A_351 : memref<16x1024xf32, #tpu.memory_space<vmem>>[vector<16xi32>, vector<16xi32>], vector<16xf32>,
        %scan3A_352 = arith.constant 0 : i32
        %scan3A_353 = arith.constant 6 : i32
        %scan3A_354 = arith.addi %scan3A_281, %scan3A_353 : i32
        %mul3A_355 = arith.constant 16 : i32
        %mul3A_356 = arith.muli %scan3A_354, %mul3A_355 : i32
        %add3A_357 = vector.broadcast %mul3A_356 : i32 to vector<16xi32>
        %add3A_358 = arith.addi %iota3A, %add3A_357 : vector<16xi32>
        %gather3A_359 = tpu.vector_load_idx %arg10[%broadcast_in_dim3A, %add3A_358] : memref<32x1024xf32, #tpu.memory_space<vmem>>[vector<16xi32>, vector<16xi32>], vector<16xf32>,
        %gather3A_360 = tpu.vector_load_idx %arg10[%broadcast_in_dim3A_270, %add3A_358] : memref<32x1024xf32, #tpu.memory_space<vmem>>[vector<16xi32>, vector<16xi32>], vector<16xf32>,
        %mul3A_361 = arith.mulf %gather3A, %gather3A_359 : vector<16xf32>
        %mul3A_362 = arith.mulf %gather3A_271, %gather3A_360 : vector<16xf32>
        %add3A_363 = arith.addf %mul3A_361, %mul3A_362 : vector<16xf32>
        tpu.vector_store_idx %arg12[%broadcast_in_dim3A_272, %add3A_358], %add3A_363 : memref<16x1024xf32, #tpu.memory_space<vmem>>[vector<16xi32>, vector<16xi32>], vector<16xf32>,
        %scan3A_364 = arith.constant 0 : i32
        %scan3A_365 = arith.constant 7 : i32
        %scan3A_366 = arith.addi %scan3A_281, %scan3A_365 : i32
        %mul3A_367 = arith.constant 16 : i32
        %mul3A_368 = arith.muli %scan3A_366, %mul3A_367 : i32
        %add3A_369 = vector.broadcast %mul3A_368 : i32 to vector<16xi32>
        %add3A_370 = arith.addi %iota3A, %add3A_369 : vector<16xi32>
        %gather3A_371 = tpu.vector_load_idx %arg10[%broadcast_in_dim3A, %add3A_370] : memref<32x1024xf32, #tpu.memory_space<vmem>>[vector<16xi32>, vector<16xi32>], vector<16xf32>,
        %gather3A_372 = tpu.vector_load_idx %arg10[%broadcast_in_dim3A_270, %add3A_370] : memref<32x1024xf32, #tpu.memory_space<vmem>>[vector<16xi32>, vector<16xi32>], vector<16xf32>,
        %mul3A_373 = arith.mulf %gather3A, %gather3A_371 : vector<16xf32>
        %mul3A_374 = arith.mulf %gather3A_271, %gather3A_372 : vector<16xf32>
        %add3A_375 = arith.addf %mul3A_373, %mul3A_374 : vector<16xf32>
        tpu.vector_store_idx %arg12[%broadcast_in_dim3A_272, %add3A_370], %add3A_375 : memref<16x1024xf32, #tpu.memory_space<vmem>>[vector<16xi32>, vector<16xi32>], vector<16xf32>,
        %scan3A_376 = arith.constant 0 : i32
        scf.yield %scan3A_376 : i32
      }
      %scan3A_279 = arith.constant 64 : i32
      %scan3A_280 = arith.constant 0 : i32
      scf.yield %scan3A_280 : i32
    }
    %scan3A_223 = arith.constant 16 : i32
    %mul3A_224 = arith.constant 128 : i32
    %mul3A_225 = arith.muli %add3A, %mul3A_224 : i32
    %add3A_226 = arith.constant 96 : i32
    %add3A_227 = arith.addi %mul3A_225, %add3A_226 : i32
    %dma_start3A_228 = arith.constant 0 : i32
    %dma_start3A_229 = tpu.memref_slice %arg5[%add3A_227, %dma_start3A_228] : memref<4096x1024xf32, #tpu.memory_space<hbm>> -> memref<16x1024xf32, #tpu.memory_space<hbm>>
    %dma_start3A_230 = arith.constant 0 : i32
    %dma_start3A_231 = tpu.memref_slice %arg5[%add3A_227, %dma_start3A_230] : memref<4096x1024xf32, #tpu.memory_space<hbm>> -> memref<16x1024xf32, #tpu.memory_space<hbm>>
    tpu.enqueue_dma source(%arg12 : memref<16x1024xf32, #tpu.memory_space<vmem>>) target(%dma_start3A_231 : memref<16x1024xf32, #tpu.memory_space<hbm>>) target_semaphore(%arg16 : memref<!tpu.dma_semaphore, #tpu.memory_space<semaphore_mem>>)
    %dma_wait3A_232 = arith.constant 0 : i32
    %dma_wait3A_233 = arith.constant 0 : i32
    %dma_wait3A_234 = tpu.memref_slice %arg2[%dma_wait3A_232, %dma_wait3A_233] : memref<10240x1024xf32, #tpu.memory_space<hbm>> -> memref<10240x1024xf32, #tpu.memory_space<hbm>>
    tpu.wait_indirect_dma semaphore(%arg15 : memref<!tpu.dma_semaphore, #tpu.memory_space<semaphore_mem>>) src(%dma_wait3A_234 : memref<10240x1024xf32, #tpu.memory_space<hbm>>) dst(%arg11 : memref<32x1024xf32, #tpu.memory_space<vmem>>)
    %dma_wait3A_235 = arith.constant 0 : i32
    %dma_wait3A_236 = tpu.memref_slice %arg5[%add3A_194, %dma_wait3A_235] : memref<4096x1024xf32, #tpu.memory_space<hbm>> -> memref<16x1024xf32, #tpu.memory_space<hbm>>
    %dma_wait3A_237 = arith.constant 0 : i32
    %dma_wait3A_238 = tpu.memref_slice %arg5[%add3A_194, %dma_wait3A_237] : memref<4096x1024xf32, #tpu.memory_space<hbm>> -> memref<16x1024xf32, #tpu.memory_space<hbm>>
    tpu.wait_dma2 semaphore(%arg17 : memref<!tpu.dma_semaphore, #tpu.memory_space<semaphore_mem>>) src(%arg13 : memref<16x1024xf32, #tpu.memory_space<vmem>>) dst(%dma_wait3A_238 : memref<16x1024xf32, #tpu.memory_space<hbm>>)
    %scan3A_239 = arith.constant 0 : i32
    %scan3A_240 = arith.constant 0 : i32
    %scan3A_241 = arith.constant 16 : i32
    %scan3A_242 = arith.addi %scan3A_240, %scan3A_241 : i32
    %scan3A_243 = arith.constant 1 : i32
    %scan3A_244 = scf.for %scan3A_262 = %scan3A_240 to %scan3A_242 step %scan3A_243 iter_args(%scan3A_263 = %scan3A_239) -> (i32)  : i32 {
      %mul3A_264 = arith.constant 2 : i32
      %mul3A_265 = arith.muli %mul3A_264, %scan3A_262 : i32
      %broadcast_in_dim3A = vector.broadcast %mul3A_265 : i32 to vector<16xi32>
      %mul3A_266 = arith.constant 2 : i32
      %mul3A_267 = arith.muli %mul3A_266, %scan3A_262 : i32
      %add3A_268 = arith.constant 1 : i32
      %add3A_269 = arith.addi %mul3A_267, %add3A_268 : i32
      %broadcast_in_dim3A_270 = vector.broadcast %add3A_269 : i32 to vector<16xi32>
      %gather3A = tpu.vector_load_idx %arg9[%broadcast_in_dim3A] : memref<32xf32, #tpu.memory_space<vmem>>[vector<16xi32>], vector<16xf32>,
      %gather3A_271 = tpu.vector_load_idx %arg9[%broadcast_in_dim3A_270] : memref<32xf32, #tpu.memory_space<vmem>>[vector<16xi32>], vector<16xf32>,
      %broadcast_in_dim3A_272 = vector.broadcast %scan3A_262 : i32 to vector<16xi32>
      %scan3A_273 = arith.constant 0 : i32
      %scan3A_274 = arith.constant 0 : i32
      %scan3A_275 = arith.constant 64 : i32
      %scan3A_276 = arith.addi %scan3A_274, %scan3A_275 : i32
      %scan3A_277 = arith.constant 8 : i32
      %scan3A_278 = scf.for %scan3A_281 = %scan3A_274 to %scan3A_276 step %scan3A_277 iter_args(%scan3A_282 = %scan3A_273) -> (i32)  : i32 {
        %mul3A_283 = arith.constant 16 : i32
        %mul3A_284 = arith.muli %scan3A_281, %mul3A_283 : i32
        %add3A_285 = vector.broadcast %mul3A_284 : i32 to vector<16xi32>
        %add3A_286 = arith.addi %iota3A, %add3A_285 : vector<16xi32>
        %gather3A_287 = tpu.vector_load_idx %arg11[%broadcast_in_dim3A, %add3A_286] : memref<32x1024xf32, #tpu.memory_space<vmem>>[vector<16xi32>, vector<16xi32>], vector<16xf32>,
        %gather3A_288 = tpu.vector_load_idx %arg11[%broadcast_in_dim3A_270, %add3A_286] : memref<32x1024xf32, #tpu.memory_space<vmem>>[vector<16xi32>, vector<16xi32>], vector<16xf32>,
        %mul3A_289 = arith.mulf %gather3A, %gather3A_287 : vector<16xf32>
        %mul3A_290 = arith.mulf %gather3A_271, %gather3A_288 : vector<16xf32>
        %add3A_291 = arith.addf %mul3A_289, %mul3A_290 : vector<16xf32>
        tpu.vector_store_idx %arg13[%broadcast_in_dim3A_272, %add3A_286], %add3A_291 : memref<16x1024xf32, #tpu.memory_space<vmem>>[vector<16xi32>, vector<16xi32>], vector<16xf32>,
        %scan3A_292 = arith.constant 0 : i32
        %scan3A_293 = arith.constant 1 : i32
        %scan3A_294 = arith.addi %scan3A_281, %scan3A_293 : i32
        %mul3A_295 = arith.constant 16 : i32
        %mul3A_296 = arith.muli %scan3A_294, %mul3A_295 : i32
        %add3A_297 = vector.broadcast %mul3A_296 : i32 to vector<16xi32>
        %add3A_298 = arith.addi %iota3A, %add3A_297 : vector<16xi32>
        %gather3A_299 = tpu.vector_load_idx %arg11[%broadcast_in_dim3A, %add3A_298] : memref<32x1024xf32, #tpu.memory_space<vmem>>[vector<16xi32>, vector<16xi32>], vector<16xf32>,
        %gather3A_300 = tpu.vector_load_idx %arg11[%broadcast_in_dim3A_270, %add3A_298] : memref<32x1024xf32, #tpu.memory_space<vmem>>[vector<16xi32>, vector<16xi32>], vector<16xf32>,
        %mul3A_301 = arith.mulf %gather3A, %gather3A_299 : vector<16xf32>
        %mul3A_302 = arith.mulf %gather3A_271, %gather3A_300 : vector<16xf32>
        %add3A_303 = arith.addf %mul3A_301, %mul3A_302 : vector<16xf32>
        tpu.vector_store_idx %arg13[%broadcast_in_dim3A_272, %add3A_298], %add3A_303 : memref<16x1024xf32, #tpu.memory_space<vmem>>[vector<16xi32>, vector<16xi32>], vector<16xf32>,
        %scan3A_304 = arith.constant 0 : i32
        %scan3A_305 = arith.constant 2 : i32
        %scan3A_306 = arith.addi %scan3A_281, %scan3A_305 : i32
        %mul3A_307 = arith.constant 16 : i32
        %mul3A_308 = arith.muli %scan3A_306, %mul3A_307 : i32
        %add3A_309 = vector.broadcast %mul3A_308 : i32 to vector<16xi32>
        %add3A_310 = arith.addi %iota3A, %add3A_309 : vector<16xi32>
        %gather3A_311 = tpu.vector_load_idx %arg11[%broadcast_in_dim3A, %add3A_310] : memref<32x1024xf32, #tpu.memory_space<vmem>>[vector<16xi32>, vector<16xi32>], vector<16xf32>,
        %gather3A_312 = tpu.vector_load_idx %arg11[%broadcast_in_dim3A_270, %add3A_310] : memref<32x1024xf32, #tpu.memory_space<vmem>>[vector<16xi32>, vector<16xi32>], vector<16xf32>,
        %mul3A_313 = arith.mulf %gather3A, %gather3A_311 : vector<16xf32>
        %mul3A_314 = arith.mulf %gather3A_271, %gather3A_312 : vector<16xf32>
        %add3A_315 = arith.addf %mul3A_313, %mul3A_314 : vector<16xf32>
        tpu.vector_store_idx %arg13[%broadcast_in_dim3A_272, %add3A_310], %add3A_315 : memref<16x1024xf32, #tpu.memory_space<vmem>>[vector<16xi32>, vector<16xi32>], vector<16xf32>,
        %scan3A_316 = arith.constant 0 : i32
        %scan3A_317 = arith.constant 3 : i32
        %scan3A_318 = arith.addi %scan3A_281, %scan3A_317 : i32
        %mul3A_319 = arith.constant 16 : i32
        %mul3A_320 = arith.muli %scan3A_318, %mul3A_319 : i32
        %add3A_321 = vector.broadcast %mul3A_320 : i32 to vector<16xi32>
        %add3A_322 = arith.addi %iota3A, %add3A_321 : vector<16xi32>
        %gather3A_323 = tpu.vector_load_idx %arg11[%broadcast_in_dim3A, %add3A_322] : memref<32x1024xf32, #tpu.memory_space<vmem>>[vector<16xi32>, vector<16xi32>], vector<16xf32>,
        %gather3A_324 = tpu.vector_load_idx %arg11[%broadcast_in_dim3A_270, %add3A_322] : memref<32x1024xf32, #tpu.memory_space<vmem>>[vector<16xi32>, vector<16xi32>], vector<16xf32>,
        %mul3A_325 = arith.mulf %gather3A, %gather3A_323 : vector<16xf32>
        %mul3A_326 = arith.mulf %gather3A_271, %gather3A_324 : vector<16xf32>
        %add3A_327 = arith.addf %mul3A_325, %mul3A_326 : vector<16xf32>
        tpu.vector_store_idx %arg13[%broadcast_in_dim3A_272, %add3A_322], %add3A_327 : memref<16x1024xf32, #tpu.memory_space<vmem>>[vector<16xi32>, vector<16xi32>], vector<16xf32>,
        %scan3A_328 = arith.constant 0 : i32
        %scan3A_329 = arith.constant 4 : i32
        %scan3A_330 = arith.addi %scan3A_281, %scan3A_329 : i32
        %mul3A_331 = arith.constant 16 : i32
        %mul3A_332 = arith.muli %scan3A_330, %mul3A_331 : i32
        %add3A_333 = vector.broadcast %mul3A_332 : i32 to vector<16xi32>
        %add3A_334 = arith.addi %iota3A, %add3A_333 : vector<16xi32>
        %gather3A_335 = tpu.vector_load_idx %arg11[%broadcast_in_dim3A, %add3A_334] : memref<32x1024xf32, #tpu.memory_space<vmem>>[vector<16xi32>, vector<16xi32>], vector<16xf32>,
        %gather3A_336 = tpu.vector_load_idx %arg11[%broadcast_in_dim3A_270, %add3A_334] : memref<32x1024xf32, #tpu.memory_space<vmem>>[vector<16xi32>, vector<16xi32>], vector<16xf32>,
        %mul3A_337 = arith.mulf %gather3A, %gather3A_335 : vector<16xf32>
        %mul3A_338 = arith.mulf %gather3A_271, %gather3A_336 : vector<16xf32>
        %add3A_339 = arith.addf %mul3A_337, %mul3A_338 : vector<16xf32>
        tpu.vector_store_idx %arg13[%broadcast_in_dim3A_272, %add3A_334], %add3A_339 : memref<16x1024xf32, #tpu.memory_space<vmem>>[vector<16xi32>, vector<16xi32>], vector<16xf32>,
        %scan3A_340 = arith.constant 0 : i32
        %scan3A_341 = arith.constant 5 : i32
        %scan3A_342 = arith.addi %scan3A_281, %scan3A_341 : i32
        %mul3A_343 = arith.constant 16 : i32
        %mul3A_344 = arith.muli %scan3A_342, %mul3A_343 : i32
        %add3A_345 = vector.broadcast %mul3A_344 : i32 to vector<16xi32>
        %add3A_346 = arith.addi %iota3A, %add3A_345 : vector<16xi32>
        %gather3A_347 = tpu.vector_load_idx %arg11[%broadcast_in_dim3A, %add3A_346] : memref<32x1024xf32, #tpu.memory_space<vmem>>[vector<16xi32>, vector<16xi32>], vector<16xf32>,
        %gather3A_348 = tpu.vector_load_idx %arg11[%broadcast_in_dim3A_270, %add3A_346] : memref<32x1024xf32, #tpu.memory_space<vmem>>[vector<16xi32>, vector<16xi32>], vector<16xf32>,
        %mul3A_349 = arith.mulf %gather3A, %gather3A_347 : vector<16xf32>
        %mul3A_350 = arith.mulf %gather3A_271, %gather3A_348 : vector<16xf32>
        %add3A_351 = arith.addf %mul3A_349, %mul3A_350 : vector<16xf32>
        tpu.vector_store_idx %arg13[%broadcast_in_dim3A_272, %add3A_346], %add3A_351 : memref<16x1024xf32, #tpu.memory_space<vmem>>[vector<16xi32>, vector<16xi32>], vector<16xf32>,
        %scan3A_352 = arith.constant 0 : i32
        %scan3A_353 = arith.constant 6 : i32
        %scan3A_354 = arith.addi %scan3A_281, %scan3A_353 : i32
        %mul3A_355 = arith.constant 16 : i32
        %mul3A_356 = arith.muli %scan3A_354, %mul3A_355 : i32
        %add3A_357 = vector.broadcast %mul3A_356 : i32 to vector<16xi32>
        %add3A_358 = arith.addi %iota3A, %add3A_357 : vector<16xi32>
        %gather3A_359 = tpu.vector_load_idx %arg11[%broadcast_in_dim3A, %add3A_358] : memref<32x1024xf32, #tpu.memory_space<vmem>>[vector<16xi32>, vector<16xi32>], vector<16xf32>,
        %gather3A_360 = tpu.vector_load_idx %arg11[%broadcast_in_dim3A_270, %add3A_358] : memref<32x1024xf32, #tpu.memory_space<vmem>>[vector<16xi32>, vector<16xi32>], vector<16xf32>,
        %mul3A_361 = arith.mulf %gather3A, %gather3A_359 : vector<16xf32>
        %mul3A_362 = arith.mulf %gather3A_271, %gather3A_360 : vector<16xf32>
        %add3A_363 = arith.addf %mul3A_361, %mul3A_362 : vector<16xf32>
        tpu.vector_store_idx %arg13[%broadcast_in_dim3A_272, %add3A_358], %add3A_363 : memref<16x1024xf32, #tpu.memory_space<vmem>>[vector<16xi32>, vector<16xi32>], vector<16xf32>,
        %scan3A_364 = arith.constant 0 : i32
        %scan3A_365 = arith.constant 7 : i32
        %scan3A_366 = arith.addi %scan3A_281, %scan3A_365 : i32
        %mul3A_367 = arith.constant 16 : i32
        %mul3A_368 = arith.muli %scan3A_366, %mul3A_367 : i32
        %add3A_369 = vector.broadcast %mul3A_368 : i32 to vector<16xi32>
        %add3A_370 = arith.addi %iota3A, %add3A_369 : vector<16xi32>
        %gather3A_371 = tpu.vector_load_idx %arg11[%broadcast_in_dim3A, %add3A_370] : memref<32x1024xf32, #tpu.memory_space<vmem>>[vector<16xi32>, vector<16xi32>], vector<16xf32>,
        %gather3A_372 = tpu.vector_load_idx %arg11[%broadcast_in_dim3A_270, %add3A_370] : memref<32x1024xf32, #tpu.memory_space<vmem>>[vector<16xi32>, vector<16xi32>], vector<16xf32>,
        %mul3A_373 = arith.mulf %gather3A, %gather3A_371 : vector<16xf32>
        %mul3A_374 = arith.mulf %gather3A_271, %gather3A_372 : vector<16xf32>
        %add3A_375 = arith.addf %mul3A_373, %mul3A_374 : vector<16xf32>
        tpu.vector_store_idx %arg13[%broadcast_in_dim3A_272, %add3A_370], %add3A_375 : memref<16x1024xf32, #tpu.memory_space<vmem>>[vector<16xi32>, vector<16xi32>], vector<16xf32>,
        %scan3A_376 = arith.constant 0 : i32
        scf.yield %scan3A_376 : i32
      }
      %scan3A_279 = arith.constant 64 : i32
      %scan3A_280 = arith.constant 0 : i32
      scf.yield %scan3A_280 : i32
    }
    %scan3A_245 = arith.constant 16 : i32
    %mul3A_246 = arith.constant 128 : i32
    %mul3A_247 = arith.muli %add3A, %mul3A_246 : i32
    %add3A_248 = arith.constant 112 : i32
    %add3A_249 = arith.addi %mul3A_247, %add3A_248 : i32
    %dma_start3A_250 = arith.constant 0 : i32
    %dma_start3A_251 = tpu.memref_slice %arg5[%add3A_249, %dma_start3A_250] : memref<4096x1024xf32, #tpu.memory_space<hbm>> -> memref<16x1024xf32, #tpu.memory_space<hbm>>
    %dma_start3A_252 = arith.constant 0 : i32
    %dma_start3A_253 = tpu.memref_slice %arg5[%add3A_249, %dma_start3A_252] : memref<4096x1024xf32, #tpu.memory_space<hbm>> -> memref<16x1024xf32, #tpu.memory_space<hbm>>
    tpu.enqueue_dma source(%arg13 : memref<16x1024xf32, #tpu.memory_space<vmem>>) target(%dma_start3A_253 : memref<16x1024xf32, #tpu.memory_space<hbm>>) target_semaphore(%arg17 : memref<!tpu.dma_semaphore, #tpu.memory_space<semaphore_mem>>)
    %dma_wait3A_254 = arith.constant 0 : i32
    %dma_wait3A_255 = tpu.memref_slice %arg5[%add3A_227, %dma_wait3A_254] : memref<4096x1024xf32, #tpu.memory_space<hbm>> -> memref<16x1024xf32, #tpu.memory_space<hbm>>
    %dma_wait3A_256 = arith.constant 0 : i32
    %dma_wait3A_257 = tpu.memref_slice %arg5[%add3A_227, %dma_wait3A_256] : memref<4096x1024xf32, #tpu.memory_space<hbm>> -> memref<16x1024xf32, #tpu.memory_space<hbm>>
    tpu.wait_dma2 semaphore(%arg16 : memref<!tpu.dma_semaphore, #tpu.memory_space<semaphore_mem>>) src(%arg12 : memref<16x1024xf32, #tpu.memory_space<vmem>>) dst(%dma_wait3A_257 : memref<16x1024xf32, #tpu.memory_space<hbm>>)
    %dma_wait3A_258 = arith.constant 0 : i32
    %dma_wait3A_259 = tpu.memref_slice %arg5[%add3A_249, %dma_wait3A_258] : memref<4096x1024xf32, #tpu.memory_space<hbm>> -> memref<16x1024xf32, #tpu.memory_space<hbm>>
    %dma_wait3A_260 = arith.constant 0 : i32
    %dma_wait3A_261 = tpu.memref_slice %arg5[%add3A_249, %dma_wait3A_260] : memref<4096x1024xf32, #tpu.memory_space<hbm>> -> memref<16x1024xf32, #tpu.memory_space<hbm>>
    tpu.wait_dma2 semaphore(%arg17 : memref<!tpu.dma_semaphore, #tpu.memory_space<semaphore_mem>>) src(%arg13 : memref<16x1024xf32, #tpu.memory_space<vmem>>) dst(%dma_wait3A_261 : memref<16x1024xf32, #tpu.memory_space<hbm>>)
    return
  }
}

module attributes {stable_mosaic.version = 14 : i64} {
  func.func @_router_kernel(%arg0: memref<4096x1024xf32, #tpu.memory_space<vmem>>, %arg1: memref<8x1024xf32, #tpu.memory_space<vmem>>, %arg2: memref<4096x2xi32, #tpu.memory_space<vmem>>, %arg3: memref<4096x2xf32, #tpu.memory_space<vmem>>, %arg4: memref<40x1xi32, #tpu.memory_space<vmem>>) attributes {dimension_semantics = [], scalar_prefetch = 0 : i64, scratch_operands = 0 : i64, tpu.core_type = #tpu.core_type<tc>} {
    %get3A = arith.constant 0 : index
    %get3A_0 = arith.constant 0 : index
    %get3A_1 = vector.load %arg0[%get3A, %get3A_0] : memref<4096x1024xf32, #tpu.memory_space<vmem>>, vector<4096x1024xf32>
    %get3A_2 = arith.constant 0 : index
    %get3A_3 = arith.constant 0 : index
    %get3A_4 = vector.load %arg1[%get3A_2, %get3A_3] : memref<8x1024xf32, #tpu.memory_space<vmem>>, vector<8x1024xf32>
    %dot_general3A = arith.constant dense<0.000000e+00> : vector<4096x8xf32>
    %dot_general3A_5 = tpu.matmul %get3A_1, %get3A_4, %dot_general3A {dimension_numbers = #tpu.dot_dimension_numbers<[1], [1], [0], [0], [0, 0, 1, 0], [], []>, transpose_lhs_hint = false} : vector<4096x1024xf32>, vector<8x1024xf32>, vector<4096x8xf32> -> vector<4096x8xf32>
    %argmax3A = tpu.reduce_index %dot_general3A_5 {axis = 1 : i32, kind = #tpu.reduction_kind<arg_max>} : vector<4096x8xf32> -> vector<4096xi32>
    %reduce_max3A = arith.constant dense<0xFF800000> : vector<4096xf32>
    %reduce_max3A_6 = vector.multi_reduction <maximumf>, %dot_general3A_5, %reduce_max3A [1] : vector<4096x8xf32> to vector<4096xf32>
    %iota3A = tpu.iota {dimensions = array<i32: 1>} : vector<4096x8xi32>
    %broadcast_in_dim3A = vector.shape_cast %argmax3A : vector<4096xi32> to vector<4096x1xi32>
    %eq3A = vector.broadcast %broadcast_in_dim3A : vector<4096x1xi32> to vector<4096x8xi32>
    %eq3A_7 = arith.cmpi eq, %iota3A, %eq3A : vector<4096x8xi32>
    %jit3A = arith.constant 0xFF800000 : f32
    %broadcast_in_dim3A_8 = vector.broadcast %jit3A : f32 to vector<4096x8xf32>
    %select_n3A = arith.select %eq3A_7, %broadcast_in_dim3A_8, %dot_general3A_5 : vector<4096x8xi1>, vector<4096x8xf32>
    %argmax3A_9 = tpu.reduce_index %select_n3A {axis = 1 : i32, kind = #tpu.reduction_kind<arg_max>} : vector<4096x8xf32> -> vector<4096xi32>
    %reduce_max3A_10 = arith.constant dense<0xFF800000> : vector<4096xf32>
    %reduce_max3A_11 = vector.multi_reduction <maximumf>, %select_n3A, %reduce_max3A_10 [1] : vector<4096x8xf32> to vector<4096xf32>
    %sub3A = arith.subf %reduce_max3A_11, %reduce_max3A_6 : vector<4096xf32>
    %exp3A = math.exp %sub3A : vector<4096xf32>
    %add3A = arith.constant 1.000000e+00 : f32
    %add3A_12 = vector.broadcast %add3A : f32 to vector<4096xf32>
    %add3A_13 = arith.addf %add3A_12, %exp3A : vector<4096xf32>
    %div3A = arith.constant 1.000000e+00 : f32
    %div3A_14 = vector.broadcast %div3A : f32 to vector<4096xf32>
    %div3A_15 = arith.divf %div3A_14, %add3A_13 : vector<4096xf32>
    %broadcast_in_dim3A_16 = vector.shape_cast %argmax3A : vector<4096xi32> to vector<4096x1xi32>
    %eq3A_17 = vector.broadcast %broadcast_in_dim3A_16 : vector<4096x1xi32> to vector<4096x8xi32>
    %eq3A_18 = arith.cmpi eq, %iota3A, %eq3A_17 : vector<4096x8xi32>
    %convert_element_type3A = arith.extui %eq3A_18 : vector<4096x8xi1> to vector<4096x8xi32>
    %convert_element_type3A_19 = arith.sitofp %convert_element_type3A : vector<4096x8xi32> to vector<4096x8xf32>
    %broadcast_in_dim3A_20 = vector.shape_cast %argmax3A_9 : vector<4096xi32> to vector<4096x1xi32>
    %eq3A_21 = vector.broadcast %broadcast_in_dim3A_20 : vector<4096x1xi32> to vector<4096x8xi32>
    %eq3A_22 = arith.cmpi eq, %iota3A, %eq3A_21 : vector<4096x8xi32>
    %convert_element_type3A_23 = arith.extui %eq3A_22 : vector<4096x8xi1> to vector<4096x8xi32>
    %convert_element_type3A_24 = arith.sitofp %convert_element_type3A_23 : vector<4096x8xi32> to vector<4096x8xf32>
    %add3A_25 = arith.addf %convert_element_type3A_19, %convert_element_type3A_24 : vector<4096x8xf32>
    %iota3A_26 = tpu.iota {dimensions = array<i32: 1>} : vector<128x128xi32>
    %iota3A_27 = tpu.iota {dimensions = array<i32: 0>} : vector<128x128xi32>
    %lt3A = arith.cmpi slt, %iota3A_26, %iota3A_27 : vector<128x128xi32>
    %convert_element_type3A_28 = arith.extui %lt3A : vector<128x128xi1> to vector<128x128xi32>
    %convert_element_type3A_29 = arith.sitofp %convert_element_type3A_28 : vector<128x128xi32> to vector<128x128xf32>
    %broadcast_in_dim3A_30 = arith.constant 0.000000e+00 : f32
    %broadcast_in_dim3A_31 = vector.broadcast %broadcast_in_dim3A_30 : f32 to vector<1x8xf32>
    %slice3A = vector.extract_strided_slice %add3A_25 {offsets = [0, 0], sizes = [128, 8], strides = [1, 1]} : vector<4096x8xf32> to vector<128x8xf32>
    %dot_general3A_32 = arith.constant dense<0.000000e+00> : vector<128x8xf32>
    %dot_general3A_33 = tpu.matmul %convert_element_type3A_29, %slice3A, %dot_general3A_32 {dimension_numbers = #tpu.dot_dimension_numbers<[1], [0], [0], [1], [0, 0, 1, 1], [], []>, transpose_lhs_hint = false} : vector<128x128xf32>, vector<128x8xf32>, vector<128x8xf32> -> vector<128x8xf32>
    %add3A_34 = vector.broadcast %broadcast_in_dim3A_31 : vector<1x8xf32> to vector<128x8xf32>
    %add3A_35 = arith.addf %dot_general3A_33, %add3A_34 : vector<128x8xf32>
    %reduce_sum3A = arith.constant dense<0.000000e+00> : vector<8xf32>
    %reduce_sum3A_36 = vector.multi_reduction <add>, %slice3A, %reduce_sum3A [0] : vector<128x8xf32> to vector<8xf32>
    %broadcast_in_dim3A_37 = vector.shape_cast %reduce_sum3A_36 : vector<8xf32> to vector<1x8xf32>
    %add3A_38 = arith.addf %broadcast_in_dim3A_31, %broadcast_in_dim3A_37 : vector<1x8xf32>
    %slice3A_39 = vector.extract_strided_slice %add3A_25 {offsets = [128, 0], sizes = [128, 8], strides = [1, 1]} : vector<4096x8xf32> to vector<128x8xf32>
    %dot_general3A_40 = arith.constant dense<0.000000e+00> : vector<128x8xf32>
    %dot_general3A_41 = tpu.matmul %convert_element_type3A_29, %slice3A_39, %dot_general3A_40 {dimension_numbers = #tpu.dot_dimension_numbers<[1], [0], [0], [1], [0, 0, 1, 1], [], []>, transpose_lhs_hint = false} : vector<128x128xf32>, vector<128x8xf32>, vector<128x8xf32> -> vector<128x8xf32>
    %add3A_42 = vector.broadcast %add3A_38 : vector<1x8xf32> to vector<128x8xf32>
    %add3A_43 = arith.addf %dot_general3A_41, %add3A_42 : vector<128x8xf32>
    %reduce_sum3A_44 = arith.constant dense<0.000000e+00> : vector<8xf32>
    %reduce_sum3A_45 = vector.multi_reduction <add>, %slice3A_39, %reduce_sum3A_44 [0] : vector<128x8xf32> to vector<8xf32>
    %broadcast_in_dim3A_46 = vector.shape_cast %reduce_sum3A_45 : vector<8xf32> to vector<1x8xf32>
    %add3A_47 = arith.addf %add3A_38, %broadcast_in_dim3A_46 : vector<1x8xf32>
    %slice3A_48 = vector.extract_strided_slice %add3A_25 {offsets = [256, 0], sizes = [128, 8], strides = [1, 1]} : vector<4096x8xf32> to vector<128x8xf32>
    %dot_general3A_49 = arith.constant dense<0.000000e+00> : vector<128x8xf32>
    %dot_general3A_50 = tpu.matmul %convert_element_type3A_29, %slice3A_48, %dot_general3A_49 {dimension_numbers = #tpu.dot_dimension_numbers<[1], [0], [0], [1], [0, 0, 1, 1], [], []>, transpose_lhs_hint = false} : vector<128x128xf32>, vector<128x8xf32>, vector<128x8xf32> -> vector<128x8xf32>
    %add3A_51 = vector.broadcast %add3A_47 : vector<1x8xf32> to vector<128x8xf32>
    %add3A_52 = arith.addf %dot_general3A_50, %add3A_51 : vector<128x8xf32>
    %reduce_sum3A_53 = arith.constant dense<0.000000e+00> : vector<8xf32>
    %reduce_sum3A_54 = vector.multi_reduction <add>, %slice3A_48, %reduce_sum3A_53 [0] : vector<128x8xf32> to vector<8xf32>
    %broadcast_in_dim3A_55 = vector.shape_cast %reduce_sum3A_54 : vector<8xf32> to vector<1x8xf32>
    %add3A_56 = arith.addf %add3A_47, %broadcast_in_dim3A_55 : vector<1x8xf32>
    %slice3A_57 = vector.extract_strided_slice %add3A_25 {offsets = [384, 0], sizes = [128, 8], strides = [1, 1]} : vector<4096x8xf32> to vector<128x8xf32>
    %dot_general3A_58 = arith.constant dense<0.000000e+00> : vector<128x8xf32>
    %dot_general3A_59 = tpu.matmul %convert_element_type3A_29, %slice3A_57, %dot_general3A_58 {dimension_numbers = #tpu.dot_dimension_numbers<[1], [0], [0], [1], [0, 0, 1, 1], [], []>, transpose_lhs_hint = false} : vector<128x128xf32>, vector<128x8xf32>, vector<128x8xf32> -> vector<128x8xf32>
    %add3A_60 = vector.broadcast %add3A_56 : vector<1x8xf32> to vector<128x8xf32>
    %add3A_61 = arith.addf %dot_general3A_59, %add3A_60 : vector<128x8xf32>
    %reduce_sum3A_62 = arith.constant dense<0.000000e+00> : vector<8xf32>
    %reduce_sum3A_63 = vector.multi_reduction <add>, %slice3A_57, %reduce_sum3A_62 [0] : vector<128x8xf32> to vector<8xf32>
    %broadcast_in_dim3A_64 = vector.shape_cast %reduce_sum3A_63 : vector<8xf32> to vector<1x8xf32>
    %add3A_65 = arith.addf %add3A_56, %broadcast_in_dim3A_64 : vector<1x8xf32>
    %slice3A_66 = vector.extract_strided_slice %add3A_25 {offsets = [512, 0], sizes = [128, 8], strides = [1, 1]} : vector<4096x8xf32> to vector<128x8xf32>
    %dot_general3A_67 = arith.constant dense<0.000000e+00> : vector<128x8xf32>
    %dot_general3A_68 = tpu.matmul %convert_element_type3A_29, %slice3A_66, %dot_general3A_67 {dimension_numbers = #tpu.dot_dimension_numbers<[1], [0], [0], [1], [0, 0, 1, 1], [], []>, transpose_lhs_hint = false} : vector<128x128xf32>, vector<128x8xf32>, vector<128x8xf32> -> vector<128x8xf32>
    %add3A_69 = vector.broadcast %add3A_65 : vector<1x8xf32> to vector<128x8xf32>
    %add3A_70 = arith.addf %dot_general3A_68, %add3A_69 : vector<128x8xf32>
    %reduce_sum3A_71 = arith.constant dense<0.000000e+00> : vector<8xf32>
    %reduce_sum3A_72 = vector.multi_reduction <add>, %slice3A_66, %reduce_sum3A_71 [0] : vector<128x8xf32> to vector<8xf32>
    %broadcast_in_dim3A_73 = vector.shape_cast %reduce_sum3A_72 : vector<8xf32> to vector<1x8xf32>
    %add3A_74 = arith.addf %add3A_65, %broadcast_in_dim3A_73 : vector<1x8xf32>
    %slice3A_75 = vector.extract_strided_slice %add3A_25 {offsets = [640, 0], sizes = [128, 8], strides = [1, 1]} : vector<4096x8xf32> to vector<128x8xf32>
    %dot_general3A_76 = arith.constant dense<0.000000e+00> : vector<128x8xf32>
    %dot_general3A_77 = tpu.matmul %convert_element_type3A_29, %slice3A_75, %dot_general3A_76 {dimension_numbers = #tpu.dot_dimension_numbers<[1], [0], [0], [1], [0, 0, 1, 1], [], []>, transpose_lhs_hint = false} : vector<128x128xf32>, vector<128x8xf32>, vector<128x8xf32> -> vector<128x8xf32>
    %add3A_78 = vector.broadcast %add3A_74 : vector<1x8xf32> to vector<128x8xf32>
    %add3A_79 = arith.addf %dot_general3A_77, %add3A_78 : vector<128x8xf32>
    %reduce_sum3A_80 = arith.constant dense<0.000000e+00> : vector<8xf32>
    %reduce_sum3A_81 = vector.multi_reduction <add>, %slice3A_75, %reduce_sum3A_80 [0] : vector<128x8xf32> to vector<8xf32>
    %broadcast_in_dim3A_82 = vector.shape_cast %reduce_sum3A_81 : vector<8xf32> to vector<1x8xf32>
    %add3A_83 = arith.addf %add3A_74, %broadcast_in_dim3A_82 : vector<1x8xf32>
    %slice3A_84 = vector.extract_strided_slice %add3A_25 {offsets = [768, 0], sizes = [128, 8], strides = [1, 1]} : vector<4096x8xf32> to vector<128x8xf32>
    %dot_general3A_85 = arith.constant dense<0.000000e+00> : vector<128x8xf32>
    %dot_general3A_86 = tpu.matmul %convert_element_type3A_29, %slice3A_84, %dot_general3A_85 {dimension_numbers = #tpu.dot_dimension_numbers<[1], [0], [0], [1], [0, 0, 1, 1], [], []>, transpose_lhs_hint = false} : vector<128x128xf32>, vector<128x8xf32>, vector<128x8xf32> -> vector<128x8xf32>
    %add3A_87 = vector.broadcast %add3A_83 : vector<1x8xf32> to vector<128x8xf32>
    %add3A_88 = arith.addf %dot_general3A_86, %add3A_87 : vector<128x8xf32>
    %reduce_sum3A_89 = arith.constant dense<0.000000e+00> : vector<8xf32>
    %reduce_sum3A_90 = vector.multi_reduction <add>, %slice3A_84, %reduce_sum3A_89 [0] : vector<128x8xf32> to vector<8xf32>
    %broadcast_in_dim3A_91 = vector.shape_cast %reduce_sum3A_90 : vector<8xf32> to vector<1x8xf32>
    %add3A_92 = arith.addf %add3A_83, %broadcast_in_dim3A_91 : vector<1x8xf32>
    %slice3A_93 = vector.extract_strided_slice %add3A_25 {offsets = [896, 0], sizes = [128, 8], strides = [1, 1]} : vector<4096x8xf32> to vector<128x8xf32>
    %dot_general3A_94 = arith.constant dense<0.000000e+00> : vector<128x8xf32>
    %dot_general3A_95 = tpu.matmul %convert_element_type3A_29, %slice3A_93, %dot_general3A_94 {dimension_numbers = #tpu.dot_dimension_numbers<[1], [0], [0], [1], [0, 0, 1, 1], [], []>, transpose_lhs_hint = false} : vector<128x128xf32>, vector<128x8xf32>, vector<128x8xf32> -> vector<128x8xf32>
    %add3A_96 = vector.broadcast %add3A_92 : vector<1x8xf32> to vector<128x8xf32>
    %add3A_97 = arith.addf %dot_general3A_95, %add3A_96 : vector<128x8xf32>
    %reduce_sum3A_98 = arith.constant dense<0.000000e+00> : vector<8xf32>
    %reduce_sum3A_99 = vector.multi_reduction <add>, %slice3A_93, %reduce_sum3A_98 [0] : vector<128x8xf32> to vector<8xf32>
    %broadcast_in_dim3A_100 = vector.shape_cast %reduce_sum3A_99 : vector<8xf32> to vector<1x8xf32>
    %add3A_101 = arith.addf %add3A_92, %broadcast_in_dim3A_100 : vector<1x8xf32>
    %slice3A_102 = vector.extract_strided_slice %add3A_25 {offsets = [1024, 0], sizes = [128, 8], strides = [1, 1]} : vector<4096x8xf32> to vector<128x8xf32>
    %dot_general3A_103 = arith.constant dense<0.000000e+00> : vector<128x8xf32>
    %dot_general3A_104 = tpu.matmul %convert_element_type3A_29, %slice3A_102, %dot_general3A_103 {dimension_numbers = #tpu.dot_dimension_numbers<[1], [0], [0], [1], [0, 0, 1, 1], [], []>, transpose_lhs_hint = false} : vector<128x128xf32>, vector<128x8xf32>, vector<128x8xf32> -> vector<128x8xf32>
    %add3A_105 = vector.broadcast %add3A_101 : vector<1x8xf32> to vector<128x8xf32>
    %add3A_106 = arith.addf %dot_general3A_104, %add3A_105 : vector<128x8xf32>
    %reduce_sum3A_107 = arith.constant dense<0.000000e+00> : vector<8xf32>
    %reduce_sum3A_108 = vector.multi_reduction <add>, %slice3A_102, %reduce_sum3A_107 [0] : vector<128x8xf32> to vector<8xf32>
    %broadcast_in_dim3A_109 = vector.shape_cast %reduce_sum3A_108 : vector<8xf32> to vector<1x8xf32>
    %add3A_110 = arith.addf %add3A_101, %broadcast_in_dim3A_109 : vector<1x8xf32>
    %slice3A_111 = vector.extract_strided_slice %add3A_25 {offsets = [1152, 0], sizes = [128, 8], strides = [1, 1]} : vector<4096x8xf32> to vector<128x8xf32>
    %dot_general3A_112 = arith.constant dense<0.000000e+00> : vector<128x8xf32>
    %dot_general3A_113 = tpu.matmul %convert_element_type3A_29, %slice3A_111, %dot_general3A_112 {dimension_numbers = #tpu.dot_dimension_numbers<[1], [0], [0], [1], [0, 0, 1, 1], [], []>, transpose_lhs_hint = false} : vector<128x128xf32>, vector<128x8xf32>, vector<128x8xf32> -> vector<128x8xf32>
    %add3A_114 = vector.broadcast %add3A_110 : vector<1x8xf32> to vector<128x8xf32>
    %add3A_115 = arith.addf %dot_general3A_113, %add3A_114 : vector<128x8xf32>
    %reduce_sum3A_116 = arith.constant dense<0.000000e+00> : vector<8xf32>
    %reduce_sum3A_117 = vector.multi_reduction <add>, %slice3A_111, %reduce_sum3A_116 [0] : vector<128x8xf32> to vector<8xf32>
    %broadcast_in_dim3A_118 = vector.shape_cast %reduce_sum3A_117 : vector<8xf32> to vector<1x8xf32>
    %add3A_119 = arith.addf %add3A_110, %broadcast_in_dim3A_118 : vector<1x8xf32>
    %slice3A_120 = vector.extract_strided_slice %add3A_25 {offsets = [1280, 0], sizes = [128, 8], strides = [1, 1]} : vector<4096x8xf32> to vector<128x8xf32>
    %dot_general3A_121 = arith.constant dense<0.000000e+00> : vector<128x8xf32>
    %dot_general3A_122 = tpu.matmul %convert_element_type3A_29, %slice3A_120, %dot_general3A_121 {dimension_numbers = #tpu.dot_dimension_numbers<[1], [0], [0], [1], [0, 0, 1, 1], [], []>, transpose_lhs_hint = false} : vector<128x128xf32>, vector<128x8xf32>, vector<128x8xf32> -> vector<128x8xf32>
    %add3A_123 = vector.broadcast %add3A_119 : vector<1x8xf32> to vector<128x8xf32>
    %add3A_124 = arith.addf %dot_general3A_122, %add3A_123 : vector<128x8xf32>
    %reduce_sum3A_125 = arith.constant dense<0.000000e+00> : vector<8xf32>
    %reduce_sum3A_126 = vector.multi_reduction <add>, %slice3A_120, %reduce_sum3A_125 [0] : vector<128x8xf32> to vector<8xf32>
    %broadcast_in_dim3A_127 = vector.shape_cast %reduce_sum3A_126 : vector<8xf32> to vector<1x8xf32>
    %add3A_128 = arith.addf %add3A_119, %broadcast_in_dim3A_127 : vector<1x8xf32>
    %slice3A_129 = vector.extract_strided_slice %add3A_25 {offsets = [1408, 0], sizes = [128, 8], strides = [1, 1]} : vector<4096x8xf32> to vector<128x8xf32>
    %dot_general3A_130 = arith.constant dense<0.000000e+00> : vector<128x8xf32>
    %dot_general3A_131 = tpu.matmul %convert_element_type3A_29, %slice3A_129, %dot_general3A_130 {dimension_numbers = #tpu.dot_dimension_numbers<[1], [0], [0], [1], [0, 0, 1, 1], [], []>, transpose_lhs_hint = false} : vector<128x128xf32>, vector<128x8xf32>, vector<128x8xf32> -> vector<128x8xf32>
    %add3A_132 = vector.broadcast %add3A_128 : vector<1x8xf32> to vector<128x8xf32>
    %add3A_133 = arith.addf %dot_general3A_131, %add3A_132 : vector<128x8xf32>
    %reduce_sum3A_134 = arith.constant dense<0.000000e+00> : vector<8xf32>
    %reduce_sum3A_135 = vector.multi_reduction <add>, %slice3A_129, %reduce_sum3A_134 [0] : vector<128x8xf32> to vector<8xf32>
    %broadcast_in_dim3A_136 = vector.shape_cast %reduce_sum3A_135 : vector<8xf32> to vector<1x8xf32>
    %add3A_137 = arith.addf %add3A_128, %broadcast_in_dim3A_136 : vector<1x8xf32>
    %slice3A_138 = vector.extract_strided_slice %add3A_25 {offsets = [1536, 0], sizes = [128, 8], strides = [1, 1]} : vector<4096x8xf32> to vector<128x8xf32>
    %dot_general3A_139 = arith.constant dense<0.000000e+00> : vector<128x8xf32>
    %dot_general3A_140 = tpu.matmul %convert_element_type3A_29, %slice3A_138, %dot_general3A_139 {dimension_numbers = #tpu.dot_dimension_numbers<[1], [0], [0], [1], [0, 0, 1, 1], [], []>, transpose_lhs_hint = false} : vector<128x128xf32>, vector<128x8xf32>, vector<128x8xf32> -> vector<128x8xf32>
    %add3A_141 = vector.broadcast %add3A_137 : vector<1x8xf32> to vector<128x8xf32>
    %add3A_142 = arith.addf %dot_general3A_140, %add3A_141 : vector<128x8xf32>
    %reduce_sum3A_143 = arith.constant dense<0.000000e+00> : vector<8xf32>
    %reduce_sum3A_144 = vector.multi_reduction <add>, %slice3A_138, %reduce_sum3A_143 [0] : vector<128x8xf32> to vector<8xf32>
    %broadcast_in_dim3A_145 = vector.shape_cast %reduce_sum3A_144 : vector<8xf32> to vector<1x8xf32>
    %add3A_146 = arith.addf %add3A_137, %broadcast_in_dim3A_145 : vector<1x8xf32>
    %slice3A_147 = vector.extract_strided_slice %add3A_25 {offsets = [1664, 0], sizes = [128, 8], strides = [1, 1]} : vector<4096x8xf32> to vector<128x8xf32>
    %dot_general3A_148 = arith.constant dense<0.000000e+00> : vector<128x8xf32>
    %dot_general3A_149 = tpu.matmul %convert_element_type3A_29, %slice3A_147, %dot_general3A_148 {dimension_numbers = #tpu.dot_dimension_numbers<[1], [0], [0], [1], [0, 0, 1, 1], [], []>, transpose_lhs_hint = false} : vector<128x128xf32>, vector<128x8xf32>, vector<128x8xf32> -> vector<128x8xf32>
    %add3A_150 = vector.broadcast %add3A_146 : vector<1x8xf32> to vector<128x8xf32>
    %add3A_151 = arith.addf %dot_general3A_149, %add3A_150 : vector<128x8xf32>
    %reduce_sum3A_152 = arith.constant dense<0.000000e+00> : vector<8xf32>
    %reduce_sum3A_153 = vector.multi_reduction <add>, %slice3A_147, %reduce_sum3A_152 [0] : vector<128x8xf32> to vector<8xf32>
    %broadcast_in_dim3A_154 = vector.shape_cast %reduce_sum3A_153 : vector<8xf32> to vector<1x8xf32>
    %add3A_155 = arith.addf %add3A_146, %broadcast_in_dim3A_154 : vector<1x8xf32>
    %slice3A_156 = vector.extract_strided_slice %add3A_25 {offsets = [1792, 0], sizes = [128, 8], strides = [1, 1]} : vector<4096x8xf32> to vector<128x8xf32>
    %dot_general3A_157 = arith.constant dense<0.000000e+00> : vector<128x8xf32>
    %dot_general3A_158 = tpu.matmul %convert_element_type3A_29, %slice3A_156, %dot_general3A_157 {dimension_numbers = #tpu.dot_dimension_numbers<[1], [0], [0], [1], [0, 0, 1, 1], [], []>, transpose_lhs_hint = false} : vector<128x128xf32>, vector<128x8xf32>, vector<128x8xf32> -> vector<128x8xf32>
    %add3A_159 = vector.broadcast %add3A_155 : vector<1x8xf32> to vector<128x8xf32>
    %add3A_160 = arith.addf %dot_general3A_158, %add3A_159 : vector<128x8xf32>
    %reduce_sum3A_161 = arith.constant dense<0.000000e+00> : vector<8xf32>
    %reduce_sum3A_162 = vector.multi_reduction <add>, %slice3A_156, %reduce_sum3A_161 [0] : vector<128x8xf32> to vector<8xf32>
    %broadcast_in_dim3A_163 = vector.shape_cast %reduce_sum3A_162 : vector<8xf32> to vector<1x8xf32>
    %add3A_164 = arith.addf %add3A_155, %broadcast_in_dim3A_163 : vector<1x8xf32>
    %slice3A_165 = vector.extract_strided_slice %add3A_25 {offsets = [1920, 0], sizes = [128, 8], strides = [1, 1]} : vector<4096x8xf32> to vector<128x8xf32>
    %dot_general3A_166 = arith.constant dense<0.000000e+00> : vector<128x8xf32>
    %dot_general3A_167 = tpu.matmul %convert_element_type3A_29, %slice3A_165, %dot_general3A_166 {dimension_numbers = #tpu.dot_dimension_numbers<[1], [0], [0], [1], [0, 0, 1, 1], [], []>, transpose_lhs_hint = false} : vector<128x128xf32>, vector<128x8xf32>, vector<128x8xf32> -> vector<128x8xf32>
    %add3A_168 = vector.broadcast %add3A_164 : vector<1x8xf32> to vector<128x8xf32>
    %add3A_169 = arith.addf %dot_general3A_167, %add3A_168 : vector<128x8xf32>
    %reduce_sum3A_170 = arith.constant dense<0.000000e+00> : vector<8xf32>
    %reduce_sum3A_171 = vector.multi_reduction <add>, %slice3A_165, %reduce_sum3A_170 [0] : vector<128x8xf32> to vector<8xf32>
    %broadcast_in_dim3A_172 = vector.shape_cast %reduce_sum3A_171 : vector<8xf32> to vector<1x8xf32>
    %add3A_173 = arith.addf %add3A_164, %broadcast_in_dim3A_172 : vector<1x8xf32>
    %slice3A_174 = vector.extract_strided_slice %add3A_25 {offsets = [2048, 0], sizes = [128, 8], strides = [1, 1]} : vector<4096x8xf32> to vector<128x8xf32>
    %dot_general3A_175 = arith.constant dense<0.000000e+00> : vector<128x8xf32>
    %dot_general3A_176 = tpu.matmul %convert_element_type3A_29, %slice3A_174, %dot_general3A_175 {dimension_numbers = #tpu.dot_dimension_numbers<[1], [0], [0], [1], [0, 0, 1, 1], [], []>, transpose_lhs_hint = false} : vector<128x128xf32>, vector<128x8xf32>, vector<128x8xf32> -> vector<128x8xf32>
    %add3A_177 = vector.broadcast %add3A_173 : vector<1x8xf32> to vector<128x8xf32>
    %add3A_178 = arith.addf %dot_general3A_176, %add3A_177 : vector<128x8xf32>
    %reduce_sum3A_179 = arith.constant dense<0.000000e+00> : vector<8xf32>
    %reduce_sum3A_180 = vector.multi_reduction <add>, %slice3A_174, %reduce_sum3A_179 [0] : vector<128x8xf32> to vector<8xf32>
    %broadcast_in_dim3A_181 = vector.shape_cast %reduce_sum3A_180 : vector<8xf32> to vector<1x8xf32>
    %add3A_182 = arith.addf %add3A_173, %broadcast_in_dim3A_181 : vector<1x8xf32>
    %slice3A_183 = vector.extract_strided_slice %add3A_25 {offsets = [2176, 0], sizes = [128, 8], strides = [1, 1]} : vector<4096x8xf32> to vector<128x8xf32>
    %dot_general3A_184 = arith.constant dense<0.000000e+00> : vector<128x8xf32>
    %dot_general3A_185 = tpu.matmul %convert_element_type3A_29, %slice3A_183, %dot_general3A_184 {dimension_numbers = #tpu.dot_dimension_numbers<[1], [0], [0], [1], [0, 0, 1, 1], [], []>, transpose_lhs_hint = false} : vector<128x128xf32>, vector<128x8xf32>, vector<128x8xf32> -> vector<128x8xf32>
    %add3A_186 = vector.broadcast %add3A_182 : vector<1x8xf32> to vector<128x8xf32>
    %add3A_187 = arith.addf %dot_general3A_185, %add3A_186 : vector<128x8xf32>
    %reduce_sum3A_188 = arith.constant dense<0.000000e+00> : vector<8xf32>
    %reduce_sum3A_189 = vector.multi_reduction <add>, %slice3A_183, %reduce_sum3A_188 [0] : vector<128x8xf32> to vector<8xf32>
    %broadcast_in_dim3A_190 = vector.shape_cast %reduce_sum3A_189 : vector<8xf32> to vector<1x8xf32>
    %add3A_191 = arith.addf %add3A_182, %broadcast_in_dim3A_190 : vector<1x8xf32>
    %slice3A_192 = vector.extract_strided_slice %add3A_25 {offsets = [2304, 0], sizes = [128, 8], strides = [1, 1]} : vector<4096x8xf32> to vector<128x8xf32>
    %dot_general3A_193 = arith.constant dense<0.000000e+00> : vector<128x8xf32>
    %dot_general3A_194 = tpu.matmul %convert_element_type3A_29, %slice3A_192, %dot_general3A_193 {dimension_numbers = #tpu.dot_dimension_numbers<[1], [0], [0], [1], [0, 0, 1, 1], [], []>, transpose_lhs_hint = false} : vector<128x128xf32>, vector<128x8xf32>, vector<128x8xf32> -> vector<128x8xf32>
    %add3A_195 = vector.broadcast %add3A_191 : vector<1x8xf32> to vector<128x8xf32>
    %add3A_196 = arith.addf %dot_general3A_194, %add3A_195 : vector<128x8xf32>
    %reduce_sum3A_197 = arith.constant dense<0.000000e+00> : vector<8xf32>
    %reduce_sum3A_198 = vector.multi_reduction <add>, %slice3A_192, %reduce_sum3A_197 [0] : vector<128x8xf32> to vector<8xf32>
    %broadcast_in_dim3A_199 = vector.shape_cast %reduce_sum3A_198 : vector<8xf32> to vector<1x8xf32>
    %add3A_200 = arith.addf %add3A_191, %broadcast_in_dim3A_199 : vector<1x8xf32>
    %slice3A_201 = vector.extract_strided_slice %add3A_25 {offsets = [2432, 0], sizes = [128, 8], strides = [1, 1]} : vector<4096x8xf32> to vector<128x8xf32>
    %dot_general3A_202 = arith.constant dense<0.000000e+00> : vector<128x8xf32>
    %dot_general3A_203 = tpu.matmul %convert_element_type3A_29, %slice3A_201, %dot_general3A_202 {dimension_numbers = #tpu.dot_dimension_numbers<[1], [0], [0], [1], [0, 0, 1, 1], [], []>, transpose_lhs_hint = false} : vector<128x128xf32>, vector<128x8xf32>, vector<128x8xf32> -> vector<128x8xf32>
    %add3A_204 = vector.broadcast %add3A_200 : vector<1x8xf32> to vector<128x8xf32>
    %add3A_205 = arith.addf %dot_general3A_203, %add3A_204 : vector<128x8xf32>
    %reduce_sum3A_206 = arith.constant dense<0.000000e+00> : vector<8xf32>
    %reduce_sum3A_207 = vector.multi_reduction <add>, %slice3A_201, %reduce_sum3A_206 [0] : vector<128x8xf32> to vector<8xf32>
    %broadcast_in_dim3A_208 = vector.shape_cast %reduce_sum3A_207 : vector<8xf32> to vector<1x8xf32>
    %add3A_209 = arith.addf %add3A_200, %broadcast_in_dim3A_208 : vector<1x8xf32>
    %slice3A_210 = vector.extract_strided_slice %add3A_25 {offsets = [2560, 0], sizes = [128, 8], strides = [1, 1]} : vector<4096x8xf32> to vector<128x8xf32>
    %dot_general3A_211 = arith.constant dense<0.000000e+00> : vector<128x8xf32>
    %dot_general3A_212 = tpu.matmul %convert_element_type3A_29, %slice3A_210, %dot_general3A_211 {dimension_numbers = #tpu.dot_dimension_numbers<[1], [0], [0], [1], [0, 0, 1, 1], [], []>, transpose_lhs_hint = false} : vector<128x128xf32>, vector<128x8xf32>, vector<128x8xf32> -> vector<128x8xf32>
    %add3A_213 = vector.broadcast %add3A_209 : vector<1x8xf32> to vector<128x8xf32>
    %add3A_214 = arith.addf %dot_general3A_212, %add3A_213 : vector<128x8xf32>
    %reduce_sum3A_215 = arith.constant dense<0.000000e+00> : vector<8xf32>
    %reduce_sum3A_216 = vector.multi_reduction <add>, %slice3A_210, %reduce_sum3A_215 [0] : vector<128x8xf32> to vector<8xf32>
    %broadcast_in_dim3A_217 = vector.shape_cast %reduce_sum3A_216 : vector<8xf32> to vector<1x8xf32>
    %add3A_218 = arith.addf %add3A_209, %broadcast_in_dim3A_217 : vector<1x8xf32>
    %slice3A_219 = vector.extract_strided_slice %add3A_25 {offsets = [2688, 0], sizes = [128, 8], strides = [1, 1]} : vector<4096x8xf32> to vector<128x8xf32>
    %dot_general3A_220 = arith.constant dense<0.000000e+00> : vector<128x8xf32>
    %dot_general3A_221 = tpu.matmul %convert_element_type3A_29, %slice3A_219, %dot_general3A_220 {dimension_numbers = #tpu.dot_dimension_numbers<[1], [0], [0], [1], [0, 0, 1, 1], [], []>, transpose_lhs_hint = false} : vector<128x128xf32>, vector<128x8xf32>, vector<128x8xf32> -> vector<128x8xf32>
    %add3A_222 = vector.broadcast %add3A_218 : vector<1x8xf32> to vector<128x8xf32>
    %add3A_223 = arith.addf %dot_general3A_221, %add3A_222 : vector<128x8xf32>
    %reduce_sum3A_224 = arith.constant dense<0.000000e+00> : vector<8xf32>
    %reduce_sum3A_225 = vector.multi_reduction <add>, %slice3A_219, %reduce_sum3A_224 [0] : vector<128x8xf32> to vector<8xf32>
    %broadcast_in_dim3A_226 = vector.shape_cast %reduce_sum3A_225 : vector<8xf32> to vector<1x8xf32>
    %add3A_227 = arith.addf %add3A_218, %broadcast_in_dim3A_226 : vector<1x8xf32>
    %slice3A_228 = vector.extract_strided_slice %add3A_25 {offsets = [2816, 0], sizes = [128, 8], strides = [1, 1]} : vector<4096x8xf32> to vector<128x8xf32>
    %dot_general3A_229 = arith.constant dense<0.000000e+00> : vector<128x8xf32>
    %dot_general3A_230 = tpu.matmul %convert_element_type3A_29, %slice3A_228, %dot_general3A_229 {dimension_numbers = #tpu.dot_dimension_numbers<[1], [0], [0], [1], [0, 0, 1, 1], [], []>, transpose_lhs_hint = false} : vector<128x128xf32>, vector<128x8xf32>, vector<128x8xf32> -> vector<128x8xf32>
    %add3A_231 = vector.broadcast %add3A_227 : vector<1x8xf32> to vector<128x8xf32>
    %add3A_232 = arith.addf %dot_general3A_230, %add3A_231 : vector<128x8xf32>
    %reduce_sum3A_233 = arith.constant dense<0.000000e+00> : vector<8xf32>
    %reduce_sum3A_234 = vector.multi_reduction <add>, %slice3A_228, %reduce_sum3A_233 [0] : vector<128x8xf32> to vector<8xf32>
    %broadcast_in_dim3A_235 = vector.shape_cast %reduce_sum3A_234 : vector<8xf32> to vector<1x8xf32>
    %add3A_236 = arith.addf %add3A_227, %broadcast_in_dim3A_235 : vector<1x8xf32>
    %slice3A_237 = vector.extract_strided_slice %add3A_25 {offsets = [2944, 0], sizes = [128, 8], strides = [1, 1]} : vector<4096x8xf32> to vector<128x8xf32>
    %dot_general3A_238 = arith.constant dense<0.000000e+00> : vector<128x8xf32>
    %dot_general3A_239 = tpu.matmul %convert_element_type3A_29, %slice3A_237, %dot_general3A_238 {dimension_numbers = #tpu.dot_dimension_numbers<[1], [0], [0], [1], [0, 0, 1, 1], [], []>, transpose_lhs_hint = false} : vector<128x128xf32>, vector<128x8xf32>, vector<128x8xf32> -> vector<128x8xf32>
    %add3A_240 = vector.broadcast %add3A_236 : vector<1x8xf32> to vector<128x8xf32>
    %add3A_241 = arith.addf %dot_general3A_239, %add3A_240 : vector<128x8xf32>
    %reduce_sum3A_242 = arith.constant dense<0.000000e+00> : vector<8xf32>
    %reduce_sum3A_243 = vector.multi_reduction <add>, %slice3A_237, %reduce_sum3A_242 [0] : vector<128x8xf32> to vector<8xf32>
    %broadcast_in_dim3A_244 = vector.shape_cast %reduce_sum3A_243 : vector<8xf32> to vector<1x8xf32>
    %add3A_245 = arith.addf %add3A_236, %broadcast_in_dim3A_244 : vector<1x8xf32>
    %slice3A_246 = vector.extract_strided_slice %add3A_25 {offsets = [3072, 0], sizes = [128, 8], strides = [1, 1]} : vector<4096x8xf32> to vector<128x8xf32>
    %dot_general3A_247 = arith.constant dense<0.000000e+00> : vector<128x8xf32>
    %dot_general3A_248 = tpu.matmul %convert_element_type3A_29, %slice3A_246, %dot_general3A_247 {dimension_numbers = #tpu.dot_dimension_numbers<[1], [0], [0], [1], [0, 0, 1, 1], [], []>, transpose_lhs_hint = false} : vector<128x128xf32>, vector<128x8xf32>, vector<128x8xf32> -> vector<128x8xf32>
    %add3A_249 = vector.broadcast %add3A_245 : vector<1x8xf32> to vector<128x8xf32>
    %add3A_250 = arith.addf %dot_general3A_248, %add3A_249 : vector<128x8xf32>
    %reduce_sum3A_251 = arith.constant dense<0.000000e+00> : vector<8xf32>
    %reduce_sum3A_252 = vector.multi_reduction <add>, %slice3A_246, %reduce_sum3A_251 [0] : vector<128x8xf32> to vector<8xf32>
    %broadcast_in_dim3A_253 = vector.shape_cast %reduce_sum3A_252 : vector<8xf32> to vector<1x8xf32>
    %add3A_254 = arith.addf %add3A_245, %broadcast_in_dim3A_253 : vector<1x8xf32>
    %slice3A_255 = vector.extract_strided_slice %add3A_25 {offsets = [3200, 0], sizes = [128, 8], strides = [1, 1]} : vector<4096x8xf32> to vector<128x8xf32>
    %dot_general3A_256 = arith.constant dense<0.000000e+00> : vector<128x8xf32>
    %dot_general3A_257 = tpu.matmul %convert_element_type3A_29, %slice3A_255, %dot_general3A_256 {dimension_numbers = #tpu.dot_dimension_numbers<[1], [0], [0], [1], [0, 0, 1, 1], [], []>, transpose_lhs_hint = false} : vector<128x128xf32>, vector<128x8xf32>, vector<128x8xf32> -> vector<128x8xf32>
    %add3A_258 = vector.broadcast %add3A_254 : vector<1x8xf32> to vector<128x8xf32>
    %add3A_259 = arith.addf %dot_general3A_257, %add3A_258 : vector<128x8xf32>
    %reduce_sum3A_260 = arith.constant dense<0.000000e+00> : vector<8xf32>
    %reduce_sum3A_261 = vector.multi_reduction <add>, %slice3A_255, %reduce_sum3A_260 [0] : vector<128x8xf32> to vector<8xf32>
    %broadcast_in_dim3A_262 = vector.shape_cast %reduce_sum3A_261 : vector<8xf32> to vector<1x8xf32>
    %add3A_263 = arith.addf %add3A_254, %broadcast_in_dim3A_262 : vector<1x8xf32>
    %slice3A_264 = vector.extract_strided_slice %add3A_25 {offsets = [3328, 0], sizes = [128, 8], strides = [1, 1]} : vector<4096x8xf32> to vector<128x8xf32>
    %dot_general3A_265 = arith.constant dense<0.000000e+00> : vector<128x8xf32>
    %dot_general3A_266 = tpu.matmul %convert_element_type3A_29, %slice3A_264, %dot_general3A_265 {dimension_numbers = #tpu.dot_dimension_numbers<[1], [0], [0], [1], [0, 0, 1, 1], [], []>, transpose_lhs_hint = false} : vector<128x128xf32>, vector<128x8xf32>, vector<128x8xf32> -> vector<128x8xf32>
    %add3A_267 = vector.broadcast %add3A_263 : vector<1x8xf32> to vector<128x8xf32>
    %add3A_268 = arith.addf %dot_general3A_266, %add3A_267 : vector<128x8xf32>
    %reduce_sum3A_269 = arith.constant dense<0.000000e+00> : vector<8xf32>
    %reduce_sum3A_270 = vector.multi_reduction <add>, %slice3A_264, %reduce_sum3A_269 [0] : vector<128x8xf32> to vector<8xf32>
    %broadcast_in_dim3A_271 = vector.shape_cast %reduce_sum3A_270 : vector<8xf32> to vector<1x8xf32>
    %add3A_272 = arith.addf %add3A_263, %broadcast_in_dim3A_271 : vector<1x8xf32>
    %slice3A_273 = vector.extract_strided_slice %add3A_25 {offsets = [3456, 0], sizes = [128, 8], strides = [1, 1]} : vector<4096x8xf32> to vector<128x8xf32>
    %dot_general3A_274 = arith.constant dense<0.000000e+00> : vector<128x8xf32>
    %dot_general3A_275 = tpu.matmul %convert_element_type3A_29, %slice3A_273, %dot_general3A_274 {dimension_numbers = #tpu.dot_dimension_numbers<[1], [0], [0], [1], [0, 0, 1, 1], [], []>, transpose_lhs_hint = false} : vector<128x128xf32>, vector<128x8xf32>, vector<128x8xf32> -> vector<128x8xf32>
    %add3A_276 = vector.broadcast %add3A_272 : vector<1x8xf32> to vector<128x8xf32>
    %add3A_277 = arith.addf %dot_general3A_275, %add3A_276 : vector<128x8xf32>
    %reduce_sum3A_278 = arith.constant dense<0.000000e+00> : vector<8xf32>
    %reduce_sum3A_279 = vector.multi_reduction <add>, %slice3A_273, %reduce_sum3A_278 [0] : vector<128x8xf32> to vector<8xf32>
    %broadcast_in_dim3A_280 = vector.shape_cast %reduce_sum3A_279 : vector<8xf32> to vector<1x8xf32>
    %add3A_281 = arith.addf %add3A_272, %broadcast_in_dim3A_280 : vector<1x8xf32>
    %slice3A_282 = vector.extract_strided_slice %add3A_25 {offsets = [3584, 0], sizes = [128, 8], strides = [1, 1]} : vector<4096x8xf32> to vector<128x8xf32>
    %dot_general3A_283 = arith.constant dense<0.000000e+00> : vector<128x8xf32>
    %dot_general3A_284 = tpu.matmul %convert_element_type3A_29, %slice3A_282, %dot_general3A_283 {dimension_numbers = #tpu.dot_dimension_numbers<[1], [0], [0], [1], [0, 0, 1, 1], [], []>, transpose_lhs_hint = false} : vector<128x128xf32>, vector<128x8xf32>, vector<128x8xf32> -> vector<128x8xf32>
    %add3A_285 = vector.broadcast %add3A_281 : vector<1x8xf32> to vector<128x8xf32>
    %add3A_286 = arith.addf %dot_general3A_284, %add3A_285 : vector<128x8xf32>
    %reduce_sum3A_287 = arith.constant dense<0.000000e+00> : vector<8xf32>
    %reduce_sum3A_288 = vector.multi_reduction <add>, %slice3A_282, %reduce_sum3A_287 [0] : vector<128x8xf32> to vector<8xf32>
    %broadcast_in_dim3A_289 = vector.shape_cast %reduce_sum3A_288 : vector<8xf32> to vector<1x8xf32>
    %add3A_290 = arith.addf %add3A_281, %broadcast_in_dim3A_289 : vector<1x8xf32>
    %slice3A_291 = vector.extract_strided_slice %add3A_25 {offsets = [3712, 0], sizes = [128, 8], strides = [1, 1]} : vector<4096x8xf32> to vector<128x8xf32>
    %dot_general3A_292 = arith.constant dense<0.000000e+00> : vector<128x8xf32>
    %dot_general3A_293 = tpu.matmul %convert_element_type3A_29, %slice3A_291, %dot_general3A_292 {dimension_numbers = #tpu.dot_dimension_numbers<[1], [0], [0], [1], [0, 0, 1, 1], [], []>, transpose_lhs_hint = false} : vector<128x128xf32>, vector<128x8xf32>, vector<128x8xf32> -> vector<128x8xf32>
    %add3A_294 = vector.broadcast %add3A_290 : vector<1x8xf32> to vector<128x8xf32>
    %add3A_295 = arith.addf %dot_general3A_293, %add3A_294 : vector<128x8xf32>
    %reduce_sum3A_296 = arith.constant dense<0.000000e+00> : vector<8xf32>
    %reduce_sum3A_297 = vector.multi_reduction <add>, %slice3A_291, %reduce_sum3A_296 [0] : vector<128x8xf32> to vector<8xf32>
    %broadcast_in_dim3A_298 = vector.shape_cast %reduce_sum3A_297 : vector<8xf32> to vector<1x8xf32>
    %add3A_299 = arith.addf %add3A_290, %broadcast_in_dim3A_298 : vector<1x8xf32>
    %slice3A_300 = vector.extract_strided_slice %add3A_25 {offsets = [3840, 0], sizes = [128, 8], strides = [1, 1]} : vector<4096x8xf32> to vector<128x8xf32>
    %dot_general3A_301 = arith.constant dense<0.000000e+00> : vector<128x8xf32>
    %dot_general3A_302 = tpu.matmul %convert_element_type3A_29, %slice3A_300, %dot_general3A_301 {dimension_numbers = #tpu.dot_dimension_numbers<[1], [0], [0], [1], [0, 0, 1, 1], [], []>, transpose_lhs_hint = false} : vector<128x128xf32>, vector<128x8xf32>, vector<128x8xf32> -> vector<128x8xf32>
    %add3A_303 = vector.broadcast %add3A_299 : vector<1x8xf32> to vector<128x8xf32>
    %add3A_304 = arith.addf %dot_general3A_302, %add3A_303 : vector<128x8xf32>
    %reduce_sum3A_305 = arith.constant dense<0.000000e+00> : vector<8xf32>
    %reduce_sum3A_306 = vector.multi_reduction <add>, %slice3A_300, %reduce_sum3A_305 [0] : vector<128x8xf32> to vector<8xf32>
    %broadcast_in_dim3A_307 = vector.shape_cast %reduce_sum3A_306 : vector<8xf32> to vector<1x8xf32>
    %add3A_308 = arith.addf %add3A_299, %broadcast_in_dim3A_307 : vector<1x8xf32>
    %slice3A_309 = vector.extract_strided_slice %add3A_25 {offsets = [3968, 0], sizes = [128, 8], strides = [1, 1]} : vector<4096x8xf32> to vector<128x8xf32>
    %dot_general3A_310 = arith.constant dense<0.000000e+00> : vector<128x8xf32>
    %dot_general3A_311 = tpu.matmul %convert_element_type3A_29, %slice3A_309, %dot_general3A_310 {dimension_numbers = #tpu.dot_dimension_numbers<[1], [0], [0], [1], [0, 0, 1, 1], [], []>, transpose_lhs_hint = false} : vector<128x128xf32>, vector<128x8xf32>, vector<128x8xf32> -> vector<128x8xf32>
    %add3A_312 = vector.broadcast %add3A_308 : vector<1x8xf32> to vector<128x8xf32>
    %add3A_313 = arith.addf %dot_general3A_311, %add3A_312 : vector<128x8xf32>
    %reduce_sum3A_314 = arith.constant dense<0.000000e+00> : vector<8xf32>
    %reduce_sum3A_315 = vector.multi_reduction <add>, %slice3A_309, %reduce_sum3A_314 [0] : vector<128x8xf32> to vector<8xf32>
    %broadcast_in_dim3A_316 = vector.shape_cast %reduce_sum3A_315 : vector<8xf32> to vector<1x8xf32>
    %add3A_317 = arith.addf %add3A_308, %broadcast_in_dim3A_316 : vector<1x8xf32>
    %concatenate3A = tpu.concatenate %add3A_35, %add3A_43, %add3A_52, %add3A_61, %add3A_70, %add3A_79, %add3A_88, %add3A_97, %add3A_106, %add3A_115, %add3A_124, %add3A_133, %add3A_142, %add3A_151, %add3A_160, %add3A_169, %add3A_178, %add3A_187, %add3A_196, %add3A_205, %add3A_214, %add3A_223, %add3A_232, %add3A_241, %add3A_250, %add3A_259, %add3A_268, %add3A_277, %add3A_286, %add3A_295, %add3A_304, %add3A_313 in 0 : vector<128x8xf32>, vector<128x8xf32>, vector<128x8xf32>, vector<128x8xf32>, vector<128x8xf32>, vector<128x8xf32>, vector<128x8xf32>, vector<128x8xf32>, vector<128x8xf32>, vector<128x8xf32>, vector<128x8xf32>, vector<128x8xf32>, vector<128x8xf32>, vector<128x8xf32>, vector<128x8xf32>, vector<128x8xf32>, vector<128x8xf32>, vector<128x8xf32>, vector<128x8xf32>, vector<128x8xf32>, vector<128x8xf32>, vector<128x8xf32>, vector<128x8xf32>, vector<128x8xf32>, vector<128x8xf32>, vector<128x8xf32>, vector<128x8xf32>, vector<128x8xf32>, vector<128x8xf32>, vector<128x8xf32>, vector<128x8xf32>, vector<128x8xf32> -> vector<4096x8xf32>
    %mul3A = arith.constant 3.906250e-03 : f32
    %mul3A_318 = vector.broadcast %mul3A : f32 to vector<1x8xf32>
    %mul3A_319 = arith.mulf %add3A_317, %mul3A_318 : vector<1x8xf32>
    %ceil3A = math.ceil %mul3A_319 : vector<1x8xf32>
    %mul3A_320 = arith.constant 2.560000e+02 : f32
    %mul3A_321 = vector.broadcast %mul3A_320 : f32 to vector<1x8xf32>
    %mul3A_322 = arith.mulf %ceil3A, %mul3A_321 : vector<1x8xf32>
    %iota3A_323 = tpu.iota {dimensions = array<i32: 0>} : vector<8x8xi32>
    %iota3A_324 = tpu.iota {dimensions = array<i32: 1>} : vector<8x8xi32>
    %lt3A_325 = arith.cmpi slt, %iota3A_323, %iota3A_324 : vector<8x8xi32>
    %convert_element_type3A_326 = arith.extui %lt3A_325 : vector<8x8xi1> to vector<8x8xi32>
    %convert_element_type3A_327 = arith.sitofp %convert_element_type3A_326 : vector<8x8xi32> to vector<8x8xf32>
    %dot_general3A_328 = arith.constant dense<0.000000e+00> : vector<1x8xf32>
    %dot_general3A_329 = tpu.matmul %mul3A_322, %convert_element_type3A_327, %dot_general3A_328 {dimension_numbers = #tpu.dot_dimension_numbers<[1], [0], [0], [1], [0, 0, 1, 1], [], []>, transpose_lhs_hint = false} : vector<1x8xf32>, vector<8x8xf32>, vector<1x8xf32> -> vector<1x8xf32>
    %add3A_330 = vector.broadcast %dot_general3A_329 : vector<1x8xf32> to vector<4096x8xf32>
    %add3A_331 = arith.addf %add3A_330, %concatenate3A : vector<4096x8xf32>
    %mul3A_332 = arith.mulf %convert_element_type3A_19, %add3A_331 : vector<4096x8xf32>
    %reduce_sum3A_333 = arith.constant dense<0.000000e+00> : vector<4096xf32>
    %reduce_sum3A_334 = vector.multi_reduction <add>, %mul3A_332, %reduce_sum3A_333 [1] : vector<4096x8xf32> to vector<4096xf32>
    %convert_element_type3A_335 = arith.fptosi %reduce_sum3A_334 : vector<4096xf32> to vector<4096xi32>
    %mul3A_336 = arith.mulf %convert_element_type3A_24, %add3A_331 : vector<4096x8xf32>
    %reduce_sum3A_337 = arith.constant dense<0.000000e+00> : vector<4096xf32>
    %reduce_sum3A_338 = vector.multi_reduction <add>, %mul3A_336, %reduce_sum3A_337 [1] : vector<4096x8xf32> to vector<4096xf32>
    %convert_element_type3A_339 = arith.fptosi %reduce_sum3A_338 : vector<4096xf32> to vector<4096xi32>
    %broadcast_in_dim3A_340 = vector.shape_cast %convert_element_type3A_335 : vector<4096xi32> to vector<4096x1xi32>
    %broadcast_in_dim3A_341 = vector.shape_cast %convert_element_type3A_339 : vector<4096xi32> to vector<4096x1xi32>
    %concatenate3A_342 = tpu.concatenate %broadcast_in_dim3A_340, %broadcast_in_dim3A_341 in 1 : vector<4096x1xi32>, vector<4096x1xi32> -> vector<4096x2xi32>
    %swap3A = arith.constant 0 : index
    %swap3A_343 = arith.constant 0 : index
    %swap3A_344 = vector.load %arg2[%swap3A, %swap3A_343] : memref<4096x2xi32, #tpu.memory_space<vmem>>, vector<4096x2xi32>
    tpu.vector_store %arg2[%swap3A, %swap3A_343], %concatenate3A_342 {strides = array<i32>} : memref<4096x2xi32, #tpu.memory_space<vmem>>, vector<4096x2xi32>,
    %broadcast_in_dim3A_345 = vector.shape_cast %div3A_15 : vector<4096xf32> to vector<4096x1xf32>
    %sub3A_346 = arith.constant 1.000000e+00 : f32
    %sub3A_347 = vector.broadcast %sub3A_346 : f32 to vector<4096xf32>
    %sub3A_348 = arith.subf %sub3A_347, %div3A_15 : vector<4096xf32>
    %broadcast_in_dim3A_349 = vector.shape_cast %sub3A_348 : vector<4096xf32> to vector<4096x1xf32>
    %concatenate3A_350 = tpu.concatenate %broadcast_in_dim3A_345, %broadcast_in_dim3A_349 in 1 : vector<4096x1xf32>, vector<4096x1xf32> -> vector<4096x2xf32>
    %swap3A_351 = arith.constant 0 : index
    %swap3A_352 = arith.constant 0 : index
    %swap3A_353 = vector.load %arg3[%swap3A_351, %swap3A_352] : memref<4096x2xf32, #tpu.memory_space<vmem>>, vector<4096x2xf32>
    tpu.vector_store %arg3[%swap3A_351, %swap3A_352], %concatenate3A_350 {strides = array<i32>} : memref<4096x2xf32, #tpu.memory_space<vmem>>, vector<4096x2xf32>,
    %add3A_354 = arith.addf %dot_general3A_329, %mul3A_322 : vector<1x8xf32>
    %iota3A_355 = tpu.iota {dimensions = array<i32: 0>} : vector<40x8xi32>
    %mul3A_356 = arith.constant 256 : i32
    %mul3A_357 = vector.broadcast %mul3A_356 : i32 to vector<40x8xi32>
    %mul3A_358 = arith.muli %iota3A_355, %mul3A_357 : vector<40x8xi32>
    %convert_element_type3A_359 = arith.sitofp %mul3A_358 : vector<40x8xi32> to vector<40x8xf32>
    %ge3A = vector.broadcast %add3A_354 : vector<1x8xf32> to vector<40x8xf32>
    %ge3A_360 = arith.cmpf oge, %convert_element_type3A_359, %ge3A : vector<40x8xf32>
    %convert_element_type3A_361 = arith.extui %ge3A_360 : vector<40x8xi1> to vector<40x8xi32>
    %reduce_sum3A_362 = arith.constant dense<0> : vector<40xi32>
    %reduce_sum3A_363 = vector.multi_reduction <add>, %convert_element_type3A_361, %reduce_sum3A_362 [1] : vector<40x8xi32> to vector<40xi32>
    %broadcast_in_dim3A_364 = vector.shape_cast %reduce_sum3A_363 : vector<40xi32> to vector<40x1xi32>
    %min3A = arith.constant 7 : i32
    %min3A_365 = vector.broadcast %min3A : i32 to vector<40x1xi32>
    %min3A_366 = arith.minsi %broadcast_in_dim3A_364, %min3A_365 : vector<40x1xi32>
    %swap3A_367 = arith.constant 0 : index
    %swap3A_368 = arith.constant 0 : index
    %swap3A_369 = vector.load %arg4[%swap3A_367, %swap3A_368] : memref<40x1xi32, #tpu.memory_space<vmem>>, vector<40x1xi32>
    tpu.vector_store %arg4[%swap3A_367, %swap3A_368], %min3A_366 {strides = array<i32>} : memref<40x1xi32, #tpu.memory_space<vmem>>, vector<40x1xi32>,
    return
  }
}

module attributes {stable_mosaic.version = 14 : i64} {
  func.func @_gmm_kernel(%arg0: i32, %arg1: i32, %arg2: memref<40x1xi32, #tpu.memory_space<smem>>, %arg3: memref<256x1024xf32, #tpu.memory_space<vmem>>, %arg4: memref<1x1024x1024xf32, #tpu.memory_space<vmem>>, %arg5: memref<1x1024x1024xf32, #tpu.memory_space<vmem>>, %arg6: memref<10240x1024xf32, #tpu.memory_space<vmem>>) attributes {dimension_semantics = [#tpu.dimension_semantics<arbitrary>, #tpu.dimension_semantics<arbitrary>], iteration_bounds = array<i64: 4, 40>, scalar_prefetch = 1 : i64, scratch_operands = 0 : i64, tpu.core_type = #tpu.core_type<tc>, window_params = [{transform_indices = @transform_0, window_bounds = array<i64: 256, 1024>}, {transform_indices = @transform_1, window_bounds = array<i64: 1, 1024, 1024>}, {transform_indices = @transform_2, window_bounds = array<i64: 1, 1024, 1024>}, {pipeline_mode = #tpu.pipeline_mode<synchronous>, transform_indices = @transform_3, window_bounds = array<i64: 10240, 1024>}]} {
    %get3A = arith.constant 0 : index
    %get3A_0 = arith.constant 0 : index
    %get3A_1 = vector.load %arg3[%get3A, %get3A_0] : memref<256x1024xf32, #tpu.memory_space<vmem>>, vector<256x1024xf32>
    %get3A_2 = arith.constant 0 : index
    %get3A_3 = arith.constant 0 : index
    %get3A_4 = arith.constant 0 : index
    %get3A_5 = vector.load %arg4[%get3A_2, %get3A_3, %get3A_4] : memref<1x1024x1024xf32, #tpu.memory_space<vmem>>, vector<1x1024x1024xf32>
    %get3A_6 = vector.shape_cast %get3A_5 : vector<1x1024x1024xf32> to vector<1024x1024xf32>
    %dot_general3A = arith.constant dense<0.000000e+00> : vector<256x1024xf32>
    %dot_general3A_7 = tpu.matmul %get3A_1, %get3A_6, %dot_general3A {dimension_numbers = #tpu.dot_dimension_numbers<[1], [1], [0], [0], [0, 0, 1, 0], [], []>, transpose_lhs_hint = false} : vector<256x1024xf32>, vector<1024x1024xf32>, vector<256x1024xf32> -> vector<256x1024xf32>
    %mul3A = arith.constant 5.000000e-01 : f32
    %mul3A_8 = vector.broadcast %mul3A : f32 to vector<256x1024xf32>
    %mul3A_9 = arith.mulf %mul3A_8, %dot_general3A_7 : vector<256x1024xf32>
    %mul3A_10 = arith.constant 0.707106769 : f32
    %mul3A_11 = vector.broadcast %mul3A_10 : f32 to vector<256x1024xf32>
    %mul3A_12 = arith.mulf %dot_general3A_7, %mul3A_11 : vector<256x1024xf32>
    %erf3A = math.erf %mul3A_12 : vector<256x1024xf32>
    %add3A = arith.constant 1.000000e+00 : f32
    %add3A_13 = vector.broadcast %add3A : f32 to vector<256x1024xf32>
    %add3A_14 = arith.addf %add3A_13, %erf3A : vector<256x1024xf32>
    %mul3A_15 = arith.mulf %mul3A_9, %add3A_14 : vector<256x1024xf32>
    %get3A_16 = arith.constant 0 : index
    %get3A_17 = arith.constant 0 : index
    %get3A_18 = arith.constant 0 : index
    %get3A_19 = vector.load %arg5[%get3A_16, %get3A_17, %get3A_18] : memref<1x1024x1024xf32, #tpu.memory_space<vmem>>, vector<1x1024x1024xf32>
    %get3A_20 = vector.shape_cast %get3A_19 : vector<1x1024x1024xf32> to vector<1024x1024xf32>
    %dot_general3A_21 = arith.constant dense<0.000000e+00> : vector<256x1024xf32>
    %dot_general3A_22 = tpu.matmul %mul3A_15, %get3A_20, %dot_general3A_21 {dimension_numbers = #tpu.dot_dimension_numbers<[1], [1], [0], [0], [0, 0, 1, 0], [], []>, transpose_lhs_hint = false} : vector<256x1024xf32>, vector<1024x1024xf32>, vector<256x1024xf32> -> vector<256x1024xf32>
    %mul3A_23 = arith.constant 256 : i32
    %mul3A_24 = arith.muli %arg1, %mul3A_23 : i32
    %eq3A = arith.constant 0 : i32
    %eq3A_25 = arith.cmpi eq, %arg0, %eq3A : i32
    %convert_element_type3A = arith.extui %eq3A_25 : i1 to i32
    %cond3A = arith.constant 0 : i32
    %cond3A_26 = arith.cmpi ne, %convert_element_type3A, %cond3A : i32
    scf.if %cond3A_26 {
      %swap3A = arith.index_cast %mul3A_24 : i32 to index
      %swap3A_31 = arith.constant 0 : index
      %swap3A_32 = vector.load %arg6[%swap3A, %swap3A_31] : memref<10240x1024xf32, #tpu.memory_space<vmem>>, vector<256x1024xf32>
      tpu.vector_store %arg6[%swap3A, %swap3A_31], %dot_general3A_22 {strides = array<i32>} : memref<10240x1024xf32, #tpu.memory_space<vmem>>, vector<256x1024xf32>,
    } else {
    }
    %ne3A = arith.constant 0 : i32
    %ne3A_27 = arith.cmpi ne, %arg0, %ne3A : i32
    %convert_element_type3A_28 = arith.extui %ne3A_27 : i1 to i32
    %cond3A_29 = arith.constant 0 : i32
    %cond3A_30 = arith.cmpi ne, %convert_element_type3A_28, %cond3A_29 : i32
    scf.if %cond3A_30 {
      %get3A_31 = arith.index_cast %mul3A_24 : i32 to index
      %get3A_32 = arith.constant 0 : index
      %get3A_33 = vector.load %arg6[%get3A_31, %get3A_32] : memref<10240x1024xf32, #tpu.memory_space<vmem>>, vector<256x1024xf32>
      %add3A_34 = arith.addf %get3A_33, %dot_general3A_22 : vector<256x1024xf32>
      %swap3A = arith.index_cast %mul3A_24 : i32 to index
      %swap3A_35 = arith.constant 0 : index
      %swap3A_36 = vector.load %arg6[%swap3A, %swap3A_35] : memref<10240x1024xf32, #tpu.memory_space<vmem>>, vector<256x1024xf32>
      tpu.vector_store %arg6[%swap3A, %swap3A_35], %add3A_34 {strides = array<i32>} : memref<10240x1024xf32, #tpu.memory_space<vmem>>, vector<256x1024xf32>,
    } else {
    }
    return
  }
  func.func @transform_0(%arg0: i32, %arg1: i32, %arg2: memref<40x1xi32, #tpu.memory_space<smem>>) -> (i32, i32) {
    %c0_i32 = arith.constant 0 : i32
    %c0_i32_0 = arith.constant 0 : i32
    return %arg1, %c0_i32 : i32, i32
  }
  func.func @transform_1(%arg0: i32, %arg1: i32, %arg2: memref<40x1xi32, #tpu.memory_space<smem>>) -> (i32, i32, i32) {
    %get3A = arith.index_cast %arg1 : i32 to index
    %get3A_0 = arith.constant 0 : index
    %get3A_1 = memref.load %arg2[%get3A, %get3A_0] : memref<40x1xi32, #tpu.memory_space<smem>>
    %c0_i32 = arith.constant 0 : i32
    %c0_i32_2 = arith.constant 0 : i32
    return %get3A_1, %arg0, %c0_i32 : i32, i32, i32
  }
  func.func @transform_2(%arg0: i32, %arg1: i32, %arg2: memref<40x1xi32, #tpu.memory_space<smem>>) -> (i32, i32, i32) {
    %get3A = arith.index_cast %arg1 : i32 to index
    %get3A_0 = arith.constant 0 : index
    %get3A_1 = memref.load %arg2[%get3A, %get3A_0] : memref<40x1xi32, #tpu.memory_space<smem>>
    %c0_i32 = arith.constant 0 : i32
    %c0_i32_2 = arith.constant 0 : i32
    return %get3A_1, %c0_i32, %arg0 : i32, i32, i32
  }
  func.func @transform_3(%arg0: i32, %arg1: i32, %arg2: memref<40x1xi32, #tpu.memory_space<smem>>) -> (i32, i32) {
    %c0_i32 = arith.constant 0 : i32
    %c0_i32_0 = arith.constant 0 : i32
    %c0_i32_1 = arith.constant 0 : i32
    return %c0_i32, %c0_i32_0 : i32, i32
  }
}

</mosaic_0001>

<sc_bundles>
// kernel: kernel.6.cloned.1.call-start
scs
__scs_entry_jumppad:
0x0: {  	(pc) =	sbr.rel $0x88, $3  }
0x1: {  	(tag) =	ssettag $0x0;
	lr =	simm.s32 $0x1  }
0x2: {  	[smem:$0x3F9D] =	sst lr;
	_ =	strace $0xD0000000  }
0x3: {  	_ = 	snop  }
0x4: {  	_ = 	snop  }
0x5: {  	_ = 	snop  }
0x6: {  	_ = 	snop  }
0x7: {  	_ = 	snop  }
__scs_overlays_trampoline_lowered:
0x8: {  	[smem:$0x3FAC] =	sst s0  }
0x9: {  	[smem:$0x3FAD] =	sst s1  }
0xa: {  	[smem:$0x3FAE] =	sst s2  }
0xb: {  	[smem:$0x3FAF] =	sst s3  }
0xc: {  	[smem:$0x3FB0] =	sst s4  }
0xd: {  	[smem:$0x3FB1] =	sst s5  }
0xe: {  	[smem:$0x3FB2] =	sst s6  }
0xf: {  	[smem:$0x3FB3] =	sst s7  }
0x10: {  	[smem:$0x3FB4] =	sst s8  }
0x11: {  	[smem:$0x3FB5] =	sst s9;
	s0 =	simm.s32 @!p0 $0x0  }
0x12: {  	s1 =	sld [smem:$0x3F9B];
	s0 =	simm.s32 @p0 $0x1  }
0x13: {  	[smem:$0x3FB6] =	sst s0;
	s0 =	simm.s32 @!p1 $0x0  }
0x14: {  	s2 =	sld [smem:$0x3F9A];
	s0 =	simm.s32 @p1 $0x1  }
0x15: {  	[smem:$0x3FB7] =	sst s0;
	s0 =	simm.s32 @!p2 $0x0  }
0x16: {  	s3 =	sld [smem:$0x3FDB];
	s0 =	simm.s32 @p2 $0x1  }
0x17: {  	s4 =	simm.s32 $0x1BF5;
	[smem:$0x3FB9] =	sst s0  }
0x18: {  	s0 =	sld [smem:$0x3F9C];
	_ =	swait.ge [sflag:s4], $0x0  }
0x19: {  	s7 =	sld [smem:$0x3F9D]  }
0x1a: {  	s8 =	sadd.s32 $0xFFFFE003, lr  }
0x1b: {  	s9 =	sadd.s32 $0xFFFFFEF7, lr;
	s5 =	simm.s32 $0xFFFFFFFF;
	p2 =	slt.u32 s8, $0xFFFFF086  }
0x1c: {  	p1 =	slt.u32 s9, $0xF7A;
	s5 =	simm.s32 @!p2 $0x0  }
0x1d: {  	s5 =	simm.s32 @p1 $0x1;
	p0 =	seq.s32 s7, s2  }
0x1e: {  	s7 =	smul.u32 @!p0 $0xF7A, s2;
	p2 =	seq.s32 @!p0 s5, $0x0  }
0x1f: {  	s9 =	smul.u32 $0xF7A, s1;
	s8 =	simm.s32 @!p0 $0x1BF5;
	p2 =	por !p2, p0  }
0x20: {  	[sflag:s8] =	ssyncset.s32 @!p0 $0xFFFFF086;
	s6 =	sadd.s32 @!p0 s3, s7;
	s7 =	simm.s32 @!p0 $0x108  }
0x21: {  	s3 =	sadd.s32 s3, s9;
	s6 =	sadd.s32 @!p0 $0x88, s6;
	s7 =	simm.s32 @p2 $0x1082  }
0x22: {  	[simem:s7], [sflag:s8] =	dma.local @!p0 [hbm:s6], $0xF7A  }
0x23: {  	s9 =	sor.u32 $0xD0000000, s2;
	s6 =	simm.s32 $0x108;
	_ =	swait.ge @!p0 [sflag:s8], $0x0  }
0x24: {  	s3 =	sadd.s32 $0x88, s3;
	s6 =	simm.s32 @!p1 $0x1082;
	[sflag:s4] =	ssyncset.s32 $0xFFFFF086  }
0x25: {  	[simem:s6], [sflag:s4] =	dma.local [hbm:s3], $0xF7A  }
0x26: {  	[smem:$0x3F9D] =	sst s1;
	(tag) =	ssettag s2;
	_ =	strace s9  }
0x27: {  	s1 =	sld [smem:$0x3FAD]  }
0x28: {  	s2 =	sld [smem:$0x3FAE]  }
0x29: {  	s4 =	sld [smem:$0x3FB0]  }
0x2a: {  	p0 =	seq.s32 s5, $0x0;
	s5 =	sld [smem:$0x3FB1]  }
0x2b: {  	s6 =	sld [smem:$0x3FB2]  }
0x2c: {  	s7 =	sld [smem:$0x3FB3]  }
0x2d: {  	s3 =	simm.s32 $0x108;
	s8 =	sld [smem:$0x3FB4]  }
0x2e: {  	s3 =	simm.s32 @!p0 $0x1082;
	s9 =	sld [smem:$0x3FB5]  }
0x2f: {  	lr =	sadd.s32 s0, s3;
	s0 =	sld [smem:$0x3FAC]  }
0x30: {  	s3 =	sld [smem:$0x3FAF]  }
0x31: {  	[smem:$0x3FB8] =	sst s10  }
0x32: {  	s10 =	sld [smem:$0x3FB6];
	_ =	sdelay $0x3  }
0x33: {  	p0 =	seq.s32 s10, $0x1;
	s10 =	sld [smem:$0x3FB8];
	_ =	sdelay $0x3  }
0x34: {  	[smem:$0x3FB8] =	sst s10  }
0x35: {  	s10 =	sld [smem:$0x3FB7];
	_ =	sdelay $0x3  }
0x36: {  	p1 =	seq.s32 s10, $0x1;
	s10 =	sld [smem:$0x3FB8];
	_ =	sdelay $0x3  }
0x37: {  	[smem:$0x3FB8] =	sst s10  }
0x38: {  	s10 =	sld [smem:$0x3FB9]  }
0x39: {  	_ = 	snop;
	(pc) =	sbr.ind lr, $3  }
0x3a: {  	_ = 	snop  }
0x3b: {  	_ = 	snop  }
0x3c: {  	p2 =	seq.s32 s10, $0x1;
	s10 =	sld [smem:$0x3FB8]  }
0x3d: {  	_ =	shalt  }
0x3e: {  	_ =	shalt  }
0x3f: {  	_ =	shalt  }
0x40: {  	_ =	shalt  }
0x41: {  	_ =	shalt  }
0x42: {  	_ =	shalt  }
0x43: {  	_ =	shalt  }
0x44: {  	_ =	shalt  }
0x45: {  	_ =	shalt  }
0x46: {  	_ =	shalt  }
0x47: {  	_ =	shalt  }
0x48: {  	_ =	shalt  }
0x49: {  	_ =	shalt  }
0x4a: {  	_ =	shalt  }
0x4b: {  	_ =	shalt  }
0x4c: {  	_ =	shalt  }
0x4d: {  	_ =	shalt  }
0x4e: {  	_ =	shalt  }
0x4f: {  	_ =	shalt  }
0x50: {  	_ =	shalt  }
0x51: {  	_ =	shalt  }
0x52: {  	_ =	shalt  }
0x53: {  	_ =	shalt  }
0x54: {  	_ =	shalt  }
0x55: {  	_ =	shalt  }
0x56: {  	_ =	shalt  }
0x57: {  	_ =	shalt  }
0x58: {  	_ =	shalt  }
0x59: {  	_ =	shalt  }
0x5a: {  	_ =	shalt  }
0x5b: {  	_ =	shalt  }
0x5c: {  	_ =	shalt  }
0x5d: {  	_ =	shalt  }
0x5e: {  	_ =	shalt  }
0x5f: {  	_ =	shalt  }
0x60: {  	_ =	shalt  }
0x61: {  	_ =	shalt  }
0x62: {  	_ =	shalt  }
0x63: {  	_ =	shalt  }
0x64: {  	_ =	shalt  }
0x65: {  	_ =	shalt  }
0x66: {  	_ =	shalt  }
0x67: {  	_ =	shalt  }
0x68: {  	_ =	shalt  }
0x69: {  	_ =	shalt  }
0x6a: {  	_ =	shalt  }
0x6b: {  	_ =	shalt  }
0x6c: {  	_ =	shalt  }
0x6d: {  	_ =	shalt  }
0x6e: {  	_ =	shalt  }
0x6f: {  	_ =	shalt  }
0x70: {  	_ =	shalt  }
0x71: {  	_ =	shalt  }
0x72: {  	_ =	shalt  }
0x73: {  	_ =	shalt  }
0x74: {  	_ =	shalt  }
0x75: {  	_ =	shalt  }
0x76: {  	_ =	shalt  }
0x77: {  	_ =	shalt  }
0x78: {  	_ =	shalt  }
0x79: {  	_ =	shalt  }
0x7a: {  	_ =	shalt  }
0x7b: {  	_ =	shalt  }
0x7c: {  	_ =	shalt  }
0x7d: {  	_ =	shalt  }
0x7e: {  	_ =	shalt  }
0x7f: {  	_ =	shalt  }
0x80: {  	_ =	shalt  }
0x81: {  	_ =	shalt  }
0x82: {  	_ =	shalt  }
0x83: {  	_ =	shalt  }
0x84: {  	_ =	shalt  }
0x85: {  	_ =	shalt  }
0x86: {  	_ =	shalt  }
0x87: {  	_ =	shalt  }
.Lfunc_end0:
.L_simem_size_0:
called_computation_lowered:
.L_overlay_start_0:
0x88: {  	s2 =	sld [smem:$0x3FD9]  }
0x89: {  	s3 =	sld [smem:$0x3FFE];
	_ =	sdelay $0x1  }
0x8a: {  	s1 =	srdreg.scid  }
0x8b: {  	s0 =	sand.u32 $0x1, s1  }
0x8c: {  	s17 =	sshll.u32 s0, $0xA;
	s2 =	sadd.s32 s3, s2  }
0x8d: {  	s2 =	sadd.s32 s2, s17  }
0x8e: {  	[smem:$0x3FC4] =	sst s2  }
0x8f: {  	_ = 	snop  }
0x90: {  	s2 =	sld [smem:$0x3FC9];
	(tm) =	ssettm $0x1  }
0x91: {  	s18 =	sld [smem:$0x3FFB];
	_ =	sdelay $0x3  }
0x92: {  	_ =	strace s18  }
0x93: {  	s3 =	sld [smem:$0x3FFC];
	_ =	sdelay $0x3  }
0x94: {  	_ =	strace s3  }
0x95: {  	s3 =	sld [smem:$0x3FFD];
	_ =	sdelay $0x3  }
0x96: {  	_ =	strace s3  }
0x97: {  	_ =	strace $0x8FFFFFFF  }
0x98: {  	s19 =	sld [smem:$0x3FDB];
	_ =	sdelay $0x1  }
0x99: {  	s4 =	simm.s32 $_scs_section_size  }
0x9a: {  	s5 =	simm.s32 $_size__tile_overlayer_lowered;
	s6 =	simm.s32 $_tile_overlayer_lowered  }
0x9b: {  	s22 =	simm.s32 $0x1BFF;
	s21 =	sshll.u32 s6, $0x1;
	s3 =	sadd.s32 s4, s19  }
0x9c: {  	s7 =	simm.s32 $0x0;
	s20 =	sshll.u32 s5, $0x1;
	s5 =	sadd.s32 s21, s3  }
0x9d: {  	[timem:s7], [sflag:s22] =	dma.local [hbm:s5], s20  }
0x9e: {  	_ =	swait.ge [sflag:s22], s20  }
0x9f: {  	s4 =	ssub.s32 $0x0, s20;
	[sflag:s22] =	ssyncset.done $0x0  }
0xa0: {  	[sflag:s22] =	ssyncadd.s32 s4;
	_ =	sdelay $0x1  }
0xa1: {  	s23 =	simm.s32 $0x1B8B  }
0xa2: {  	_ =	swait.ge [sflag:s23], $0x1  }
0xa3: {  	[sflag:s23] =	ssyncset.done $0x0  }
0xa4: {  	s25 =	simm.s32 $0x1B8E;
	s24 =	sld [smem:$0x3FFE];
	[sflag:s23] =	ssyncadd.s32 $0xFFFFFFFF  }
0xa5: {  	s26 =	simm.s32 $execute0_lowered;
	[smem:$0x3FD2] =	sst s25  }
0xa6: {  	s5 =	sshll.u32 s26, $0x1;
	_ =	strace $0x80000046;
	[dreg:$0x1] =	wrdreg $0xFFFFFFFF  }
0xa7: {  	s28 =	simm.s32 $_size_execute0_lowered;
	s3 =	sadd.s32 s3, s5;
	[dreg:$0x0] =	wrdreg $0x0  }
0xa8: {  	s5 =	sshll.u32 s28, $0x1;
	[dreg:$0x2] =	wrdreg s3  }
0xa9: {  	[dreg:$0x3] =	wrdreg s5  }
0xaa: {  	[dreg:$0x4] =	wrdreg $0xC0  }
0xab: {  	_ =	task [dreg:s7], $0x5FFFF  }
0xac: {  	[dreg:$0x1] =	wrdreg $0xFFFFFFFF  }
0xad: {  	[dreg:$0x0] =	wrdreg $0x60  }
0xae: {  	[dreg:$0x2] =	wrdreg s2  }
0xaf: {  	[dreg:$0x3] =	wrdreg s24  }
0xb0: {  	[dreg:$0x4] =	wrdreg $0x9  }
0xb1: {  	_ =	task.clear_ibuf [dreg:s7], $0x5FFFF;
	_ =	strace $0x90000046  }
0xb2: {  	s29 =	simm.s32 $0x9;
	_ =	strace $0x80000048  }
0xb3: {  	_ =	swait.ge [sflag:s29], $0x1  }
0xb4: {  	[sflag:s29] =	ssyncadd.s32 $0xFFFFFFFF  }
0xb5: {  	_ =	strace $0x90000048  }
0xb6: {  	_ =	sfence  }
0xb7: {  	s30 =	sld [smem:$0x0];
	_ =	sdelay $0x2  }
0xb8: {  	s31 =	sshll.u32 s1, $0xD;
	s1 =	sshrl.u32 s1, $0x2  }
0xb9: {  	s3 =	sand.u32 $0x4000, s31;
	s1 =	sadd.s32 s1, s30  }
0xba: {  	s0 =	sor.u32 s3, s0;
	s1 =	sshll.u32 s1, $0x11  }
0xbb: {  	s0 =	sor.u32 s1, s0  }
0xbc: {  	s0 =	sadd.s32 $0x8F2B, s0  }
0xbd: {  	[sflag:s0] =	ssyncadd.remote.s32 $0x1  }
0xbe: {  	_ =	sfence.sel $0xFFFF  }
0xbf: {  	[dreg:$0x0] =	wrdreg $0xFFFFFFFF;
	(pc) =	sbr.abs _section_cstart, $3  }
0xc0: {  	[dreg:$0x1] =	wrdreg $0xFFFFFFFF  }
0xc1: {  	_ =	task.clear_ibuf [dreg:s7], $0x2FFFF;
	_ =	strace $0x9FFFFFFF  }
0xc2: {  	(tm) =	ssettm $0x7FFFFFFF  }
0xc3: {  	_ =	shalt  }
tec
execute0_lowered:
.L_overlay_start_1:
0x0: {  	(tag) =	ssettag $0x1  }
0x1: {  	s1 =	rddreg [dreg:$0x0]  }
0x2: {  	s0 =	rddreg [dreg:$0x1];
	s3 =	simm.s32 $0x0;
	s2 =	srdreg.scid  }
0x3: {  	s4 =	stileid.u32;
	s18 =	simm.s32 $0x2000;
	s19 =	simm.s32 $0x1  }
0x4: {  	s11 =	simm.s32 $0x2;
	s2 =	sand.u32 $0x1, s2;
	s4 =	sshll.u32 s4, $0x1  }
0x5: {  	[smem:$0x7FF] =	sst s3;
	s5 =	sadd.s32 $0x1000, s0;
	s4 =	sor.u32 s2, s4  }
0x6: {  	s0 =	sadd.s32 $0x1400, s0;
	s2 =	ssub.s32 $0x2, s2;
	s7 =	smul.u32 $0xA000, s4  }
0x7: {  	_ =	strace $0x80000047;
	s24 =	sshrl.u32 s2, $0x1;
	s8 =	smul.u32 $0x50000, s4  }
0x8: {  	[dreg:$0x3] =	wrdreg s5;
	s2 =	ssub.s32 s2, s24;
	s9 =	sadd.s32 s0, s7  }
0x9: {  	s25 =	sshrl.u32 s8, $0x3;
	s31 =	smax.u32 s2, $0x1;
	[dreg:$0x4] =	wrdreg s9  }
0xa: {  	s9 =	sadd.s32 $0x1400, s9;
	s0 =	sadd.s32 s0, s25;
	[dreg:$0xc] =	wrdreg s31  }
0xb: {  	s12 =	simm.s32 $0x3;
	[dreg:$0x5] =	wrdreg s9;
	s7 =	sadd.s32 $0x2800, s0  }
0xc: {  	s13 =	simm.s32 $0x4;
	s26 =	sadd.s32 $0x3C00, s0;
	[dreg:$0x6] =	wrdreg s7  }
0xd: {  	s16 =	simm.s32 $0x0;
	s28 =	sadd.s32 $0x5000, s0;
	[dreg:$0x7] =	wrdreg s26  }
0xe: {  	s15 =	simm.s32 $0x2180;
	s29 =	sadd.s32 $0x6400, s0;
	[dreg:$0x8] =	wrdreg s28  }
0xf: {  	v1 =	vlaneseq.u32;
	v2 =	vimm.s32 $0x0;
	s4 =	smul.u32 $0x140, s4;
	s30 =	sadd.s32 $0x7800, s0;
	[dreg:$0x9] =	wrdreg s29  }
0x10: {  	vm0 =	vmmov $0xffff;
	s6 =	sadd.s32 $0x200, s1;
	v3 =	vand.u32 $0x7, v1;
	v4 =	vshrl.u32 v1, $0x3;
	s0 =	sadd.s32 $0x8C00, s0;
	[dreg:$0xa] =	wrdreg s30  }
0x11: {  	v5 =	vor.u32 $0x8, v1;
	s5 =	sadd.s32 $0x100, s1;
	v4 =	vmul.u32 $0x8, v4;
	s8 =	sadd.s32 $0x300, s1;
	v0 =	vmov s4;
	[dreg:$0xb] =	wrdreg s0  }
.LBB2_1:
0x12: {  	s7 =	rddreg [dreg:$0x3];
	s31 =	simm.s32 $0x5  }
0x13: {  	[tilespmem:s3], [sflag:$0x5] =	stream.linear.gather [hbm4b:s7+s3], $0x2000, $0x38;
	[tilespmem:$0x16180] =	vst v63  }
0x14: {  	_ =	swait.ge [sflag:s31], $0x2000  }
0x15: {  	[sflag:s31] =	ssyncset.done $0x0  }
0x16: {  	[sflag:s31] =	ssyncadd.s32 $0xFFFFE000  }
0x17: {  	[tilespmem:$0x2000] =	vst v2  }
0x18: {  	[tilespmem:$0x2010] =	vst v2  }
0x19: {  	[tilespmem:$0x2020] =	vst v2  }
0x1a: {  	[tilespmem:$0x2030] =	vst v2  }
0x1b: {  	[tilespmem:$0x2040] =	vst v2  }
0x1c: {  	[tilespmem:$0x2050] =	vst v2  }
0x1d: {  	[tilespmem:$0x2060] =	vst v2  }
0x1e: {  	[tilespmem:$0x2070] =	vst v2  }
0x1f: {  	[tilespmem:$0x2080] =	vst v2  }
0x20: {  	[tilespmem:$0x2090] =	vst v2  }
0x21: {  	[tilespmem:$0x20A0] =	vst v2  }
0x22: {  	[tilespmem:$0x20B0] =	vst v2  }
0x23: {  	[tilespmem:$0x20C0] =	vst v2  }
0x24: {  	[tilespmem:$0x20D0] =	vst v2  }
0x25: {  	[tilespmem:$0x20E0] =	vst v2  }
0x26: {  	[tilespmem:$0x20F0] =	vst v2  }
0x27: {  	[tilespmem:$0x2100] =	vst v2  }
0x28: {  	[tilespmem:$0x2110] =	vst v2  }
0x29: {  	[tilespmem:$0x2120] =	vst v2  }
0x2a: {  	s17 =	simm.s32 $0x70;
	s20 =	simm.s32 $0x40;
	s7 =	simm.s32 $0xFFFFFFF8;
	[tilespmem:$0x2130] =	vst v2  }
.LBB2_2:
0x2b: {  	v6 =	vld [tilespmem:s20+$0xFFFFFFC0];
	_ =	sdelay $0x4  }
0x2c: {  	v6 =	vsub.s32 v6, v0  }
0x2d: {  	vm1 =	vgt.s32 v6, $0x0  }
0x2e: {  	vm2 =	vlt.u32 v6, $0x140;
	v6 =	vnsel vm1, $0x0, v6  }
0x2f: {  	v6 =	vmin.u32 v6, $0x13F;
	_ =	sdelay $0x1  }
0x30: {  	s21 =	sadd.s32 $0xFFFFFF90, s17  }
0x31: {  	v7 =	vor.u32 s21, v1  }
0x32: {  	v7 =	vshrl.u32 v7, $0x1  }
0x33: {  	[tilespmem:v6+s18+$0x0] =	vst.idx.msk vm2, v7  }
0x34: {  	v6 =	vld [tilespmem:s20+$0xFFFFFFD0];
	_ =	sdelay $0x4  }
0x35: {  	v6 =	vsub.s32 v6, v0  }
0x36: {  	vm1 =	vgt.s32 v6, $0x0  }
0x37: {  	vm2 =	vlt.u32 v6, $0x140;
	v6 =	vnsel vm1, $0x0, v6  }
0x38: {  	v6 =	vmin.u32 v6, $0x13F;
	_ =	sdelay $0x1  }
0x39: {  	s25 =	sadd.s32 $0xFFFFFFA0, s17  }
0x3a: {  	v7 =	vor.u32 s25, v1  }
0x3b: {  	v7 =	vshrl.u32 v7, $0x1  }
0x3c: {  	[tilespmem:v6+s18+$0x0] =	vst.idx.msk vm2, v7  }
0x3d: {  	v6 =	vld [tilespmem:s20+$0xFFFFFFE0];
	_ =	sdelay $0x4  }
0x3e: {  	v6 =	vsub.s32 v6, v0  }
0x3f: {  	vm1 =	vgt.s32 v6, $0x0  }
0x40: {  	vm2 =	vlt.u32 v6, $0x140;
	v6 =	vnsel vm1, $0x0, v6  }
0x41: {  	v6 =	vmin.u32 v6, $0x13F;
	_ =	sdelay $0x1  }
0x42: {  	s26 =	sadd.s32 $0xFFFFFFB0, s17  }
0x43: {  	v7 =	vor.u32 s26, v1  }
0x44: {  	v7 =	vshrl.u32 v7, $0x1  }
0x45: {  	[tilespmem:v6+s18+$0x0] =	vst.idx.msk vm2, v7  }
0x46: {  	v6 =	vld [tilespmem:s20+$0xFFFFFFF0];
	_ =	sdelay $0x4  }
0x47: {  	v6 =	vsub.s32 v6, v0  }
0x48: {  	vm1 =	vgt.s32 v6, $0x0  }
0x49: {  	vm2 =	vlt.u32 v6, $0x140;
	v6 =	vnsel vm1, $0x0, v6  }
0x4a: {  	v6 =	vmin.u32 v6, $0x13F;
	_ =	sdelay $0x1  }
0x4b: {  	s28 =	sadd.s32 $0xFFFFFFC0, s17  }
0x4c: {  	v7 =	vor.u32 s28, v1  }
0x4d: {  	v7 =	vshrl.u32 v7, $0x1  }
0x4e: {  	[tilespmem:v6+s18+$0x0] =	vst.idx.msk vm2, v7  }
0x4f: {  	v6 =	vld [tilespmem:s20+$0x0];
	_ =	sdelay $0x4  }
0x50: {  	v6 =	vsub.s32 v6, v0  }
0x51: {  	vm1 =	vgt.s32 v6, $0x0  }
0x52: {  	vm2 =	vlt.u32 v6, $0x140;
	v6 =	vnsel vm1, $0x0, v6  }
0x53: {  	v6 =	vmin.u32 v6, $0x13F;
	_ =	sdelay $0x1  }
0x54: {  	s29 =	sadd.s32 $0xFFFFFFD0, s17  }
0x55: {  	v7 =	vor.u32 s29, v1  }
0x56: {  	v7 =	vshrl.u32 v7, $0x1  }
0x57: {  	[tilespmem:v6+s18+$0x0] =	vst.idx.msk vm2, v7  }
0x58: {  	v6 =	vld [tilespmem:s20+$0x10];
	_ =	sdelay $0x4  }
0x59: {  	v6 =	vsub.s32 v6, v0  }
0x5a: {  	vm1 =	vgt.s32 v6, $0x0  }
0x5b: {  	vm2 =	vlt.u32 v6, $0x140;
	v6 =	vnsel vm1, $0x0, v6  }
0x5c: {  	v6 =	vmin.u32 v6, $0x13F;
	_ =	sdelay $0x1  }
0x5d: {  	s30 =	sadd.s32 $0xFFFFFFE0, s17  }
0x5e: {  	v7 =	vor.u32 s30, v1  }
0x5f: {  	v7 =	vshrl.u32 v7, $0x1  }
0x60: {  	[tilespmem:v6+s18+$0x0] =	vst.idx.msk vm2, v7  }
0x61: {  	v6 =	vld [tilespmem:s20+$0x20];
	_ =	sdelay $0x4  }
0x62: {  	v6 =	vsub.s32 v6, v0  }
0x63: {  	vm1 =	vgt.s32 v6, $0x0  }
0x64: {  	vm2 =	vlt.u32 v6, $0x140;
	v6 =	vnsel vm1, $0x0, v6  }
0x65: {  	v6 =	vmin.u32 v6, $0x13F;
	_ =	sdelay $0x1  }
0x66: {  	s31 =	sadd.s32 $0xFFFFFFF0, s17  }
0x67: {  	v7 =	vor.u32 s31, v1  }
0x68: {  	v7 =	vshrl.u32 v7, $0x1  }
0x69: {  	[tilespmem:v6+s18+$0x0] =	vst.idx.msk vm2, v7  }
0x6a: {  	v6 =	vld [tilespmem:s20+$0x30];
	_ =	sdelay $0x4  }
0x6b: {  	v6 =	vsub.s32 v6, v0  }
0x6c: {  	vm1 =	vgt.s32 v6, $0x0  }
0x6d: {  	s7 =	sadd.s32 $0x8, s7;
	vm2 =	vlt.u32 v6, $0x140;
	v6 =	vnsel vm1, $0x0, v6  }
0x6e: {  	p0 =	slt.u32 s7, $0x1F8;
	v6 =	vmin.u32 v6, $0x13F  }
.Ltmp0:
0x6f: {  	_ = 	snop;
	(pc) =	sbr.rel @p0 .LBB2_2-.Ltmp0, $4  }
0x70: {  	_ = 	snop  }
0x71: {  	v7 =	vor.u32 s17, v1  }
0x72: {  	v7 =	vshrl.u32 v7, $0x1  }
0x73: {  	s17 =	sadd.s32 $0x80, s17;
	s20 =	sadd.s32 $0x80, s20;
	[tilespmem:v6+s18+$0x0] =	vst.idx.msk vm2, v7  }
0x74: {  	v6 =	vld [tilespmem:$0x2000];
	_ =	sdelay $0x4  }
0x75: {  	v7 =	vshll.u32 v6, $0x3  }
0x76: {  	v6 =	vand.u32 $0x7, v6;
	v7 =	vand.u32 $0xFFFFFFC0, v7  }
0x77: {  	v6 =	vor.u32 v6, v7  }
0x78: {  	v7 =	vperm.xlane v6, v3;
	_ =	sdelay $0x1  }
0x79: {  	v7 =	vadd.s32 v4, v7;
	_ =	sdelay $0x4  }
0x7a: {  	[tilespmem:s15], [sflag:$0x1] =	stream.indirect_vreg.gather [hbm4b:s1+s3], $0x80, v7, vm0, $0xb8;
	[tilespmem:$0x16180] =	vst v63  }
0x7b: {  	s0 =	simm.s32 $0x2980;
	v6 =	vperm.xlane v6, v5  }
0x7c: {  	[tilespmem:s0], [sflag:$0x1] =	stream.indirect_vreg.gather [hbm4b:s5+s3], $0x80, v7, vm0, $0xb8;
	[tilespmem:$0x16180] =	vst v63  }
0x7d: {  	s17 =	simm.s32 $0x3180;
	v6 =	vadd.s32 v4, v6  }
0x7e: {  	[tilespmem:s17], [sflag:$0x1] =	stream.indirect_vreg.gather [hbm4b:s6+s3], $0x80, v7, vm0, $0xb8;
	[tilespmem:$0x16180] =	vst v63  }
0x7f: {  	s20 =	simm.s32 $0x3980  }
0x80: {  	[tilespmem:s20], [sflag:$0x1] =	stream.indirect_vreg.gather [hbm4b:s8+s3], $0x80, v7, vm0, $0xb8;
	[tilespmem:$0x16180] =	vst v63  }
0x81: {  	s21 =	simm.s32 $0x4180  }
0x82: {  	[tilespmem:s21], [sflag:$0x1] =	stream.indirect_vreg.gather [hbm4b:s1+s3], $0x80, v6, vm0, $0xb8;
	[tilespmem:$0x16180] =	vst v63  }
0x83: {  	s22 =	simm.s32 $0x4980  }
0x84: {  	[tilespmem:s22], [sflag:$0x1] =	stream.indirect_vreg.gather [hbm4b:s5+s3], $0x80, v6, vm0, $0xb8;
	[tilespmem:$0x16180] =	vst v63  }
0x85: {  	s23 =	simm.s32 $0x5180  }
0x86: {  	[tilespmem:s23], [sflag:$0x1] =	stream.indirect_vreg.gather [hbm4b:s6+s3], $0x80, v6, vm0, $0xb8;
	[tilespmem:$0x16180] =	vst v63  }
0x87: {  	s24 =	simm.s32 $0x5980  }
0x88: {  	[tilespmem:s24], [sflag:$0x1] =	stream.indirect_vreg.gather [hbm4b:s8+s3], $0x80, v6, vm0, $0xb8;
	[tilespmem:$0x16180] =	vst v63  }
0x89: {  	v6 =	vld [tilespmem:$0x2010];
	_ =	sdelay $0x4  }
0x8a: {  	v7 =	vshll.u32 v6, $0x3  }
0x8b: {  	v6 =	vand.u32 $0x7, v6;
	v7 =	vand.u32 $0xFFFFFFC0, v7  }
0x8c: {  	v6 =	vor.u32 v6, v7  }
0x8d: {  	v7 =	vperm.xlane v6, v3;
	_ =	sdelay $0x1  }
0x8e: {  	v7 =	vadd.s32 v4, v7;
	_ =	sdelay $0x3  }
0x8f: {  	s25 =	simm.s32 $0x6180  }
0x90: {  	[tilespmem:s25], [sflag:$0x1] =	stream.indirect_vreg.gather [hbm4b:s1+s3], $0x80, v7, vm0, $0xb8;
	[tilespmem:$0x16180] =	vst v63  }
0x91: {  	s26 =	simm.s32 $0x6980;
	v6 =	vperm.xlane v6, v5  }
0x92: {  	[tilespmem:s26], [sflag:$0x1] =	stream.indirect_vreg.gather [hbm4b:s5+s3], $0x80, v7, vm0, $0xb8;
	[tilespmem:$0x16180] =	vst v63  }
0x93: {  	s28 =	simm.s32 $0x7180;
	v6 =	vadd.s32 v4, v6  }
0x94: {  	[tilespmem:s28], [sflag:$0x1] =	stream.indirect_vreg.gather [hbm4b:s6+s3], $0x80, v7, vm0, $0xb8;
	[tilespmem:$0x16180] =	vst v63  }
0x95: {  	s29 =	simm.s32 $0x7980  }
0x96: {  	[tilespmem:s29], [sflag:$0x1] =	stream.indirect_vreg.gather [hbm4b:s8+s3], $0x80, v7, vm0, $0xb8;
	[tilespmem:$0x16180] =	vst v63  }
0x97: {  	s30 =	simm.s32 $0x8180  }
0x98: {  	[tilespmem:s30], [sflag:$0x1] =	stream.indirect_vreg.gather [hbm4b:s1+s3], $0x80, v6, vm0, $0xb8;
	[tilespmem:$0x16180] =	vst v63  }
0x99: {  	s31 =	simm.s32 $0x8980  }
0x9a: {  	[tilespmem:s31], [sflag:$0x1] =	stream.indirect_vreg.gather [hbm4b:s5+s3], $0x80, v6, vm0, $0xb8;
	[tilespmem:$0x16180] =	vst v63  }
0x9b: {  	s4 =	simm.s32 $0x9180  }
0x9c: {  	[tilespmem:s4], [sflag:$0x1] =	stream.indirect_vreg.gather [hbm4b:s6+s3], $0x80, v6, vm0, $0xb8;
	[tilespmem:$0x16180] =	vst v63  }
0x9d: {  	s7 =	simm.s32 $0x9980  }
0x9e: {  	[tilespmem:s7], [sflag:$0x1] =	stream.indirect_vreg.gather [hbm4b:s8+s3], $0x80, v6, vm0, $0xb8;
	[tilespmem:$0x16180] =	vst v63  }
0x9f: {  	v6 =	vld.msk [tilespmem:$0x2020], $0xff;
	_ =	sdelay $0x4  }
0xa0: {  	v7 =	vshll.u32 v6, $0x3  }
0xa1: {  	v6 =	vand.u32 $0x7, v6;
	v7 =	vand.u32 $0xFFFFFFC0, v7  }
0xa2: {  	v6 =	vor.u32 v6, v7  }
0xa3: {  	v6 =	vperm.xlane v6, v3;
	_ =	sdelay $0x1  }
0xa4: {  	v6 =	vadd.s32 v4, v6;
	_ =	sdelay $0x3  }
0xa5: {  	s9 =	simm.s32 $0xA180  }
0xa6: {  	[tilespmem:s9], [sflag:$0x1] =	stream.indirect_vreg.gather [hbm4b:s1+s3], $0x80, v6, vm0, $0xb8;
	[tilespmem:$0x16180] =	vst v63  }
0xa7: {  	s10 =	simm.s32 $0xA980  }
0xa8: {  	[tilespmem:s10], [sflag:$0x1] =	stream.indirect_vreg.gather [hbm4b:s5+s3], $0x80, v6, vm0, $0xb8;
	[tilespmem:$0x16180] =	vst v63  }
0xa9: {  	s14 =	simm.s32 $0xB180  }
0xaa: {  	[tilespmem:s14], [sflag:$0x1] =	stream.indirect_vreg.gather [hbm4b:s6+s3], $0x80, v6, vm0, $0xb8;
	[tilespmem:$0x16180] =	vst v63  }
0xab: {  	s17 =	simm.s32 $0xB980  }
0xac: {  	[tilespmem:s17], [sflag:$0x1] =	stream.indirect_vreg.gather [hbm4b:s8+s3], $0x80, v6, vm0, $0xb8;
	[tilespmem:$0x16180] =	vst v63  }
0xad: {  	_ =	swait.ge [sflag:s19], $0xA000  }
0xae: {  	[sflag:s19] =	ssyncset.done $0x0  }
0xaf: {  	[sflag:s19] =	ssyncadd.s32 $0xFFFF6000  }
0xb0: {  	v6 =	vld [tilespmem:$0x2028];
	_ =	sdelay $0x4  }
0xb1: {  	v7 =	vshll.u32 v6, $0x3  }
0xb2: {  	v6 =	vand.u32 $0x7, v6;
	v7 =	vand.u32 $0xFFFFFFC0, v7  }
0xb3: {  	v6 =	vor.u32 v6, v7  }
0xb4: {  	v7 =	vperm.xlane v6, v3;
	_ =	sdelay $0x1  }
0xb5: {  	v7 =	vadd.s32 v4, v7;
	_ =	sdelay $0x3  }
0xb6: {  	s0 =	simm.s32 $0xC180  }
0xb7: {  	[tilespmem:s0], [sflag:$0x2] =	stream.indirect_vreg.gather [hbm4b:s1+s3], $0x80, v7, vm0, $0xb8;
	[tilespmem:$0x16180] =	vst v63  }
0xb8: {  	s7 =	simm.s32 $0xC980;
	v6 =	vperm.xlane v6, v5  }
0xb9: {  	[tilespmem:s7], [sflag:$0x2] =	stream.indirect_vreg.gather [hbm4b:s5+s3], $0x80, v7, vm0, $0xb8;
	[tilespmem:$0x16180] =	vst v63  }
0xba: {  	s20 =	simm.s32 $0xD180;
	v6 =	vadd.s32 v4, v6  }
0xbb: {  	[tilespmem:s20], [sflag:$0x2] =	stream.indirect_vreg.gather [hbm4b:s6+s3], $0x80, v7, vm0, $0xb8;
	[tilespmem:$0x16180] =	vst v63  }
0xbc: {  	s21 =	simm.s32 $0xD980  }
0xbd: {  	[tilespmem:s21], [sflag:$0x2] =	stream.indirect_vreg.gather [hbm4b:s8+s3], $0x80, v7, vm0, $0xb8;
	[tilespmem:$0x16180] =	vst v63  }
0xbe: {  	s22 =	simm.s32 $0xE180  }
0xbf: {  	[tilespmem:s22], [sflag:$0x2] =	stream.indirect_vreg.gather [hbm4b:s1+s3], $0x80, v6, vm0, $0xb8;
	[tilespmem:$0x16180] =	vst v63  }
0xc0: {  	s26 =	simm.s32 $0xE980  }
0xc1: {  	[tilespmem:s26], [sflag:$0x2] =	stream.indirect_vreg.gather [hbm4b:s5+s3], $0x80, v6, vm0, $0xb8;
	[tilespmem:$0x16180] =	vst v63  }
0xc2: {  	s28 =	simm.s32 $0xF180  }
0xc3: {  	[tilespmem:s28], [sflag:$0x2] =	stream.indirect_vreg.gather [hbm4b:s6+s3], $0x80, v6, vm0, $0xb8;
	[tilespmem:$0x16180] =	vst v63  }
0xc4: {  	s30 =	simm.s32 $0xF980  }
0xc5: {  	[tilespmem:s30], [sflag:$0x2] =	stream.indirect_vreg.gather [hbm4b:s8+s3], $0x80, v6, vm0, $0xb8;
	[tilespmem:$0x16180] =	vst v63  }
0xc6: {  	v6 =	vld [tilespmem:$0x2038];
	_ =	sdelay $0x4  }
0xc7: {  	v7 =	vshll.u32 v6, $0x3  }
0xc8: {  	v6 =	vand.u32 $0x7, v6;
	v7 =	vand.u32 $0xFFFFFFC0, v7  }
0xc9: {  	v6 =	vor.u32 v6, v7  }
0xca: {  	v7 =	vperm.xlane v6, v3;
	_ =	sdelay $0x1  }
0xcb: {  	v7 =	vadd.s32 v4, v7;
	_ =	sdelay $0x3  }
0xcc: {  	s31 =	simm.s32 $0x10180  }
0xcd: {  	[tilespmem:s31], [sflag:$0x2] =	stream.indirect_vreg.gather [hbm4b:s1+s3], $0x80, v7, vm0, $0xb8;
	[tilespmem:$0x16180] =	vst v63  }
0xce: {  	s4 =	simm.s32 $0x10980;
	v6 =	vperm.xlane v6, v5  }
0xcf: {  	[tilespmem:s4], [sflag:$0x2] =	stream.indirect_vreg.gather [hbm4b:s5+s3], $0x80, v7, vm0, $0xb8;
	[tilespmem:$0x16180] =	vst v63  }
0xd0: {  	s9 =	simm.s32 $0x11180;
	v6 =	vadd.s32 v4, v6  }
0xd1: {  	[tilespmem:s9], [sflag:$0x2] =	stream.indirect_vreg.gather [hbm4b:s6+s3], $0x80, v7, vm0, $0xb8;
	[tilespmem:$0x16180] =	vst v63  }
0xd2: {  	s10 =	simm.s32 $0x11980  }
0xd3: {  	[tilespmem:s10], [sflag:$0x2] =	stream.indirect_vreg.gather [hbm4b:s8+s3], $0x80, v7, vm0, $0xb8;
	[tilespmem:$0x16180] =	vst v63  }
0xd4: {  	s14 =	simm.s32 $0x12180  }
0xd5: {  	[tilespmem:s14], [sflag:$0x2] =	stream.indirect_vreg.gather [hbm4b:s1+s3], $0x80, v6, vm0, $0xb8;
	[tilespmem:$0x16180] =	vst v63  }
0xd6: {  	s26 =	simm.s32 $0x12980  }
0xd7: {  	[tilespmem:s26], [sflag:$0x2] =	stream.indirect_vreg.gather [hbm4b:s5+s3], $0x80, v6, vm0, $0xb8;
	[tilespmem:$0x16180] =	vst v63  }
0xd8: {  	s28 =	simm.s32 $0x13180  }
0xd9: {  	[tilespmem:s28], [sflag:$0x2] =	stream.indirect_vreg.gather [hbm4b:s6+s3], $0x80, v6, vm0, $0xb8;
	[tilespmem:$0x16180] =	vst v63  }
0xda: {  	s30 =	simm.s32 $0x13980  }
0xdb: {  	[tilespmem:s30], [sflag:$0x2] =	stream.indirect_vreg.gather [hbm4b:s8+s3], $0x80, v6, vm0, $0xb8;
	[tilespmem:$0x16180] =	vst v63  }
0xdc: {  	v6 =	vld.msk [tilespmem:$0x2048], $0xff;
	_ =	sdelay $0x4  }
0xdd: {  	v7 =	vshll.u32 v6, $0x3  }
0xde: {  	v6 =	vand.u32 $0x7, v6;
	v7 =	vand.u32 $0xFFFFFFC0, v7  }
0xdf: {  	v6 =	vor.u32 v6, v7  }
0xe0: {  	v6 =	vperm.xlane v6, v3;
	_ =	sdelay $0x1  }
0xe1: {  	v6 =	vadd.s32 v4, v6;
	_ =	sdelay $0x3  }
0xe2: {  	s31 =	simm.s32 $0x14180  }
0xe3: {  	[tilespmem:s31], [sflag:$0x2] =	stream.indirect_vreg.gather [hbm4b:s1+s3], $0x80, v6, vm0, $0xb8;
	[tilespmem:$0x16180] =	vst v63  }
0xe4: {  	s4 =	simm.s32 $0x14980  }
0xe5: {  	[tilespmem:s4], [sflag:$0x2] =	stream.indirect_vreg.gather [hbm4b:s5+s3], $0x80, v6, vm0, $0xb8;
	[tilespmem:$0x16180] =	vst v63  }
0xe6: {  	s9 =	simm.s32 $0x15180  }
0xe7: {  	[tilespmem:s9], [sflag:$0x2] =	stream.indirect_vreg.gather [hbm4b:s6+s3], $0x80, v6, vm0, $0xb8;
	[tilespmem:$0x16180] =	vst v63  }
0xe8: {  	s10 =	simm.s32 $0x15980  }
0xe9: {  	[tilespmem:s10], [sflag:$0x2] =	stream.indirect_vreg.gather [hbm4b:s8+s3], $0x80, v6, vm0, $0xb8;
	[tilespmem:$0x16180] =	vst v63  }
0xea: {  	s14 =	rddreg [dreg:$0x4]  }
0xeb: {  	[hbm4b:s14+s3] =	stream.linear.scatter [tilespmem:s15], [sflag:$0x3], $0xA000, $0x38;
	[tilespmem:$0x16180] =	vst v63  }
0xec: {  	_ =	swait.ge [sflag:s11], $0xA000  }
0xed: {  	[sflag:s11] =	ssyncset.done $0x0  }
0xee: {  	[sflag:s11] =	ssyncadd.s32 $0xFFFF6000  }
0xef: {  	_ =	swait.ge [sflag:s12], $0xA000  }
0xf0: {  	[sflag:s12] =	ssyncset.done $0x0  }
0xf1: {  	[sflag:s12] =	ssyncadd.s32 $0xFFFF6000  }
0xf2: {  	v6 =	vld [tilespmem:$0x2050];
	_ =	sdelay $0x4  }
0xf3: {  	v7 =	vshll.u32 v6, $0x3  }
0xf4: {  	v6 =	vand.u32 $0x7, v6;
	v7 =	vand.u32 $0xFFFFFFC0, v7  }
0xf5: {  	v6 =	vor.u32 v6, v7  }
0xf6: {  	v7 =	vperm.xlane v6, v3;
	_ =	sdelay $0x1  }
0xf7: {  	v7 =	vadd.s32 v4, v7;
	_ =	sdelay $0x4  }
0xf8: {  	[tilespmem:s15], [sflag:$0x1] =	stream.indirect_vreg.gather [hbm4b:s1+s3], $0x80, v7, vm0, $0xb8;
	[tilespmem:$0x16180] =	vst v63  }
0xf9: {  	s2 =	simm.s32 $0x2980;
	v6 =	vperm.xlane v6, v5  }
0xfa: {  	[tilespmem:s2], [sflag:$0x1] =	stream.indirect_vreg.gather [hbm4b:s5+s3], $0x80, v7, vm0, $0xb8;
	[tilespmem:$0x16180] =	vst v63  }
0xfb: {  	v6 =	vadd.s32 v4, v6;
	s2 =	simm.s32 $0x3180  }
0xfc: {  	[tilespmem:s2], [sflag:$0x1] =	stream.indirect_vreg.gather [hbm4b:s6+s3], $0x80, v7, vm0, $0xb8;
	[tilespmem:$0x16180] =	vst v63  }
0xfd: {  	s4 =	simm.s32 $0x3980  }
0xfe: {  	[tilespmem:s4], [sflag:$0x1] =	stream.indirect_vreg.gather [hbm4b:s8+s3], $0x80, v7, vm0, $0xb8;
	[tilespmem:$0x16180] =	vst v63  }
0xff: {  	s9 =	simm.s32 $0x4180  }
0x100: {  	[tilespmem:s9], [sflag:$0x1] =	stream.indirect_vreg.gather [hbm4b:s1+s3], $0x80, v6, vm0, $0xb8;
	[tilespmem:$0x16180] =	vst v63  }
0x101: {  	s10 =	simm.s32 $0x4980  }
0x102: {  	[tilespmem:s10], [sflag:$0x1] =	stream.indirect_vreg.gather [hbm4b:s5+s3], $0x80, v6, vm0, $0xb8;
	[tilespmem:$0x16180] =	vst v63  }
0x103: {  	s14 =	simm.s32 $0x5180  }
0x104: {  	[tilespmem:s14], [sflag:$0x1] =	stream.indirect_vreg.gather [hbm4b:s6+s3], $0x80, v6, vm0, $0xb8;
	[tilespmem:$0x16180] =	vst v63  }
0x105: {  	s23 =	simm.s32 $0x5980  }
0x106: {  	[tilespmem:s23], [sflag:$0x1] =	stream.indirect_vreg.gather [hbm4b:s8+s3], $0x80, v6, vm0, $0xb8;
	[tilespmem:$0x16180] =	vst v63  }
0x107: {  	v6 =	vld [tilespmem:$0x2060];
	_ =	sdelay $0x4  }
0x108: {  	v7 =	vshll.u32 v6, $0x3  }
0x109: {  	v6 =	vand.u32 $0x7, v6;
	v7 =	vand.u32 $0xFFFFFFC0, v7  }
0x10a: {  	v6 =	vor.u32 v6, v7  }
0x10b: {  	v7 =	vperm.xlane v6, v3;
	_ =	sdelay $0x1  }
0x10c: {  	v7 =	vadd.s32 v4, v7;
	_ =	sdelay $0x3  }
0x10d: {  	s24 =	simm.s32 $0x6180  }
0x10e: {  	[tilespmem:s24], [sflag:$0x1] =	stream.indirect_vreg.gather [hbm4b:s1+s3], $0x80, v7, vm0, $0xb8;
	[tilespmem:$0x16180] =	vst v63  }
0x10f: {  	s25 =	simm.s32 $0x6980;
	v6 =	vperm.xlane v6, v5  }
0x110: {  	[tilespmem:s25], [sflag:$0x1] =	stream.indirect_vreg.gather [hbm4b:s5+s3], $0x80, v7, vm0, $0xb8;
	[tilespmem:$0x16180] =	vst v63  }
0x111: {  	s23 =	simm.s32 $0x7180;
	v6 =	vadd.s32 v4, v6  }
0x112: {  	[tilespmem:s23], [sflag:$0x1] =	stream.indirect_vreg.gather [hbm4b:s6+s3], $0x80, v7, vm0, $0xb8;
	[tilespmem:$0x16180] =	vst v63  }
0x113: {  	s24 =	simm.s32 $0x7980  }
0x114: {  	[tilespmem:s24], [sflag:$0x1] =	stream.indirect_vreg.gather [hbm4b:s8+s3], $0x80, v7, vm0, $0xb8;
	[tilespmem:$0x16180] =	vst v63  }
0x115: {  	s25 =	simm.s32 $0x8180  }
0x116: {  	[tilespmem:s25], [sflag:$0x1] =	stream.indirect_vreg.gather [hbm4b:s1+s3], $0x80, v6, vm0, $0xb8;
	[tilespmem:$0x16180] =	vst v63  }
0x117: {  	s26 =	simm.s32 $0x8980  }
0x118: {  	[tilespmem:s26], [sflag:$0x1] =	stream.indirect_vreg.gather [hbm4b:s5+s3], $0x80, v6, vm0, $0xb8;
	[tilespmem:$0x16180] =	vst v63  }
0x119: {  	s28 =	simm.s32 $0x9180  }
0x11a: {  	[tilespmem:s28], [sflag:$0x1] =	stream.indirect_vreg.gather [hbm4b:s6+s3], $0x80, v6, vm0, $0xb8;
	[tilespmem:$0x16180] =	vst v63  }
0x11b: {  	s29 =	simm.s32 $0x9980  }
0x11c: {  	[tilespmem:s29], [sflag:$0x1] =	stream.indirect_vreg.gather [hbm4b:s8+s3], $0x80, v6, vm0, $0xb8;
	[tilespmem:$0x16180] =	vst v63  }
0x11d: {  	v6 =	vld.msk [tilespmem:$0x2070], $0xff;
	_ =	sdelay $0x4  }
0x11e: {  	v7 =	vshll.u32 v6, $0x3  }
0x11f: {  	v6 =	vand.u32 $0x7, v6;
	v7 =	vand.u32 $0xFFFFFFC0, v7  }
0x120: {  	v6 =	vor.u32 v6, v7  }
0x121: {  	v6 =	vperm.xlane v6, v3;
	_ =	sdelay $0x1  }
0x122: {  	v6 =	vadd.s32 v4, v6;
	_ =	sdelay $0x3  }
0x123: {  	s29 =	simm.s32 $0xA180  }
0x124: {  	[tilespmem:s29], [sflag:$0x1] =	stream.indirect_vreg.gather [hbm4b:s1+s3], $0x80, v6, vm0, $0xb8;
	[tilespmem:$0x16180] =	vst v63  }
0x125: {  	s30 =	simm.s32 $0xA980  }
0x126: {  	[tilespmem:s30], [sflag:$0x1] =	stream.indirect_vreg.gather [hbm4b:s5+s3], $0x80, v6, vm0, $0xb8;
	[tilespmem:$0x16180] =	vst v63  }
0x127: {  	s31 =	simm.s32 $0xB180  }
0x128: {  	[tilespmem:s31], [sflag:$0x1] =	stream.indirect_vreg.gather [hbm4b:s6+s3], $0x80, v6, vm0, $0xb8;
	[tilespmem:$0x16180] =	vst v63  }
0x129: {  	s17 =	simm.s32 $0xB980  }
0x12a: {  	[tilespmem:s17], [sflag:$0x1] =	stream.indirect_vreg.gather [hbm4b:s8+s3], $0x80, v6, vm0, $0xb8;
	[tilespmem:$0x16180] =	vst v63  }
0x12b: {  	s17 =	rddreg [dreg:$0x5]  }
0x12c: {  	[hbm4b:s17+s3] =	stream.linear.scatter [tilespmem:s0], [sflag:$0x4], $0xA000, $0x38;
	[tilespmem:$0x16180] =	vst v63  }
0x12d: {  	_ =	swait.ge [sflag:s19], $0xA000  }
0x12e: {  	[sflag:s19] =	ssyncset.done $0x0  }
0x12f: {  	[sflag:s19] =	ssyncadd.s32 $0xFFFF6000  }
0x130: {  	_ =	swait.ge [sflag:s13], $0xA000  }
0x131: {  	[sflag:s13] =	ssyncset.done $0x0  }
0x132: {  	[sflag:s13] =	ssyncadd.s32 $0xFFFF6000  }
0x133: {  	v6 =	vld [tilespmem:$0x2078];
	_ =	sdelay $0x4  }
0x134: {  	v7 =	vshll.u32 v6, $0x3  }
0x135: {  	v6 =	vand.u32 $0x7, v6;
	v7 =	vand.u32 $0xFFFFFFC0, v7  }
0x136: {  	v6 =	vor.u32 v6, v7  }
0x137: {  	v7 =	vperm.xlane v6, v3;
	_ =	sdelay $0x1  }
0x138: {  	v7 =	vadd.s32 v4, v7;
	_ =	sdelay $0x4  }
0x139: {  	[tilespmem:s0], [sflag:$0x2] =	stream.indirect_vreg.gather [hbm4b:s1+s3], $0x80, v7, vm0, $0xb8;
	[tilespmem:$0x16180] =	vst v63  }
0x13a: {  	s17 =	simm.s32 $0xC980;
	v6 =	vperm.xlane v6, v5  }
0x13b: {  	[tilespmem:s17], [sflag:$0x2] =	stream.indirect_vreg.gather [hbm4b:s5+s3], $0x80, v7, vm0, $0xb8;
	[tilespmem:$0x16180] =	vst v63  }
0x13c: {  	v6 =	vadd.s32 v4, v6;
	s17 =	simm.s32 $0xD180  }
0x13d: {  	[tilespmem:s17], [sflag:$0x2] =	stream.indirect_vreg.gather [hbm4b:s6+s3], $0x80, v7, vm0, $0xb8;
	[tilespmem:$0x16180] =	vst v63  }
0x13e: {  	s7 =	simm.s32 $0xD980  }
0x13f: {  	[tilespmem:s7], [sflag:$0x2] =	stream.indirect_vreg.gather [hbm4b:s8+s3], $0x80, v7, vm0, $0xb8;
	[tilespmem:$0x16180] =	vst v63  }
0x140: {  	s7 =	simm.s32 $0xE180  }
0x141: {  	[tilespmem:s7], [sflag:$0x2] =	stream.indirect_vreg.gather [hbm4b:s1+s3], $0x80, v6, vm0, $0xb8;
	[tilespmem:$0x16180] =	vst v63  }
0x142: {  	s7 =	simm.s32 $0xE980  }
0x143: {  	[tilespmem:s7], [sflag:$0x2] =	stream.indirect_vreg.gather [hbm4b:s5+s3], $0x80, v6, vm0, $0xb8;
	[tilespmem:$0x16180] =	vst v63  }
0x144: {  	s7 =	simm.s32 $0xF180  }
0x145: {  	[tilespmem:s7], [sflag:$0x2] =	stream.indirect_vreg.gather [hbm4b:s6+s3], $0x80, v6, vm0, $0xb8;
	[tilespmem:$0x16180] =	vst v63  }
0x146: {  	s20 =	simm.s32 $0xF980  }
0x147: {  	[tilespmem:s20], [sflag:$0x2] =	stream.indirect_vreg.gather [hbm4b:s8+s3], $0x80, v6, vm0, $0xb8;
	[tilespmem:$0x16180] =	vst v63  }
0x148: {  	v6 =	vld [tilespmem:$0x2088];
	_ =	sdelay $0x4  }
0x149: {  	v7 =	vshll.u32 v6, $0x3  }
0x14a: {  	v6 =	vand.u32 $0x7, v6;
	v7 =	vand.u32 $0xFFFFFFC0, v7  }
0x14b: {  	v6 =	vor.u32 v6, v7  }
0x14c: {  	v7 =	vperm.xlane v6, v3;
	_ =	sdelay $0x1  }
0x14d: {  	v7 =	vadd.s32 v4, v7;
	_ =	sdelay $0x3  }
0x14e: {  	s21 =	simm.s32 $0x10180  }
0x14f: {  	[tilespmem:s21], [sflag:$0x2] =	stream.indirect_vreg.gather [hbm4b:s1+s3], $0x80, v7, vm0, $0xb8;
	[tilespmem:$0x16180] =	vst v63  }
0x150: {  	s22 =	simm.s32 $0x10980;
	v6 =	vperm.xlane v6, v5  }
0x151: {  	[tilespmem:s22], [sflag:$0x2] =	stream.indirect_vreg.gather [hbm4b:s5+s3], $0x80, v7, vm0, $0xb8;
	[tilespmem:$0x16180] =	vst v63  }
0x152: {  	v6 =	vadd.s32 v4, v6;
	s22 =	simm.s32 $0x11180  }
0x153: {  	[tilespmem:s22], [sflag:$0x2] =	stream.indirect_vreg.gather [hbm4b:s6+s3], $0x80, v7, vm0, $0xb8;
	[tilespmem:$0x16180] =	vst v63  }
0x154: {  	s20 =	simm.s32 $0x11980  }
0x155: {  	[tilespmem:s20], [sflag:$0x2] =	stream.indirect_vreg.gather [hbm4b:s8+s3], $0x80, v7, vm0, $0xb8;
	[tilespmem:$0x16180] =	vst v63  }
0x156: {  	s21 =	simm.s32 $0x12180  }
0x157: {  	[tilespmem:s21], [sflag:$0x2] =	stream.indirect_vreg.gather [hbm4b:s1+s3], $0x80, v6, vm0, $0xb8;
	[tilespmem:$0x16180] =	vst v63  }
0x158: {  	s22 =	simm.s32 $0x12980  }
0x159: {  	[tilespmem:s22], [sflag:$0x2] =	stream.indirect_vreg.gather [hbm4b:s5+s3], $0x80, v6, vm0, $0xb8;
	[tilespmem:$0x16180] =	vst v63  }
0x15a: {  	s20 =	simm.s32 $0x13180  }
0x15b: {  	[tilespmem:s20], [sflag:$0x2] =	stream.indirect_vreg.gather [hbm4b:s6+s3], $0x80, v6, vm0, $0xb8;
	[tilespmem:$0x16180] =	vst v63  }
0x15c: {  	s21 =	simm.s32 $0x13980  }
0x15d: {  	[tilespmem:s21], [sflag:$0x2] =	stream.indirect_vreg.gather [hbm4b:s8+s3], $0x80, v6, vm0, $0xb8;
	[tilespmem:$0x16180] =	vst v63  }
0x15e: {  	v6 =	vld.msk [tilespmem:$0x2098], $0xff;
	_ =	sdelay $0x4  }
0x15f: {  	v7 =	vshll.u32 v6, $0x3  }
0x160: {  	v6 =	vand.u32 $0x7, v6;
	v7 =	vand.u32 $0xFFFFFFC0, v7  }
0x161: {  	v6 =	vor.u32 v6, v7  }
0x162: {  	v6 =	vperm.xlane v6, v3;
	_ =	sdelay $0x1  }
0x163: {  	v6 =	vadd.s32 v4, v6;
	_ =	sdelay $0x3  }
0x164: {  	s22 =	simm.s32 $0x14180  }
0x165: {  	[tilespmem:s22], [sflag:$0x2] =	stream.indirect_vreg.gather [hbm4b:s1+s3], $0x80, v6, vm0, $0xb8;
	[tilespmem:$0x16180] =	vst v63  }
0x166: {  	s20 =	simm.s32 $0x14980  }
0x167: {  	[tilespmem:s20], [sflag:$0x2] =	stream.indirect_vreg.gather [hbm4b:s5+s3], $0x80, v6, vm0, $0xb8;
	[tilespmem:$0x16180] =	vst v63  }
0x168: {  	s21 =	simm.s32 $0x15180  }
0x169: {  	[tilespmem:s21], [sflag:$0x2] =	stream.indirect_vreg.gather [hbm4b:s6+s3], $0x80, v6, vm0, $0xb8;
	[tilespmem:$0x16180] =	vst v63  }
0x16a: {  	s22 =	simm.s32 $0x15980  }
0x16b: {  	[tilespmem:s22], [sflag:$0x2] =	stream.indirect_vreg.gather [hbm4b:s8+s3], $0x80, v6, vm0, $0xb8;
	[tilespmem:$0x16180] =	vst v63  }
0x16c: {  	s20 =	rddreg [dreg:$0x6]  }
0x16d: {  	[hbm4b:s20+s3] =	stream.linear.scatter [tilespmem:s15], [sflag:$0x3], $0xA000, $0x38;
	[tilespmem:$0x16180] =	vst v63  }
0x16e: {  	_ =	swait.ge [sflag:s11], $0xA000  }
0x16f: {  	[sflag:s11] =	ssyncset.done $0x0  }
0x170: {  	[sflag:s11] =	ssyncadd.s32 $0xFFFF6000  }
0x171: {  	_ =	swait.ge [sflag:s12], $0xA000  }
0x172: {  	[sflag:s12] =	ssyncset.done $0x0  }
0x173: {  	[sflag:s12] =	ssyncadd.s32 $0xFFFF6000  }
0x174: {  	v6 =	vld [tilespmem:$0x20A0];
	_ =	sdelay $0x4  }
0x175: {  	v7 =	vshll.u32 v6, $0x3  }
0x176: {  	v6 =	vand.u32 $0x7, v6;
	v7 =	vand.u32 $0xFFFFFFC0, v7  }
0x177: {  	v6 =	vor.u32 v6, v7  }
0x178: {  	v7 =	vperm.xlane v6, v3;
	_ =	sdelay $0x1  }
0x179: {  	v7 =	vadd.s32 v4, v7;
	_ =	sdelay $0x4  }
0x17a: {  	[tilespmem:s15], [sflag:$0x1] =	stream.indirect_vreg.gather [hbm4b:s1+s3], $0x80, v7, vm0, $0xb8;
	[tilespmem:$0x16180] =	vst v63  }
0x17b: {  	s21 =	simm.s32 $0x2980;
	v6 =	vperm.xlane v6, v5  }
0x17c: {  	[tilespmem:s21], [sflag:$0x1] =	stream.indirect_vreg.gather [hbm4b:s5+s3], $0x80, v7, vm0, $0xb8;
	[tilespmem:$0x16180] =	vst v63  }
0x17d: {  	v6 =	vadd.s32 v4, v6  }
0x17e: {  	[tilespmem:s2], [sflag:$0x1] =	stream.indirect_vreg.gather [hbm4b:s6+s3], $0x80, v7, vm0, $0xb8;
	[tilespmem:$0x16180] =	vst v63  }
0x17f: {  	_ = 	snop  }
0x180: {  	[tilespmem:s4], [sflag:$0x1] =	stream.indirect_vreg.gather [hbm4b:s8+s3], $0x80, v7, vm0, $0xb8;
	[tilespmem:$0x16180] =	vst v63  }
0x181: {  	_ = 	snop  }
0x182: {  	[tilespmem:s9], [sflag:$0x1] =	stream.indirect_vreg.gather [hbm4b:s1+s3], $0x80, v6, vm0, $0xb8;
	[tilespmem:$0x16180] =	vst v63  }
0x183: {  	_ = 	snop  }
0x184: {  	[tilespmem:s10], [sflag:$0x1] =	stream.indirect_vreg.gather [hbm4b:s5+s3], $0x80, v6, vm0, $0xb8;
	[tilespmem:$0x16180] =	vst v63  }
0x185: {  	_ = 	snop  }
0x186: {  	[tilespmem:s14], [sflag:$0x1] =	stream.indirect_vreg.gather [hbm4b:s6+s3], $0x80, v6, vm0, $0xb8;
	[tilespmem:$0x16180] =	vst v63  }
0x187: {  	s22 =	simm.s32 $0x5980  }
0x188: {  	[tilespmem:s22], [sflag:$0x1] =	stream.indirect_vreg.gather [hbm4b:s8+s3], $0x80, v6, vm0, $0xb8;
	[tilespmem:$0x16180] =	vst v63  }
0x189: {  	v6 =	vld [tilespmem:$0x20B0];
	_ =	sdelay $0x4  }
0x18a: {  	v7 =	vshll.u32 v6, $0x3  }
0x18b: {  	v6 =	vand.u32 $0x7, v6;
	v7 =	vand.u32 $0xFFFFFFC0, v7  }
0x18c: {  	v6 =	vor.u32 v6, v7  }
0x18d: {  	v7 =	vperm.xlane v6, v3;
	_ =	sdelay $0x1  }
0x18e: {  	v7 =	vadd.s32 v4, v7;
	_ =	sdelay $0x3  }
0x18f: {  	s20 =	simm.s32 $0x6180  }
0x190: {  	[tilespmem:s20], [sflag:$0x1] =	stream.indirect_vreg.gather [hbm4b:s1+s3], $0x80, v7, vm0, $0xb8;
	[tilespmem:$0x16180] =	vst v63  }
0x191: {  	s21 =	simm.s32 $0x6980;
	v6 =	vperm.xlane v6, v5  }
0x192: {  	[tilespmem:s21], [sflag:$0x1] =	stream.indirect_vreg.gather [hbm4b:s5+s3], $0x80, v7, vm0, $0xb8;
	[tilespmem:$0x16180] =	vst v63  }
0x193: {  	v6 =	vadd.s32 v4, v6  }
0x194: {  	[tilespmem:s23], [sflag:$0x1] =	stream.indirect_vreg.gather [hbm4b:s6+s3], $0x80, v7, vm0, $0xb8;
	[tilespmem:$0x16180] =	vst v63  }
0x195: {  	_ = 	snop  }
0x196: {  	[tilespmem:s24], [sflag:$0x1] =	stream.indirect_vreg.gather [hbm4b:s8+s3], $0x80, v7, vm0, $0xb8;
	[tilespmem:$0x16180] =	vst v63  }
0x197: {  	_ = 	snop  }
0x198: {  	[tilespmem:s25], [sflag:$0x1] =	stream.indirect_vreg.gather [hbm4b:s1+s3], $0x80, v6, vm0, $0xb8;
	[tilespmem:$0x16180] =	vst v63  }
0x199: {  	_ = 	snop  }
0x19a: {  	[tilespmem:s26], [sflag:$0x1] =	stream.indirect_vreg.gather [hbm4b:s5+s3], $0x80, v6, vm0, $0xb8;
	[tilespmem:$0x16180] =	vst v63  }
0x19b: {  	_ = 	snop  }
0x19c: {  	[tilespmem:s28], [sflag:$0x1] =	stream.indirect_vreg.gather [hbm4b:s6+s3], $0x80, v6, vm0, $0xb8;
	[tilespmem:$0x16180] =	vst v63  }
0x19d: {  	s22 =	simm.s32 $0x9980  }
0x19e: {  	[tilespmem:s22], [sflag:$0x1] =	stream.indirect_vreg.gather [hbm4b:s8+s3], $0x80, v6, vm0, $0xb8;
	[tilespmem:$0x16180] =	vst v63  }
0x19f: {  	v6 =	vld.msk [tilespmem:$0x20C0], $0xff;
	_ =	sdelay $0x4  }
0x1a0: {  	v7 =	vshll.u32 v6, $0x3  }
0x1a1: {  	v6 =	vand.u32 $0x7, v6;
	v7 =	vand.u32 $0xFFFFFFC0, v7  }
0x1a2: {  	v6 =	vor.u32 v6, v7  }
0x1a3: {  	v6 =	vperm.xlane v6, v3;
	_ =	sdelay $0x1  }
0x1a4: {  	v6 =	vadd.s32 v4, v6;
	_ =	sdelay $0x4  }
0x1a5: {  	[tilespmem:s29], [sflag:$0x1] =	stream.indirect_vreg.gather [hbm4b:s1+s3], $0x80, v6, vm0, $0xb8;
	[tilespmem:$0x16180] =	vst v63  }
0x1a6: {  	_ = 	snop  }
0x1a7: {  	[tilespmem:s30], [sflag:$0x1] =	stream.indirect_vreg.gather [hbm4b:s5+s3], $0x80, v6, vm0, $0xb8;
	[tilespmem:$0x16180] =	vst v63  }
0x1a8: {  	_ = 	snop  }
0x1a9: {  	[tilespmem:s31], [sflag:$0x1] =	stream.indirect_vreg.gather [hbm4b:s6+s3], $0x80, v6, vm0, $0xb8;
	[tilespmem:$0x16180] =	vst v63  }
0x1aa: {  	s20 =	simm.s32 $0xB980  }
0x1ab: {  	[tilespmem:s20], [sflag:$0x1] =	stream.indirect_vreg.gather [hbm4b:s8+s3], $0x80, v6, vm0, $0xb8;
	[tilespmem:$0x16180] =	vst v63  }
0x1ac: {  	s21 =	rddreg [dreg:$0x7]  }
0x1ad: {  	[hbm4b:s21+s3] =	stream.linear.scatter [tilespmem:s0], [sflag:$0x4], $0xA000, $0x38;
	[tilespmem:$0x16180] =	vst v63  }
0x1ae: {  	_ =	swait.ge [sflag:s19], $0xA000  }
0x1af: {  	[sflag:s19] =	ssyncset.done $0x0  }
0x1b0: {  	[sflag:s19] =	ssyncadd.s32 $0xFFFF6000  }
0x1b1: {  	_ =	swait.ge [sflag:s13], $0xA000  }
0x1b2: {  	[sflag:s13] =	ssyncset.done $0x0  }
0x1b3: {  	[sflag:s13] =	ssyncadd.s32 $0xFFFF6000  }
0x1b4: {  	v6 =	vld [tilespmem:$0x20C8];
	_ =	sdelay $0x4  }
0x1b5: {  	v7 =	vshll.u32 v6, $0x3  }
0x1b6: {  	v6 =	vand.u32 $0x7, v6;
	v7 =	vand.u32 $0xFFFFFFC0, v7  }
0x1b7: {  	v6 =	vor.u32 v6, v7  }
0x1b8: {  	v7 =	vperm.xlane v6, v3;
	_ =	sdelay $0x1  }
0x1b9: {  	v7 =	vadd.s32 v4, v7;
	_ =	sdelay $0x4  }
0x1ba: {  	[tilespmem:s0], [sflag:$0x2] =	stream.indirect_vreg.gather [hbm4b:s1+s3], $0x80, v7, vm0, $0xb8;
	[tilespmem:$0x16180] =	vst v63  }
0x1bb: {  	s22 =	simm.s32 $0xC980;
	v6 =	vperm.xlane v6, v5  }
0x1bc: {  	[tilespmem:s22], [sflag:$0x2] =	stream.indirect_vreg.gather [hbm4b:s5+s3], $0x80, v7, vm0, $0xb8;
	[tilespmem:$0x16180] =	vst v63  }
0x1bd: {  	s17 =	simm.s32 $0xD180;
	v6 =	vadd.s32 v4, v6  }
0x1be: {  	[tilespmem:s17], [sflag:$0x2] =	stream.indirect_vreg.gather [hbm4b:s6+s3], $0x80, v7, vm0, $0xb8;
	[tilespmem:$0x16180] =	vst v63  }
0x1bf: {  	s20 =	simm.s32 $0xD980  }
0x1c0: {  	[tilespmem:s20], [sflag:$0x2] =	stream.indirect_vreg.gather [hbm4b:s8+s3], $0x80, v7, vm0, $0xb8;
	[tilespmem:$0x16180] =	vst v63  }
0x1c1: {  	s21 =	simm.s32 $0xE180  }
0x1c2: {  	[tilespmem:s21], [sflag:$0x2] =	stream.indirect_vreg.gather [hbm4b:s1+s3], $0x80, v6, vm0, $0xb8;
	[tilespmem:$0x16180] =	vst v63  }
0x1c3: {  	s22 =	simm.s32 $0xE980  }
0x1c4: {  	[tilespmem:s22], [sflag:$0x2] =	stream.indirect_vreg.gather [hbm4b:s5+s3], $0x80, v6, vm0, $0xb8;
	[tilespmem:$0x16180] =	vst v63  }
0x1c5: {  	s7 =	simm.s32 $0xF180  }
0x1c6: {  	[tilespmem:s7], [sflag:$0x2] =	stream.indirect_vreg.gather [hbm4b:s6+s3], $0x80, v6, vm0, $0xb8;
	[tilespmem:$0x16180] =	vst v63  }
0x1c7: {  	s7 =	simm.s32 $0xF980  }
0x1c8: {  	[tilespmem:s7], [sflag:$0x2] =	stream.indirect_vreg.gather [hbm4b:s8+s3], $0x80, v6, vm0, $0xb8;
	[tilespmem:$0x16180] =	vst v63  }
0x1c9: {  	v6 =	vld [tilespmem:$0x20D8];
	_ =	sdelay $0x4  }
0x1ca: {  	v7 =	vshll.u32 v6, $0x3  }
0x1cb: {  	v6 =	vand.u32 $0x7, v6;
	v7 =	vand.u32 $0xFFFFFFC0, v7  }
0x1cc: {  	v6 =	vor.u32 v6, v7  }
0x1cd: {  	v7 =	vperm.xlane v6, v3;
	_ =	sdelay $0x1  }
0x1ce: {  	v7 =	vadd.s32 v4, v7;
	_ =	sdelay $0x3  }
0x1cf: {  	s7 =	simm.s32 $0x10180  }
0x1d0: {  	[tilespmem:s7], [sflag:$0x2] =	stream.indirect_vreg.gather [hbm4b:s1+s3], $0x80, v7, vm0, $0xb8;
	[tilespmem:$0x16180] =	vst v63  }
0x1d1: {  	v6 =	vperm.xlane v6, v5;
	s7 =	simm.s32 $0x10980  }
0x1d2: {  	[tilespmem:s7], [sflag:$0x2] =	stream.indirect_vreg.gather [hbm4b:s5+s3], $0x80, v7, vm0, $0xb8;
	[tilespmem:$0x16180] =	vst v63  }
0x1d3: {  	v6 =	vadd.s32 v4, v6;
	s7 =	simm.s32 $0x11180  }
0x1d4: {  	[tilespmem:s7], [sflag:$0x2] =	stream.indirect_vreg.gather [hbm4b:s6+s3], $0x80, v7, vm0, $0xb8;
	[tilespmem:$0x16180] =	vst v63  }
0x1d5: {  	s7 =	simm.s32 $0x11980  }
0x1d6: {  	[tilespmem:s7], [sflag:$0x2] =	stream.indirect_vreg.gather [hbm4b:s8+s3], $0x80, v7, vm0, $0xb8;
	[tilespmem:$0x16180] =	vst v63  }
0x1d7: {  	s7 =	simm.s32 $0x12180  }
0x1d8: {  	[tilespmem:s7], [sflag:$0x2] =	stream.indirect_vreg.gather [hbm4b:s1+s3], $0x80, v6, vm0, $0xb8;
	[tilespmem:$0x16180] =	vst v63  }
0x1d9: {  	s7 =	simm.s32 $0x12980  }
0x1da: {  	[tilespmem:s7], [sflag:$0x2] =	stream.indirect_vreg.gather [hbm4b:s5+s3], $0x80, v6, vm0, $0xb8;
	[tilespmem:$0x16180] =	vst v63  }
0x1db: {  	s7 =	simm.s32 $0x13180  }
0x1dc: {  	[tilespmem:s7], [sflag:$0x2] =	stream.indirect_vreg.gather [hbm4b:s6+s3], $0x80, v6, vm0, $0xb8;
	[tilespmem:$0x16180] =	vst v63  }
0x1dd: {  	s7 =	simm.s32 $0x13980  }
0x1de: {  	[tilespmem:s7], [sflag:$0x2] =	stream.indirect_vreg.gather [hbm4b:s8+s3], $0x80, v6, vm0, $0xb8;
	[tilespmem:$0x16180] =	vst v63  }
0x1df: {  	v6 =	vld.msk [tilespmem:$0x20E8], $0xff;
	_ =	sdelay $0x4  }
0x1e0: {  	v7 =	vshll.u32 v6, $0x3  }
0x1e1: {  	v6 =	vand.u32 $0x7, v6;
	v7 =	vand.u32 $0xFFFFFFC0, v7  }
0x1e2: {  	v6 =	vor.u32 v6, v7  }
0x1e3: {  	v6 =	vperm.xlane v6, v3;
	_ =	sdelay $0x1  }
0x1e4: {  	v6 =	vadd.s32 v4, v6;
	_ =	sdelay $0x3  }
0x1e5: {  	s7 =	simm.s32 $0x14180  }
0x1e6: {  	[tilespmem:s7], [sflag:$0x2] =	stream.indirect_vreg.gather [hbm4b:s1+s3], $0x80, v6, vm0, $0xb8;
	[tilespmem:$0x16180] =	vst v63  }
0x1e7: {  	s7 =	simm.s32 $0x14980  }
0x1e8: {  	[tilespmem:s7], [sflag:$0x2] =	stream.indirect_vreg.gather [hbm4b:s5+s3], $0x80, v6, vm0, $0xb8;
	[tilespmem:$0x16180] =	vst v63  }
0x1e9: {  	s7 =	simm.s32 $0x15180  }
0x1ea: {  	[tilespmem:s7], [sflag:$0x2] =	stream.indirect_vreg.gather [hbm4b:s6+s3], $0x80, v6, vm0, $0xb8;
	[tilespmem:$0x16180] =	vst v63  }
0x1eb: {  	s7 =	simm.s32 $0x15980  }
0x1ec: {  	[tilespmem:s7], [sflag:$0x2] =	stream.indirect_vreg.gather [hbm4b:s8+s3], $0x80, v6, vm0, $0xb8;
	[tilespmem:$0x16180] =	vst v63  }
0x1ed: {  	s7 =	rddreg [dreg:$0x8]  }
0x1ee: {  	[hbm4b:s7+s3] =	stream.linear.scatter [tilespmem:s15], [sflag:$0x3], $0xA000, $0x38;
	[tilespmem:$0x16180] =	vst v63  }
0x1ef: {  	_ =	swait.ge [sflag:s11], $0xA000  }
0x1f0: {  	[sflag:s11] =	ssyncset.done $0x0  }
0x1f1: {  	[sflag:s11] =	ssyncadd.s32 $0xFFFF6000  }
0x1f2: {  	_ =	swait.ge [sflag:s12], $0xA000  }
0x1f3: {  	[sflag:s12] =	ssyncset.done $0x0  }
0x1f4: {  	[sflag:s12] =	ssyncadd.s32 $0xFFFF6000  }
0x1f5: {  	v6 =	vld [tilespmem:$0x20F0];
	_ =	sdelay $0x4  }
0x1f6: {  	v7 =	vshll.u32 v6, $0x3  }
0x1f7: {  	v6 =	vand.u32 $0x7, v6;
	v7 =	vand.u32 $0xFFFFFFC0, v7  }
0x1f8: {  	v6 =	vor.u32 v6, v7  }
0x1f9: {  	v7 =	vperm.xlane v6, v3;
	_ =	sdelay $0x1  }
0x1fa: {  	v7 =	vadd.s32 v4, v7;
	_ =	sdelay $0x4  }
0x1fb: {  	[tilespmem:s15], [sflag:$0x1] =	stream.indirect_vreg.gather [hbm4b:s1+s3], $0x80, v7, vm0, $0xb8;
	[tilespmem:$0x16180] =	vst v63  }
0x1fc: {  	s7 =	simm.s32 $0x2980;
	v6 =	vperm.xlane v6, v5  }
0x1fd: {  	[tilespmem:s7], [sflag:$0x1] =	stream.indirect_vreg.gather [hbm4b:s5+s3], $0x80, v7, vm0, $0xb8;
	[tilespmem:$0x16180] =	vst v63  }
0x1fe: {  	s2 =	simm.s32 $0x3180;
	v6 =	vadd.s32 v4, v6  }
0x1ff: {  	[tilespmem:s2], [sflag:$0x1] =	stream.indirect_vreg.gather [hbm4b:s6+s3], $0x80, v7, vm0, $0xb8;
	[tilespmem:$0x16180] =	vst v63  }
0x200: {  	s4 =	simm.s32 $0x3980  }
0x201: {  	[tilespmem:s4], [sflag:$0x1] =	stream.indirect_vreg.gather [hbm4b:s8+s3], $0x80, v7, vm0, $0xb8;
	[tilespmem:$0x16180] =	vst v63  }
0x202: {  	s9 =	simm.s32 $0x4180  }
0x203: {  	[tilespmem:s9], [sflag:$0x1] =	stream.indirect_vreg.gather [hbm4b:s1+s3], $0x80, v6, vm0, $0xb8;
	[tilespmem:$0x16180] =	vst v63  }
0x204: {  	s10 =	simm.s32 $0x4980  }
0x205: {  	[tilespmem:s10], [sflag:$0x1] =	stream.indirect_vreg.gather [hbm4b:s5+s3], $0x80, v6, vm0, $0xb8;
	[tilespmem:$0x16180] =	vst v63  }
0x206: {  	s14 =	simm.s32 $0x5180  }
0x207: {  	[tilespmem:s14], [sflag:$0x1] =	stream.indirect_vreg.gather [hbm4b:s6+s3], $0x80, v6, vm0, $0xb8;
	[tilespmem:$0x16180] =	vst v63  }
0x208: {  	s9 =	simm.s32 $0x5980  }
0x209: {  	[tilespmem:s9], [sflag:$0x1] =	stream.indirect_vreg.gather [hbm4b:s8+s3], $0x80, v6, vm0, $0xb8;
	[tilespmem:$0x16180] =	vst v63  }
0x20a: {  	v6 =	vld [tilespmem:$0x2100];
	_ =	sdelay $0x4  }
0x20b: {  	v7 =	vshll.u32 v6, $0x3  }
0x20c: {  	v6 =	vand.u32 $0x7, v6;
	v7 =	vand.u32 $0xFFFFFFC0, v7  }
0x20d: {  	v6 =	vor.u32 v6, v7  }
0x20e: {  	v7 =	vperm.xlane v6, v3;
	_ =	sdelay $0x1  }
0x20f: {  	v7 =	vadd.s32 v4, v7;
	_ =	sdelay $0x3  }
0x210: {  	s10 =	simm.s32 $0x6180  }
0x211: {  	[tilespmem:s10], [sflag:$0x1] =	stream.indirect_vreg.gather [hbm4b:s1+s3], $0x80, v7, vm0, $0xb8;
	[tilespmem:$0x16180] =	vst v63  }
0x212: {  	s14 =	simm.s32 $0x6980;
	v6 =	vperm.xlane v6, v5  }
0x213: {  	[tilespmem:s14], [sflag:$0x1] =	stream.indirect_vreg.gather [hbm4b:s5+s3], $0x80, v7, vm0, $0xb8;
	[tilespmem:$0x16180] =	vst v63  }
0x214: {  	s23 =	simm.s32 $0x7180;
	v6 =	vadd.s32 v4, v6  }
0x215: {  	[tilespmem:s23], [sflag:$0x1] =	stream.indirect_vreg.gather [hbm4b:s6+s3], $0x80, v7, vm0, $0xb8;
	[tilespmem:$0x16180] =	vst v63  }
0x216: {  	s24 =	simm.s32 $0x7980  }
0x217: {  	[tilespmem:s24], [sflag:$0x1] =	stream.indirect_vreg.gather [hbm4b:s8+s3], $0x80, v7, vm0, $0xb8;
	[tilespmem:$0x16180] =	vst v63  }
0x218: {  	s25 =	simm.s32 $0x8180  }
0x219: {  	[tilespmem:s25], [sflag:$0x1] =	stream.indirect_vreg.gather [hbm4b:s1+s3], $0x80, v6, vm0, $0xb8;
	[tilespmem:$0x16180] =	vst v63  }
0x21a: {  	s26 =	simm.s32 $0x8980  }
0x21b: {  	[tilespmem:s26], [sflag:$0x1] =	stream.indirect_vreg.gather [hbm4b:s5+s3], $0x80, v6, vm0, $0xb8;
	[tilespmem:$0x16180] =	vst v63  }
0x21c: {  	s28 =	simm.s32 $0x9180  }
0x21d: {  	[tilespmem:s28], [sflag:$0x1] =	stream.indirect_vreg.gather [hbm4b:s6+s3], $0x80, v6, vm0, $0xb8;
	[tilespmem:$0x16180] =	vst v63  }
0x21e: {  	s28 =	simm.s32 $0x9980  }
0x21f: {  	[tilespmem:s28], [sflag:$0x1] =	stream.indirect_vreg.gather [hbm4b:s8+s3], $0x80, v6, vm0, $0xb8;
	[tilespmem:$0x16180] =	vst v63  }
0x220: {  	v6 =	vld.msk [tilespmem:$0x2110], $0xff;
	_ =	sdelay $0x4  }
0x221: {  	v7 =	vshll.u32 v6, $0x3  }
0x222: {  	v6 =	vand.u32 $0x7, v6;
	v7 =	vand.u32 $0xFFFFFFC0, v7  }
0x223: {  	v6 =	vor.u32 v6, v7  }
0x224: {  	v6 =	vperm.xlane v6, v3;
	_ =	sdelay $0x1  }
0x225: {  	v6 =	vadd.s32 v4, v6;
	_ =	sdelay $0x3  }
0x226: {  	s29 =	simm.s32 $0xA180  }
0x227: {  	[tilespmem:s29], [sflag:$0x1] =	stream.indirect_vreg.gather [hbm4b:s1+s3], $0x80, v6, vm0, $0xb8;
	[tilespmem:$0x16180] =	vst v63  }
0x228: {  	s30 =	simm.s32 $0xA980  }
0x229: {  	[tilespmem:s30], [sflag:$0x1] =	stream.indirect_vreg.gather [hbm4b:s5+s3], $0x80, v6, vm0, $0xb8;
	[tilespmem:$0x16180] =	vst v63  }
0x22a: {  	s31 =	simm.s32 $0xB180  }
0x22b: {  	[tilespmem:s31], [sflag:$0x1] =	stream.indirect_vreg.gather [hbm4b:s6+s3], $0x80, v6, vm0, $0xb8;
	[tilespmem:$0x16180] =	vst v63  }
0x22c: {  	s29 =	simm.s32 $0xB980  }
0x22d: {  	[tilespmem:s29], [sflag:$0x1] =	stream.indirect_vreg.gather [hbm4b:s8+s3], $0x80, v6, vm0, $0xb8;
	[tilespmem:$0x16180] =	vst v63  }
0x22e: {  	s30 =	rddreg [dreg:$0x9]  }
0x22f: {  	[hbm4b:s30+s3] =	stream.linear.scatter [tilespmem:s0], [sflag:$0x4], $0xA000, $0x38;
	[tilespmem:$0x16180] =	vst v63  }
0x230: {  	_ =	swait.ge [sflag:s19], $0xA000  }
0x231: {  	[sflag:s19] =	ssyncset.done $0x0  }
0x232: {  	[sflag:s19] =	ssyncadd.s32 $0xFFFF6000  }
0x233: {  	_ =	swait.ge [sflag:s13], $0xA000  }
0x234: {  	[sflag:s13] =	ssyncset.done $0x0  }
0x235: {  	[sflag:s13] =	ssyncadd.s32 $0xFFFF6000  }
0x236: {  	v6 =	vld [tilespmem:$0x2118];
	_ =	sdelay $0x4  }
0x237: {  	v7 =	vshll.u32 v6, $0x3  }
0x238: {  	v6 =	vand.u32 $0x7, v6;
	v7 =	vand.u32 $0xFFFFFFC0, v7  }
0x239: {  	v6 =	vor.u32 v6, v7  }
0x23a: {  	v7 =	vperm.xlane v6, v3;
	_ =	sdelay $0x1  }
0x23b: {  	v7 =	vadd.s32 v4, v7;
	_ =	sdelay $0x4  }
0x23c: {  	[tilespmem:s0], [sflag:$0x2] =	stream.indirect_vreg.gather [hbm4b:s1+s3], $0x80, v7, vm0, $0xb8;
	[tilespmem:$0x16180] =	vst v63  }
0x23d: {  	s31 =	simm.s32 $0xC980;
	v6 =	vperm.xlane v6, v5  }
0x23e: {  	[tilespmem:s31], [sflag:$0x2] =	stream.indirect_vreg.gather [hbm4b:s5+s3], $0x80, v7, vm0, $0xb8;
	[tilespmem:$0x16180] =	vst v63  }
0x23f: {  	s17 =	simm.s32 $0xD180;
	v6 =	vadd.s32 v4, v6  }
0x240: {  	[tilespmem:s17], [sflag:$0x2] =	stream.indirect_vreg.gather [hbm4b:s6+s3], $0x80, v7, vm0, $0xb8;
	[tilespmem:$0x16180] =	vst v63  }
0x241: {  	s20 =	simm.s32 $0xD980  }
0x242: {  	[tilespmem:s20], [sflag:$0x2] =	stream.indirect_vreg.gather [hbm4b:s8+s3], $0x80, v7, vm0, $0xb8;
	[tilespmem:$0x16180] =	vst v63  }
0x243: {  	s21 =	simm.s32 $0xE180  }
0x244: {  	[tilespmem:s21], [sflag:$0x2] =	stream.indirect_vreg.gather [hbm4b:s1+s3], $0x80, v6, vm0, $0xb8;
	[tilespmem:$0x16180] =	vst v63  }
0x245: {  	s22 =	simm.s32 $0xE980  }
0x246: {  	[tilespmem:s22], [sflag:$0x2] =	stream.indirect_vreg.gather [hbm4b:s5+s3], $0x80, v6, vm0, $0xb8;
	[tilespmem:$0x16180] =	vst v63  }
0x247: {  	s4 =	simm.s32 $0xF180  }
0x248: {  	[tilespmem:s4], [sflag:$0x2] =	stream.indirect_vreg.gather [hbm4b:s6+s3], $0x80, v6, vm0, $0xb8;
	[tilespmem:$0x16180] =	vst v63  }
0x249: {  	s7 =	simm.s32 $0xF980  }
0x24a: {  	[tilespmem:s7], [sflag:$0x2] =	stream.indirect_vreg.gather [hbm4b:s8+s3], $0x80, v6, vm0, $0xb8;
	[tilespmem:$0x16180] =	vst v63  }
0x24b: {  	v6 =	vld [tilespmem:$0x2128];
	_ =	sdelay $0x4  }
0x24c: {  	v7 =	vshll.u32 v6, $0x3  }
0x24d: {  	v6 =	vand.u32 $0x7, v6;
	v7 =	vand.u32 $0xFFFFFFC0, v7  }
0x24e: {  	v6 =	vor.u32 v6, v7  }
0x24f: {  	v7 =	vperm.xlane v6, v3;
	_ =	sdelay $0x1  }
0x250: {  	v7 =	vadd.s32 v4, v7;
	_ =	sdelay $0x3  }
0x251: {  	s9 =	simm.s32 $0x10180  }
0x252: {  	[tilespmem:s9], [sflag:$0x2] =	stream.indirect_vreg.gather [hbm4b:s1+s3], $0x80, v7, vm0, $0xb8;
	[tilespmem:$0x16180] =	vst v63  }
0x253: {  	s10 =	simm.s32 $0x10980;
	v6 =	vperm.xlane v6, v5  }
0x254: {  	[tilespmem:s10], [sflag:$0x2] =	stream.indirect_vreg.gather [hbm4b:s5+s3], $0x80, v7, vm0, $0xb8;
	[tilespmem:$0x16180] =	vst v63  }
0x255: {  	s14 =	simm.s32 $0x11180;
	v6 =	vadd.s32 v4, v6  }
0x256: {  	[tilespmem:s14], [sflag:$0x2] =	stream.indirect_vreg.gather [hbm4b:s6+s3], $0x80, v7, vm0, $0xb8;
	[tilespmem:$0x16180] =	vst v63  }
0x257: {  	s17 =	simm.s32 $0x11980  }
0x258: {  	[tilespmem:s17], [sflag:$0x2] =	stream.indirect_vreg.gather [hbm4b:s8+s3], $0x80, v7, vm0, $0xb8;
	[tilespmem:$0x16180] =	vst v63  }
0x259: {  	s20 =	simm.s32 $0x12180  }
0x25a: {  	[tilespmem:s20], [sflag:$0x2] =	stream.indirect_vreg.gather [hbm4b:s1+s3], $0x80, v6, vm0, $0xb8;
	[tilespmem:$0x16180] =	vst v63  }
0x25b: {  	s21 =	simm.s32 $0x12980  }
0x25c: {  	[tilespmem:s21], [sflag:$0x2] =	stream.indirect_vreg.gather [hbm4b:s5+s3], $0x80, v6, vm0, $0xb8;
	[tilespmem:$0x16180] =	vst v63  }
0x25d: {  	s22 =	simm.s32 $0x13180  }
0x25e: {  	[tilespmem:s22], [sflag:$0x2] =	stream.indirect_vreg.gather [hbm4b:s6+s3], $0x80, v6, vm0, $0xb8;
	[tilespmem:$0x16180] =	vst v63  }
0x25f: {  	s23 =	simm.s32 $0x13980  }
0x260: {  	[tilespmem:s23], [sflag:$0x2] =	stream.indirect_vreg.gather [hbm4b:s8+s3], $0x80, v6, vm0, $0xb8;
	[tilespmem:$0x16180] =	vst v63  }
0x261: {  	v6 =	vld.msk [tilespmem:$0x2138], $0xff;
	_ =	sdelay $0x4  }
0x262: {  	v7 =	vshll.u32 v6, $0x3  }
0x263: {  	v6 =	vand.u32 $0x7, v6;
	v7 =	vand.u32 $0xFFFFFFC0, v7  }
0x264: {  	v6 =	vor.u32 v6, v7  }
0x265: {  	v6 =	vperm.xlane v6, v3;
	_ =	sdelay $0x1  }
0x266: {  	v6 =	vadd.s32 v4, v6;
	_ =	sdelay $0x3  }
0x267: {  	s24 =	simm.s32 $0x14180  }
0x268: {  	[tilespmem:s24], [sflag:$0x2] =	stream.indirect_vreg.gather [hbm4b:s1+s3], $0x80, v6, vm0, $0xb8;
	[tilespmem:$0x16180] =	vst v63  }
0x269: {  	s25 =	simm.s32 $0x14980  }
0x26a: {  	[tilespmem:s25], [sflag:$0x2] =	stream.indirect_vreg.gather [hbm4b:s5+s3], $0x80, v6, vm0, $0xb8;
	[tilespmem:$0x16180] =	vst v63  }
0x26b: {  	s26 =	simm.s32 $0x15180  }
0x26c: {  	[tilespmem:s26], [sflag:$0x2] =	stream.indirect_vreg.gather [hbm4b:s6+s3], $0x80, v6, vm0, $0xb8;
	[tilespmem:$0x16180] =	vst v63  }
0x26d: {  	s28 =	simm.s32 $0x15980  }
0x26e: {  	[tilespmem:s28], [sflag:$0x2] =	stream.indirect_vreg.gather [hbm4b:s8+s3], $0x80, v6, vm0, $0xb8;
	[tilespmem:$0x16180] =	vst v63  }
0x26f: {  	s29 =	rddreg [dreg:$0xa]  }
0x270: {  	[hbm4b:s29+s3] =	stream.linear.scatter [tilespmem:s15], [sflag:$0x3], $0xA000, $0x38;
	[tilespmem:$0x16180] =	vst v63  }
0x271: {  	_ =	swait.ge [sflag:s11], $0xA000  }
0x272: {  	[sflag:s11] =	ssyncset.done $0x0  }
0x273: {  	s30 =	rddreg [dreg:$0xb];
	[sflag:s11] =	ssyncadd.s32 $0xFFFF6000  }
0x274: {  	[hbm4b:s30+s3] =	stream.linear.scatter [tilespmem:s0], [sflag:$0x4], $0xA000, $0x38;
	[tilespmem:$0x16180] =	vst v63  }
0x275: {  	_ =	swait.ge [sflag:s12], $0xA000  }
0x276: {  	[sflag:s12] =	ssyncset.done $0x0  }
0x277: {  	[sflag:s12] =	ssyncadd.s32 $0xFFFF6000  }
0x278: {  	_ =	swait.ge [sflag:s13], $0xA000  }
0x279: {  	s16 =	sadd.s32 $0x1, s16;
	s31 =	rddreg [dreg:$0xc]  }
0x27a: {  	p0 =	sne.s32 s16, s31  }
.Ltmp1:
0x27b: {  	_ = 	snop;
	(pc) =	sbr.rel @p0 .LBB2_1-.Ltmp1, $3  }
0x27c: {  	_ =	sdelay $0x1  }
0x27d: {  	[sflag:s13] =	ssyncset.done $0x0  }
0x27e: {  	[sflag:s13] =	ssyncadd.s32 $0xFFFF6000  }
0x27f: {  	_ =	sfence.sel $0x180000  }
0x280: {  	[bflag:$0x0] =	sbarrier.arrive $0xFFFF  }
0x281: {  	_ =	strace $0x90000047  }
0x282: {  	s0 =	stileid.u32;
	[bflag:$0x2] =	sbarrier.arrive $0xFFFF  }
0x283: {  	p0 =	sne.s32 s0, $0x0;
	s0 =	rddreg [dreg:$0x2]  }
0x284: {  	s0 =	sadd.s32 @!p0 $0x100000, s0  }
0x285: {  	[sflag:s0] =	ssyncadd.tile.s32 @!p0 $0x1;
	_ =	shalt  }
.Lfunc_end2:
_tile_overlayer_lowered:
.L_overlay_start_2:
0x286: {  	(tag) =	ssettag $0x2  }
0x287: {  	s0 =	rddreg [dreg:$0x0];
	s2 =	stileid.u32  }
0x288: {  	s1 =	rddreg [dreg:$0x1];
	p0 =	sne.s32 s2, $0x0  }
0x289: {  	s3 =	rddreg [dreg:$0x2];
	[bflag:$0x3] =	sbarrier.arrive $0xFFFF;
	s2 =	simm.s32 @!p0 $0x1C05  }
0x28a: {  	[timem:s3], [sflag:s2] =	dma.local @!p0 [hbm:s0], s1  }
0x28b: {  	s0 =	simm.s32 @!p0 $0x5  }
0x28c: {  	_ =	swait.ge @!p0 [sflag:s0], s1  }
0x28d: {  	s1 =	ssub.s32 @!p0 $0x0, s1;
	[sflag:s0] =	ssyncset.done @!p0 $0x0  }
0x28e: {  	[sflag:s0] =	ssyncadd.s32 @!p0 s1  }
0x28f: {  	[bflag:$0x3] =	sbarrier.arrive $0xFFFF  }
0x290: {  	_ =	shalt  }

// kernel: kernel.9.cloned.1.call-start
scs
__scs_entry_jumppad:
0x0: {  	(pc) =	sbr.rel $0x88, $3  }
0x1: {  	(tag) =	ssettag $0x0;
	lr =	simm.s32 $0x1  }
0x2: {  	[smem:$0x3F9D] =	sst lr;
	_ =	strace $0xD0000000  }
0x3: {  	_ = 	snop  }
0x4: {  	_ = 	snop  }
0x5: {  	_ = 	snop  }
0x6: {  	_ = 	snop  }
0x7: {  	_ = 	snop  }
__scs_overlays_trampoline_lowered:
0x8: {  	[smem:$0x3FAC] =	sst s0  }
0x9: {  	[smem:$0x3FAD] =	sst s1  }
0xa: {  	[smem:$0x3FAE] =	sst s2  }
0xb: {  	[smem:$0x3FAF] =	sst s3  }
0xc: {  	[smem:$0x3FB0] =	sst s4  }
0xd: {  	[smem:$0x3FB1] =	sst s5  }
0xe: {  	[smem:$0x3FB2] =	sst s6  }
0xf: {  	[smem:$0x3FB3] =	sst s7  }
0x10: {  	[smem:$0x3FB4] =	sst s8  }
0x11: {  	[smem:$0x3FB5] =	sst s9;
	s0 =	simm.s32 @!p0 $0x0  }
0x12: {  	s1 =	sld [smem:$0x3F9B];
	s0 =	simm.s32 @p0 $0x1  }
0x13: {  	[smem:$0x3FB6] =	sst s0;
	s0 =	simm.s32 @!p1 $0x0  }
0x14: {  	s2 =	sld [smem:$0x3F9A];
	s0 =	simm.s32 @p1 $0x1  }
0x15: {  	[smem:$0x3FB7] =	sst s0;
	s0 =	simm.s32 @!p2 $0x0  }
0x16: {  	s3 =	sld [smem:$0x3FDB];
	s0 =	simm.s32 @p2 $0x1  }
0x17: {  	s4 =	simm.s32 $0x1BF5;
	[smem:$0x3FB9] =	sst s0  }
0x18: {  	s0 =	sld [smem:$0x3F9C];
	_ =	swait.ge [sflag:s4], $0x0  }
0x19: {  	s7 =	sld [smem:$0x3F9D]  }
0x1a: {  	s8 =	sadd.s32 $0xFFFFE003, lr  }
0x1b: {  	s9 =	sadd.s32 $0xFFFFFEF7, lr;
	s5 =	simm.s32 $0xFFFFFFFF;
	p2 =	slt.u32 s8, $0xFFFFF086  }
0x1c: {  	p1 =	slt.u32 s9, $0xF7A;
	s5 =	simm.s32 @!p2 $0x0  }
0x1d: {  	s5 =	simm.s32 @p1 $0x1;
	p0 =	seq.s32 s7, s2  }
0x1e: {  	s7 =	smul.u32 @!p0 $0xF7A, s2;
	p2 =	seq.s32 @!p0 s5, $0x0  }
0x1f: {  	s9 =	smul.u32 $0xF7A, s1;
	s8 =	simm.s32 @!p0 $0x1BF5;
	p2 =	por !p2, p0  }
0x20: {  	[sflag:s8] =	ssyncset.s32 @!p0 $0xFFFFF086;
	s6 =	sadd.s32 @!p0 s3, s7;
	s7 =	simm.s32 @!p0 $0x108  }
0x21: {  	s3 =	sadd.s32 s3, s9;
	s6 =	sadd.s32 @!p0 $0x88, s6;
	s7 =	simm.s32 @p2 $0x1082  }
0x22: {  	[simem:s7], [sflag:s8] =	dma.local @!p0 [hbm:s6], $0xF7A  }
0x23: {  	s9 =	sor.u32 $0xD0000000, s2;
	s6 =	simm.s32 $0x108;
	_ =	swait.ge @!p0 [sflag:s8], $0x0  }
0x24: {  	s3 =	sadd.s32 $0x88, s3;
	s6 =	simm.s32 @!p1 $0x1082;
	[sflag:s4] =	ssyncset.s32 $0xFFFFF086  }
0x25: {  	[simem:s6], [sflag:s4] =	dma.local [hbm:s3], $0xF7A  }
0x26: {  	[smem:$0x3F9D] =	sst s1;
	(tag) =	ssettag s2;
	_ =	strace s9  }
0x27: {  	s1 =	sld [smem:$0x3FAD]  }
0x28: {  	s2 =	sld [smem:$0x3FAE]  }
0x29: {  	s4 =	sld [smem:$0x3FB0]  }
0x2a: {  	p0 =	seq.s32 s5, $0x0;
	s5 =	sld [smem:$0x3FB1]  }
0x2b: {  	s6 =	sld [smem:$0x3FB2]  }
0x2c: {  	s7 =	sld [smem:$0x3FB3]  }
0x2d: {  	s3 =	simm.s32 $0x108;
	s8 =	sld [smem:$0x3FB4]  }
0x2e: {  	s3 =	simm.s32 @!p0 $0x1082;
	s9 =	sld [smem:$0x3FB5]  }
0x2f: {  	lr =	sadd.s32 s0, s3;
	s0 =	sld [smem:$0x3FAC]  }
0x30: {  	s3 =	sld [smem:$0x3FAF]  }
0x31: {  	[smem:$0x3FB8] =	sst s10  }
0x32: {  	s10 =	sld [smem:$0x3FB6];
	_ =	sdelay $0x3  }
0x33: {  	p0 =	seq.s32 s10, $0x1;
	s10 =	sld [smem:$0x3FB8];
	_ =	sdelay $0x3  }
0x34: {  	[smem:$0x3FB8] =	sst s10  }
0x35: {  	s10 =	sld [smem:$0x3FB7];
	_ =	sdelay $0x3  }
0x36: {  	p1 =	seq.s32 s10, $0x1;
	s10 =	sld [smem:$0x3FB8];
	_ =	sdelay $0x3  }
0x37: {  	[smem:$0x3FB8] =	sst s10  }
0x38: {  	s10 =	sld [smem:$0x3FB9]  }
0x39: {  	_ = 	snop;
	(pc) =	sbr.ind lr, $3  }
0x3a: {  	_ = 	snop  }
0x3b: {  	_ = 	snop  }
0x3c: {  	p2 =	seq.s32 s10, $0x1;
	s10 =	sld [smem:$0x3FB8]  }
0x3d: {  	_ =	shalt  }
0x3e: {  	_ =	shalt  }
0x3f: {  	_ =	shalt  }
0x40: {  	_ =	shalt  }
0x41: {  	_ =	shalt  }
0x42: {  	_ =	shalt  }
0x43: {  	_ =	shalt  }
0x44: {  	_ =	shalt  }
0x45: {  	_ =	shalt  }
0x46: {  	_ =	shalt  }
0x47: {  	_ =	shalt  }
0x48: {  	_ =	shalt  }
0x49: {  	_ =	shalt  }
0x4a: {  	_ =	shalt  }
0x4b: {  	_ =	shalt  }
0x4c: {  	_ =	shalt  }
0x4d: {  	_ =	shalt  }
0x4e: {  	_ =	shalt  }
0x4f: {  	_ =	shalt  }
0x50: {  	_ =	shalt  }
0x51: {  	_ =	shalt  }
0x52: {  	_ =	shalt  }
0x53: {  	_ =	shalt  }
0x54: {  	_ =	shalt  }
0x55: {  	_ =	shalt  }
0x56: {  	_ =	shalt  }
0x57: {  	_ =	shalt  }
0x58: {  	_ =	shalt  }
0x59: {  	_ =	shalt  }
0x5a: {  	_ =	shalt  }
0x5b: {  	_ =	shalt  }
0x5c: {  	_ =	shalt  }
0x5d: {  	_ =	shalt  }
0x5e: {  	_ =	shalt  }
0x5f: {  	_ =	shalt  }
0x60: {  	_ =	shalt  }
0x61: {  	_ =	shalt  }
0x62: {  	_ =	shalt  }
0x63: {  	_ =	shalt  }
0x64: {  	_ =	shalt  }
0x65: {  	_ =	shalt  }
0x66: {  	_ =	shalt  }
0x67: {  	_ =	shalt  }
0x68: {  	_ =	shalt  }
0x69: {  	_ =	shalt  }
0x6a: {  	_ =	shalt  }
0x6b: {  	_ =	shalt  }
0x6c: {  	_ =	shalt  }
0x6d: {  	_ =	shalt  }
0x6e: {  	_ =	shalt  }
0x6f: {  	_ =	shalt  }
0x70: {  	_ =	shalt  }
0x71: {  	_ =	shalt  }
0x72: {  	_ =	shalt  }
0x73: {  	_ =	shalt  }
0x74: {  	_ =	shalt  }
0x75: {  	_ =	shalt  }
0x76: {  	_ =	shalt  }
0x77: {  	_ =	shalt  }
0x78: {  	_ =	shalt  }
0x79: {  	_ =	shalt  }
0x7a: {  	_ =	shalt  }
0x7b: {  	_ =	shalt  }
0x7c: {  	_ =	shalt  }
0x7d: {  	_ =	shalt  }
0x7e: {  	_ =	shalt  }
0x7f: {  	_ =	shalt  }
0x80: {  	_ =	shalt  }
0x81: {  	_ =	shalt  }
0x82: {  	_ =	shalt  }
0x83: {  	_ =	shalt  }
0x84: {  	_ =	shalt  }
0x85: {  	_ =	shalt  }
0x86: {  	_ =	shalt  }
0x87: {  	_ =	shalt  }
.Lfunc_end0:
.L_simem_size_0:
called_computation.1_lowered:
.L_overlay_start_0:
0x88: {  	s2 =	sld [smem:$0x3FD9]  }
0x89: {  	s3 =	sld [smem:$0x3FFE];
	_ =	sdelay $0x1  }
0x8a: {  	s1 =	srdreg.scid  }
0x8b: {  	s0 =	sand.u32 $0x1, s1  }
0x8c: {  	s17 =	sshll.u32 s0, $0xA;
	s2 =	sadd.s32 s3, s2  }
0x8d: {  	s2 =	sadd.s32 s2, s17  }
0x8e: {  	[smem:$0x3FC4] =	sst s2  }
0x8f: {  	_ = 	snop  }
0x90: {  	s2 =	sld [smem:$0x3FD0];
	(tm) =	ssettm $0x1  }
0x91: {  	s18 =	sld [smem:$0x3FFB];
	_ =	sdelay $0x3  }
0x92: {  	_ =	strace s18  }
0x93: {  	s3 =	sld [smem:$0x3FFC];
	_ =	sdelay $0x3  }
0x94: {  	_ =	strace s3  }
0x95: {  	s3 =	sld [smem:$0x3FFD];
	_ =	sdelay $0x3  }
0x96: {  	_ =	strace s3  }
0x97: {  	_ =	strace $0x8FFFFFFF  }
0x98: {  	s19 =	sld [smem:$0x3FDB];
	_ =	sdelay $0x1  }
0x99: {  	s4 =	simm.s32 $_scs_section_size  }
0x9a: {  	s5 =	simm.s32 $_size__tile_overlayer_lowered;
	s6 =	simm.s32 $_tile_overlayer_lowered  }
0x9b: {  	s22 =	simm.s32 $0x1BFF;
	s21 =	sshll.u32 s6, $0x1;
	s3 =	sadd.s32 s4, s19  }
0x9c: {  	s7 =	simm.s32 $0x0;
	s20 =	sshll.u32 s5, $0x1;
	s5 =	sadd.s32 s21, s3  }
0x9d: {  	[timem:s7], [sflag:s22] =	dma.local [hbm:s5], s20  }
0x9e: {  	_ =	swait.ge [sflag:s22], s20  }
0x9f: {  	s4 =	ssub.s32 $0x0, s20;
	[sflag:s22] =	ssyncset.done $0x0  }
0xa0: {  	[sflag:s22] =	ssyncadd.s32 s4;
	_ =	sdelay $0x1  }
0xa1: {  	s23 =	simm.s32 $0x1B8B  }
0xa2: {  	_ =	swait.ge [sflag:s23], $0x1  }
0xa3: {  	[sflag:s23] =	ssyncset.done $0x0  }
0xa4: {  	s25 =	simm.s32 $0x1B8E;
	s24 =	sld [smem:$0x3FFE];
	[sflag:s23] =	ssyncadd.s32 $0xFFFFFFFF  }
0xa5: {  	s26 =	simm.s32 $execute0_lowered;
	[smem:$0x3FD2] =	sst s25  }
0xa6: {  	s5 =	sshll.u32 s26, $0x1;
	_ =	strace $0x80000049;
	[dreg:$0x1] =	wrdreg $0xFFFFFFFF  }
0xa7: {  	s28 =	simm.s32 $_size_execute0_lowered;
	s3 =	sadd.s32 s3, s5;
	[dreg:$0x0] =	wrdreg $0x0  }
0xa8: {  	s5 =	sshll.u32 s28, $0x1;
	[dreg:$0x2] =	wrdreg s3  }
0xa9: {  	[dreg:$0x3] =	wrdreg s5  }
0xaa: {  	[dreg:$0x4] =	wrdreg $0xC0  }
0xab: {  	_ =	task [dreg:s7], $0x5FFFF  }
0xac: {  	[dreg:$0x1] =	wrdreg $0xFFFFFFFF  }
0xad: {  	[dreg:$0x0] =	wrdreg $0x60  }
0xae: {  	[dreg:$0x2] =	wrdreg s24  }
0xaf: {  	[dreg:$0x3] =	wrdreg s2  }
0xb0: {  	[dreg:$0x4] =	wrdreg $0x9  }
0xb1: {  	_ =	task.clear_ibuf [dreg:s7], $0x5FFFF;
	_ =	strace $0x90000049  }
0xb2: {  	s29 =	simm.s32 $0x9;
	_ =	strace $0x8000004B  }
0xb3: {  	_ =	swait.ge [sflag:s29], $0x1  }
0xb4: {  	[sflag:s29] =	ssyncadd.s32 $0xFFFFFFFF  }
0xb5: {  	_ =	strace $0x9000004B  }
0xb6: {  	_ =	sfence  }
0xb7: {  	s30 =	sld [smem:$0x0];
	_ =	sdelay $0x2  }
0xb8: {  	s31 =	sshll.u32 s1, $0xD;
	s1 =	sshrl.u32 s1, $0x2  }
0xb9: {  	s3 =	sand.u32 $0x4000, s31;
	s1 =	sadd.s32 s1, s30  }
0xba: {  	s0 =	sor.u32 s3, s0;
	s1 =	sshll.u32 s1, $0x11  }
0xbb: {  	s0 =	sor.u32 s1, s0  }
0xbc: {  	s0 =	sadd.s32 $0x8F2B, s0  }
0xbd: {  	[sflag:s0] =	ssyncadd.remote.s32 $0x1  }
0xbe: {  	_ =	sfence.sel $0xFFFF  }
0xbf: {  	[dreg:$0x0] =	wrdreg $0xFFFFFFFF;
	(pc) =	sbr.abs _section_cstart, $3  }
0xc0: {  	[dreg:$0x1] =	wrdreg $0xFFFFFFFF  }
0xc1: {  	_ =	task.clear_ibuf [dreg:s7], $0x2FFFF;
	_ =	strace $0x9FFFFFFF  }
0xc2: {  	(tm) =	ssettm $0x7FFFFFFF  }
0xc3: {  	_ =	shalt  }
tec
execute0_lowered:
.L_overlay_start_1:
0x0: {  	(tag) =	ssettag $0x1  }
0x1: {  	s0 =	rddreg [dreg:$0x0]  }
0x2: {  	s1 =	simm.s32 $0x0;
	s2 =	srdreg.scid;
	s14 =	rddreg [dreg:$0x1]  }
0x3: {  	s3 =	stileid.u32;
	[smem:$0x7FF] =	sst s1;
	s2 =	sand.u32 $0x1, s2  }
0x4: {  	s3 =	sshll.u32 s3, $0x1;
	s4 =	sadd.s32 $0x1000, s0;
	s29 =	sadd.s32 $0x141900, s0  }
0x5: {  	s30 =	sadd.s32 $0x141A00, s0;
	s31 =	sadd.s32 $0x141B00, s0;
	s5 =	ssub.s32 $0x2, s2  }
0x6: {  	s2 =	sor.u32 s2, s3;
	s3 =	sadd.s32 $0x141400, s0;
	s6 =	sshrl.u32 s5, $0x1  }
0x7: {  	s7 =	sshll.u32 s2, $0x7;
	s15 =	sshll.u32 s2, $0x5;
	s2 =	sshll.u32 s2, $0xE  }
0x8: {  	s5 =	ssub.s32 s5, s6;
	s8 =	sor.u32 $0x10, s7;
	s9 =	sadd.s32 s4, s15  }
0x9: {  	s10 =	sor.u32 $0x20, s7;
	s6 =	sadd.s32 s3, s15;
	s11 =	sor.u32 $0x40, s7  }
0xa: {  	s13 =	sor.u32 $0x50, s7;
	s25 =	sor.u32 $0x60, s7;
	s26 =	sor.u32 $0x70, s7  }
0xb: {  	s2 =	sadd.s32 s14, s2;
	[dreg:$0x3] =	wrdreg s9;
	s16 =	sshrl.u32 s8, $0x2  }
0xc: {  	[dreg:$0x4] =	wrdreg s6;
	s18 =	sshrl.u32 s10, $0x2;
	s17 =	sadd.s32 s4, s16  }
0xd: {  	s21 =	sshrl.u32 s11, $0x2;
	s9 =	sadd.s32 s3, s16;
	[dreg:$0x5] =	wrdreg s17  }
0xe: {  	s23 =	sshrl.u32 s13, $0x2;
	s19 =	sadd.s32 s4, s18;
	[dreg:$0x6] =	wrdreg s9  }
0xf: {  	s28 =	sshrl.u32 s25, $0x2;
	s6 =	sadd.s32 s3, s18;
	[dreg:$0x7] =	wrdreg s19  }
0x10: {  	s22 =	sadd.s32 s4, s21;
	s24 =	sadd.s32 s4, s23;
	[dreg:$0x8] =	wrdreg s6  }
0x11: {  	s15 =	sadd.s32 s4, s28;
	s16 =	sshrl.u32 s26, $0x2;
	[dreg:$0xb] =	wrdreg s22  }
0x12: {  	s18 =	sshll.u32 s10, $0x7;
	s10 =	simm.s32 $0xDA00;
	[dreg:$0xd] =	wrdreg s24  }
0x13: {  	s9 =	sor.u32 $0x30, s7;
	[dreg:$0xf] =	wrdreg s15;
	s7 =	sadd.s32 s3, s28  }
0x14: {  	s17 =	sshll.u32 s8, $0x7;
	s19 =	sadd.s32 s14, s18;
	s22 =	sshll.u32 s13, $0x7  }
0x15: {  	s24 =	sshll.u32 s25, $0x7;
	s25 =	sshll.u32 s26, $0x7;
	s26 =	sadd.s32 $0x141800, s0  }
0x16: {  	s28 =	smax.u32 s5, $0x1;
	s0 =	simm.s32 $0x5;
	s5 =	simm.s32 $0xB200  }
0x17: {  	s8 =	simm.s32 $0xCA00;
	s13 =	simm.s32 $0xF200;
	s20 =	sshrl.u32 s9, $0x2  }
0x18: {  	s15 =	simm.s32 $0xFA00;
	[dreg:$0x10] =	wrdreg s7;
	s12 =	sadd.s32 s4, s20  }
0x19: {  	s18 =	simm.s32 $0x14200;
	s6 =	sadd.s32 s3, s20;
	[dreg:$0x9] =	wrdreg s12  }
0x1a: {  	s7 =	simm.s32 $0xC200;
	s4 =	sadd.s32 s4, s16;
	[dreg:$0xa] =	wrdreg s6  }
0x1b: {  	s20 =	sshll.u32 s9, $0x7;
	s12 =	sadd.s32 s3, s21;
	[dreg:$0x11] =	wrdreg s4  }
0x1c: {  	s9 =	simm.s32 $0xD200;
	s6 =	sadd.s32 s3, s23;
	[dreg:$0xc] =	wrdreg s12  }
0x1d: {  	s3 =	sadd.s32 s3, s16;
	s21 =	sshll.u32 s11, $0x7;
	[dreg:$0xe] =	wrdreg s6  }
0x1e: {  	s23 =	sadd.s32 s14, s22;
	s22 =	simm.s32 $0x180;
	[dreg:$0x12] =	wrdreg s3  }
0x1f: {  	s11 =	simm.s32 $0xE200;
	_ =	strace $0x8000004A;
	[dreg:$0x13] =	wrdreg s2  }
0x20: {  	s16 =	simm.s32 $0x10200;
	s3 =	simm.s32 $0x200;
	[dreg:$0x15] =	wrdreg s19  }
0x21: {  	s6 =	simm.s32 $0xBA00;
	s12 =	simm.s32 $0xEA00;
	[dreg:$0x18] =	wrdreg s23  }
0x22: {  	s2 =	sadd.s32 s14, s17;
	[dreg:$0x1b] =	wrdreg s28;
	s23 =	simm.s32 $0x8200  }
0x23: {  	v0 =	vlaneseq.u32;
	s17 =	simm.s32 $0x2;
	[dreg:$0x14] =	wrdreg s2;
	s2 =	sadd.s32 s14, s20  }
0x24: {  	vm0 =	vmmov $0xffff;
	v2 =	vshrl.u32 v0, $0x3;
	v1 =	vand.u32 $0x7, v0;
	s19 =	simm.s32 $0x3;
	[dreg:$0x16] =	wrdreg s2;
	s2 =	sadd.s32 s14, s21  }
0x25: {  	v3 =	vor.u32 $0x8, v0;
	v4 =	vor.u32 $0x10, v0;
	v5 =	vor.u32 $0x20, v0;
	s20 =	simm.s32 $0x1;
	[dreg:$0x17] =	wrdreg s2;
	s2 =	sadd.s32 s14, s24  }
0x26: {  	v6 =	vor.u32 $0x30, v0;
	v7 =	vor.u32 $0x40, v0;
	v8 =	vor.u32 $0x50, v0;
	s21 =	simm.s32 $0x4;
	[dreg:$0x19] =	wrdreg s2;
	s2 =	sadd.s32 s14, s25  }
0x27: {  	v9 =	vor.u32 $0x60, v0;
	v10 =	vor.u32 $0x70, v0;
	v2 =	vmul.u32 $0x8, v2;
	s24 =	simm.s32 $0x0;
	[dreg:$0x1a] =	wrdreg s2;
	s2 =	simm.s32 $0x100  }
.LBB2_1:
0x28: {  	s4 =	rddreg [dreg:$0x3]  }
0x29: {  	[tilespmem:s1], [sflag:$0x5] =	stream.linear.gather [hbm4b:s4+s1], $0x20, $0x38;
	[tilespmem:$0x18200] =	vst v63  }
0x2a: {  	_ =	swait.ge [sflag:s0], $0x20  }
0x2b: {  	[sflag:s0] =	ssyncset.done $0x0  }
0x2c: {  	s25 =	rddreg [dreg:$0x4];
	[sflag:s0] =	ssyncadd.s32 $0xFFFFFFE0  }
0x2d: {  	[tilespmem:s2], [sflag:$0x5] =	stream.linear.gather [hbm4b:s25+s1], $0x20, $0x38;
	[tilespmem:$0x18200] =	vst v63  }
0x2e: {  	_ =	swait.ge [sflag:s0], $0x20  }
0x2f: {  	[sflag:s0] =	ssyncset.done $0x0  }
0x30: {  	[sflag:s0] =	ssyncadd.s32 $0xFFFFFFE0  }
0x31: {  	v11 =	vld [tilespmem:$0x0];
	_ =	sdelay $0x4  }
0x32: {  	v12 =	vshll.u32 v11, $0x3  }
0x33: {  	v11 =	vand.u32 $0x7, v11;
	v12 =	vand.u32 $0xFFFFFFC0, v12  }
0x34: {  	v11 =	vor.u32 v11, v12  }
0x35: {  	v12 =	vperm.xlane v11, v1;
	_ =	sdelay $0x1  }
0x36: {  	v12 =	vadd.s32 v2, v12;
	_ =	sdelay $0x4  }
0x37: {  	[tilespmem:s3], [sflag:$0x1] =	stream.indirect_vreg.gather [hbm4b:s26+s1], $0x80, v12, vm0, $0xb8;
	[tilespmem:$0x18200] =	vst v63  }
0x38: {  	s28 =	simm.s32 $0xA00;
	v11 =	vperm.xlane v11, v3  }
0x39: {  	[tilespmem:s28], [sflag:$0x1] =	stream.indirect_vreg.gather [hbm4b:s29+s1], $0x80, v12, vm0, $0xb8;
	[tilespmem:$0x18200] =	vst v63  }
0x3a: {  	s14 =	simm.s32 $0x1200;
	v11 =	vadd.s32 v2, v11  }
0x3b: {  	[tilespmem:s14], [sflag:$0x1] =	stream.indirect_vreg.gather [hbm4b:s30+s1], $0x80, v12, vm0, $0xb8;
	[tilespmem:$0x18200] =	vst v63  }
0x3c: {  	s25 =	simm.s32 $0x1A00  }
0x3d: {  	[tilespmem:s25], [sflag:$0x1] =	stream.indirect_vreg.gather [hbm4b:s31+s1], $0x80, v12, vm0, $0xb8;
	[tilespmem:$0x18200] =	vst v63  }
0x3e: {  	s28 =	simm.s32 $0x2200  }
0x3f: {  	[tilespmem:s28], [sflag:$0x1] =	stream.indirect_vreg.gather [hbm4b:s26+s1], $0x80, v11, vm0, $0xb8;
	[tilespmem:$0x18200] =	vst v63  }
0x40: {  	s14 =	simm.s32 $0x2A00  }
0x41: {  	[tilespmem:s14], [sflag:$0x1] =	stream.indirect_vreg.gather [hbm4b:s29+s1], $0x80, v11, vm0, $0xb8;
	[tilespmem:$0x18200] =	vst v63  }
0x42: {  	s25 =	simm.s32 $0x3200  }
0x43: {  	[tilespmem:s25], [sflag:$0x1] =	stream.indirect_vreg.gather [hbm4b:s30+s1], $0x80, v11, vm0, $0xb8;
	[tilespmem:$0x18200] =	vst v63  }
0x44: {  	s28 =	simm.s32 $0x3A00  }
0x45: {  	[tilespmem:s28], [sflag:$0x1] =	stream.indirect_vreg.gather [hbm4b:s31+s1], $0x80, v11, vm0, $0xb8;
	[tilespmem:$0x18200] =	vst v63  }
0x46: {  	v11 =	vld [tilespmem:$0x10];
	_ =	sdelay $0x4  }
0x47: {  	v61 =	vshll.u32 v11, $0x3  }
0x48: {  	v11 =	vand.u32 $0x7, v11;
	v12 =	vand.u32 $0xFFFFFFC0, v61  }
0x49: {  	v11 =	vor.u32 v11, v12  }
0x4a: {  	v12 =	vperm.xlane v11, v1;
	_ =	sdelay $0x1  }
0x4b: {  	v12 =	vadd.s32 v2, v12;
	_ =	sdelay $0x3  }
0x4c: {  	s14 =	simm.s32 $0x4200  }
0x4d: {  	[tilespmem:s14], [sflag:$0x1] =	stream.indirect_vreg.gather [hbm4b:s26+s1], $0x80, v12, vm0, $0xb8;
	[tilespmem:$0x18200] =	vst v63  }
0x4e: {  	s25 =	simm.s32 $0x4A00;
	v11 =	vperm.xlane v11, v3  }
0x4f: {  	[tilespmem:s25], [sflag:$0x1] =	stream.indirect_vreg.gather [hbm4b:s29+s1], $0x80, v12, vm0, $0xb8;
	[tilespmem:$0x18200] =	vst v63  }
0x50: {  	s28 =	simm.s32 $0x5200;
	v11 =	vadd.s32 v2, v11  }
0x51: {  	[tilespmem:s28], [sflag:$0x1] =	stream.indirect_vreg.gather [hbm4b:s30+s1], $0x80, v12, vm0, $0xb8;
	[tilespmem:$0x18200] =	vst v63  }
0x52: {  	s14 =	simm.s32 $0x5A00  }
0x53: {  	[tilespmem:s14], [sflag:$0x1] =	stream.indirect_vreg.gather [hbm4b:s31+s1], $0x80, v12, vm0, $0xb8;
	[tilespmem:$0x18200] =	vst v63  }
0x54: {  	s25 =	simm.s32 $0x6200  }
0x55: {  	[tilespmem:s25], [sflag:$0x1] =	stream.indirect_vreg.gather [hbm4b:s26+s1], $0x80, v11, vm0, $0xb8;
	[tilespmem:$0x18200] =	vst v63  }
0x56: {  	s28 =	simm.s32 $0x6A00  }
0x57: {  	[tilespmem:s28], [sflag:$0x1] =	stream.indirect_vreg.gather [hbm4b:s29+s1], $0x80, v11, vm0, $0xb8;
	[tilespmem:$0x18200] =	vst v63  }
0x58: {  	s14 =	simm.s32 $0x7200  }
0x59: {  	[tilespmem:s14], [sflag:$0x1] =	stream.indirect_vreg.gather [hbm4b:s30+s1], $0x80, v11, vm0, $0xb8;
	[tilespmem:$0x18200] =	vst v63  }
0x5a: {  	s25 =	simm.s32 $0x7A00  }
0x5b: {  	[tilespmem:s25], [sflag:$0x1] =	stream.indirect_vreg.gather [hbm4b:s31+s1], $0x80, v11, vm0, $0xb8;
	[tilespmem:$0x18200] =	vst v63  }
0x5c: {  	_ =	swait.ge [sflag:s20], $0x8000  }
0x5d: {  	[sflag:s20] =	ssyncset.done $0x0  }
0x5e: {  	s14 =	simm.s32 $0x80;
	s28 =	rddreg [dreg:$0x5];
	[sflag:s20] =	ssyncadd.s32 $0xFFFF8000  }
0x5f: {  	[tilespmem:s14], [sflag:$0x5] =	stream.linear.gather [hbm4b:s28+s1], $0x20, $0x38;
	[tilespmem:$0x18200] =	vst v63  }
0x60: {  	_ =	swait.ge [sflag:s0], $0x20  }
0x61: {  	[sflag:s0] =	ssyncset.done $0x0  }
0x62: {  	s14 =	rddreg [dreg:$0x6];
	[sflag:s0] =	ssyncadd.s32 $0xFFFFFFE0  }
0x63: {  	[tilespmem:s22], [sflag:$0x5] =	stream.linear.gather [hbm4b:s14+s1], $0x20, $0x38;
	[tilespmem:$0x18200] =	vst v63  }
0x64: {  	_ =	swait.ge [sflag:s0], $0x20  }
0x65: {  	[sflag:s0] =	ssyncset.done $0x0  }
0x66: {  	[sflag:s0] =	ssyncadd.s32 $0xFFFFFFE0  }
0x67: {  	v11 =	vld [tilespmem:$0x80];
	_ =	sdelay $0x4  }
0x68: {  	v62 =	vshll.u32 v11, $0x3  }
0x69: {  	v11 =	vand.u32 $0x7, v11;
	v12 =	vand.u32 $0xFFFFFFC0, v62  }
0x6a: {  	v11 =	vor.u32 v11, v12  }
0x6b: {  	v12 =	vperm.xlane v11, v1;
	_ =	sdelay $0x1  }
0x6c: {  	v12 =	vadd.s32 v2, v12;
	_ =	sdelay $0x4  }
0x6d: {  	[tilespmem:s23], [sflag:$0x2] =	stream.indirect_vreg.gather [hbm4b:s26+s1], $0x80, v12, vm0, $0xb8;
	[tilespmem:$0x18200] =	vst v63  }
0x6e: {  	s25 =	simm.s32 $0x8A00;
	v11 =	vperm.xlane v11, v3  }
0x6f: {  	[tilespmem:s25], [sflag:$0x2] =	stream.indirect_vreg.gather [hbm4b:s29+s1], $0x80, v12, vm0, $0xb8;
	[tilespmem:$0x18200] =	vst v63  }
0x70: {  	s28 =	simm.s32 $0x9200;
	v11 =	vadd.s32 v2, v11  }
0x71: {  	[tilespmem:s28], [sflag:$0x2] =	stream.indirect_vreg.gather [hbm4b:s30+s1], $0x80, v12, vm0, $0xb8;
	[tilespmem:$0x18200] =	vst v63  }
0x72: {  	s14 =	simm.s32 $0x9A00  }
0x73: {  	[tilespmem:s14], [sflag:$0x2] =	stream.indirect_vreg.gather [hbm4b:s31+s1], $0x80, v12, vm0, $0xb8;
	[tilespmem:$0x18200] =	vst v63  }
0x74: {  	s25 =	simm.s32 $0xA200  }
0x75: {  	[tilespmem:s25], [sflag:$0x2] =	stream.indirect_vreg.gather [hbm4b:s26+s1], $0x80, v11, vm0, $0xb8;
	[tilespmem:$0x18200] =	vst v63  }
0x76: {  	s28 =	simm.s32 $0xAA00  }
0x77: {  	[tilespmem:s28], [sflag:$0x2] =	stream.indirect_vreg.gather [hbm4b:s29+s1], $0x80, v11, vm0, $0xb8;
	[tilespmem:$0x18200] =	vst v63  }
0x78: {  	_ = 	snop  }
0x79: {  	[tilespmem:s5], [sflag:$0x2] =	stream.indirect_vreg.gather [hbm4b:s30+s1], $0x80, v11, vm0, $0xb8;
	[tilespmem:$0x18200] =	vst v63  }
0x7a: {  	_ = 	snop  }
0x7b: {  	[tilespmem:s6], [sflag:$0x2] =	stream.indirect_vreg.gather [hbm4b:s31+s1], $0x80, v11, vm0, $0xb8;
	[tilespmem:$0x18200] =	vst v63  }
0x7c: {  	v11 =	vld [tilespmem:$0x90];
	_ =	sdelay $0x4  }
0x7d: {  	v63 =	vshll.u32 v11, $0x3  }
0x7e: {  	v11 =	vand.u32 $0x7, v11;
	v12 =	vand.u32 $0xFFFFFFC0, v63  }
0x7f: {  	v11 =	vor.u32 v11, v12  }
0x80: {  	v12 =	vperm.xlane v11, v1;
	_ =	sdelay $0x1  }
0x81: {  	v12 =	vadd.s32 v2, v12;
	_ =	sdelay $0x4  }
0x82: {  	[tilespmem:s7], [sflag:$0x2] =	stream.indirect_vreg.gather [hbm4b:s26+s1], $0x80, v12, vm0, $0xb8;
	[tilespmem:$0x18200] =	vst v63  }
0x83: {  	v11 =	vperm.xlane v11, v3  }
0x84: {  	[tilespmem:s8], [sflag:$0x2] =	stream.indirect_vreg.gather [hbm4b:s29+s1], $0x80, v12, vm0, $0xb8;
	[tilespmem:$0x18200] =	vst v63  }
0x85: {  	v11 =	vadd.s32 v2, v11  }
0x86: {  	[tilespmem:s9], [sflag:$0x2] =	stream.indirect_vreg.gather [hbm4b:s30+s1], $0x80, v12, vm0, $0xb8;
	[tilespmem:$0x18200] =	vst v63  }
0x87: {  	_ = 	snop  }
0x88: {  	[tilespmem:s10], [sflag:$0x2] =	stream.indirect_vreg.gather [hbm4b:s31+s1], $0x80, v12, vm0, $0xb8;
	[tilespmem:$0x18200] =	vst v63  }
0x89: {  	_ = 	snop  }
0x8a: {  	[tilespmem:s11], [sflag:$0x2] =	stream.indirect_vreg.gather [hbm4b:s26+s1], $0x80, v11, vm0, $0xb8;
	[tilespmem:$0x18200] =	vst v63  }
0x8b: {  	_ = 	snop  }
0x8c: {  	[tilespmem:s12], [sflag:$0x2] =	stream.indirect_vreg.gather [hbm4b:s29+s1], $0x80, v11, vm0, $0xb8;
	[tilespmem:$0x18200] =	vst v63  }
0x8d: {  	_ = 	snop  }
0x8e: {  	[tilespmem:s13], [sflag:$0x2] =	stream.indirect_vreg.gather [hbm4b:s30+s1], $0x80, v11, vm0, $0xb8;
	[tilespmem:$0x18200] =	vst v63  }
0x8f: {  	s25 =	simm.s32 $0x0  }
0x90: {  	[tilespmem:s15], [sflag:$0x2] =	stream.indirect_vreg.gather [hbm4b:s31+s1], $0x80, v11, vm0, $0xb8;
	[tilespmem:$0x18200] =	vst v63  }
.LBB2_2:
0x91: {  	s4 =	sshll.u32 s25, $0x1  }
0x92: {  	v11 =	vmov s4  }
0x93: {  	s4 =	simm.s32 $0x0;
	v12 =	vshll.u32 v11, $0xA;
	v13 =	vshll.u32 v11, $0x7  }
0x94: {  	s14 =	sshllo.u32 s25, $0x1;
	v14 =	vmov s4;
	v12 =	vand.u32 $0x6000, v12;
	v13 =	vand.u32 $0x300, v13  }
0x95: {  	v15 =	vmov s14;
	v33 =	vor.u32 v13, v12;
	v12 =	vshrl.u32 v14, $0x7  }
0x96: {  	v13 =	vshll.u32 v15, $0xA;
	v14 =	vshll.u32 v15, $0x7;
	v12 =	vshll.u32 v12, $0xA  }
0x97: {  	v16 =	vand.u32 $0x6000, v13;
	v14 =	vand.u32 $0x380, v14;
	v37 =	vbroadcast v12, $0x0  }
0x98: {  	v13 =	vor.u32 v0, v33;
	v34 =	vor.u32 v14, v16  }
0x99: {  	v14 =	vor.u32 v0, v34;
	v16 =	vor.u32 v13, v37  }
0x9a: {  	v17 =	vor.u32 v14, v37;
	_ =	sdelay $0x1  }
0x9b: {  	v11 =	vld.idx.msk [tilespmem:v11+s2+$0x0], $0xffff  }
0x9c: {  	v12 =	vld.idx.msk [tilespmem:v15+s2+$0x0], $0xffff  }
0x9d: {  	v15 =	vmov s25;
	v18 =	vld.idx.msk [tilespmem:v16+s3+$0x0], $0xffff  }
0x9e: {  	v16 =	vshll.u32 v15, $0xA;
	v15 =	vshll.u32 v15, $0x7;
	v19 =	vld.idx.msk [tilespmem:v17+s3+$0x0], $0xffff  }
0x9f: {  	v16 =	vand.u32 $0x2000, v16;
	v15 =	vand.u32 $0x380, v15  }
0xa0: {  	v36 =	vor.u32 v15, v16  }
0xa1: {  	v17 =	vor.u32 v0, v36  }
0xa2: {  	v15 =	vor.u32 v4, v33;
	v16 =	vor.u32 v4, v34;
	v20 =	vor.u32 v17, v37  }
0xa3: {  	v21 =	vadd.s32 v15, v37;
	v18 =	vmul.f32 v18, v11;
	v19 =	vmul.f32 v19, v12  }
0xa4: {  	v22 =	vadd.s32 v16, v37  }
0xa5: {  	v18 =	vadd.f32 v19, v18;
	_ =	sdelay $0x1  }
0xa6: {  	[tilespmem:v20+s16+$0x0] =	vst.idx.msk $0xffff, v18  }
0xa7: {  	v21 =	vld.idx.msk [tilespmem:v21+s3+$0x0], $0xffff  }
0xa8: {  	v22 =	vld.idx.msk [tilespmem:v22+s3+$0x0], $0xffff;
	_ =	sdelay $0x2  }
0xa9: {  	v20 =	vor.u32 v4, v36  }
0xaa: {  	v19 =	vor.u32 v5, v34;
	v18 =	vor.u32 v5, v33;
	v23 =	vadd.s32 v20, v37  }
0xab: {  	v24 =	vadd.s32 v18, v37;
	v21 =	vmul.f32 v21, v11;
	v22 =	vmul.f32 v22, v12  }
0xac: {  	v25 =	vadd.s32 v19, v37  }
0xad: {  	v21 =	vadd.f32 v22, v21;
	_ =	sdelay $0x1  }
0xae: {  	[tilespmem:v23+s16+$0x0] =	vst.idx.msk $0xffff, v21  }
0xaf: {  	v24 =	vld.idx.msk [tilespmem:v24+s3+$0x0], $0xffff  }
0xb0: {  	v25 =	vld.idx.msk [tilespmem:v25+s3+$0x0], $0xffff;
	_ =	sdelay $0x2  }
0xb1: {  	v23 =	vor.u32 v5, v36  }
0xb2: {  	v22 =	vor.u32 v6, v34;
	v21 =	vor.u32 v6, v33;
	v26 =	vadd.s32 v23, v37  }
0xb3: {  	v27 =	vadd.s32 v21, v37;
	v24 =	vmul.f32 v24, v11;
	v25 =	vmul.f32 v25, v12  }
0xb4: {  	v28 =	vadd.s32 v22, v37  }
0xb5: {  	v24 =	vadd.f32 v25, v24;
	_ =	sdelay $0x1  }
0xb6: {  	[tilespmem:v26+s16+$0x0] =	vst.idx.msk $0xffff, v24  }
0xb7: {  	v27 =	vld.idx.msk [tilespmem:v27+s3+$0x0], $0xffff  }
0xb8: {  	v28 =	vld.idx.msk [tilespmem:v28+s3+$0x0], $0xffff;
	_ =	sdelay $0x2  }
0xb9: {  	v26 =	vor.u32 v6, v36  }
0xba: {  	v25 =	vor.u32 v7, v34;
	v24 =	vor.u32 v7, v33;
	v29 =	vadd.s32 v26, v37  }
0xbb: {  	v30 =	vadd.s32 v24, v37;
	v27 =	vmul.f32 v27, v11;
	v28 =	vmul.f32 v28, v12  }
0xbc: {  	v31 =	vadd.s32 v25, v37  }
0xbd: {  	v27 =	vadd.f32 v28, v27;
	_ =	sdelay $0x1  }
0xbe: {  	[tilespmem:v29+s16+$0x0] =	vst.idx.msk $0xffff, v27  }
0xbf: {  	v30 =	vld.idx.msk [tilespmem:v30+s3+$0x0], $0xffff  }
0xc0: {  	v31 =	vld.idx.msk [tilespmem:v31+s3+$0x0], $0xffff;
	_ =	sdelay $0x2  }
0xc1: {  	v29 =	vor.u32 v7, v36  }
0xc2: {  	v28 =	vor.u32 v8, v34;
	v27 =	vor.u32 v8, v33;
	v32 =	vadd.s32 v29, v37  }
0xc3: {  	v35 =	vadd.s32 v27, v37;
	v30 =	vmul.f32 v30, v11;
	v31 =	vmul.f32 v31, v12  }
0xc4: {  	v38 =	vadd.s32 v28, v37  }
0xc5: {  	v30 =	vadd.f32 v31, v30;
	_ =	sdelay $0x1  }
0xc6: {  	[tilespmem:v32+s16+$0x0] =	vst.idx.msk $0xffff, v30  }
0xc7: {  	v35 =	vld.idx.msk [tilespmem:v35+s3+$0x0], $0xffff  }
0xc8: {  	v38 =	vld.idx.msk [tilespmem:v38+s3+$0x0], $0xffff;
	_ =	sdelay $0x2  }
0xc9: {  	v32 =	vor.u32 v8, v36  }
0xca: {  	v31 =	vor.u32 v9, v34;
	v30 =	vor.u32 v9, v33;
	v39 =	vadd.s32 v32, v37  }
0xcb: {  	v40 =	vadd.s32 v30, v37;
	v35 =	vmul.f32 v35, v11;
	v38 =	vmul.f32 v38, v12  }
0xcc: {  	v41 =	vadd.s32 v31, v37  }
0xcd: {  	v35 =	vadd.f32 v38, v35;
	_ =	sdelay $0x1  }
0xce: {  	[tilespmem:v39+s16+$0x0] =	vst.idx.msk $0xffff, v35  }
0xcf: {  	v61 =	vld.idx.msk [tilespmem:v40+s3+$0x0], $0xffff  }
0xd0: {  	v39 =	vld.idx.msk [tilespmem:v41+s3+$0x0], $0xffff;
	_ =	sdelay $0x2  }
0xd1: {  	v35 =	vor.u32 v9, v36  }
0xd2: {  	v34 =	vor.u32 v10, v34;
	v33 =	vor.u32 v10, v33;
	v62 =	vadd.s32 v35, v37  }
0xd3: {  	v63 =	vadd.s32 v33, v37;
	v38 =	vmul.f32 v61, v11;
	v39 =	vmul.f32 v39, v12  }
0xd4: {  	v42 =	vadd.s32 v34, v37  }
0xd5: {  	v38 =	vadd.f32 v39, v38;
	_ =	sdelay $0x1  }
0xd6: {  	[tilespmem:v62+s16+$0x0] =	vst.idx.msk $0xffff, v38  }
0xd7: {  	s28 =	simm.s32 $0x80;
	v36 =	vor.u32 v10, v36;
	v39 =	vld.idx.msk [tilespmem:v63+s3+$0x0], $0xffff  }
0xd8: {  	s14 =	simm.s32 $0x8;
	v38 =	vadd.s32 v36, v37;
	v37 =	vmov s28;
	v40 =	vld.idx.msk [tilespmem:v42+s3+$0x0], $0xffff  }
.LBB2_3:
0xd9: {  	s14 =	sadd.s32 $0x8, s14;
	v37 =	vshrl.u32 v37, $0x7  }
0xda: {  	p0 =	slt.u32 s14, $0x38;
	v37 =	vshll.u32 v37, $0xA  }
0xdb: {  	v37 =	vbroadcast v37, $0x0  }
0xdc: {  	v39 =	vmul.f32 v39, v11  }
0xdd: {  	v40 =	vmul.f32 v40, v12;
	v41 =	vor.u32 v13, v37;
	v42 =	vor.u32 v14, v37;
	_ =	sdelay $0x1  }
0xde: {  	v39 =	vadd.f32 v40, v39;
	_ =	sdelay $0x1  }
0xdf: {  	[tilespmem:v38+s16+$0x0] =	vst.idx.msk $0xffff, v39  }
0xe0: {  	v38 =	vld.idx.msk [tilespmem:v41+s3+$0x0], $0xffff  }
0xe1: {  	v39 =	vld.idx.msk [tilespmem:v42+s3+$0x0], $0xffff;
	_ =	sdelay $0x3  }
0xe2: {  	v40 =	vor.u32 v17, v37  }
0xe3: {  	v38 =	vmul.f32 v38, v11  }
0xe4: {  	v41 =	vadd.s32 v15, v37;
	v42 =	vadd.s32 v16, v37;
	v39 =	vmul.f32 v39, v12;
	_ =	sdelay $0x1  }
0xe5: {  	v38 =	vadd.f32 v39, v38;
	_ =	sdelay $0x1  }
0xe6: {  	[tilespmem:v40+s16+$0x0] =	vst.idx.msk $0xffff, v38  }
0xe7: {  	v38 =	vld.idx.msk [tilespmem:v41+s3+$0x0], $0xffff  }
0xe8: {  	v39 =	vld.idx.msk [tilespmem:v42+s3+$0x0], $0xffff;
	_ =	sdelay $0x2  }
0xe9: {  	v40 =	vadd.s32 v20, v37;
	_ =	sdelay $0x1  }
0xea: {  	v38 =	vmul.f32 v38, v11  }
0xeb: {  	v41 =	vadd.s32 v18, v37;
	v42 =	vadd.s32 v19, v37;
	v39 =	vmul.f32 v39, v12;
	_ =	sdelay $0x1  }
0xec: {  	v38 =	vadd.f32 v39, v38;
	_ =	sdelay $0x1  }
0xed: {  	[tilespmem:v40+s16+$0x0] =	vst.idx.msk $0xffff, v38  }
0xee: {  	v38 =	vld.idx.msk [tilespmem:v41+s3+$0x0], $0xffff  }
0xef: {  	v39 =	vld.idx.msk [tilespmem:v42+s3+$0x0], $0xffff;
	_ =	sdelay $0x1  }
0xf0: {  	v40 =	vadd.s32 v23, v37;
	_ =	sdelay $0x2  }
0xf1: {  	v38 =	vmul.f32 v38, v11  }
0xf2: {  	v41 =	vadd.s32 v21, v37;
	v42 =	vadd.s32 v22, v37;
	v39 =	vmul.f32 v39, v12;
	_ =	sdelay $0x1  }
0xf3: {  	v38 =	vadd.f32 v39, v38;
	_ =	sdelay $0x1  }
0xf4: {  	[tilespmem:v40+s16+$0x0] =	vst.idx.msk $0xffff, v38  }
0xf5: {  	v38 =	vld.idx.msk [tilespmem:v41+s3+$0x0], $0xffff  }
0xf6: {  	v39 =	vld.idx.msk [tilespmem:v42+s3+$0x0], $0xffff  }
0xf7: {  	v40 =	vadd.s32 v26, v37;
	_ =	sdelay $0x3  }
0xf8: {  	v38 =	vmul.f32 v38, v11  }
0xf9: {  	v41 =	vadd.s32 v24, v37;
	v42 =	vadd.s32 v25, v37;
	v39 =	vmul.f32 v39, v12;
	_ =	sdelay $0x1  }
0xfa: {  	v38 =	vadd.f32 v39, v38;
	_ =	sdelay $0x1  }
0xfb: {  	[tilespmem:v40+s16+$0x0] =	vst.idx.msk $0xffff, v38  }
0xfc: {  	v38 =	vld.idx.msk [tilespmem:v41+s3+$0x0], $0xffff  }
0xfd: {  	v40 =	vadd.s32 v29, v37;
	v39 =	vld.idx.msk [tilespmem:v42+s3+$0x0], $0xffff;
	_ =	sdelay $0x4  }
0xfe: {  	v38 =	vmul.f32 v38, v11  }
0xff: {  	v41 =	vadd.s32 v27, v37;
	v42 =	vadd.s32 v28, v37;
	v39 =	vmul.f32 v39, v12;
	_ =	sdelay $0x1  }
0x100: {  	v38 =	vadd.f32 v39, v38;
	_ =	sdelay $0x1  }
0x101: {  	[tilespmem:v40+s16+$0x0] =	vst.idx.msk $0xffff, v38  }
0x102: {  	v39 =	vadd.s32 v32, v37;
	v38 =	vld.idx.msk [tilespmem:v41+s3+$0x0], $0xffff  }
0x103: {  	v40 =	vld.idx.msk [tilespmem:v42+s3+$0x0], $0xffff;
	_ =	sdelay $0x4  }
0x104: {  	v38 =	vmul.f32 v38, v11  }
0x105: {  	v41 =	vadd.s32 v30, v37;
	v42 =	vadd.s32 v31, v37;
	v40 =	vmul.f32 v40, v12;
	_ =	sdelay $0x1  }
0x106: {  	v38 =	vadd.f32 v40, v38;
	_ =	sdelay $0x1  }
0x107: {  	[tilespmem:v39+s16+$0x0] =	vst.idx.msk $0xffff, v38;
	v39 =	vadd.s32 v35, v37  }
0x108: {  	v38 =	vld.idx.msk [tilespmem:v41+s3+$0x0], $0xffff  }
0x109: {  	v40 =	vld.idx.msk [tilespmem:v42+s3+$0x0], $0xffff;
	_ =	sdelay $0x4  }
0x10a: {  	v38 =	vmul.f32 v38, v11  }
0x10b: {  	v41 =	vadd.s32 v33, v37;
	v42 =	vadd.s32 v34, v37;
	v40 =	vmul.f32 v40, v12;
	_ =	sdelay $0x1  }
0x10c: {  	v40 =	vadd.f32 v40, v38  }
.Ltmp0:
0x10d: {  	v38 =	vadd.s32 v36, v37;
	(pc) =	sbr.rel @p0 .LBB2_3-.Ltmp0, $4  }
0x10e: {  	[tilespmem:v39+s16+$0x0] =	vst.idx.msk $0xffff, v40  }
0x10f: {  	v39 =	vld.idx.msk [tilespmem:v41+s3+$0x0], $0xffff  }
0x110: {  	s28 =	sadd.s32 $0x80, s28;
	v40 =	vld.idx.msk [tilespmem:v42+s3+$0x0], $0xffff  }
0x111: {  	v37 =	vmov s28  }
0x112: {  	v37 =	vshrl.u32 v37, $0x7  }
0x113: {  	v37 =	vshll.u32 v37, $0xA  }
0x114: {  	v37 =	vbroadcast v37, $0x0;
	_ =	sdelay $0x1  }
0x115: {  	v39 =	vmul.f32 v39, v11;
	v40 =	vmul.f32 v40, v12;
	v13 =	vor.u32 v13, v37  }
0x116: {  	v14 =	vor.u32 v14, v37  }
0x117: {  	v39 =	vadd.f32 v40, v39;
	_ =	sdelay $0x1  }
0x118: {  	[tilespmem:v38+s16+$0x0] =	vst.idx.msk $0xffff, v39  }
0x119: {  	v13 =	vld.idx.msk [tilespmem:v13+s3+$0x0], $0xffff  }
0x11a: {  	v14 =	vld.idx.msk [tilespmem:v14+s3+$0x0], $0xffff;
	_ =	sdelay $0x3  }
0x11b: {  	v17 =	vor.u32 v17, v37  }
0x11c: {  	v15 =	vadd.s32 v15, v37;
	v13 =	vmul.f32 v13, v11;
	v14 =	vmul.f32 v14, v12  }
0x11d: {  	v16 =	vadd.s32 v16, v37  }
0x11e: {  	v13 =	vadd.f32 v14, v13;
	_ =	sdelay $0x1  }
0x11f: {  	[tilespmem:v17+s16+$0x0] =	vst.idx.msk $0xffff, v13  }
0x120: {  	v13 =	vld.idx.msk [tilespmem:v15+s3+$0x0], $0xffff  }
0x121: {  	v63 =	vld.idx.msk [tilespmem:v16+s3+$0x0], $0xffff;
	_ =	sdelay $0x3  }
0x122: {  	v38 =	vadd.s32 v20, v37  }
0x123: {  	v39 =	vadd.s32 v18, v37;
	v13 =	vmul.f32 v13, v11;
	v14 =	vmul.f32 v63, v12  }
0x124: {  	v40 =	vadd.s32 v19, v37  }
0x125: {  	v13 =	vadd.f32 v14, v13;
	_ =	sdelay $0x1  }
0x126: {  	[tilespmem:v38+s16+$0x0] =	vst.idx.msk $0xffff, v13  }
0x127: {  	v13 =	vld.idx.msk [tilespmem:v39+s3+$0x0], $0xffff  }
0x128: {  	v41 =	vld.idx.msk [tilespmem:v40+s3+$0x0], $0xffff;
	_ =	sdelay $0x3  }
0x129: {  	v42 =	vadd.s32 v23, v37  }
0x12a: {  	v43 =	vadd.s32 v21, v37;
	v13 =	vmul.f32 v13, v11;
	v14 =	vmul.f32 v41, v12  }
0x12b: {  	v44 =	vadd.s32 v22, v37  }
0x12c: {  	v13 =	vadd.f32 v14, v13;
	_ =	sdelay $0x1  }
0x12d: {  	[tilespmem:v42+s16+$0x0] =	vst.idx.msk $0xffff, v13  }
0x12e: {  	v13 =	vld.idx.msk [tilespmem:v43+s3+$0x0], $0xffff  }
0x12f: {  	v45 =	vld.idx.msk [tilespmem:v44+s3+$0x0], $0xffff;
	_ =	sdelay $0x3  }
0x130: {  	v46 =	vadd.s32 v26, v37  }
0x131: {  	v47 =	vadd.s32 v24, v37;
	v13 =	vmul.f32 v13, v11;
	v14 =	vmul.f32 v45, v12  }
0x132: {  	v48 =	vadd.s32 v25, v37  }
0x133: {  	v13 =	vadd.f32 v14, v13;
	_ =	sdelay $0x1  }
0x134: {  	[tilespmem:v46+s16+$0x0] =	vst.idx.msk $0xffff, v13  }
0x135: {  	v13 =	vld.idx.msk [tilespmem:v47+s3+$0x0], $0xffff  }
0x136: {  	v49 =	vld.idx.msk [tilespmem:v48+s3+$0x0], $0xffff;
	_ =	sdelay $0x3  }
0x137: {  	v50 =	vadd.s32 v29, v37  }
0x138: {  	v51 =	vadd.s32 v27, v37;
	v13 =	vmul.f32 v13, v11;
	v14 =	vmul.f32 v49, v12  }
0x139: {  	v52 =	vadd.s32 v28, v37  }
0x13a: {  	v13 =	vadd.f32 v14, v13;
	_ =	sdelay $0x1  }
0x13b: {  	[tilespmem:v50+s16+$0x0] =	vst.idx.msk $0xffff, v13  }
0x13c: {  	v13 =	vld.idx.msk [tilespmem:v51+s3+$0x0], $0xffff  }
0x13d: {  	v53 =	vld.idx.msk [tilespmem:v52+s3+$0x0], $0xffff;
	_ =	sdelay $0x3  }
0x13e: {  	v54 =	vadd.s32 v32, v37  }
0x13f: {  	v55 =	vadd.s32 v30, v37;
	v13 =	vmul.f32 v13, v11;
	v14 =	vmul.f32 v53, v12  }
0x140: {  	v56 =	vadd.s32 v31, v37  }
0x141: {  	v13 =	vadd.f32 v14, v13;
	_ =	sdelay $0x1  }
0x142: {  	[tilespmem:v54+s16+$0x0] =	vst.idx.msk $0xffff, v13  }
0x143: {  	v13 =	vld.idx.msk [tilespmem:v55+s3+$0x0], $0xffff  }
0x144: {  	v57 =	vld.idx.msk [tilespmem:v56+s3+$0x0], $0xffff;
	_ =	sdelay $0x3  }
0x145: {  	v58 =	vadd.s32 v35, v37  }
0x146: {  	v59 =	vadd.s32 v33, v37;
	v13 =	vmul.f32 v13, v11;
	v14 =	vmul.f32 v57, v12  }
0x147: {  	v60 =	vadd.s32 v34, v37  }
0x148: {  	v13 =	vadd.f32 v14, v13;
	_ =	sdelay $0x1  }
0x149: {  	[tilespmem:v58+s16+$0x0] =	vst.idx.msk $0xffff, v13  }
0x14a: {  	v13 =	vld.idx.msk [tilespmem:v59+s3+$0x0], $0xffff  }
0x14b: {  	v61 =	vld.idx.msk [tilespmem:v60+s3+$0x0], $0xffff;
	_ =	sdelay $0x2  }
0x14c: {  	s25 =	sadd.s32 $0x1, s25  }
0x14d: {  	p0 =	sne.s32 s25, $0x10;
	v62 =	vadd.s32 v36, v37  }
.Ltmp1:
0x14e: {  	v11 =	vmul.f32 v13, v11;
	v63 =	vmul.f32 v61, v12;
	(pc) =	sbr.rel @p0 .LBB2_2-.Ltmp1, $3  }
0x14f: {  	_ = 	snop  }
0x150: {  	v11 =	vadd.f32 v63, v11;
	_ =	sdelay $0x1  }
0x151: {  	[tilespmem:v62+s16+$0x0] =	vst.idx.msk $0xffff, v11  }
0x152: {  	s25 =	simm.s32 $0x0;
	s4 =	rddreg [dreg:$0x13]  }
0x153: {  	[hbm4b:s4+s25] =	stream.linear.scatter [tilespmem:s16], [sflag:$0x3], $0x4000, $0x38;
	[tilespmem:$0x18200] =	vst v63  }
0x154: {  	_ =	swait.ge [sflag:s17], $0x8000  }
0x155: {  	[sflag:s17] =	ssyncset.done $0x0  }
0x156: {  	s14 =	rddreg [dreg:$0x7];
	[sflag:s17] =	ssyncadd.s32 $0xFFFF8000  }
0x157: {  	[tilespmem:s25], [sflag:$0x5] =	stream.linear.gather [hbm4b:s14+s25], $0x20, $0x38;
	[tilespmem:$0x18200] =	vst v63  }
0x158: {  	_ =	swait.ge [sflag:s0], $0x20  }
0x159: {  	[sflag:s0] =	ssyncset.done $0x0  }
0x15a: {  	s14 =	rddreg [dreg:$0x8];
	[sflag:s0] =	ssyncadd.s32 $0xFFFFFFE0  }
0x15b: {  	[tilespmem:s2], [sflag:$0x5] =	stream.linear.gather [hbm4b:s14+s25], $0x20, $0x38;
	[tilespmem:$0x18200] =	vst v63  }
0x15c: {  	_ =	swait.ge [sflag:s0], $0x20  }
0x15d: {  	[sflag:s0] =	ssyncset.done $0x0  }
0x15e: {  	[sflag:s0] =	ssyncadd.s32 $0xFFFFFFE0  }
0x15f: {  	v11 =	vld [tilespmem:$0x0];
	_ =	sdelay $0x4  }
0x160: {  	v12 =	vshll.u32 v11, $0x3  }
0x161: {  	v11 =	vand.u32 $0x7, v11;
	v12 =	vand.u32 $0xFFFFFFC0, v12  }
0x162: {  	v11 =	vor.u32 v11, v12  }
0x163: {  	v12 =	vperm.xlane v11, v1;
	_ =	sdelay $0x1  }
0x164: {  	v12 =	vadd.s32 v2, v12;
	_ =	sdelay $0x4  }
0x165: {  	[tilespmem:s3], [sflag:$0x1] =	stream.indirect_vreg.gather [hbm4b:s26+s25], $0x80, v12, vm0, $0xb8;
	[tilespmem:$0x18200] =	vst v63  }
0x166: {  	s14 =	simm.s32 $0xA00;
	v11 =	vperm.xlane v11, v3  }
0x167: {  	[tilespmem:s14], [sflag:$0x1] =	stream.indirect_vreg.gather [hbm4b:s29+s25], $0x80, v12, vm0, $0xb8;
	[tilespmem:$0x18200] =	vst v63  }
0x168: {  	v11 =	vadd.s32 v2, v11;
	s14 =	simm.s32 $0x1200  }
0x169: {  	[tilespmem:s14], [sflag:$0x1] =	stream.indirect_vreg.gather [hbm4b:s30+s25], $0x80, v12, vm0, $0xb8;
	[tilespmem:$0x18200] =	vst v63  }
0x16a: {  	s14 =	simm.s32 $0x1A00  }
0x16b: {  	[tilespmem:s14], [sflag:$0x1] =	stream.indirect_vreg.gather [hbm4b:s31+s25], $0x80, v12, vm0, $0xb8;
	[tilespmem:$0x18200] =	vst v63  }
0x16c: {  	s14 =	simm.s32 $0x2200  }
0x16d: {  	[tilespmem:s14], [sflag:$0x1] =	stream.indirect_vreg.gather [hbm4b:s26+s25], $0x80, v11, vm0, $0xb8;
	[tilespmem:$0x18200] =	vst v63  }
0x16e: {  	s14 =	simm.s32 $0x2A00  }
0x16f: {  	[tilespmem:s14], [sflag:$0x1] =	stream.indirect_vreg.gather [hbm4b:s29+s25], $0x80, v11, vm0, $0xb8;
	[tilespmem:$0x18200] =	vst v63  }
0x170: {  	s14 =	simm.s32 $0x3200  }
0x171: {  	[tilespmem:s14], [sflag:$0x1] =	stream.indirect_vreg.gather [hbm4b:s30+s25], $0x80, v11, vm0, $0xb8;
	[tilespmem:$0x18200] =	vst v63  }
0x172: {  	s14 =	simm.s32 $0x3A00  }
0x173: {  	[tilespmem:s14], [sflag:$0x1] =	stream.indirect_vreg.gather [hbm4b:s31+s25], $0x80, v11, vm0, $0xb8;
	[tilespmem:$0x18200] =	vst v63  }
0x174: {  	v11 =	vld [tilespmem:$0x10];
	_ =	sdelay $0x4  }
0x175: {  	v63 =	vshll.u32 v11, $0x3  }
0x176: {  	v11 =	vand.u32 $0x7, v11;
	v12 =	vand.u32 $0xFFFFFFC0, v63  }
0x177: {  	v11 =	vor.u32 v11, v12  }
0x178: {  	v12 =	vperm.xlane v11, v1;
	_ =	sdelay $0x1  }
0x179: {  	v12 =	vadd.s32 v2, v12;
	_ =	sdelay $0x3  }
0x17a: {  	s14 =	simm.s32 $0x4200  }
0x17b: {  	[tilespmem:s14], [sflag:$0x1] =	stream.indirect_vreg.gather [hbm4b:s26+s25], $0x80, v12, vm0, $0xb8;
	[tilespmem:$0x18200] =	vst v63  }
0x17c: {  	v11 =	vperm.xlane v11, v3;
	s14 =	simm.s32 $0x4A00  }
0x17d: {  	[tilespmem:s14], [sflag:$0x1] =	stream.indirect_vreg.gather [hbm4b:s29+s25], $0x80, v12, vm0, $0xb8;
	[tilespmem:$0x18200] =	vst v63  }
0x17e: {  	v11 =	vadd.s32 v2, v11;
	s14 =	simm.s32 $0x5200  }
0x17f: {  	[tilespmem:s14], [sflag:$0x1] =	stream.indirect_vreg.gather [hbm4b:s30+s25], $0x80, v12, vm0, $0xb8;
	[tilespmem:$0x18200] =	vst v63  }
0x180: {  	s14 =	simm.s32 $0x5A00  }
0x181: {  	[tilespmem:s14], [sflag:$0x1] =	stream.indirect_vreg.gather [hbm4b:s31+s25], $0x80, v12, vm0, $0xb8;
	[tilespmem:$0x18200] =	vst v63  }
0x182: {  	s14 =	simm.s32 $0x6200  }
0x183: {  	[tilespmem:s14], [sflag:$0x1] =	stream.indirect_vreg.gather [hbm4b:s26+s25], $0x80, v11, vm0, $0xb8;
	[tilespmem:$0x18200] =	vst v63  }
0x184: {  	s14 =	simm.s32 $0x6A00  }
0x185: {  	[tilespmem:s14], [sflag:$0x1] =	stream.indirect_vreg.gather [hbm4b:s29+s25], $0x80, v11, vm0, $0xb8;
	[tilespmem:$0x18200] =	vst v63  }
0x186: {  	s14 =	simm.s32 $0x7200  }
0x187: {  	[tilespmem:s14], [sflag:$0x1] =	stream.indirect_vreg.gather [hbm4b:s30+s25], $0x80, v11, vm0, $0xb8;
	[tilespmem:$0x18200] =	vst v63  }
0x188: {  	s28 =	simm.s32 $0x0;
	s14 =	simm.s32 $0x7A00  }
0x189: {  	[tilespmem:s14], [sflag:$0x1] =	stream.indirect_vreg.gather [hbm4b:s31+s25], $0x80, v11, vm0, $0xb8;
	[tilespmem:$0x18200] =	vst v63  }
.LBB2_6:
0x18a: {  	s4 =	sshll.u32 s28, $0x1  }
0x18b: {  	v11 =	vmov s4  }
0x18c: {  	v12 =	vshll.u32 v11, $0xA;
	v13 =	vshll.u32 v11, $0x7  }
0x18d: {  	s14 =	sshllo.u32 s28, $0x1;
	v14 =	vmov s25;
	v12 =	vand.u32 $0x6000, v12;
	v13 =	vand.u32 $0x300, v13  }
0x18e: {  	v15 =	vmov s14;
	v33 =	vor.u32 v13, v12;
	v12 =	vshrl.u32 v14, $0x7  }
0x18f: {  	v13 =	vshll.u32 v15, $0xA;
	v14 =	vshll.u32 v15, $0x7;
	v12 =	vshll.u32 v12, $0xA  }
0x190: {  	v16 =	vand.u32 $0x6000, v13;
	v14 =	vand.u32 $0x380, v14;
	v37 =	vbroadcast v12, $0x0  }
0x191: {  	v13 =	vor.u32 v0, v33;
	v34 =	vor.u32 v14, v16  }
0x192: {  	v14 =	vor.u32 v0, v34;
	v16 =	vor.u32 v13, v37  }
0x193: {  	v17 =	vor.u32 v14, v37;
	_ =	sdelay $0x1  }
0x194: {  	v11 =	vld.idx.msk [tilespmem:v11+s22+$0x0], $0xffff  }
0x195: {  	v12 =	vld.idx.msk [tilespmem:v15+s22+$0x0], $0xffff  }
0x196: {  	v15 =	vmov s28;
	v18 =	vld.idx.msk [tilespmem:v16+s23+$0x0], $0xffff  }
0x197: {  	v16 =	vshll.u32 v15, $0xA;
	v15 =	vshll.u32 v15, $0x7;
	v19 =	vld.idx.msk [tilespmem:v17+s23+$0x0], $0xffff  }
0x198: {  	v16 =	vand.u32 $0x2000, v16;
	v15 =	vand.u32 $0x380, v15  }
0x199: {  	v36 =	vor.u32 v15, v16  }
0x19a: {  	v17 =	vor.u32 v0, v36  }
0x19b: {  	v15 =	vor.u32 v4, v33;
	v16 =	vor.u32 v4, v34;
	v20 =	vor.u32 v17, v37  }
0x19c: {  	v21 =	vadd.s32 v15, v37;
	v18 =	vmul.f32 v18, v11;
	v19 =	vmul.f32 v19, v12  }
0x19d: {  	v22 =	vadd.s32 v16, v37  }
0x19e: {  	v18 =	vadd.f32 v19, v18;
	_ =	sdelay $0x1  }
0x19f: {  	[tilespmem:v20+s18+$0x0] =	vst.idx.msk $0xffff, v18  }
0x1a0: {  	v21 =	vld.idx.msk [tilespmem:v21+s23+$0x0], $0xffff  }
0x1a1: {  	v22 =	vld.idx.msk [tilespmem:v22+s23+$0x0], $0xffff;
	_ =	sdelay $0x2  }
0x1a2: {  	v20 =	vor.u32 v4, v36  }
0x1a3: {  	v19 =	vor.u32 v5, v34;
	v18 =	vor.u32 v5, v33;
	v23 =	vadd.s32 v20, v37  }
0x1a4: {  	v24 =	vadd.s32 v18, v37;
	v21 =	vmul.f32 v21, v11;
	v22 =	vmul.f32 v22, v12  }
0x1a5: {  	v25 =	vadd.s32 v19, v37  }
0x1a6: {  	v21 =	vadd.f32 v22, v21;
	_ =	sdelay $0x1  }
0x1a7: {  	[tilespmem:v23+s18+$0x0] =	vst.idx.msk $0xffff, v21  }
0x1a8: {  	v24 =	vld.idx.msk [tilespmem:v24+s23+$0x0], $0xffff  }
0x1a9: {  	v25 =	vld.idx.msk [tilespmem:v25+s23+$0x0], $0xffff;
	_ =	sdelay $0x2  }
0x1aa: {  	v23 =	vor.u32 v5, v36  }
0x1ab: {  	v22 =	vor.u32 v6, v34;
	v21 =	vor.u32 v6, v33;
	v26 =	vadd.s32 v23, v37  }
0x1ac: {  	v27 =	vadd.s32 v21, v37;
	v24 =	vmul.f32 v24, v11;
	v25 =	vmul.f32 v25, v12  }
0x1ad: {  	v28 =	vadd.s32 v22, v37  }
0x1ae: {  	v24 =	vadd.f32 v25, v24;
	_ =	sdelay $0x1  }
0x1af: {  	[tilespmem:v26+s18+$0x0] =	vst.idx.msk $0xffff, v24  }
0x1b0: {  	v27 =	vld.idx.msk [tilespmem:v27+s23+$0x0], $0xffff  }
0x1b1: {  	v28 =	vld.idx.msk [tilespmem:v28+s23+$0x0], $0xffff;
	_ =	sdelay $0x2  }
0x1b2: {  	v26 =	vor.u32 v6, v36  }
0x1b3: {  	v25 =	vor.u32 v7, v34;
	v24 =	vor.u32 v7, v33;
	v29 =	vadd.s32 v26, v37  }
0x1b4: {  	v30 =	vadd.s32 v24, v37;
	v27 =	vmul.f32 v27, v11;
	v28 =	vmul.f32 v28, v12  }
0x1b5: {  	v31 =	vadd.s32 v25, v37  }
0x1b6: {  	v27 =	vadd.f32 v28, v27;
	_ =	sdelay $0x1  }
0x1b7: {  	[tilespmem:v29+s18+$0x0] =	vst.idx.msk $0xffff, v27  }
0x1b8: {  	v30 =	vld.idx.msk [tilespmem:v30+s23+$0x0], $0xffff  }
0x1b9: {  	v31 =	vld.idx.msk [tilespmem:v31+s23+$0x0], $0xffff;
	_ =	sdelay $0x2  }
0x1ba: {  	v29 =	vor.u32 v7, v36  }
0x1bb: {  	v28 =	vor.u32 v8, v34;
	v27 =	vor.u32 v8, v33;
	v32 =	vadd.s32 v29, v37  }
0x1bc: {  	v35 =	vadd.s32 v27, v37;
	v30 =	vmul.f32 v30, v11;
	v31 =	vmul.f32 v31, v12  }
0x1bd: {  	v38 =	vadd.s32 v28, v37  }
0x1be: {  	v30 =	vadd.f32 v31, v30;
	_ =	sdelay $0x1  }
0x1bf: {  	[tilespmem:v32+s18+$0x0] =	vst.idx.msk $0xffff, v30  }
0x1c0: {  	v35 =	vld.idx.msk [tilespmem:v35+s23+$0x0], $0xffff  }
0x1c1: {  	v38 =	vld.idx.msk [tilespmem:v38+s23+$0x0], $0xffff;
	_ =	sdelay $0x2  }
0x1c2: {  	v32 =	vor.u32 v8, v36  }
0x1c3: {  	v31 =	vor.u32 v9, v34;
	v30 =	vor.u32 v9, v33;
	v39 =	vadd.s32 v32, v37  }
0x1c4: {  	v40 =	vadd.s32 v30, v37;
	v35 =	vmul.f32 v35, v11;
	v38 =	vmul.f32 v38, v12  }
0x1c5: {  	v41 =	vadd.s32 v31, v37  }
0x1c6: {  	v35 =	vadd.f32 v38, v35;
	_ =	sdelay $0x1  }
0x1c7: {  	[tilespmem:v39+s18+$0x0] =	vst.idx.msk $0xffff, v35  }
0x1c8: {  	v61 =	vld.idx.msk [tilespmem:v40+s23+$0x0], $0xffff  }
0x1c9: {  	v39 =	vld.idx.msk [tilespmem:v41+s23+$0x0], $0xffff;
	_ =	sdelay $0x2  }
0x1ca: {  	v35 =	vor.u32 v9, v36  }
0x1cb: {  	v34 =	vor.u32 v10, v34;
	v33 =	vor.u32 v10, v33;
	v62 =	vadd.s32 v35, v37  }
0x1cc: {  	v63 =	vadd.s32 v33, v37;
	v38 =	vmul.f32 v61, v11;
	v39 =	vmul.f32 v39, v12  }
0x1cd: {  	v42 =	vadd.s32 v34, v37  }
0x1ce: {  	v38 =	vadd.f32 v39, v38;
	_ =	sdelay $0x1  }
0x1cf: {  	[tilespmem:v62+s18+$0x0] =	vst.idx.msk $0xffff, v38  }
0x1d0: {  	s14 =	simm.s32 $0x80;
	v36 =	vor.u32 v10, v36;
	v39 =	vld.idx.msk [tilespmem:v63+s23+$0x0], $0xffff  }
0x1d1: {  	s4 =	simm.s32 $0x8;
	v38 =	vadd.s32 v36, v37;
	v37 =	vmov s14;
	v40 =	vld.idx.msk [tilespmem:v42+s23+$0x0], $0xffff  }
.LBB2_7:
0x1d2: {  	s4 =	sadd.s32 $0x8, s4;
	v37 =	vshrl.u32 v37, $0x7  }
0x1d3: {  	p0 =	slt.u32 s4, $0x38;
	v37 =	vshll.u32 v37, $0xA  }
0x1d4: {  	v37 =	vbroadcast v37, $0x0  }
0x1d5: {  	v39 =	vmul.f32 v39, v11  }
0x1d6: {  	v40 =	vmul.f32 v40, v12;
	v41 =	vor.u32 v13, v37;
	v42 =	vor.u32 v14, v37;
	_ =	sdelay $0x1  }
0x1d7: {  	v39 =	vadd.f32 v40, v39;
	_ =	sdelay $0x1  }
0x1d8: {  	[tilespmem:v38+s18+$0x0] =	vst.idx.msk $0xffff, v39  }
0x1d9: {  	v38 =	vld.idx.msk [tilespmem:v41+s23+$0x0], $0xffff  }
0x1da: {  	v39 =	vld.idx.msk [tilespmem:v42+s23+$0x0], $0xffff;
	_ =	sdelay $0x3  }
0x1db: {  	v40 =	vor.u32 v17, v37  }
0x1dc: {  	v38 =	vmul.f32 v38, v11  }
0x1dd: {  	v41 =	vadd.s32 v15, v37;
	v42 =	vadd.s32 v16, v37;
	v39 =	vmul.f32 v39, v12;
	_ =	sdelay $0x1  }
0x1de: {  	v38 =	vadd.f32 v39, v38;
	_ =	sdelay $0x1  }
0x1df: {  	[tilespmem:v40+s18+$0x0] =	vst.idx.msk $0xffff, v38  }
0x1e0: {  	v38 =	vld.idx.msk [tilespmem:v41+s23+$0x0], $0xffff  }
0x1e1: {  	v39 =	vld.idx.msk [tilespmem:v42+s23+$0x0], $0xffff;
	_ =	sdelay $0x2  }
0x1e2: {  	v40 =	vadd.s32 v20, v37;
	_ =	sdelay $0x1  }
0x1e3: {  	v38 =	vmul.f32 v38, v11  }
0x1e4: {  	v41 =	vadd.s32 v18, v37;
	v42 =	vadd.s32 v19, v37;
	v39 =	vmul.f32 v39, v12;
	_ =	sdelay $0x1  }
0x1e5: {  	v38 =	vadd.f32 v39, v38;
	_ =	sdelay $0x1  }
0x1e6: {  	[tilespmem:v40+s18+$0x0] =	vst.idx.msk $0xffff, v38  }
0x1e7: {  	v38 =	vld.idx.msk [tilespmem:v41+s23+$0x0], $0xffff  }
0x1e8: {  	v39 =	vld.idx.msk [tilespmem:v42+s23+$0x0], $0xffff;
	_ =	sdelay $0x1  }
0x1e9: {  	v40 =	vadd.s32 v23, v37;
	_ =	sdelay $0x2  }
0x1ea: {  	v38 =	vmul.f32 v38, v11  }
0x1eb: {  	v41 =	vadd.s32 v21, v37;
	v42 =	vadd.s32 v22, v37;
	v39 =	vmul.f32 v39, v12;
	_ =	sdelay $0x1  }
0x1ec: {  	v38 =	vadd.f32 v39, v38;
	_ =	sdelay $0x1  }
0x1ed: {  	[tilespmem:v40+s18+$0x0] =	vst.idx.msk $0xffff, v38  }
0x1ee: {  	v38 =	vld.idx.msk [tilespmem:v41+s23+$0x0], $0xffff  }
0x1ef: {  	v39 =	vld.idx.msk [tilespmem:v42+s23+$0x0], $0xffff  }
0x1f0: {  	v40 =	vadd.s32 v26, v37;
	_ =	sdelay $0x3  }
0x1f1: {  	v38 =	vmul.f32 v38, v11  }
0x1f2: {  	v41 =	vadd.s32 v24, v37;
	v42 =	vadd.s32 v25, v37;
	v39 =	vmul.f32 v39, v12;
	_ =	sdelay $0x1  }
0x1f3: {  	v38 =	vadd.f32 v39, v38;
	_ =	sdelay $0x1  }
0x1f4: {  	[tilespmem:v40+s18+$0x0] =	vst.idx.msk $0xffff, v38  }
0x1f5: {  	v38 =	vld.idx.msk [tilespmem:v41+s23+$0x0], $0xffff  }
0x1f6: {  	v40 =	vadd.s32 v29, v37;
	v39 =	vld.idx.msk [tilespmem:v42+s23+$0x0], $0xffff;
	_ =	sdelay $0x4  }
0x1f7: {  	v38 =	vmul.f32 v38, v11  }
0x1f8: {  	v41 =	vadd.s32 v27, v37;
	v42 =	vadd.s32 v28, v37;
	v39 =	vmul.f32 v39, v12;
	_ =	sdelay $0x1  }
0x1f9: {  	v38 =	vadd.f32 v39, v38;
	_ =	sdelay $0x1  }
0x1fa: {  	[tilespmem:v40+s18+$0x0] =	vst.idx.msk $0xffff, v38  }
0x1fb: {  	v39 =	vadd.s32 v32, v37;
	v38 =	vld.idx.msk [tilespmem:v41+s23+$0x0], $0xffff  }
0x1fc: {  	v40 =	vld.idx.msk [tilespmem:v42+s23+$0x0], $0xffff;
	_ =	sdelay $0x4  }
0x1fd: {  	v38 =	vmul.f32 v38, v11  }
0x1fe: {  	v41 =	vadd.s32 v30, v37;
	v42 =	vadd.s32 v31, v37;
	v40 =	vmul.f32 v40, v12;
	_ =	sdelay $0x1  }
0x1ff: {  	v38 =	vadd.f32 v40, v38;
	_ =	sdelay $0x1  }
0x200: {  	[tilespmem:v39+s18+$0x0] =	vst.idx.msk $0xffff, v38;
	v39 =	vadd.s32 v35, v37  }
0x201: {  	v38 =	vld.idx.msk [tilespmem:v41+s23+$0x0], $0xffff  }
0x202: {  	v40 =	vld.idx.msk [tilespmem:v42+s23+$0x0], $0xffff;
	_ =	sdelay $0x4  }
0x203: {  	v38 =	vmul.f32 v38, v11  }
0x204: {  	v41 =	vadd.s32 v33, v37;
	v42 =	vadd.s32 v34, v37;
	v40 =	vmul.f32 v40, v12;
	_ =	sdelay $0x1  }
0x205: {  	v40 =	vadd.f32 v40, v38  }
.Ltmp2:
0x206: {  	v38 =	vadd.s32 v36, v37;
	(pc) =	sbr.rel @p0 .LBB2_7-.Ltmp2, $4  }
0x207: {  	[tilespmem:v39+s18+$0x0] =	vst.idx.msk $0xffff, v40  }
0x208: {  	v39 =	vld.idx.msk [tilespmem:v41+s23+$0x0], $0xffff  }
0x209: {  	s14 =	sadd.s32 $0x80, s14;
	v40 =	vld.idx.msk [tilespmem:v42+s23+$0x0], $0xffff  }
0x20a: {  	v37 =	vmov s14  }
0x20b: {  	v37 =	vshrl.u32 v37, $0x7  }
0x20c: {  	v37 =	vshll.u32 v37, $0xA  }
0x20d: {  	v37 =	vbroadcast v37, $0x0;
	_ =	sdelay $0x1  }
0x20e: {  	v39 =	vmul.f32 v39, v11;
	v40 =	vmul.f32 v40, v12;
	v13 =	vor.u32 v13, v37  }
0x20f: {  	v14 =	vor.u32 v14, v37  }
0x210: {  	v39 =	vadd.f32 v40, v39;
	_ =	sdelay $0x1  }
0x211: {  	[tilespmem:v38+s18+$0x0] =	vst.idx.msk $0xffff, v39  }
0x212: {  	v13 =	vld.idx.msk [tilespmem:v13+s23+$0x0], $0xffff  }
0x213: {  	v14 =	vld.idx.msk [tilespmem:v14+s23+$0x0], $0xffff;
	_ =	sdelay $0x3  }
0x214: {  	v17 =	vor.u32 v17, v37  }
0x215: {  	v15 =	vadd.s32 v15, v37;
	v13 =	vmul.f32 v13, v11;
	v14 =	vmul.f32 v14, v12  }
0x216: {  	v16 =	vadd.s32 v16, v37  }
0x217: {  	v13 =	vadd.f32 v14, v13;
	_ =	sdelay $0x1  }
0x218: {  	[tilespmem:v17+s18+$0x0] =	vst.idx.msk $0xffff, v13  }
0x219: {  	v13 =	vld.idx.msk [tilespmem:v15+s23+$0x0], $0xffff  }
0x21a: {  	v63 =	vld.idx.msk [tilespmem:v16+s23+$0x0], $0xffff;
	_ =	sdelay $0x3  }
0x21b: {  	v38 =	vadd.s32 v20, v37  }
0x21c: {  	v39 =	vadd.s32 v18, v37;
	v13 =	vmul.f32 v13, v11;
	v14 =	vmul.f32 v63, v12  }
0x21d: {  	v40 =	vadd.s32 v19, v37  }
0x21e: {  	v13 =	vadd.f32 v14, v13;
	_ =	sdelay $0x1  }
0x21f: {  	[tilespmem:v38+s18+$0x0] =	vst.idx.msk $0xffff, v13  }
0x220: {  	v13 =	vld.idx.msk [tilespmem:v39+s23+$0x0], $0xffff  }
0x221: {  	v41 =	vld.idx.msk [tilespmem:v40+s23+$0x0], $0xffff;
	_ =	sdelay $0x3  }
0x222: {  	v42 =	vadd.s32 v23, v37  }
0x223: {  	v43 =	vadd.s32 v21, v37;
	v13 =	vmul.f32 v13, v11;
	v14 =	vmul.f32 v41, v12  }
0x224: {  	v44 =	vadd.s32 v22, v37  }
0x225: {  	v13 =	vadd.f32 v14, v13;
	_ =	sdelay $0x1  }
0x226: {  	[tilespmem:v42+s18+$0x0] =	vst.idx.msk $0xffff, v13  }
0x227: {  	v13 =	vld.idx.msk [tilespmem:v43+s23+$0x0], $0xffff  }
0x228: {  	v45 =	vld.idx.msk [tilespmem:v44+s23+$0x0], $0xffff;
	_ =	sdelay $0x3  }
0x229: {  	v46 =	vadd.s32 v26, v37  }
0x22a: {  	v47 =	vadd.s32 v24, v37;
	v13 =	vmul.f32 v13, v11;
	v14 =	vmul.f32 v45, v12  }
0x22b: {  	v48 =	vadd.s32 v25, v37  }
0x22c: {  	v13 =	vadd.f32 v14, v13;
	_ =	sdelay $0x1  }
0x22d: {  	[tilespmem:v46+s18+$0x0] =	vst.idx.msk $0xffff, v13  }
0x22e: {  	v13 =	vld.idx.msk [tilespmem:v47+s23+$0x0], $0xffff  }
0x22f: {  	v49 =	vld.idx.msk [tilespmem:v48+s23+$0x0], $0xffff;
	_ =	sdelay $0x3  }
0x230: {  	v50 =	vadd.s32 v29, v37  }
0x231: {  	v51 =	vadd.s32 v27, v37;
	v13 =	vmul.f32 v13, v11;
	v14 =	vmul.f32 v49, v12  }
0x232: {  	v52 =	vadd.s32 v28, v37  }
0x233: {  	v13 =	vadd.f32 v14, v13;
	_ =	sdelay $0x1  }
0x234: {  	[tilespmem:v50+s18+$0x0] =	vst.idx.msk $0xffff, v13  }
0x235: {  	v13 =	vld.idx.msk [tilespmem:v51+s23+$0x0], $0xffff  }
0x236: {  	v53 =	vld.idx.msk [tilespmem:v52+s23+$0x0], $0xffff;
	_ =	sdelay $0x3  }
0x237: {  	v54 =	vadd.s32 v32, v37  }
0x238: {  	v55 =	vadd.s32 v30, v37;
	v13 =	vmul.f32 v13, v11;
	v14 =	vmul.f32 v53, v12  }
0x239: {  	v56 =	vadd.s32 v31, v37  }
0x23a: {  	v13 =	vadd.f32 v14, v13;
	_ =	sdelay $0x1  }
0x23b: {  	[tilespmem:v54+s18+$0x0] =	vst.idx.msk $0xffff, v13  }
0x23c: {  	v13 =	vld.idx.msk [tilespmem:v55+s23+$0x0], $0xffff  }
0x23d: {  	v57 =	vld.idx.msk [tilespmem:v56+s23+$0x0], $0xffff;
	_ =	sdelay $0x3  }
0x23e: {  	v58 =	vadd.s32 v35, v37  }
0x23f: {  	v59 =	vadd.s32 v33, v37;
	v13 =	vmul.f32 v13, v11;
	v14 =	vmul.f32 v57, v12  }
0x240: {  	v60 =	vadd.s32 v34, v37  }
0x241: {  	v13 =	vadd.f32 v14, v13;
	_ =	sdelay $0x1  }
0x242: {  	[tilespmem:v58+s18+$0x0] =	vst.idx.msk $0xffff, v13  }
0x243: {  	v13 =	vld.idx.msk [tilespmem:v59+s23+$0x0], $0xffff  }
0x244: {  	v61 =	vld.idx.msk [tilespmem:v60+s23+$0x0], $0xffff;
	_ =	sdelay $0x2  }
0x245: {  	s28 =	sadd.s32 $0x1, s28  }
0x246: {  	p0 =	sne.s32 s28, $0x10;
	v62 =	vadd.s32 v36, v37  }
.Ltmp3:
0x247: {  	v11 =	vmul.f32 v13, v11;
	v63 =	vmul.f32 v61, v12;
	(pc) =	sbr.rel @p0 .LBB2_6-.Ltmp3, $3  }
0x248: {  	_ = 	snop  }
0x249: {  	v11 =	vadd.f32 v63, v11;
	_ =	sdelay $0x1  }
0x24a: {  	[tilespmem:v62+s18+$0x0] =	vst.idx.msk $0xffff, v11  }
0x24b: {  	s25 =	simm.s32 $0x0;
	s4 =	rddreg [dreg:$0x14]  }
0x24c: {  	[hbm4b:s4+s25] =	stream.linear.scatter [tilespmem:s18], [sflag:$0x4], $0x4000, $0x38;
	[tilespmem:$0x18200] =	vst v63  }
0x24d: {  	_ =	swait.ge [sflag:s20], $0x8000  }
0x24e: {  	[sflag:s20] =	ssyncset.done $0x0  }
0x24f: {  	s14 =	simm.s32 $0x80;
	s4 =	rddreg [dreg:$0x9];
	[sflag:s20] =	ssyncadd.s32 $0xFFFF8000  }
0x250: {  	[tilespmem:s14], [sflag:$0x5] =	stream.linear.gather [hbm4b:s4+s25], $0x20, $0x38;
	[tilespmem:$0x18200] =	vst v63  }
0x251: {  	_ =	swait.ge [sflag:s0], $0x20  }
0x252: {  	[sflag:s0] =	ssyncset.done $0x0  }
0x253: {  	s14 =	rddreg [dreg:$0xa];
	[sflag:s0] =	ssyncadd.s32 $0xFFFFFFE0  }
0x254: {  	[tilespmem:s22], [sflag:$0x5] =	stream.linear.gather [hbm4b:s14+s25], $0x20, $0x38;
	[tilespmem:$0x18200] =	vst v63  }
0x255: {  	_ =	swait.ge [sflag:s0], $0x20  }
0x256: {  	[sflag:s0] =	ssyncset.done $0x0  }
0x257: {  	[sflag:s0] =	ssyncadd.s32 $0xFFFFFFE0  }
0x258: {  	v11 =	vld [tilespmem:$0x80];
	_ =	sdelay $0x4  }
0x259: {  	v12 =	vshll.u32 v11, $0x3  }
0x25a: {  	v11 =	vand.u32 $0x7, v11;
	v12 =	vand.u32 $0xFFFFFFC0, v12  }
0x25b: {  	v11 =	vor.u32 v11, v12  }
0x25c: {  	v12 =	vperm.xlane v11, v1;
	_ =	sdelay $0x1  }
0x25d: {  	v12 =	vadd.s32 v2, v12;
	_ =	sdelay $0x4  }
0x25e: {  	[tilespmem:s23], [sflag:$0x2] =	stream.indirect_vreg.gather [hbm4b:s26+s25], $0x80, v12, vm0, $0xb8;
	[tilespmem:$0x18200] =	vst v63  }
0x25f: {  	s14 =	simm.s32 $0x8A00;
	v11 =	vperm.xlane v11, v3  }
0x260: {  	[tilespmem:s14], [sflag:$0x2] =	stream.indirect_vreg.gather [hbm4b:s29+s25], $0x80, v12, vm0, $0xb8;
	[tilespmem:$0x18200] =	vst v63  }
0x261: {  	v11 =	vadd.s32 v2, v11;
	s14 =	simm.s32 $0x9200  }
0x262: {  	[tilespmem:s14], [sflag:$0x2] =	stream.indirect_vreg.gather [hbm4b:s30+s25], $0x80, v12, vm0, $0xb8;
	[tilespmem:$0x18200] =	vst v63  }
0x263: {  	s14 =	simm.s32 $0x9A00  }
0x264: {  	[tilespmem:s14], [sflag:$0x2] =	stream.indirect_vreg.gather [hbm4b:s31+s25], $0x80, v12, vm0, $0xb8;
	[tilespmem:$0x18200] =	vst v63  }
0x265: {  	s14 =	simm.s32 $0xA200  }
0x266: {  	[tilespmem:s14], [sflag:$0x2] =	stream.indirect_vreg.gather [hbm4b:s26+s25], $0x80, v11, vm0, $0xb8;
	[tilespmem:$0x18200] =	vst v63  }
0x267: {  	s14 =	simm.s32 $0xAA00  }
0x268: {  	[tilespmem:s14], [sflag:$0x2] =	stream.indirect_vreg.gather [hbm4b:s29+s25], $0x80, v11, vm0, $0xb8;
	[tilespmem:$0x18200] =	vst v63  }
0x269: {  	_ = 	snop  }
0x26a: {  	[tilespmem:s5], [sflag:$0x2] =	stream.indirect_vreg.gather [hbm4b:s30+s25], $0x80, v11, vm0, $0xb8;
	[tilespmem:$0x18200] =	vst v63  }
0x26b: {  	_ = 	snop  }
0x26c: {  	[tilespmem:s6], [sflag:$0x2] =	stream.indirect_vreg.gather [hbm4b:s31+s25], $0x80, v11, vm0, $0xb8;
	[tilespmem:$0x18200] =	vst v63  }
0x26d: {  	v11 =	vld [tilespmem:$0x90];
	_ =	sdelay $0x4  }
0x26e: {  	v63 =	vshll.u32 v11, $0x3  }
0x26f: {  	v11 =	vand.u32 $0x7, v11;
	v12 =	vand.u32 $0xFFFFFFC0, v63  }
0x270: {  	v11 =	vor.u32 v11, v12  }
0x271: {  	v12 =	vperm.xlane v11, v1;
	_ =	sdelay $0x1  }
0x272: {  	v12 =	vadd.s32 v2, v12;
	_ =	sdelay $0x4  }
0x273: {  	[tilespmem:s7], [sflag:$0x2] =	stream.indirect_vreg.gather [hbm4b:s26+s25], $0x80, v12, vm0, $0xb8;
	[tilespmem:$0x18200] =	vst v63  }
0x274: {  	v11 =	vperm.xlane v11, v3  }
0x275: {  	[tilespmem:s8], [sflag:$0x2] =	stream.indirect_vreg.gather [hbm4b:s29+s25], $0x80, v12, vm0, $0xb8;
	[tilespmem:$0x18200] =	vst v63  }
0x276: {  	v11 =	vadd.s32 v2, v11  }
0x277: {  	[tilespmem:s9], [sflag:$0x2] =	stream.indirect_vreg.gather [hbm4b:s30+s25], $0x80, v12, vm0, $0xb8;
	[tilespmem:$0x18200] =	vst v63  }
0x278: {  	_ = 	snop  }
0x279: {  	[tilespmem:s10], [sflag:$0x2] =	stream.indirect_vreg.gather [hbm4b:s31+s25], $0x80, v12, vm0, $0xb8;
	[tilespmem:$0x18200] =	vst v63  }
0x27a: {  	_ = 	snop  }
0x27b: {  	[tilespmem:s11], [sflag:$0x2] =	stream.indirect_vreg.gather [hbm4b:s26+s25], $0x80, v11, vm0, $0xb8;
	[tilespmem:$0x18200] =	vst v63  }
0x27c: {  	_ = 	snop  }
0x27d: {  	[tilespmem:s12], [sflag:$0x2] =	stream.indirect_vreg.gather [hbm4b:s29+s25], $0x80, v11, vm0, $0xb8;
	[tilespmem:$0x18200] =	vst v63  }
0x27e: {  	_ = 	snop  }
0x27f: {  	[tilespmem:s13], [sflag:$0x2] =	stream.indirect_vreg.gather [hbm4b:s30+s25], $0x80, v11, vm0, $0xb8;
	[tilespmem:$0x18200] =	vst v63  }
0x280: {  	_ = 	snop  }
0x281: {  	[tilespmem:s15], [sflag:$0x2] =	stream.indirect_vreg.gather [hbm4b:s31+s25], $0x80, v11, vm0, $0xb8;
	[tilespmem:$0x18200] =	vst v63  }
0x282: {  	_ =	swait.ge [sflag:s19], $0x4000  }
0x283: {  	[sflag:s19] =	ssyncset.done $0x0  }
0x284: {  	s28 =	simm.s32 $0x0;
	[sflag:s19] =	ssyncadd.s32 $0xFFFFC000  }
.LBB2_10:
0x285: {  	s4 =	sshll.u32 s28, $0x1  }
0x286: {  	v11 =	vmov s4  }
0x287: {  	v12 =	vshll.u32 v11, $0xA;
	v13 =	vshll.u32 v11, $0x7  }
0x288: {  	s14 =	sshllo.u32 s28, $0x1;
	v14 =	vmov s25;
	v12 =	vand.u32 $0x6000, v12;
	v13 =	vand.u32 $0x300, v13  }
0x289: {  	v15 =	vmov s14;
	v33 =	vor.u32 v13, v12;
	v12 =	vshrl.u32 v14, $0x7  }
0x28a: {  	v13 =	vshll.u32 v15, $0xA;
	v14 =	vshll.u32 v15, $0x7;
	v12 =	vshll.u32 v12, $0xA  }
0x28b: {  	v16 =	vand.u32 $0x6000, v13;
	v14 =	vand.u32 $0x380, v14;
	v37 =	vbroadcast v12, $0x0  }
0x28c: {  	v13 =	vor.u32 v0, v33;
	v34 =	vor.u32 v14, v16  }
0x28d: {  	v14 =	vor.u32 v0, v34;
	v16 =	vor.u32 v13, v37  }
0x28e: {  	v17 =	vor.u32 v14, v37;
	_ =	sdelay $0x1  }
0x28f: {  	v11 =	vld.idx.msk [tilespmem:v11+s2+$0x0], $0xffff  }
0x290: {  	v12 =	vld.idx.msk [tilespmem:v15+s2+$0x0], $0xffff  }
0x291: {  	v15 =	vmov s28;
	v18 =	vld.idx.msk [tilespmem:v16+s3+$0x0], $0xffff  }
0x292: {  	v16 =	vshll.u32 v15, $0xA;
	v15 =	vshll.u32 v15, $0x7;
	v19 =	vld.idx.msk [tilespmem:v17+s3+$0x0], $0xffff  }
0x293: {  	v16 =	vand.u32 $0x2000, v16;
	v15 =	vand.u32 $0x380, v15  }
0x294: {  	v36 =	vor.u32 v15, v16  }
0x295: {  	v17 =	vor.u32 v0, v36  }
0x296: {  	v15 =	vor.u32 v4, v33;
	v16 =	vor.u32 v4, v34;
	v20 =	vor.u32 v17, v37  }
0x297: {  	v21 =	vadd.s32 v15, v37;
	v18 =	vmul.f32 v18, v11;
	v19 =	vmul.f32 v19, v12  }
0x298: {  	v22 =	vadd.s32 v16, v37  }
0x299: {  	v18 =	vadd.f32 v19, v18;
	_ =	sdelay $0x1  }
0x29a: {  	[tilespmem:v20+s16+$0x0] =	vst.idx.msk $0xffff, v18  }
0x29b: {  	v21 =	vld.idx.msk [tilespmem:v21+s3+$0x0], $0xffff  }
0x29c: {  	v22 =	vld.idx.msk [tilespmem:v22+s3+$0x0], $0xffff;
	_ =	sdelay $0x2  }
0x29d: {  	v20 =	vor.u32 v4, v36  }
0x29e: {  	v19 =	vor.u32 v5, v34;
	v18 =	vor.u32 v5, v33;
	v23 =	vadd.s32 v20, v37  }
0x29f: {  	v24 =	vadd.s32 v18, v37;
	v21 =	vmul.f32 v21, v11;
	v22 =	vmul.f32 v22, v12  }
0x2a0: {  	v25 =	vadd.s32 v19, v37  }
0x2a1: {  	v21 =	vadd.f32 v22, v21;
	_ =	sdelay $0x1  }
0x2a2: {  	[tilespmem:v23+s16+$0x0] =	vst.idx.msk $0xffff, v21  }
0x2a3: {  	v24 =	vld.idx.msk [tilespmem:v24+s3+$0x0], $0xffff  }
0x2a4: {  	v25 =	vld.idx.msk [tilespmem:v25+s3+$0x0], $0xffff;
	_ =	sdelay $0x2  }
0x2a5: {  	v23 =	vor.u32 v5, v36  }
0x2a6: {  	v22 =	vor.u32 v6, v34;
	v21 =	vor.u32 v6, v33;
	v26 =	vadd.s32 v23, v37  }
0x2a7: {  	v27 =	vadd.s32 v21, v37;
	v24 =	vmul.f32 v24, v11;
	v25 =	vmul.f32 v25, v12  }
0x2a8: {  	v28 =	vadd.s32 v22, v37  }
0x2a9: {  	v24 =	vadd.f32 v25, v24;
	_ =	sdelay $0x1  }
0x2aa: {  	[tilespmem:v26+s16+$0x0] =	vst.idx.msk $0xffff, v24  }
0x2ab: {  	v27 =	vld.idx.msk [tilespmem:v27+s3+$0x0], $0xffff  }
0x2ac: {  	v28 =	vld.idx.msk [tilespmem:v28+s3+$0x0], $0xffff;
	_ =	sdelay $0x2  }
0x2ad: {  	v26 =	vor.u32 v6, v36  }
0x2ae: {  	v25 =	vor.u32 v7, v34;
	v24 =	vor.u32 v7, v33;
	v29 =	vadd.s32 v26, v37  }
0x2af: {  	v30 =	vadd.s32 v24, v37;
	v27 =	vmul.f32 v27, v11;
	v28 =	vmul.f32 v28, v12  }
0x2b0: {  	v31 =	vadd.s32 v25, v37  }
0x2b1: {  	v27 =	vadd.f32 v28, v27;
	_ =	sdelay $0x1  }
0x2b2: {  	[tilespmem:v29+s16+$0x0] =	vst.idx.msk $0xffff, v27  }
0x2b3: {  	v30 =	vld.idx.msk [tilespmem:v30+s3+$0x0], $0xffff  }
0x2b4: {  	v31 =	vld.idx.msk [tilespmem:v31+s3+$0x0], $0xffff;
	_ =	sdelay $0x2  }
0x2b5: {  	v29 =	vor.u32 v7, v36  }
0x2b6: {  	v28 =	vor.u32 v8, v34;
	v27 =	vor.u32 v8, v33;
	v32 =	vadd.s32 v29, v37  }
0x2b7: {  	v35 =	vadd.s32 v27, v37;
	v30 =	vmul.f32 v30, v11;
	v31 =	vmul.f32 v31, v12  }
0x2b8: {  	v38 =	vadd.s32 v28, v37  }
0x2b9: {  	v30 =	vadd.f32 v31, v30;
	_ =	sdelay $0x1  }
0x2ba: {  	[tilespmem:v32+s16+$0x0] =	vst.idx.msk $0xffff, v30  }
0x2bb: {  	v35 =	vld.idx.msk [tilespmem:v35+s3+$0x0], $0xffff  }
0x2bc: {  	v38 =	vld.idx.msk [tilespmem:v38+s3+$0x0], $0xffff;
	_ =	sdelay $0x2  }
0x2bd: {  	v32 =	vor.u32 v8, v36  }
0x2be: {  	v31 =	vor.u32 v9, v34;
	v30 =	vor.u32 v9, v33;
	v39 =	vadd.s32 v32, v37  }
0x2bf: {  	v40 =	vadd.s32 v30, v37;
	v35 =	vmul.f32 v35, v11;
	v38 =	vmul.f32 v38, v12  }
0x2c0: {  	v41 =	vadd.s32 v31, v37  }
0x2c1: {  	v35 =	vadd.f32 v38, v35;
	_ =	sdelay $0x1  }
0x2c2: {  	[tilespmem:v39+s16+$0x0] =	vst.idx.msk $0xffff, v35  }
0x2c3: {  	v61 =	vld.idx.msk [tilespmem:v40+s3+$0x0], $0xffff  }
0x2c4: {  	v39 =	vld.idx.msk [tilespmem:v41+s3+$0x0], $0xffff;
	_ =	sdelay $0x2  }
0x2c5: {  	v35 =	vor.u32 v9, v36  }
0x2c6: {  	v34 =	vor.u32 v10, v34;
	v33 =	vor.u32 v10, v33;
	v62 =	vadd.s32 v35, v37  }
0x2c7: {  	v63 =	vadd.s32 v33, v37;
	v38 =	vmul.f32 v61, v11;
	v39 =	vmul.f32 v39, v12  }
0x2c8: {  	v42 =	vadd.s32 v34, v37  }
0x2c9: {  	v38 =	vadd.f32 v39, v38;
	_ =	sdelay $0x1  }
0x2ca: {  	[tilespmem:v62+s16+$0x0] =	vst.idx.msk $0xffff, v38  }
0x2cb: {  	s14 =	simm.s32 $0x80;
	v36 =	vor.u32 v10, v36;
	v39 =	vld.idx.msk [tilespmem:v63+s3+$0x0], $0xffff  }
0x2cc: {  	s4 =	simm.s32 $0x8;
	v38 =	vadd.s32 v36, v37;
	v37 =	vmov s14;
	v40 =	vld.idx.msk [tilespmem:v42+s3+$0x0], $0xffff  }
.LBB2_11:
0x2cd: {  	s4 =	sadd.s32 $0x8, s4;
	v37 =	vshrl.u32 v37, $0x7  }
0x2ce: {  	p0 =	slt.u32 s4, $0x38;
	v37 =	vshll.u32 v37, $0xA  }
0x2cf: {  	v37 =	vbroadcast v37, $0x0  }
0x2d0: {  	v39 =	vmul.f32 v39, v11  }
0x2d1: {  	v40 =	vmul.f32 v40, v12;
	v41 =	vor.u32 v13, v37;
	v42 =	vor.u32 v14, v37;
	_ =	sdelay $0x1  }
0x2d2: {  	v39 =	vadd.f32 v40, v39;
	_ =	sdelay $0x1  }
0x2d3: {  	[tilespmem:v38+s16+$0x0] =	vst.idx.msk $0xffff, v39  }
0x2d4: {  	v38 =	vld.idx.msk [tilespmem:v41+s3+$0x0], $0xffff  }
0x2d5: {  	v39 =	vld.idx.msk [tilespmem:v42+s3+$0x0], $0xffff;
	_ =	sdelay $0x3  }
0x2d6: {  	v40 =	vor.u32 v17, v37  }
0x2d7: {  	v38 =	vmul.f32 v38, v11  }
0x2d8: {  	v41 =	vadd.s32 v15, v37;
	v42 =	vadd.s32 v16, v37;
	v39 =	vmul.f32 v39, v12;
	_ =	sdelay $0x1  }
0x2d9: {  	v38 =	vadd.f32 v39, v38;
	_ =	sdelay $0x1  }
0x2da: {  	[tilespmem:v40+s16+$0x0] =	vst.idx.msk $0xffff, v38  }
0x2db: {  	v38 =	vld.idx.msk [tilespmem:v41+s3+$0x0], $0xffff  }
0x2dc: {  	v39 =	vld.idx.msk [tilespmem:v42+s3+$0x0], $0xffff;
	_ =	sdelay $0x2  }
0x2dd: {  	v40 =	vadd.s32 v20, v37;
	_ =	sdelay $0x1  }
0x2de: {  	v38 =	vmul.f32 v38, v11  }
0x2df: {  	v41 =	vadd.s32 v18, v37;
	v42 =	vadd.s32 v19, v37;
	v39 =	vmul.f32 v39, v12;
	_ =	sdelay $0x1  }
0x2e0: {  	v38 =	vadd.f32 v39, v38;
	_ =	sdelay $0x1  }
0x2e1: {  	[tilespmem:v40+s16+$0x0] =	vst.idx.msk $0xffff, v38  }
0x2e2: {  	v38 =	vld.idx.msk [tilespmem:v41+s3+$0x0], $0xffff  }
0x2e3: {  	v39 =	vld.idx.msk [tilespmem:v42+s3+$0x0], $0xffff;
	_ =	sdelay $0x1  }
0x2e4: {  	v40 =	vadd.s32 v23, v37;
	_ =	sdelay $0x2  }
0x2e5: {  	v38 =	vmul.f32 v38, v11  }
0x2e6: {  	v41 =	vadd.s32 v21, v37;
	v42 =	vadd.s32 v22, v37;
	v39 =	vmul.f32 v39, v12;
	_ =	sdelay $0x1  }
0x2e7: {  	v38 =	vadd.f32 v39, v38;
	_ =	sdelay $0x1  }
0x2e8: {  	[tilespmem:v40+s16+$0x0] =	vst.idx.msk $0xffff, v38  }
0x2e9: {  	v38 =	vld.idx.msk [tilespmem:v41+s3+$0x0], $0xffff  }
0x2ea: {  	v39 =	vld.idx.msk [tilespmem:v42+s3+$0x0], $0xffff  }
0x2eb: {  	v40 =	vadd.s32 v26, v37;
	_ =	sdelay $0x3  }
0x2ec: {  	v38 =	vmul.f32 v38, v11  }
0x2ed: {  	v41 =	vadd.s32 v24, v37;
	v42 =	vadd.s32 v25, v37;
	v39 =	vmul.f32 v39, v12;
	_ =	sdelay $0x1  }
0x2ee: {  	v38 =	vadd.f32 v39, v38;
	_ =	sdelay $0x1  }
0x2ef: {  	[tilespmem:v40+s16+$0x0] =	vst.idx.msk $0xffff, v38  }
0x2f0: {  	v38 =	vld.idx.msk [tilespmem:v41+s3+$0x0], $0xffff  }
0x2f1: {  	v40 =	vadd.s32 v29, v37;
	v39 =	vld.idx.msk [tilespmem:v42+s3+$0x0], $0xffff;
	_ =	sdelay $0x4  }
0x2f2: {  	v38 =	vmul.f32 v38, v11  }
0x2f3: {  	v41 =	vadd.s32 v27, v37;
	v42 =	vadd.s32 v28, v37;
	v39 =	vmul.f32 v39, v12;
	_ =	sdelay $0x1  }
0x2f4: {  	v38 =	vadd.f32 v39, v38;
	_ =	sdelay $0x1  }
0x2f5: {  	[tilespmem:v40+s16+$0x0] =	vst.idx.msk $0xffff, v38  }
0x2f6: {  	v39 =	vadd.s32 v32, v37;
	v38 =	vld.idx.msk [tilespmem:v41+s3+$0x0], $0xffff  }
0x2f7: {  	v40 =	vld.idx.msk [tilespmem:v42+s3+$0x0], $0xffff;
	_ =	sdelay $0x4  }
0x2f8: {  	v38 =	vmul.f32 v38, v11  }
0x2f9: {  	v41 =	vadd.s32 v30, v37;
	v42 =	vadd.s32 v31, v37;
	v40 =	vmul.f32 v40, v12;
	_ =	sdelay $0x1  }
0x2fa: {  	v38 =	vadd.f32 v40, v38;
	_ =	sdelay $0x1  }
0x2fb: {  	[tilespmem:v39+s16+$0x0] =	vst.idx.msk $0xffff, v38;
	v39 =	vadd.s32 v35, v37  }
0x2fc: {  	v38 =	vld.idx.msk [tilespmem:v41+s3+$0x0], $0xffff  }
0x2fd: {  	v40 =	vld.idx.msk [tilespmem:v42+s3+$0x0], $0xffff;
	_ =	sdelay $0x4  }
0x2fe: {  	v38 =	vmul.f32 v38, v11  }
0x2ff: {  	v41 =	vadd.s32 v33, v37;
	v42 =	vadd.s32 v34, v37;
	v40 =	vmul.f32 v40, v12;
	_ =	sdelay $0x1  }
0x300: {  	v40 =	vadd.f32 v40, v38  }
.Ltmp4:
0x301: {  	v38 =	vadd.s32 v36, v37;
	(pc) =	sbr.rel @p0 .LBB2_11-.Ltmp4, $4  }
0x302: {  	[tilespmem:v39+s16+$0x0] =	vst.idx.msk $0xffff, v40  }
0x303: {  	v39 =	vld.idx.msk [tilespmem:v41+s3+$0x0], $0xffff  }
0x304: {  	s14 =	sadd.s32 $0x80, s14;
	v40 =	vld.idx.msk [tilespmem:v42+s3+$0x0], $0xffff  }
0x305: {  	v37 =	vmov s14  }
0x306: {  	v37 =	vshrl.u32 v37, $0x7  }
0x307: {  	v37 =	vshll.u32 v37, $0xA  }
0x308: {  	v37 =	vbroadcast v37, $0x0;
	_ =	sdelay $0x1  }
0x309: {  	v39 =	vmul.f32 v39, v11;
	v40 =	vmul.f32 v40, v12;
	v13 =	vor.u32 v13, v37  }
0x30a: {  	v14 =	vor.u32 v14, v37  }
0x30b: {  	v39 =	vadd.f32 v40, v39;
	_ =	sdelay $0x1  }
0x30c: {  	[tilespmem:v38+s16+$0x0] =	vst.idx.msk $0xffff, v39  }
0x30d: {  	v13 =	vld.idx.msk [tilespmem:v13+s3+$0x0], $0xffff  }
0x30e: {  	v14 =	vld.idx.msk [tilespmem:v14+s3+$0x0], $0xffff;
	_ =	sdelay $0x3  }
0x30f: {  	v17 =	vor.u32 v17, v37  }
0x310: {  	v15 =	vadd.s32 v15, v37;
	v13 =	vmul.f32 v13, v11;
	v14 =	vmul.f32 v14, v12  }
0x311: {  	v16 =	vadd.s32 v16, v37  }
0x312: {  	v13 =	vadd.f32 v14, v13;
	_ =	sdelay $0x1  }
0x313: {  	[tilespmem:v17+s16+$0x0] =	vst.idx.msk $0xffff, v13  }
0x314: {  	v13 =	vld.idx.msk [tilespmem:v15+s3+$0x0], $0xffff  }
0x315: {  	v63 =	vld.idx.msk [tilespmem:v16+s3+$0x0], $0xffff;
	_ =	sdelay $0x3  }
0x316: {  	v38 =	vadd.s32 v20, v37  }
0x317: {  	v39 =	vadd.s32 v18, v37;
	v13 =	vmul.f32 v13, v11;
	v14 =	vmul.f32 v63, v12  }
0x318: {  	v40 =	vadd.s32 v19, v37  }
0x319: {  	v13 =	vadd.f32 v14, v13;
	_ =	sdelay $0x1  }
0x31a: {  	[tilespmem:v38+s16+$0x0] =	vst.idx.msk $0xffff, v13  }
0x31b: {  	v13 =	vld.idx.msk [tilespmem:v39+s3+$0x0], $0xffff  }
0x31c: {  	v41 =	vld.idx.msk [tilespmem:v40+s3+$0x0], $0xffff;
	_ =	sdelay $0x3  }
0x31d: {  	v42 =	vadd.s32 v23, v37  }
0x31e: {  	v43 =	vadd.s32 v21, v37;
	v13 =	vmul.f32 v13, v11;
	v14 =	vmul.f32 v41, v12  }
0x31f: {  	v44 =	vadd.s32 v22, v37  }
0x320: {  	v13 =	vadd.f32 v14, v13;
	_ =	sdelay $0x1  }
0x321: {  	[tilespmem:v42+s16+$0x0] =	vst.idx.msk $0xffff, v13  }
0x322: {  	v13 =	vld.idx.msk [tilespmem:v43+s3+$0x0], $0xffff  }
0x323: {  	v45 =	vld.idx.msk [tilespmem:v44+s3+$0x0], $0xffff;
	_ =	sdelay $0x3  }
0x324: {  	v46 =	vadd.s32 v26, v37  }
0x325: {  	v47 =	vadd.s32 v24, v37;
	v13 =	vmul.f32 v13, v11;
	v14 =	vmul.f32 v45, v12  }
0x326: {  	v48 =	vadd.s32 v25, v37  }
0x327: {  	v13 =	vadd.f32 v14, v13;
	_ =	sdelay $0x1  }
0x328: {  	[tilespmem:v46+s16+$0x0] =	vst.idx.msk $0xffff, v13  }
0x329: {  	v13 =	vld.idx.msk [tilespmem:v47+s3+$0x0], $0xffff  }
0x32a: {  	v49 =	vld.idx.msk [tilespmem:v48+s3+$0x0], $0xffff;
	_ =	sdelay $0x3  }
0x32b: {  	v50 =	vadd.s32 v29, v37  }
0x32c: {  	v51 =	vadd.s32 v27, v37;
	v13 =	vmul.f32 v13, v11;
	v14 =	vmul.f32 v49, v12  }
0x32d: {  	v52 =	vadd.s32 v28, v37  }
0x32e: {  	v13 =	vadd.f32 v14, v13;
	_ =	sdelay $0x1  }
0x32f: {  	[tilespmem:v50+s16+$0x0] =	vst.idx.msk $0xffff, v13  }
0x330: {  	v13 =	vld.idx.msk [tilespmem:v51+s3+$0x0], $0xffff  }
0x331: {  	v53 =	vld.idx.msk [tilespmem:v52+s3+$0x0], $0xffff;
	_ =	sdelay $0x3  }
0x332: {  	v54 =	vadd.s32 v32, v37  }
0x333: {  	v55 =	vadd.s32 v30, v37;
	v13 =	vmul.f32 v13, v11;
	v14 =	vmul.f32 v53, v12  }
0x334: {  	v56 =	vadd.s32 v31, v37  }
0x335: {  	v13 =	vadd.f32 v14, v13;
	_ =	sdelay $0x1  }
0x336: {  	[tilespmem:v54+s16+$0x0] =	vst.idx.msk $0xffff, v13  }
0x337: {  	v13 =	vld.idx.msk [tilespmem:v55+s3+$0x0], $0xffff  }
0x338: {  	v57 =	vld.idx.msk [tilespmem:v56+s3+$0x0], $0xffff;
	_ =	sdelay $0x3  }
0x339: {  	v58 =	vadd.s32 v35, v37  }
0x33a: {  	v59 =	vadd.s32 v33, v37;
	v13 =	vmul.f32 v13, v11;
	v14 =	vmul.f32 v57, v12  }
0x33b: {  	v60 =	vadd.s32 v34, v37  }
0x33c: {  	v13 =	vadd.f32 v14, v13;
	_ =	sdelay $0x1  }
0x33d: {  	[tilespmem:v58+s16+$0x0] =	vst.idx.msk $0xffff, v13  }
0x33e: {  	v13 =	vld.idx.msk [tilespmem:v59+s3+$0x0], $0xffff  }
0x33f: {  	v61 =	vld.idx.msk [tilespmem:v60+s3+$0x0], $0xffff;
	_ =	sdelay $0x2  }
0x340: {  	s28 =	sadd.s32 $0x1, s28  }
0x341: {  	p0 =	sne.s32 s28, $0x10;
	v62 =	vadd.s32 v36, v37  }
.Ltmp5:
0x342: {  	v11 =	vmul.f32 v13, v11;
	v63 =	vmul.f32 v61, v12;
	(pc) =	sbr.rel @p0 .LBB2_10-.Ltmp5, $3  }
0x343: {  	_ = 	snop  }
0x344: {  	v11 =	vadd.f32 v63, v11;
	_ =	sdelay $0x1  }
0x345: {  	[tilespmem:v62+s16+$0x0] =	vst.idx.msk $0xffff, v11  }
0x346: {  	s25 =	simm.s32 $0x0;
	s4 =	rddreg [dreg:$0x15]  }
0x347: {  	[hbm4b:s4+s25] =	stream.linear.scatter [tilespmem:s16], [sflag:$0x3], $0x4000, $0x38;
	[tilespmem:$0x18200] =	vst v63  }
0x348: {  	_ =	swait.ge [sflag:s17], $0x8000  }
0x349: {  	[sflag:s17] =	ssyncset.done $0x0  }
0x34a: {  	s14 =	rddreg [dreg:$0xb];
	[sflag:s17] =	ssyncadd.s32 $0xFFFF8000  }
0x34b: {  	[tilespmem:s25], [sflag:$0x5] =	stream.linear.gather [hbm4b:s14+s25], $0x20, $0x38;
	[tilespmem:$0x18200] =	vst v63  }
0x34c: {  	_ =	swait.ge [sflag:s0], $0x20  }
0x34d: {  	[sflag:s0] =	ssyncset.done $0x0  }
0x34e: {  	s14 =	rddreg [dreg:$0xc];
	[sflag:s0] =	ssyncadd.s32 $0xFFFFFFE0  }
0x34f: {  	[tilespmem:s2], [sflag:$0x5] =	stream.linear.gather [hbm4b:s14+s25], $0x20, $0x38;
	[tilespmem:$0x18200] =	vst v63  }
0x350: {  	_ =	swait.ge [sflag:s0], $0x20  }
0x351: {  	[sflag:s0] =	ssyncset.done $0x0  }
0x352: {  	[sflag:s0] =	ssyncadd.s32 $0xFFFFFFE0  }
0x353: {  	v11 =	vld [tilespmem:$0x0];
	_ =	sdelay $0x4  }
0x354: {  	v12 =	vshll.u32 v11, $0x3  }
0x355: {  	v11 =	vand.u32 $0x7, v11;
	v12 =	vand.u32 $0xFFFFFFC0, v12  }
0x356: {  	v11 =	vor.u32 v11, v12  }
0x357: {  	v12 =	vperm.xlane v11, v1;
	_ =	sdelay $0x1  }
0x358: {  	v12 =	vadd.s32 v2, v12;
	_ =	sdelay $0x4  }
0x359: {  	[tilespmem:s3], [sflag:$0x1] =	stream.indirect_vreg.gather [hbm4b:s26+s25], $0x80, v12, vm0, $0xb8;
	[tilespmem:$0x18200] =	vst v63  }
0x35a: {  	s14 =	simm.s32 $0xA00;
	v11 =	vperm.xlane v11, v3  }
0x35b: {  	[tilespmem:s14], [sflag:$0x1] =	stream.indirect_vreg.gather [hbm4b:s29+s25], $0x80, v12, vm0, $0xb8;
	[tilespmem:$0x18200] =	vst v63  }
0x35c: {  	v11 =	vadd.s32 v2, v11;
	s14 =	simm.s32 $0x1200  }
0x35d: {  	[tilespmem:s14], [sflag:$0x1] =	stream.indirect_vreg.gather [hbm4b:s30+s25], $0x80, v12, vm0, $0xb8;
	[tilespmem:$0x18200] =	vst v63  }
0x35e: {  	s14 =	simm.s32 $0x1A00  }
0x35f: {  	[tilespmem:s14], [sflag:$0x1] =	stream.indirect_vreg.gather [hbm4b:s31+s25], $0x80, v12, vm0, $0xb8;
	[tilespmem:$0x18200] =	vst v63  }
0x360: {  	s14 =	simm.s32 $0x2200  }
0x361: {  	[tilespmem:s14], [sflag:$0x1] =	stream.indirect_vreg.gather [hbm4b:s26+s25], $0x80, v11, vm0, $0xb8;
	[tilespmem:$0x18200] =	vst v63  }
0x362: {  	s14 =	simm.s32 $0x2A00  }
0x363: {  	[tilespmem:s14], [sflag:$0x1] =	stream.indirect_vreg.gather [hbm4b:s29+s25], $0x80, v11, vm0, $0xb8;
	[tilespmem:$0x18200] =	vst v63  }
0x364: {  	s14 =	simm.s32 $0x3200  }
0x365: {  	[tilespmem:s14], [sflag:$0x1] =	stream.indirect_vreg.gather [hbm4b:s30+s25], $0x80, v11, vm0, $0xb8;
	[tilespmem:$0x18200] =	vst v63  }
0x366: {  	s14 =	simm.s32 $0x3A00  }
0x367: {  	[tilespmem:s14], [sflag:$0x1] =	stream.indirect_vreg.gather [hbm4b:s31+s25], $0x80, v11, vm0, $0xb8;
	[tilespmem:$0x18200] =	vst v63  }
0x368: {  	v11 =	vld [tilespmem:$0x10];
	_ =	sdelay $0x4  }
0x369: {  	v63 =	vshll.u32 v11, $0x3  }
0x36a: {  	v11 =	vand.u32 $0x7, v11;
	v12 =	vand.u32 $0xFFFFFFC0, v63  }
0x36b: {  	v11 =	vor.u32 v11, v12  }
0x36c: {  	v12 =	vperm.xlane v11, v1;
	_ =	sdelay $0x1  }
0x36d: {  	v12 =	vadd.s32 v2, v12;
	_ =	sdelay $0x3  }
0x36e: {  	s14 =	simm.s32 $0x4200  }
0x36f: {  	[tilespmem:s14], [sflag:$0x1] =	stream.indirect_vreg.gather [hbm4b:s26+s25], $0x80, v12, vm0, $0xb8;
	[tilespmem:$0x18200] =	vst v63  }
0x370: {  	v11 =	vperm.xlane v11, v3;
	s14 =	simm.s32 $0x4A00  }
0x371: {  	[tilespmem:s14], [sflag:$0x1] =	stream.indirect_vreg.gather [hbm4b:s29+s25], $0x80, v12, vm0, $0xb8;
	[tilespmem:$0x18200] =	vst v63  }
0x372: {  	v11 =	vadd.s32 v2, v11;
	s14 =	simm.s32 $0x5200  }
0x373: {  	[tilespmem:s14], [sflag:$0x1] =	stream.indirect_vreg.gather [hbm4b:s30+s25], $0x80, v12, vm0, $0xb8;
	[tilespmem:$0x18200] =	vst v63  }
0x374: {  	s14 =	simm.s32 $0x5A00  }
0x375: {  	[tilespmem:s14], [sflag:$0x1] =	stream.indirect_vreg.gather [hbm4b:s31+s25], $0x80, v12, vm0, $0xb8;
	[tilespmem:$0x18200] =	vst v63  }
0x376: {  	s14 =	simm.s32 $0x6200  }
0x377: {  	[tilespmem:s14], [sflag:$0x1] =	stream.indirect_vreg.gather [hbm4b:s26+s25], $0x80, v11, vm0, $0xb8;
	[tilespmem:$0x18200] =	vst v63  }
0x378: {  	s14 =	simm.s32 $0x6A00  }
0x379: {  	[tilespmem:s14], [sflag:$0x1] =	stream.indirect_vreg.gather [hbm4b:s29+s25], $0x80, v11, vm0, $0xb8;
	[tilespmem:$0x18200] =	vst v63  }
0x37a: {  	s14 =	simm.s32 $0x7200  }
0x37b: {  	[tilespmem:s14], [sflag:$0x1] =	stream.indirect_vreg.gather [hbm4b:s30+s25], $0x80, v11, vm0, $0xb8;
	[tilespmem:$0x18200] =	vst v63  }
0x37c: {  	s14 =	simm.s32 $0x7A00  }
0x37d: {  	[tilespmem:s14], [sflag:$0x1] =	stream.indirect_vreg.gather [hbm4b:s31+s25], $0x80, v11, vm0, $0xb8;
	[tilespmem:$0x18200] =	vst v63  }
0x37e: {  	_ =	swait.ge [sflag:s21], $0x4000  }
0x37f: {  	[sflag:s21] =	ssyncset.done $0x0  }
0x380: {  	s28 =	simm.s32 $0x0;
	[sflag:s21] =	ssyncadd.s32 $0xFFFFC000  }
.LBB2_14:
0x381: {  	s4 =	sshll.u32 s28, $0x1  }
0x382: {  	v11 =	vmov s4  }
0x383: {  	v12 =	vshll.u32 v11, $0xA;
	v13 =	vshll.u32 v11, $0x7  }
0x384: {  	s14 =	sshllo.u32 s28, $0x1;
	v14 =	vmov s25;
	v12 =	vand.u32 $0x6000, v12;
	v13 =	vand.u32 $0x300, v13  }
0x385: {  	v15 =	vmov s14;
	v33 =	vor.u32 v13, v12;
	v12 =	vshrl.u32 v14, $0x7  }
0x386: {  	v13 =	vshll.u32 v15, $0xA;
	v14 =	vshll.u32 v15, $0x7;
	v12 =	vshll.u32 v12, $0xA  }
0x387: {  	v16 =	vand.u32 $0x6000, v13;
	v14 =	vand.u32 $0x380, v14;
	v37 =	vbroadcast v12, $0x0  }
0x388: {  	v13 =	vor.u32 v0, v33;
	v34 =	vor.u32 v14, v16  }
0x389: {  	v14 =	vor.u32 v0, v34;
	v16 =	vor.u32 v13, v37  }
0x38a: {  	v17 =	vor.u32 v14, v37;
	_ =	sdelay $0x1  }
0x38b: {  	v11 =	vld.idx.msk [tilespmem:v11+s22+$0x0], $0xffff  }
0x38c: {  	v12 =	vld.idx.msk [tilespmem:v15+s22+$0x0], $0xffff  }
0x38d: {  	v15 =	vmov s28;
	v18 =	vld.idx.msk [tilespmem:v16+s23+$0x0], $0xffff  }
0x38e: {  	v16 =	vshll.u32 v15, $0xA;
	v15 =	vshll.u32 v15, $0x7;
	v19 =	vld.idx.msk [tilespmem:v17+s23+$0x0], $0xffff  }
0x38f: {  	v16 =	vand.u32 $0x2000, v16;
	v15 =	vand.u32 $0x380, v15  }
0x390: {  	v36 =	vor.u32 v15, v16  }
0x391: {  	v17 =	vor.u32 v0, v36  }
0x392: {  	v15 =	vor.u32 v4, v33;
	v16 =	vor.u32 v4, v34;
	v20 =	vor.u32 v17, v37  }
0x393: {  	v21 =	vadd.s32 v15, v37;
	v18 =	vmul.f32 v18, v11;
	v19 =	vmul.f32 v19, v12  }
0x394: {  	v22 =	vadd.s32 v16, v37  }
0x395: {  	v18 =	vadd.f32 v19, v18;
	_ =	sdelay $0x1  }
0x396: {  	[tilespmem:v20+s18+$0x0] =	vst.idx.msk $0xffff, v18  }
0x397: {  	v21 =	vld.idx.msk [tilespmem:v21+s23+$0x0], $0xffff  }
0x398: {  	v22 =	vld.idx.msk [tilespmem:v22+s23+$0x0], $0xffff;
	_ =	sdelay $0x2  }
0x399: {  	v20 =	vor.u32 v4, v36  }
0x39a: {  	v19 =	vor.u32 v5, v34;
	v18 =	vor.u32 v5, v33;
	v23 =	vadd.s32 v20, v37  }
0x39b: {  	v24 =	vadd.s32 v18, v37;
	v21 =	vmul.f32 v21, v11;
	v22 =	vmul.f32 v22, v12  }
0x39c: {  	v25 =	vadd.s32 v19, v37  }
0x39d: {  	v21 =	vadd.f32 v22, v21;
	_ =	sdelay $0x1  }
0x39e: {  	[tilespmem:v23+s18+$0x0] =	vst.idx.msk $0xffff, v21  }
0x39f: {  	v24 =	vld.idx.msk [tilespmem:v24+s23+$0x0], $0xffff  }
0x3a0: {  	v25 =	vld.idx.msk [tilespmem:v25+s23+$0x0], $0xffff;
	_ =	sdelay $0x2  }
0x3a1: {  	v23 =	vor.u32 v5, v36  }
0x3a2: {  	v22 =	vor.u32 v6, v34;
	v21 =	vor.u32 v6, v33;
	v26 =	vadd.s32 v23, v37  }
0x3a3: {  	v27 =	vadd.s32 v21, v37;
	v24 =	vmul.f32 v24, v11;
	v25 =	vmul.f32 v25, v12  }
0x3a4: {  	v28 =	vadd.s32 v22, v37  }
0x3a5: {  	v24 =	vadd.f32 v25, v24;
	_ =	sdelay $0x1  }
0x3a6: {  	[tilespmem:v26+s18+$0x0] =	vst.idx.msk $0xffff, v24  }
0x3a7: {  	v27 =	vld.idx.msk [tilespmem:v27+s23+$0x0], $0xffff  }
0x3a8: {  	v28 =	vld.idx.msk [tilespmem:v28+s23+$0x0], $0xffff;
	_ =	sdelay $0x2  }
0x3a9: {  	v26 =	vor.u32 v6, v36  }
0x3aa: {  	v25 =	vor.u32 v7, v34;
	v24 =	vor.u32 v7, v33;
	v29 =	vadd.s32 v26, v37  }
0x3ab: {  	v30 =	vadd.s32 v24, v37;
	v27 =	vmul.f32 v27, v11;
	v28 =	vmul.f32 v28, v12  }
0x3ac: {  	v31 =	vadd.s32 v25, v37  }
0x3ad: {  	v27 =	vadd.f32 v28, v27;
	_ =	sdelay $0x1  }
0x3ae: {  	[tilespmem:v29+s18+$0x0] =	vst.idx.msk $0xffff, v27  }
0x3af: {  	v30 =	vld.idx.msk [tilespmem:v30+s23+$0x0], $0xffff  }
0x3b0: {  	v31 =	vld.idx.msk [tilespmem:v31+s23+$0x0], $0xffff;
	_ =	sdelay $0x2  }
0x3b1: {  	v29 =	vor.u32 v7, v36  }
0x3b2: {  	v28 =	vor.u32 v8, v34;
	v27 =	vor.u32 v8, v33;
	v32 =	vadd.s32 v29, v37  }
0x3b3: {  	v35 =	vadd.s32 v27, v37;
	v30 =	vmul.f32 v30, v11;
	v31 =	vmul.f32 v31, v12  }
0x3b4: {  	v38 =	vadd.s32 v28, v37  }
0x3b5: {  	v30 =	vadd.f32 v31, v30;
	_ =	sdelay $0x1  }
0x3b6: {  	[tilespmem:v32+s18+$0x0] =	vst.idx.msk $0xffff, v30  }
0x3b7: {  	v35 =	vld.idx.msk [tilespmem:v35+s23+$0x0], $0xffff  }
0x3b8: {  	v38 =	vld.idx.msk [tilespmem:v38+s23+$0x0], $0xffff;
	_ =	sdelay $0x2  }
0x3b9: {  	v32 =	vor.u32 v8, v36  }
0x3ba: {  	v31 =	vor.u32 v9, v34;
	v30 =	vor.u32 v9, v33;
	v39 =	vadd.s32 v32, v37  }
0x3bb: {  	v40 =	vadd.s32 v30, v37;
	v35 =	vmul.f32 v35, v11;
	v38 =	vmul.f32 v38, v12  }
0x3bc: {  	v41 =	vadd.s32 v31, v37  }
0x3bd: {  	v35 =	vadd.f32 v38, v35;
	_ =	sdelay $0x1  }
0x3be: {  	[tilespmem:v39+s18+$0x0] =	vst.idx.msk $0xffff, v35  }
0x3bf: {  	v61 =	vld.idx.msk [tilespmem:v40+s23+$0x0], $0xffff  }
0x3c0: {  	v39 =	vld.idx.msk [tilespmem:v41+s23+$0x0], $0xffff;
	_ =	sdelay $0x2  }
0x3c1: {  	v35 =	vor.u32 v9, v36  }
0x3c2: {  	v34 =	vor.u32 v10, v34;
	v33 =	vor.u32 v10, v33;
	v62 =	vadd.s32 v35, v37  }
0x3c3: {  	v63 =	vadd.s32 v33, v37;
	v38 =	vmul.f32 v61, v11;
	v39 =	vmul.f32 v39, v12  }
0x3c4: {  	v42 =	vadd.s32 v34, v37  }
0x3c5: {  	v38 =	vadd.f32 v39, v38;
	_ =	sdelay $0x1  }
0x3c6: {  	[tilespmem:v62+s18+$0x0] =	vst.idx.msk $0xffff, v38  }
0x3c7: {  	s14 =	simm.s32 $0x80;
	v36 =	vor.u32 v10, v36;
	v39 =	vld.idx.msk [tilespmem:v63+s23+$0x0], $0xffff  }
0x3c8: {  	s4 =	simm.s32 $0x8;
	v38 =	vadd.s32 v36, v37;
	v37 =	vmov s14;
	v40 =	vld.idx.msk [tilespmem:v42+s23+$0x0], $0xffff  }
.LBB2_15:
0x3c9: {  	s4 =	sadd.s32 $0x8, s4;
	v37 =	vshrl.u32 v37, $0x7  }
0x3ca: {  	p0 =	slt.u32 s4, $0x38;
	v37 =	vshll.u32 v37, $0xA  }
0x3cb: {  	v37 =	vbroadcast v37, $0x0  }
0x3cc: {  	v39 =	vmul.f32 v39, v11  }
0x3cd: {  	v40 =	vmul.f32 v40, v12;
	v41 =	vor.u32 v13, v37;
	v42 =	vor.u32 v14, v37;
	_ =	sdelay $0x1  }
0x3ce: {  	v39 =	vadd.f32 v40, v39;
	_ =	sdelay $0x1  }
0x3cf: {  	[tilespmem:v38+s18+$0x0] =	vst.idx.msk $0xffff, v39  }
0x3d0: {  	v38 =	vld.idx.msk [tilespmem:v41+s23+$0x0], $0xffff  }
0x3d1: {  	v39 =	vld.idx.msk [tilespmem:v42+s23+$0x0], $0xffff;
	_ =	sdelay $0x3  }
0x3d2: {  	v40 =	vor.u32 v17, v37  }
0x3d3: {  	v38 =	vmul.f32 v38, v11  }
0x3d4: {  	v41 =	vadd.s32 v15, v37;
	v42 =	vadd.s32 v16, v37;
	v39 =	vmul.f32 v39, v12;
	_ =	sdelay $0x1  }
0x3d5: {  	v38 =	vadd.f32 v39, v38;
	_ =	sdelay $0x1  }
0x3d6: {  	[tilespmem:v40+s18+$0x0] =	vst.idx.msk $0xffff, v38  }
0x3d7: {  	v38 =	vld.idx.msk [tilespmem:v41+s23+$0x0], $0xffff  }
0x3d8: {  	v39 =	vld.idx.msk [tilespmem:v42+s23+$0x0], $0xffff;
	_ =	sdelay $0x2  }
0x3d9: {  	v40 =	vadd.s32 v20, v37;
	_ =	sdelay $0x1  }
0x3da: {  	v38 =	vmul.f32 v38, v11  }
0x3db: {  	v41 =	vadd.s32 v18, v37;
	v42 =	vadd.s32 v19, v37;
	v39 =	vmul.f32 v39, v12;
	_ =	sdelay $0x1  }
0x3dc: {  	v38 =	vadd.f32 v39, v38;
	_ =	sdelay $0x1  }
0x3dd: {  	[tilespmem:v40+s18+$0x0] =	vst.idx.msk $0xffff, v38  }
0x3de: {  	v38 =	vld.idx.msk [tilespmem:v41+s23+$0x0], $0xffff  }
0x3df: {  	v39 =	vld.idx.msk [tilespmem:v42+s23+$0x0], $0xffff;
	_ =	sdelay $0x1  }
0x3e0: {  	v40 =	vadd.s32 v23, v37;
	_ =	sdelay $0x2  }
0x3e1: {  	v38 =	vmul.f32 v38, v11  }
0x3e2: {  	v41 =	vadd.s32 v21, v37;
	v42 =	vadd.s32 v22, v37;
	v39 =	vmul.f32 v39, v12;
	_ =	sdelay $0x1  }
0x3e3: {  	v38 =	vadd.f32 v39, v38;
	_ =	sdelay $0x1  }
0x3e4: {  	[tilespmem:v40+s18+$0x0] =	vst.idx.msk $0xffff, v38  }
0x3e5: {  	v38 =	vld.idx.msk [tilespmem:v41+s23+$0x0], $0xffff  }
0x3e6: {  	v39 =	vld.idx.msk [tilespmem:v42+s23+$0x0], $0xffff  }
0x3e7: {  	v40 =	vadd.s32 v26, v37;
	_ =	sdelay $0x3  }
0x3e8: {  	v38 =	vmul.f32 v38, v11  }
0x3e9: {  	v41 =	vadd.s32 v24, v37;
	v42 =	vadd.s32 v25, v37;
	v39 =	vmul.f32 v39, v12;
	_ =	sdelay $0x1  }
0x3ea: {  	v38 =	vadd.f32 v39, v38;
	_ =	sdelay $0x1  }
0x3eb: {  	[tilespmem:v40+s18+$0x0] =	vst.idx.msk $0xffff, v38  }
0x3ec: {  	v38 =	vld.idx.msk [tilespmem:v41+s23+$0x0], $0xffff  }
0x3ed: {  	v40 =	vadd.s32 v29, v37;
	v39 =	vld.idx.msk [tilespmem:v42+s23+$0x0], $0xffff;
	_ =	sdelay $0x4  }
0x3ee: {  	v38 =	vmul.f32 v38, v11  }
0x3ef: {  	v41 =	vadd.s32 v27, v37;
	v42 =	vadd.s32 v28, v37;
	v39 =	vmul.f32 v39, v12;
	_ =	sdelay $0x1  }
0x3f0: {  	v38 =	vadd.f32 v39, v38;
	_ =	sdelay $0x1  }
0x3f1: {  	[tilespmem:v40+s18+$0x0] =	vst.idx.msk $0xffff, v38  }
0x3f2: {  	v39 =	vadd.s32 v32, v37;
	v38 =	vld.idx.msk [tilespmem:v41+s23+$0x0], $0xffff  }
0x3f3: {  	v40 =	vld.idx.msk [tilespmem:v42+s23+$0x0], $0xffff;
	_ =	sdelay $0x4  }
0x3f4: {  	v38 =	vmul.f32 v38, v11  }
0x3f5: {  	v41 =	vadd.s32 v30, v37;
	v42 =	vadd.s32 v31, v37;
	v40 =	vmul.f32 v40, v12;
	_ =	sdelay $0x1  }
0x3f6: {  	v38 =	vadd.f32 v40, v38;
	_ =	sdelay $0x1  }
0x3f7: {  	[tilespmem:v39+s18+$0x0] =	vst.idx.msk $0xffff, v38;
	v39 =	vadd.s32 v35, v37  }
0x3f8: {  	v38 =	vld.idx.msk [tilespmem:v41+s23+$0x0], $0xffff  }
0x3f9: {  	v40 =	vld.idx.msk [tilespmem:v42+s23+$0x0], $0xffff;
	_ =	sdelay $0x4  }
0x3fa: {  	v38 =	vmul.f32 v38, v11  }
0x3fb: {  	v41 =	vadd.s32 v33, v37;
	v42 =	vadd.s32 v34, v37;
	v40 =	vmul.f32 v40, v12;
	_ =	sdelay $0x1  }
0x3fc: {  	v40 =	vadd.f32 v40, v38  }
.Ltmp6:
0x3fd: {  	v38 =	vadd.s32 v36, v37;
	(pc) =	sbr.rel @p0 .LBB2_15-.Ltmp6, $4  }
0x3fe: {  	[tilespmem:v39+s18+$0x0] =	vst.idx.msk $0xffff, v40  }
0x3ff: {  	v39 =	vld.idx.msk [tilespmem:v41+s23+$0x0], $0xffff  }
0x400: {  	s14 =	sadd.s32 $0x80, s14;
	v40 =	vld.idx.msk [tilespmem:v42+s23+$0x0], $0xffff  }
0x401: {  	v37 =	vmov s14  }
0x402: {  	v37 =	vshrl.u32 v37, $0x7  }
0x403: {  	v37 =	vshll.u32 v37, $0xA  }
0x404: {  	v37 =	vbroadcast v37, $0x0;
	_ =	sdelay $0x1  }
0x405: {  	v39 =	vmul.f32 v39, v11;
	v40 =	vmul.f32 v40, v12;
	v13 =	vor.u32 v13, v37  }
0x406: {  	v14 =	vor.u32 v14, v37  }
0x407: {  	v39 =	vadd.f32 v40, v39;
	_ =	sdelay $0x1  }
0x408: {  	[tilespmem:v38+s18+$0x0] =	vst.idx.msk $0xffff, v39  }
0x409: {  	v13 =	vld.idx.msk [tilespmem:v13+s23+$0x0], $0xffff  }
0x40a: {  	v14 =	vld.idx.msk [tilespmem:v14+s23+$0x0], $0xffff;
	_ =	sdelay $0x3  }
0x40b: {  	v17 =	vor.u32 v17, v37  }
0x40c: {  	v15 =	vadd.s32 v15, v37;
	v13 =	vmul.f32 v13, v11;
	v14 =	vmul.f32 v14, v12  }
0x40d: {  	v16 =	vadd.s32 v16, v37  }
0x40e: {  	v13 =	vadd.f32 v14, v13;
	_ =	sdelay $0x1  }
0x40f: {  	[tilespmem:v17+s18+$0x0] =	vst.idx.msk $0xffff, v13  }
0x410: {  	v13 =	vld.idx.msk [tilespmem:v15+s23+$0x0], $0xffff  }
0x411: {  	v63 =	vld.idx.msk [tilespmem:v16+s23+$0x0], $0xffff;
	_ =	sdelay $0x3  }
0x412: {  	v38 =	vadd.s32 v20, v37  }
0x413: {  	v39 =	vadd.s32 v18, v37;
	v13 =	vmul.f32 v13, v11;
	v14 =	vmul.f32 v63, v12  }
0x414: {  	v40 =	vadd.s32 v19, v37  }
0x415: {  	v13 =	vadd.f32 v14, v13;
	_ =	sdelay $0x1  }
0x416: {  	[tilespmem:v38+s18+$0x0] =	vst.idx.msk $0xffff, v13  }
0x417: {  	v13 =	vld.idx.msk [tilespmem:v39+s23+$0x0], $0xffff  }
0x418: {  	v41 =	vld.idx.msk [tilespmem:v40+s23+$0x0], $0xffff;
	_ =	sdelay $0x3  }
0x419: {  	v42 =	vadd.s32 v23, v37  }
0x41a: {  	v43 =	vadd.s32 v21, v37;
	v13 =	vmul.f32 v13, v11;
	v14 =	vmul.f32 v41, v12  }
0x41b: {  	v44 =	vadd.s32 v22, v37  }
0x41c: {  	v13 =	vadd.f32 v14, v13;
	_ =	sdelay $0x1  }
0x41d: {  	[tilespmem:v42+s18+$0x0] =	vst.idx.msk $0xffff, v13  }
0x41e: {  	v13 =	vld.idx.msk [tilespmem:v43+s23+$0x0], $0xffff  }
0x41f: {  	v45 =	vld.idx.msk [tilespmem:v44+s23+$0x0], $0xffff;
	_ =	sdelay $0x3  }
0x420: {  	v46 =	vadd.s32 v26, v37  }
0x421: {  	v47 =	vadd.s32 v24, v37;
	v13 =	vmul.f32 v13, v11;
	v14 =	vmul.f32 v45, v12  }
0x422: {  	v48 =	vadd.s32 v25, v37  }
0x423: {  	v13 =	vadd.f32 v14, v13;
	_ =	sdelay $0x1  }
0x424: {  	[tilespmem:v46+s18+$0x0] =	vst.idx.msk $0xffff, v13  }
0x425: {  	v13 =	vld.idx.msk [tilespmem:v47+s23+$0x0], $0xffff  }
0x426: {  	v49 =	vld.idx.msk [tilespmem:v48+s23+$0x0], $0xffff;
	_ =	sdelay $0x3  }
0x427: {  	v50 =	vadd.s32 v29, v37  }
0x428: {  	v51 =	vadd.s32 v27, v37;
	v13 =	vmul.f32 v13, v11;
	v14 =	vmul.f32 v49, v12  }
0x429: {  	v52 =	vadd.s32 v28, v37  }
0x42a: {  	v13 =	vadd.f32 v14, v13;
	_ =	sdelay $0x1  }
0x42b: {  	[tilespmem:v50+s18+$0x0] =	vst.idx.msk $0xffff, v13  }
0x42c: {  	v13 =	vld.idx.msk [tilespmem:v51+s23+$0x0], $0xffff  }
0x42d: {  	v53 =	vld.idx.msk [tilespmem:v52+s23+$0x0], $0xffff;
	_ =	sdelay $0x3  }
0x42e: {  	v54 =	vadd.s32 v32, v37  }
0x42f: {  	v55 =	vadd.s32 v30, v37;
	v13 =	vmul.f32 v13, v11;
	v14 =	vmul.f32 v53, v12  }
0x430: {  	v56 =	vadd.s32 v31, v37  }
0x431: {  	v13 =	vadd.f32 v14, v13;
	_ =	sdelay $0x1  }
0x432: {  	[tilespmem:v54+s18+$0x0] =	vst.idx.msk $0xffff, v13  }
0x433: {  	v13 =	vld.idx.msk [tilespmem:v55+s23+$0x0], $0xffff  }
0x434: {  	v57 =	vld.idx.msk [tilespmem:v56+s23+$0x0], $0xffff;
	_ =	sdelay $0x3  }
0x435: {  	v58 =	vadd.s32 v35, v37  }
0x436: {  	v59 =	vadd.s32 v33, v37;
	v13 =	vmul.f32 v13, v11;
	v14 =	vmul.f32 v57, v12  }
0x437: {  	v60 =	vadd.s32 v34, v37  }
0x438: {  	v13 =	vadd.f32 v14, v13;
	_ =	sdelay $0x1  }
0x439: {  	[tilespmem:v58+s18+$0x0] =	vst.idx.msk $0xffff, v13  }
0x43a: {  	v13 =	vld.idx.msk [tilespmem:v59+s23+$0x0], $0xffff  }
0x43b: {  	v61 =	vld.idx.msk [tilespmem:v60+s23+$0x0], $0xffff;
	_ =	sdelay $0x2  }
0x43c: {  	s28 =	sadd.s32 $0x1, s28  }
0x43d: {  	p0 =	sne.s32 s28, $0x10;
	v62 =	vadd.s32 v36, v37  }
.Ltmp7:
0x43e: {  	v11 =	vmul.f32 v13, v11;
	v63 =	vmul.f32 v61, v12;
	(pc) =	sbr.rel @p0 .LBB2_14-.Ltmp7, $3  }
0x43f: {  	_ = 	snop  }
0x440: {  	v11 =	vadd.f32 v63, v11;
	_ =	sdelay $0x1  }
0x441: {  	[tilespmem:v62+s18+$0x0] =	vst.idx.msk $0xffff, v11  }
0x442: {  	s25 =	simm.s32 $0x0;
	s4 =	rddreg [dreg:$0x16]  }
0x443: {  	[hbm4b:s4+s25] =	stream.linear.scatter [tilespmem:s18], [sflag:$0x4], $0x4000, $0x38;
	[tilespmem:$0x18200] =	vst v63  }
0x444: {  	_ =	swait.ge [sflag:s20], $0x8000  }
0x445: {  	[sflag:s20] =	ssyncset.done $0x0  }
0x446: {  	s14 =	simm.s32 $0x80;
	s4 =	rddreg [dreg:$0xd];
	[sflag:s20] =	ssyncadd.s32 $0xFFFF8000  }
0x447: {  	[tilespmem:s14], [sflag:$0x5] =	stream.linear.gather [hbm4b:s4+s25], $0x20, $0x38;
	[tilespmem:$0x18200] =	vst v63  }
0x448: {  	_ =	swait.ge [sflag:s0], $0x20  }
0x449: {  	[sflag:s0] =	ssyncset.done $0x0  }
0x44a: {  	s14 =	rddreg [dreg:$0xe];
	[sflag:s0] =	ssyncadd.s32 $0xFFFFFFE0  }
0x44b: {  	[tilespmem:s22], [sflag:$0x5] =	stream.linear.gather [hbm4b:s14+s25], $0x20, $0x38;
	[tilespmem:$0x18200] =	vst v63  }
0x44c: {  	_ =	swait.ge [sflag:s0], $0x20  }
0x44d: {  	[sflag:s0] =	ssyncset.done $0x0  }
0x44e: {  	[sflag:s0] =	ssyncadd.s32 $0xFFFFFFE0  }
0x44f: {  	v11 =	vld [tilespmem:$0x80];
	_ =	sdelay $0x4  }
0x450: {  	v12 =	vshll.u32 v11, $0x3  }
0x451: {  	v11 =	vand.u32 $0x7, v11;
	v12 =	vand.u32 $0xFFFFFFC0, v12  }
0x452: {  	v11 =	vor.u32 v11, v12  }
0x453: {  	v12 =	vperm.xlane v11, v1;
	_ =	sdelay $0x1  }
0x454: {  	v12 =	vadd.s32 v2, v12;
	_ =	sdelay $0x4  }
0x455: {  	[tilespmem:s23], [sflag:$0x2] =	stream.indirect_vreg.gather [hbm4b:s26+s25], $0x80, v12, vm0, $0xb8;
	[tilespmem:$0x18200] =	vst v63  }
0x456: {  	s14 =	simm.s32 $0x8A00;
	v11 =	vperm.xlane v11, v3  }
0x457: {  	[tilespmem:s14], [sflag:$0x2] =	stream.indirect_vreg.gather [hbm4b:s29+s25], $0x80, v12, vm0, $0xb8;
	[tilespmem:$0x18200] =	vst v63  }
0x458: {  	v11 =	vadd.s32 v2, v11;
	s14 =	simm.s32 $0x9200  }
0x459: {  	[tilespmem:s14], [sflag:$0x2] =	stream.indirect_vreg.gather [hbm4b:s30+s25], $0x80, v12, vm0, $0xb8;
	[tilespmem:$0x18200] =	vst v63  }
0x45a: {  	s14 =	simm.s32 $0x9A00  }
0x45b: {  	[tilespmem:s14], [sflag:$0x2] =	stream.indirect_vreg.gather [hbm4b:s31+s25], $0x80, v12, vm0, $0xb8;
	[tilespmem:$0x18200] =	vst v63  }
0x45c: {  	s14 =	simm.s32 $0xA200  }
0x45d: {  	[tilespmem:s14], [sflag:$0x2] =	stream.indirect_vreg.gather [hbm4b:s26+s25], $0x80, v11, vm0, $0xb8;
	[tilespmem:$0x18200] =	vst v63  }
0x45e: {  	s14 =	simm.s32 $0xAA00  }
0x45f: {  	[tilespmem:s14], [sflag:$0x2] =	stream.indirect_vreg.gather [hbm4b:s29+s25], $0x80, v11, vm0, $0xb8;
	[tilespmem:$0x18200] =	vst v63  }
0x460: {  	_ = 	snop  }
0x461: {  	[tilespmem:s5], [sflag:$0x2] =	stream.indirect_vreg.gather [hbm4b:s30+s25], $0x80, v11, vm0, $0xb8;
	[tilespmem:$0x18200] =	vst v63  }
0x462: {  	_ = 	snop  }
0x463: {  	[tilespmem:s6], [sflag:$0x2] =	stream.indirect_vreg.gather [hbm4b:s31+s25], $0x80, v11, vm0, $0xb8;
	[tilespmem:$0x18200] =	vst v63  }
0x464: {  	v11 =	vld [tilespmem:$0x90];
	_ =	sdelay $0x4  }
0x465: {  	v63 =	vshll.u32 v11, $0x3  }
0x466: {  	v11 =	vand.u32 $0x7, v11;
	v12 =	vand.u32 $0xFFFFFFC0, v63  }
0x467: {  	v11 =	vor.u32 v11, v12  }
0x468: {  	v12 =	vperm.xlane v11, v1;
	_ =	sdelay $0x1  }
0x469: {  	v12 =	vadd.s32 v2, v12;
	_ =	sdelay $0x4  }
0x46a: {  	[tilespmem:s7], [sflag:$0x2] =	stream.indirect_vreg.gather [hbm4b:s26+s25], $0x80, v12, vm0, $0xb8;
	[tilespmem:$0x18200] =	vst v63  }
0x46b: {  	v11 =	vperm.xlane v11, v3  }
0x46c: {  	[tilespmem:s8], [sflag:$0x2] =	stream.indirect_vreg.gather [hbm4b:s29+s25], $0x80, v12, vm0, $0xb8;
	[tilespmem:$0x18200] =	vst v63  }
0x46d: {  	v11 =	vadd.s32 v2, v11  }
0x46e: {  	[tilespmem:s9], [sflag:$0x2] =	stream.indirect_vreg.gather [hbm4b:s30+s25], $0x80, v12, vm0, $0xb8;
	[tilespmem:$0x18200] =	vst v63  }
0x46f: {  	_ = 	snop  }
0x470: {  	[tilespmem:s10], [sflag:$0x2] =	stream.indirect_vreg.gather [hbm4b:s31+s25], $0x80, v12, vm0, $0xb8;
	[tilespmem:$0x18200] =	vst v63  }
0x471: {  	_ = 	snop  }
0x472: {  	[tilespmem:s11], [sflag:$0x2] =	stream.indirect_vreg.gather [hbm4b:s26+s25], $0x80, v11, vm0, $0xb8;
	[tilespmem:$0x18200] =	vst v63  }
0x473: {  	_ = 	snop  }
0x474: {  	[tilespmem:s12], [sflag:$0x2] =	stream.indirect_vreg.gather [hbm4b:s29+s25], $0x80, v11, vm0, $0xb8;
	[tilespmem:$0x18200] =	vst v63  }
0x475: {  	_ = 	snop  }
0x476: {  	[tilespmem:s13], [sflag:$0x2] =	stream.indirect_vreg.gather [hbm4b:s30+s25], $0x80, v11, vm0, $0xb8;
	[tilespmem:$0x18200] =	vst v63  }
0x477: {  	_ = 	snop  }
0x478: {  	[tilespmem:s15], [sflag:$0x2] =	stream.indirect_vreg.gather [hbm4b:s31+s25], $0x80, v11, vm0, $0xb8;
	[tilespmem:$0x18200] =	vst v63  }
0x479: {  	_ =	swait.ge [sflag:s19], $0x4000  }
0x47a: {  	[sflag:s19] =	ssyncset.done $0x0  }
0x47b: {  	s28 =	simm.s32 $0x0;
	[sflag:s19] =	ssyncadd.s32 $0xFFFFC000  }
.LBB2_18:
0x47c: {  	s4 =	sshll.u32 s28, $0x1  }
0x47d: {  	v11 =	vmov s4  }
0x47e: {  	v12 =	vshll.u32 v11, $0xA;
	v13 =	vshll.u32 v11, $0x7  }
0x47f: {  	s14 =	sshllo.u32 s28, $0x1;
	v14 =	vmov s25;
	v12 =	vand.u32 $0x6000, v12;
	v13 =	vand.u32 $0x300, v13  }
0x480: {  	v15 =	vmov s14;
	v33 =	vor.u32 v13, v12;
	v12 =	vshrl.u32 v14, $0x7  }
0x481: {  	v13 =	vshll.u32 v15, $0xA;
	v14 =	vshll.u32 v15, $0x7;
	v12 =	vshll.u32 v12, $0xA  }
0x482: {  	v16 =	vand.u32 $0x6000, v13;
	v14 =	vand.u32 $0x380, v14;
	v37 =	vbroadcast v12, $0x0  }
0x483: {  	v13 =	vor.u32 v0, v33;
	v34 =	vor.u32 v14, v16  }
0x484: {  	v14 =	vor.u32 v0, v34;
	v16 =	vor.u32 v13, v37  }
0x485: {  	v17 =	vor.u32 v14, v37;
	_ =	sdelay $0x1  }
0x486: {  	v11 =	vld.idx.msk [tilespmem:v11+s2+$0x0], $0xffff  }
0x487: {  	v12 =	vld.idx.msk [tilespmem:v15+s2+$0x0], $0xffff  }
0x488: {  	v15 =	vmov s28;
	v18 =	vld.idx.msk [tilespmem:v16+s3+$0x0], $0xffff  }
0x489: {  	v16 =	vshll.u32 v15, $0xA;
	v15 =	vshll.u32 v15, $0x7;
	v19 =	vld.idx.msk [tilespmem:v17+s3+$0x0], $0xffff  }
0x48a: {  	v16 =	vand.u32 $0x2000, v16;
	v15 =	vand.u32 $0x380, v15  }
0x48b: {  	v36 =	vor.u32 v15, v16  }
0x48c: {  	v17 =	vor.u32 v0, v36  }
0x48d: {  	v15 =	vor.u32 v4, v33;
	v16 =	vor.u32 v4, v34;
	v20 =	vor.u32 v17, v37  }
0x48e: {  	v21 =	vadd.s32 v15, v37;
	v18 =	vmul.f32 v18, v11;
	v19 =	vmul.f32 v19, v12  }
0x48f: {  	v22 =	vadd.s32 v16, v37  }
0x490: {  	v18 =	vadd.f32 v19, v18;
	_ =	sdelay $0x1  }
0x491: {  	[tilespmem:v20+s16+$0x0] =	vst.idx.msk $0xffff, v18  }
0x492: {  	v21 =	vld.idx.msk [tilespmem:v21+s3+$0x0], $0xffff  }
0x493: {  	v22 =	vld.idx.msk [tilespmem:v22+s3+$0x0], $0xffff;
	_ =	sdelay $0x2  }
0x494: {  	v20 =	vor.u32 v4, v36  }
0x495: {  	v19 =	vor.u32 v5, v34;
	v18 =	vor.u32 v5, v33;
	v23 =	vadd.s32 v20, v37  }
0x496: {  	v24 =	vadd.s32 v18, v37;
	v21 =	vmul.f32 v21, v11;
	v22 =	vmul.f32 v22, v12  }
0x497: {  	v25 =	vadd.s32 v19, v37  }
0x498: {  	v21 =	vadd.f32 v22, v21;
	_ =	sdelay $0x1  }
0x499: {  	[tilespmem:v23+s16+$0x0] =	vst.idx.msk $0xffff, v21  }
0x49a: {  	v24 =	vld.idx.msk [tilespmem:v24+s3+$0x0], $0xffff  }
0x49b: {  	v25 =	vld.idx.msk [tilespmem:v25+s3+$0x0], $0xffff;
	_ =	sdelay $0x2  }
0x49c: {  	v23 =	vor.u32 v5, v36  }
0x49d: {  	v22 =	vor.u32 v6, v34;
	v21 =	vor.u32 v6, v33;
	v26 =	vadd.s32 v23, v37  }
0x49e: {  	v27 =	vadd.s32 v21, v37;
	v24 =	vmul.f32 v24, v11;
	v25 =	vmul.f32 v25, v12  }
0x49f: {  	v28 =	vadd.s32 v22, v37  }
0x4a0: {  	v24 =	vadd.f32 v25, v24;
	_ =	sdelay $0x1  }
0x4a1: {  	[tilespmem:v26+s16+$0x0] =	vst.idx.msk $0xffff, v24  }
0x4a2: {  	v27 =	vld.idx.msk [tilespmem:v27+s3+$0x0], $0xffff  }
0x4a3: {  	v28 =	vld.idx.msk [tilespmem:v28+s3+$0x0], $0xffff;
	_ =	sdelay $0x2  }
0x4a4: {  	v26 =	vor.u32 v6, v36  }
0x4a5: {  	v25 =	vor.u32 v7, v34;
	v24 =	vor.u32 v7, v33;
	v29 =	vadd.s32 v26, v37  }
0x4a6: {  	v30 =	vadd.s32 v24, v37;
	v27 =	vmul.f32 v27, v11;
	v28 =	vmul.f32 v28, v12  }
0x4a7: {  	v31 =	vadd.s32 v25, v37  }
0x4a8: {  	v27 =	vadd.f32 v28, v27;
	_ =	sdelay $0x1  }
0x4a9: {  	[tilespmem:v29+s16+$0x0] =	vst.idx.msk $0xffff, v27  }
0x4aa: {  	v30 =	vld.idx.msk [tilespmem:v30+s3+$0x0], $0xffff  }
0x4ab: {  	v31 =	vld.idx.msk [tilespmem:v31+s3+$0x0], $0xffff;
	_ =	sdelay $0x2  }
0x4ac: {  	v29 =	vor.u32 v7, v36  }
0x4ad: {  	v28 =	vor.u32 v8, v34;
	v27 =	vor.u32 v8, v33;
	v32 =	vadd.s32 v29, v37  }
0x4ae: {  	v35 =	vadd.s32 v27, v37;
	v30 =	vmul.f32 v30, v11;
	v31 =	vmul.f32 v31, v12  }
0x4af: {  	v38 =	vadd.s32 v28, v37  }
0x4b0: {  	v30 =	vadd.f32 v31, v30;
	_ =	sdelay $0x1  }
0x4b1: {  	[tilespmem:v32+s16+$0x0] =	vst.idx.msk $0xffff, v30  }
0x4b2: {  	v35 =	vld.idx.msk [tilespmem:v35+s3+$0x0], $0xffff  }
0x4b3: {  	v38 =	vld.idx.msk [tilespmem:v38+s3+$0x0], $0xffff;
	_ =	sdelay $0x2  }
0x4b4: {  	v32 =	vor.u32 v8, v36  }
0x4b5: {  	v31 =	vor.u32 v9, v34;
	v30 =	vor.u32 v9, v33;
	v39 =	vadd.s32 v32, v37  }
0x4b6: {  	v40 =	vadd.s32 v30, v37;
	v35 =	vmul.f32 v35, v11;
	v38 =	vmul.f32 v38, v12  }
0x4b7: {  	v41 =	vadd.s32 v31, v37  }
0x4b8: {  	v35 =	vadd.f32 v38, v35;
	_ =	sdelay $0x1  }
0x4b9: {  	[tilespmem:v39+s16+$0x0] =	vst.idx.msk $0xffff, v35  }
0x4ba: {  	v61 =	vld.idx.msk [tilespmem:v40+s3+$0x0], $0xffff  }
0x4bb: {  	v39 =	vld.idx.msk [tilespmem:v41+s3+$0x0], $0xffff;
	_ =	sdelay $0x2  }
0x4bc: {  	v35 =	vor.u32 v9, v36  }
0x4bd: {  	v34 =	vor.u32 v10, v34;
	v33 =	vor.u32 v10, v33;
	v62 =	vadd.s32 v35, v37  }
0x4be: {  	v63 =	vadd.s32 v33, v37;
	v38 =	vmul.f32 v61, v11;
	v39 =	vmul.f32 v39, v12  }
0x4bf: {  	v42 =	vadd.s32 v34, v37  }
0x4c0: {  	v38 =	vadd.f32 v39, v38;
	_ =	sdelay $0x1  }
0x4c1: {  	[tilespmem:v62+s16+$0x0] =	vst.idx.msk $0xffff, v38  }
0x4c2: {  	s14 =	simm.s32 $0x80;
	v36 =	vor.u32 v10, v36;
	v39 =	vld.idx.msk [tilespmem:v63+s3+$0x0], $0xffff  }
0x4c3: {  	s4 =	simm.s32 $0x8;
	v38 =	vadd.s32 v36, v37;
	v37 =	vmov s14;
	v40 =	vld.idx.msk [tilespmem:v42+s3+$0x0], $0xffff  }
.LBB2_19:
0x4c4: {  	s4 =	sadd.s32 $0x8, s4;
	v37 =	vshrl.u32 v37, $0x7  }
0x4c5: {  	p0 =	slt.u32 s4, $0x38;
	v37 =	vshll.u32 v37, $0xA  }
0x4c6: {  	v37 =	vbroadcast v37, $0x0  }
0x4c7: {  	v39 =	vmul.f32 v39, v11  }
0x4c8: {  	v40 =	vmul.f32 v40, v12;
	v41 =	vor.u32 v13, v37;
	v42 =	vor.u32 v14, v37;
	_ =	sdelay $0x1  }
0x4c9: {  	v39 =	vadd.f32 v40, v39;
	_ =	sdelay $0x1  }
0x4ca: {  	[tilespmem:v38+s16+$0x0] =	vst.idx.msk $0xffff, v39  }
0x4cb: {  	v38 =	vld.idx.msk [tilespmem:v41+s3+$0x0], $0xffff  }
0x4cc: {  	v39 =	vld.idx.msk [tilespmem:v42+s3+$0x0], $0xffff;
	_ =	sdelay $0x3  }
0x4cd: {  	v40 =	vor.u32 v17, v37  }
0x4ce: {  	v38 =	vmul.f32 v38, v11  }
0x4cf: {  	v41 =	vadd.s32 v15, v37;
	v42 =	vadd.s32 v16, v37;
	v39 =	vmul.f32 v39, v12;
	_ =	sdelay $0x1  }
0x4d0: {  	v38 =	vadd.f32 v39, v38;
	_ =	sdelay $0x1  }
0x4d1: {  	[tilespmem:v40+s16+$0x0] =	vst.idx.msk $0xffff, v38  }
0x4d2: {  	v38 =	vld.idx.msk [tilespmem:v41+s3+$0x0], $0xffff  }
0x4d3: {  	v39 =	vld.idx.msk [tilespmem:v42+s3+$0x0], $0xffff;
	_ =	sdelay $0x2  }
0x4d4: {  	v40 =	vadd.s32 v20, v37;
	_ =	sdelay $0x1  }
0x4d5: {  	v38 =	vmul.f32 v38, v11  }
0x4d6: {  	v41 =	vadd.s32 v18, v37;
	v42 =	vadd.s32 v19, v37;
	v39 =	vmul.f32 v39, v12;
	_ =	sdelay $0x1  }
0x4d7: {  	v38 =	vadd.f32 v39, v38;
	_ =	sdelay $0x1  }
0x4d8: {  	[tilespmem:v40+s16+$0x0] =	vst.idx.msk $0xffff, v38  }
0x4d9: {  	v38 =	vld.idx.msk [tilespmem:v41+s3+$0x0], $0xffff  }
0x4da: {  	v39 =	vld.idx.msk [tilespmem:v42+s3+$0x0], $0xffff;
	_ =	sdelay $0x1  }
0x4db: {  	v40 =	vadd.s32 v23, v37;
	_ =	sdelay $0x2  }
0x4dc: {  	v38 =	vmul.f32 v38, v11  }
0x4dd: {  	v41 =	vadd.s32 v21, v37;
	v42 =	vadd.s32 v22, v37;
	v39 =	vmul.f32 v39, v12;
	_ =	sdelay $0x1  }
0x4de: {  	v38 =	vadd.f32 v39, v38;
	_ =	sdelay $0x1  }
0x4df: {  	[tilespmem:v40+s16+$0x0] =	vst.idx.msk $0xffff, v38  }
0x4e0: {  	v38 =	vld.idx.msk [tilespmem:v41+s3+$0x0], $0xffff  }
0x4e1: {  	v39 =	vld.idx.msk [tilespmem:v42+s3+$0x0], $0xffff  }
0x4e2: {  	v40 =	vadd.s32 v26, v37;
	_ =	sdelay $0x3  }
0x4e3: {  	v38 =	vmul.f32 v38, v11  }
0x4e4: {  	v41 =	vadd.s32 v24, v37;
	v42 =	vadd.s32 v25, v37;
	v39 =	vmul.f32 v39, v12;
	_ =	sdelay $0x1  }
0x4e5: {  	v38 =	vadd.f32 v39, v38;
	_ =	sdelay $0x1  }
0x4e6: {  	[tilespmem:v40+s16+$0x0] =	vst.idx.msk $0xffff, v38  }
0x4e7: {  	v38 =	vld.idx.msk [tilespmem:v41+s3+$0x0], $0xffff  }
0x4e8: {  	v40 =	vadd.s32 v29, v37;
	v39 =	vld.idx.msk [tilespmem:v42+s3+$0x0], $0xffff;
	_ =	sdelay $0x4  }
0x4e9: {  	v38 =	vmul.f32 v38, v11  }
0x4ea: {  	v41 =	vadd.s32 v27, v37;
	v42 =	vadd.s32 v28, v37;
	v39 =	vmul.f32 v39, v12;
	_ =	sdelay $0x1  }
0x4eb: {  	v38 =	vadd.f32 v39, v38;
	_ =	sdelay $0x1  }
0x4ec: {  	[tilespmem:v40+s16+$0x0] =	vst.idx.msk $0xffff, v38  }
0x4ed: {  	v39 =	vadd.s32 v32, v37;
	v38 =	vld.idx.msk [tilespmem:v41+s3+$0x0], $0xffff  }
0x4ee: {  	v40 =	vld.idx.msk [tilespmem:v42+s3+$0x0], $0xffff;
	_ =	sdelay $0x4  }
0x4ef: {  	v38 =	vmul.f32 v38, v11  }
0x4f0: {  	v41 =	vadd.s32 v30, v37;
	v42 =	vadd.s32 v31, v37;
	v40 =	vmul.f32 v40, v12;
	_ =	sdelay $0x1  }
0x4f1: {  	v38 =	vadd.f32 v40, v38;
	_ =	sdelay $0x1  }
0x4f2: {  	[tilespmem:v39+s16+$0x0] =	vst.idx.msk $0xffff, v38;
	v39 =	vadd.s32 v35, v37  }
0x4f3: {  	v38 =	vld.idx.msk [tilespmem:v41+s3+$0x0], $0xffff  }
0x4f4: {  	v40 =	vld.idx.msk [tilespmem:v42+s3+$0x0], $0xffff;
	_ =	sdelay $0x4  }
0x4f5: {  	v38 =	vmul.f32 v38, v11  }
0x4f6: {  	v41 =	vadd.s32 v33, v37;
	v42 =	vadd.s32 v34, v37;
	v40 =	vmul.f32 v40, v12;
	_ =	sdelay $0x1  }
0x4f7: {  	v40 =	vadd.f32 v40, v38  }
.Ltmp8:
0x4f8: {  	v38 =	vadd.s32 v36, v37;
	(pc) =	sbr.rel @p0 .LBB2_19-.Ltmp8, $4  }
0x4f9: {  	[tilespmem:v39+s16+$0x0] =	vst.idx.msk $0xffff, v40  }
0x4fa: {  	v39 =	vld.idx.msk [tilespmem:v41+s3+$0x0], $0xffff  }
0x4fb: {  	s14 =	sadd.s32 $0x80, s14;
	v40 =	vld.idx.msk [tilespmem:v42+s3+$0x0], $0xffff  }
0x4fc: {  	v37 =	vmov s14  }
0x4fd: {  	v37 =	vshrl.u32 v37, $0x7  }
0x4fe: {  	v37 =	vshll.u32 v37, $0xA  }
0x4ff: {  	v37 =	vbroadcast v37, $0x0;
	_ =	sdelay $0x1  }
0x500: {  	v39 =	vmul.f32 v39, v11;
	v40 =	vmul.f32 v40, v12;
	v13 =	vor.u32 v13, v37  }
0x501: {  	v14 =	vor.u32 v14, v37  }
0x502: {  	v39 =	vadd.f32 v40, v39;
	_ =	sdelay $0x1  }
0x503: {  	[tilespmem:v38+s16+$0x0] =	vst.idx.msk $0xffff, v39  }
0x504: {  	v13 =	vld.idx.msk [tilespmem:v13+s3+$0x0], $0xffff  }
0x505: {  	v14 =	vld.idx.msk [tilespmem:v14+s3+$0x0], $0xffff;
	_ =	sdelay $0x3  }
0x506: {  	v17 =	vor.u32 v17, v37  }
0x507: {  	v15 =	vadd.s32 v15, v37;
	v13 =	vmul.f32 v13, v11;
	v14 =	vmul.f32 v14, v12  }
0x508: {  	v16 =	vadd.s32 v16, v37  }
0x509: {  	v13 =	vadd.f32 v14, v13;
	_ =	sdelay $0x1  }
0x50a: {  	[tilespmem:v17+s16+$0x0] =	vst.idx.msk $0xffff, v13  }
0x50b: {  	v13 =	vld.idx.msk [tilespmem:v15+s3+$0x0], $0xffff  }
0x50c: {  	v63 =	vld.idx.msk [tilespmem:v16+s3+$0x0], $0xffff;
	_ =	sdelay $0x3  }
0x50d: {  	v38 =	vadd.s32 v20, v37  }
0x50e: {  	v39 =	vadd.s32 v18, v37;
	v13 =	vmul.f32 v13, v11;
	v14 =	vmul.f32 v63, v12  }
0x50f: {  	v40 =	vadd.s32 v19, v37  }
0x510: {  	v13 =	vadd.f32 v14, v13;
	_ =	sdelay $0x1  }
0x511: {  	[tilespmem:v38+s16+$0x0] =	vst.idx.msk $0xffff, v13  }
0x512: {  	v13 =	vld.idx.msk [tilespmem:v39+s3+$0x0], $0xffff  }
0x513: {  	v41 =	vld.idx.msk [tilespmem:v40+s3+$0x0], $0xffff;
	_ =	sdelay $0x3  }
0x514: {  	v42 =	vadd.s32 v23, v37  }
0x515: {  	v43 =	vadd.s32 v21, v37;
	v13 =	vmul.f32 v13, v11;
	v14 =	vmul.f32 v41, v12  }
0x516: {  	v44 =	vadd.s32 v22, v37  }
0x517: {  	v13 =	vadd.f32 v14, v13;
	_ =	sdelay $0x1  }
0x518: {  	[tilespmem:v42+s16+$0x0] =	vst.idx.msk $0xffff, v13  }
0x519: {  	v13 =	vld.idx.msk [tilespmem:v43+s3+$0x0], $0xffff  }
0x51a: {  	v45 =	vld.idx.msk [tilespmem:v44+s3+$0x0], $0xffff;
	_ =	sdelay $0x3  }
0x51b: {  	v46 =	vadd.s32 v26, v37  }
0x51c: {  	v47 =	vadd.s32 v24, v37;
	v13 =	vmul.f32 v13, v11;
	v14 =	vmul.f32 v45, v12  }
0x51d: {  	v48 =	vadd.s32 v25, v37  }
0x51e: {  	v13 =	vadd.f32 v14, v13;
	_ =	sdelay $0x1  }
0x51f: {  	[tilespmem:v46+s16+$0x0] =	vst.idx.msk $0xffff, v13  }
0x520: {  	v13 =	vld.idx.msk [tilespmem:v47+s3+$0x0], $0xffff  }
0x521: {  	v49 =	vld.idx.msk [tilespmem:v48+s3+$0x0], $0xffff;
	_ =	sdelay $0x3  }
0x522: {  	v50 =	vadd.s32 v29, v37  }
0x523: {  	v51 =	vadd.s32 v27, v37;
	v13 =	vmul.f32 v13, v11;
	v14 =	vmul.f32 v49, v12  }
0x524: {  	v52 =	vadd.s32 v28, v37  }
0x525: {  	v13 =	vadd.f32 v14, v13;
	_ =	sdelay $0x1  }
0x526: {  	[tilespmem:v50+s16+$0x0] =	vst.idx.msk $0xffff, v13  }
0x527: {  	v13 =	vld.idx.msk [tilespmem:v51+s3+$0x0], $0xffff  }
0x528: {  	v53 =	vld.idx.msk [tilespmem:v52+s3+$0x0], $0xffff;
	_ =	sdelay $0x3  }
0x529: {  	v54 =	vadd.s32 v32, v37  }
0x52a: {  	v55 =	vadd.s32 v30, v37;
	v13 =	vmul.f32 v13, v11;
	v14 =	vmul.f32 v53, v12  }
0x52b: {  	v56 =	vadd.s32 v31, v37  }
0x52c: {  	v13 =	vadd.f32 v14, v13;
	_ =	sdelay $0x1  }
0x52d: {  	[tilespmem:v54+s16+$0x0] =	vst.idx.msk $0xffff, v13  }
0x52e: {  	v13 =	vld.idx.msk [tilespmem:v55+s3+$0x0], $0xffff  }
0x52f: {  	v57 =	vld.idx.msk [tilespmem:v56+s3+$0x0], $0xffff;
	_ =	sdelay $0x3  }
0x530: {  	v58 =	vadd.s32 v35, v37  }
0x531: {  	v59 =	vadd.s32 v33, v37;
	v13 =	vmul.f32 v13, v11;
	v14 =	vmul.f32 v57, v12  }
0x532: {  	v60 =	vadd.s32 v34, v37  }
0x533: {  	v13 =	vadd.f32 v14, v13;
	_ =	sdelay $0x1  }
0x534: {  	[tilespmem:v58+s16+$0x0] =	vst.idx.msk $0xffff, v13  }
0x535: {  	v13 =	vld.idx.msk [tilespmem:v59+s3+$0x0], $0xffff  }
0x536: {  	v61 =	vld.idx.msk [tilespmem:v60+s3+$0x0], $0xffff;
	_ =	sdelay $0x2  }
0x537: {  	s28 =	sadd.s32 $0x1, s28  }
0x538: {  	p0 =	sne.s32 s28, $0x10;
	v62 =	vadd.s32 v36, v37  }
.Ltmp9:
0x539: {  	v11 =	vmul.f32 v13, v11;
	v63 =	vmul.f32 v61, v12;
	(pc) =	sbr.rel @p0 .LBB2_18-.Ltmp9, $3  }
0x53a: {  	_ = 	snop  }
0x53b: {  	v11 =	vadd.f32 v63, v11;
	_ =	sdelay $0x1  }
0x53c: {  	[tilespmem:v62+s16+$0x0] =	vst.idx.msk $0xffff, v11  }
0x53d: {  	s25 =	simm.s32 $0x0;
	s4 =	rddreg [dreg:$0x17]  }
0x53e: {  	[hbm4b:s4+s25] =	stream.linear.scatter [tilespmem:s16], [sflag:$0x3], $0x4000, $0x38;
	[tilespmem:$0x18200] =	vst v63  }
0x53f: {  	_ =	swait.ge [sflag:s17], $0x8000  }
0x540: {  	[sflag:s17] =	ssyncset.done $0x0  }
0x541: {  	s14 =	rddreg [dreg:$0xf];
	[sflag:s17] =	ssyncadd.s32 $0xFFFF8000  }
0x542: {  	[tilespmem:s25], [sflag:$0x5] =	stream.linear.gather [hbm4b:s14+s25], $0x20, $0x38;
	[tilespmem:$0x18200] =	vst v63  }
0x543: {  	_ =	swait.ge [sflag:s0], $0x20  }
0x544: {  	[sflag:s0] =	ssyncset.done $0x0  }
0x545: {  	s14 =	rddreg [dreg:$0x10];
	[sflag:s0] =	ssyncadd.s32 $0xFFFFFFE0  }
0x546: {  	[tilespmem:s2], [sflag:$0x5] =	stream.linear.gather [hbm4b:s14+s25], $0x20, $0x38;
	[tilespmem:$0x18200] =	vst v63  }
0x547: {  	_ =	swait.ge [sflag:s0], $0x20  }
0x548: {  	[sflag:s0] =	ssyncset.done $0x0  }
0x549: {  	[sflag:s0] =	ssyncadd.s32 $0xFFFFFFE0  }
0x54a: {  	v11 =	vld [tilespmem:$0x0];
	_ =	sdelay $0x4  }
0x54b: {  	v12 =	vshll.u32 v11, $0x3  }
0x54c: {  	v11 =	vand.u32 $0x7, v11;
	v12 =	vand.u32 $0xFFFFFFC0, v12  }
0x54d: {  	v11 =	vor.u32 v11, v12  }
0x54e: {  	v12 =	vperm.xlane v11, v1;
	_ =	sdelay $0x1  }
0x54f: {  	v12 =	vadd.s32 v2, v12;
	_ =	sdelay $0x4  }
0x550: {  	[tilespmem:s3], [sflag:$0x1] =	stream.indirect_vreg.gather [hbm4b:s26+s25], $0x80, v12, vm0, $0xb8;
	[tilespmem:$0x18200] =	vst v63  }
0x551: {  	s14 =	simm.s32 $0xA00;
	v11 =	vperm.xlane v11, v3  }
0x552: {  	[tilespmem:s14], [sflag:$0x1] =	stream.indirect_vreg.gather [hbm4b:s29+s25], $0x80, v12, vm0, $0xb8;
	[tilespmem:$0x18200] =	vst v63  }
0x553: {  	v11 =	vadd.s32 v2, v11;
	s14 =	simm.s32 $0x1200  }
0x554: {  	[tilespmem:s14], [sflag:$0x1] =	stream.indirect_vreg.gather [hbm4b:s30+s25], $0x80, v12, vm0, $0xb8;
	[tilespmem:$0x18200] =	vst v63  }
0x555: {  	s14 =	simm.s32 $0x1A00  }
0x556: {  	[tilespmem:s14], [sflag:$0x1] =	stream.indirect_vreg.gather [hbm4b:s31+s25], $0x80, v12, vm0, $0xb8;
	[tilespmem:$0x18200] =	vst v63  }
0x557: {  	s14 =	simm.s32 $0x2200  }
0x558: {  	[tilespmem:s14], [sflag:$0x1] =	stream.indirect_vreg.gather [hbm4b:s26+s25], $0x80, v11, vm0, $0xb8;
	[tilespmem:$0x18200] =	vst v63  }
0x559: {  	s14 =	simm.s32 $0x2A00  }
0x55a: {  	[tilespmem:s14], [sflag:$0x1] =	stream.indirect_vreg.gather [hbm4b:s29+s25], $0x80, v11, vm0, $0xb8;
	[tilespmem:$0x18200] =	vst v63  }
0x55b: {  	s14 =	simm.s32 $0x3200  }
0x55c: {  	[tilespmem:s14], [sflag:$0x1] =	stream.indirect_vreg.gather [hbm4b:s30+s25], $0x80, v11, vm0, $0xb8;
	[tilespmem:$0x18200] =	vst v63  }
0x55d: {  	s14 =	simm.s32 $0x3A00  }
0x55e: {  	[tilespmem:s14], [sflag:$0x1] =	stream.indirect_vreg.gather [hbm4b:s31+s25], $0x80, v11, vm0, $0xb8;
	[tilespmem:$0x18200] =	vst v63  }
0x55f: {  	v11 =	vld [tilespmem:$0x10];
	_ =	sdelay $0x4  }
0x560: {  	v63 =	vshll.u32 v11, $0x3  }
0x561: {  	v11 =	vand.u32 $0x7, v11;
	v12 =	vand.u32 $0xFFFFFFC0, v63  }
0x562: {  	v11 =	vor.u32 v11, v12  }
0x563: {  	v12 =	vperm.xlane v11, v1;
	_ =	sdelay $0x1  }
0x564: {  	v12 =	vadd.s32 v2, v12;
	_ =	sdelay $0x3  }
0x565: {  	s14 =	simm.s32 $0x4200  }
0x566: {  	[tilespmem:s14], [sflag:$0x1] =	stream.indirect_vreg.gather [hbm4b:s26+s25], $0x80, v12, vm0, $0xb8;
	[tilespmem:$0x18200] =	vst v63  }
0x567: {  	v11 =	vperm.xlane v11, v3;
	s14 =	simm.s32 $0x4A00  }
0x568: {  	[tilespmem:s14], [sflag:$0x1] =	stream.indirect_vreg.gather [hbm4b:s29+s25], $0x80, v12, vm0, $0xb8;
	[tilespmem:$0x18200] =	vst v63  }
0x569: {  	v11 =	vadd.s32 v2, v11;
	s14 =	simm.s32 $0x5200  }
0x56a: {  	[tilespmem:s14], [sflag:$0x1] =	stream.indirect_vreg.gather [hbm4b:s30+s25], $0x80, v12, vm0, $0xb8;
	[tilespmem:$0x18200] =	vst v63  }
0x56b: {  	s14 =	simm.s32 $0x5A00  }
0x56c: {  	[tilespmem:s14], [sflag:$0x1] =	stream.indirect_vreg.gather [hbm4b:s31+s25], $0x80, v12, vm0, $0xb8;
	[tilespmem:$0x18200] =	vst v63  }
0x56d: {  	s14 =	simm.s32 $0x6200  }
0x56e: {  	[tilespmem:s14], [sflag:$0x1] =	stream.indirect_vreg.gather [hbm4b:s26+s25], $0x80, v11, vm0, $0xb8;
	[tilespmem:$0x18200] =	vst v63  }
0x56f: {  	s14 =	simm.s32 $0x6A00  }
0x570: {  	[tilespmem:s14], [sflag:$0x1] =	stream.indirect_vreg.gather [hbm4b:s29+s25], $0x80, v11, vm0, $0xb8;
	[tilespmem:$0x18200] =	vst v63  }
0x571: {  	s14 =	simm.s32 $0x7200  }
0x572: {  	[tilespmem:s14], [sflag:$0x1] =	stream.indirect_vreg.gather [hbm4b:s30+s25], $0x80, v11, vm0, $0xb8;
	[tilespmem:$0x18200] =	vst v63  }
0x573: {  	s14 =	simm.s32 $0x7A00  }
0x574: {  	[tilespmem:s14], [sflag:$0x1] =	stream.indirect_vreg.gather [hbm4b:s31+s25], $0x80, v11, vm0, $0xb8;
	[tilespmem:$0x18200] =	vst v63  }
0x575: {  	_ =	swait.ge [sflag:s21], $0x4000  }
0x576: {  	[sflag:s21] =	ssyncset.done $0x0  }
0x577: {  	s28 =	simm.s32 $0x0;
	[sflag:s21] =	ssyncadd.s32 $0xFFFFC000  }
.LBB2_22:
0x578: {  	s4 =	sshll.u32 s28, $0x1  }
0x579: {  	v11 =	vmov s4  }
0x57a: {  	v12 =	vshll.u32 v11, $0xA;
	v13 =	vshll.u32 v11, $0x7  }
0x57b: {  	s14 =	sshllo.u32 s28, $0x1;
	v14 =	vmov s25;
	v12 =	vand.u32 $0x6000, v12;
	v13 =	vand.u32 $0x300, v13  }
0x57c: {  	v15 =	vmov s14;
	v33 =	vor.u32 v13, v12;
	v12 =	vshrl.u32 v14, $0x7  }
0x57d: {  	v13 =	vshll.u32 v15, $0xA;
	v14 =	vshll.u32 v15, $0x7;
	v12 =	vshll.u32 v12, $0xA  }
0x57e: {  	v16 =	vand.u32 $0x6000, v13;
	v14 =	vand.u32 $0x380, v14;
	v37 =	vbroadcast v12, $0x0  }
0x57f: {  	v13 =	vor.u32 v0, v33;
	v34 =	vor.u32 v14, v16  }
0x580: {  	v14 =	vor.u32 v0, v34;
	v16 =	vor.u32 v13, v37  }
0x581: {  	v17 =	vor.u32 v14, v37;
	_ =	sdelay $0x1  }
0x582: {  	v11 =	vld.idx.msk [tilespmem:v11+s22+$0x0], $0xffff  }
0x583: {  	v12 =	vld.idx.msk [tilespmem:v15+s22+$0x0], $0xffff  }
0x584: {  	v15 =	vmov s28;
	v18 =	vld.idx.msk [tilespmem:v16+s23+$0x0], $0xffff  }
0x585: {  	v16 =	vshll.u32 v15, $0xA;
	v15 =	vshll.u32 v15, $0x7;
	v19 =	vld.idx.msk [tilespmem:v17+s23+$0x0], $0xffff  }
0x586: {  	v16 =	vand.u32 $0x2000, v16;
	v15 =	vand.u32 $0x380, v15  }
0x587: {  	v36 =	vor.u32 v15, v16  }
0x588: {  	v17 =	vor.u32 v0, v36  }
0x589: {  	v15 =	vor.u32 v4, v33;
	v16 =	vor.u32 v4, v34;
	v20 =	vor.u32 v17, v37  }
0x58a: {  	v21 =	vadd.s32 v15, v37;
	v18 =	vmul.f32 v18, v11;
	v19 =	vmul.f32 v19, v12  }
0x58b: {  	v22 =	vadd.s32 v16, v37  }
0x58c: {  	v18 =	vadd.f32 v19, v18;
	_ =	sdelay $0x1  }
0x58d: {  	[tilespmem:v20+s18+$0x0] =	vst.idx.msk $0xffff, v18  }
0x58e: {  	v21 =	vld.idx.msk [tilespmem:v21+s23+$0x0], $0xffff  }
0x58f: {  	v22 =	vld.idx.msk [tilespmem:v22+s23+$0x0], $0xffff;
	_ =	sdelay $0x2  }
0x590: {  	v20 =	vor.u32 v4, v36  }
0x591: {  	v19 =	vor.u32 v5, v34;
	v18 =	vor.u32 v5, v33;
	v23 =	vadd.s32 v20, v37  }
0x592: {  	v24 =	vadd.s32 v18, v37;
	v21 =	vmul.f32 v21, v11;
	v22 =	vmul.f32 v22, v12  }
0x593: {  	v25 =	vadd.s32 v19, v37  }
0x594: {  	v21 =	vadd.f32 v22, v21;
	_ =	sdelay $0x1  }
0x595: {  	[tilespmem:v23+s18+$0x0] =	vst.idx.msk $0xffff, v21  }
0x596: {  	v24 =	vld.idx.msk [tilespmem:v24+s23+$0x0], $0xffff  }
0x597: {  	v25 =	vld.idx.msk [tilespmem:v25+s23+$0x0], $0xffff;
	_ =	sdelay $0x2  }
0x598: {  	v23 =	vor.u32 v5, v36  }
0x599: {  	v22 =	vor.u32 v6, v34;
	v21 =	vor.u32 v6, v33;
	v26 =	vadd.s32 v23, v37  }
0x59a: {  	v27 =	vadd.s32 v21, v37;
	v24 =	vmul.f32 v24, v11;
	v25 =	vmul.f32 v25, v12  }
0x59b: {  	v28 =	vadd.s32 v22, v37  }
0x59c: {  	v24 =	vadd.f32 v25, v24;
	_ =	sdelay $0x1  }
0x59d: {  	[tilespmem:v26+s18+$0x0] =	vst.idx.msk $0xffff, v24  }
0x59e: {  	v27 =	vld.idx.msk [tilespmem:v27+s23+$0x0], $0xffff  }
0x59f: {  	v28 =	vld.idx.msk [tilespmem:v28+s23+$0x0], $0xffff;
	_ =	sdelay $0x2  }
0x5a0: {  	v26 =	vor.u32 v6, v36  }
0x5a1: {  	v25 =	vor.u32 v7, v34;
	v24 =	vor.u32 v7, v33;
	v29 =	vadd.s32 v26, v37  }
0x5a2: {  	v30 =	vadd.s32 v24, v37;
	v27 =	vmul.f32 v27, v11;
	v28 =	vmul.f32 v28, v12  }
0x5a3: {  	v31 =	vadd.s32 v25, v37  }
0x5a4: {  	v27 =	vadd.f32 v28, v27;
	_ =	sdelay $0x1  }
0x5a5: {  	[tilespmem:v29+s18+$0x0] =	vst.idx.msk $0xffff, v27  }
0x5a6: {  	v30 =	vld.idx.msk [tilespmem:v30+s23+$0x0], $0xffff  }
0x5a7: {  	v31 =	vld.idx.msk [tilespmem:v31+s23+$0x0], $0xffff;
	_ =	sdelay $0x2  }
0x5a8: {  	v29 =	vor.u32 v7, v36  }
0x5a9: {  	v28 =	vor.u32 v8, v34;
	v27 =	vor.u32 v8, v33;
	v32 =	vadd.s32 v29, v37  }
0x5aa: {  	v35 =	vadd.s32 v27, v37;
	v30 =	vmul.f32 v30, v11;
	v31 =	vmul.f32 v31, v12  }
0x5ab: {  	v38 =	vadd.s32 v28, v37  }
0x5ac: {  	v30 =	vadd.f32 v31, v30;
	_ =	sdelay $0x1  }
0x5ad: {  	[tilespmem:v32+s18+$0x0] =	vst.idx.msk $0xffff, v30  }
0x5ae: {  	v35 =	vld.idx.msk [tilespmem:v35+s23+$0x0], $0xffff  }
0x5af: {  	v38 =	vld.idx.msk [tilespmem:v38+s23+$0x0], $0xffff;
	_ =	sdelay $0x2  }
0x5b0: {  	v32 =	vor.u32 v8, v36  }
0x5b1: {  	v31 =	vor.u32 v9, v34;
	v30 =	vor.u32 v9, v33;
	v39 =	vadd.s32 v32, v37  }
0x5b2: {  	v40 =	vadd.s32 v30, v37;
	v35 =	vmul.f32 v35, v11;
	v38 =	vmul.f32 v38, v12  }
0x5b3: {  	v41 =	vadd.s32 v31, v37  }
0x5b4: {  	v35 =	vadd.f32 v38, v35;
	_ =	sdelay $0x1  }
0x5b5: {  	[tilespmem:v39+s18+$0x0] =	vst.idx.msk $0xffff, v35  }
0x5b6: {  	v61 =	vld.idx.msk [tilespmem:v40+s23+$0x0], $0xffff  }
0x5b7: {  	v39 =	vld.idx.msk [tilespmem:v41+s23+$0x0], $0xffff;
	_ =	sdelay $0x2  }
0x5b8: {  	v35 =	vor.u32 v9, v36  }
0x5b9: {  	v34 =	vor.u32 v10, v34;
	v33 =	vor.u32 v10, v33;
	v62 =	vadd.s32 v35, v37  }
0x5ba: {  	v63 =	vadd.s32 v33, v37;
	v38 =	vmul.f32 v61, v11;
	v39 =	vmul.f32 v39, v12  }
0x5bb: {  	v42 =	vadd.s32 v34, v37  }
0x5bc: {  	v38 =	vadd.f32 v39, v38;
	_ =	sdelay $0x1  }
0x5bd: {  	[tilespmem:v62+s18+$0x0] =	vst.idx.msk $0xffff, v38  }
0x5be: {  	s14 =	simm.s32 $0x80;
	v36 =	vor.u32 v10, v36;
	v39 =	vld.idx.msk [tilespmem:v63+s23+$0x0], $0xffff  }
0x5bf: {  	s4 =	simm.s32 $0x8;
	v38 =	vadd.s32 v36, v37;
	v37 =	vmov s14;
	v40 =	vld.idx.msk [tilespmem:v42+s23+$0x0], $0xffff  }
.LBB2_23:
0x5c0: {  	s4 =	sadd.s32 $0x8, s4;
	v37 =	vshrl.u32 v37, $0x7  }
0x5c1: {  	p0 =	slt.u32 s4, $0x38;
	v37 =	vshll.u32 v37, $0xA  }
0x5c2: {  	v37 =	vbroadcast v37, $0x0  }
0x5c3: {  	v39 =	vmul.f32 v39, v11  }
0x5c4: {  	v40 =	vmul.f32 v40, v12;
	v41 =	vor.u32 v13, v37;
	v42 =	vor.u32 v14, v37;
	_ =	sdelay $0x1  }
0x5c5: {  	v39 =	vadd.f32 v40, v39;
	_ =	sdelay $0x1  }
0x5c6: {  	[tilespmem:v38+s18+$0x0] =	vst.idx.msk $0xffff, v39  }
0x5c7: {  	v38 =	vld.idx.msk [tilespmem:v41+s23+$0x0], $0xffff  }
0x5c8: {  	v39 =	vld.idx.msk [tilespmem:v42+s23+$0x0], $0xffff;
	_ =	sdelay $0x3  }
0x5c9: {  	v40 =	vor.u32 v17, v37  }
0x5ca: {  	v38 =	vmul.f32 v38, v11  }
0x5cb: {  	v41 =	vadd.s32 v15, v37;
	v42 =	vadd.s32 v16, v37;
	v39 =	vmul.f32 v39, v12;
	_ =	sdelay $0x1  }
0x5cc: {  	v38 =	vadd.f32 v39, v38;
	_ =	sdelay $0x1  }
0x5cd: {  	[tilespmem:v40+s18+$0x0] =	vst.idx.msk $0xffff, v38  }
0x5ce: {  	v38 =	vld.idx.msk [tilespmem:v41+s23+$0x0], $0xffff  }
0x5cf: {  	v39 =	vld.idx.msk [tilespmem:v42+s23+$0x0], $0xffff;
	_ =	sdelay $0x2  }
0x5d0: {  	v40 =	vadd.s32 v20, v37;
	_ =	sdelay $0x1  }
0x5d1: {  	v38 =	vmul.f32 v38, v11  }
0x5d2: {  	v41 =	vadd.s32 v18, v37;
	v42 =	vadd.s32 v19, v37;
	v39 =	vmul.f32 v39, v12;
	_ =	sdelay $0x1  }
0x5d3: {  	v38 =	vadd.f32 v39, v38;
	_ =	sdelay $0x1  }
0x5d4: {  	[tilespmem:v40+s18+$0x0] =	vst.idx.msk $0xffff, v38  }
0x5d5: {  	v38 =	vld.idx.msk [tilespmem:v41+s23+$0x0], $0xffff  }
0x5d6: {  	v39 =	vld.idx.msk [tilespmem:v42+s23+$0x0], $0xffff;
	_ =	sdelay $0x1  }
0x5d7: {  	v40 =	vadd.s32 v23, v37;
	_ =	sdelay $0x2  }
0x5d8: {  	v38 =	vmul.f32 v38, v11  }
0x5d9: {  	v41 =	vadd.s32 v21, v37;
	v42 =	vadd.s32 v22, v37;
	v39 =	vmul.f32 v39, v12;
	_ =	sdelay $0x1  }
0x5da: {  	v38 =	vadd.f32 v39, v38;
	_ =	sdelay $0x1  }
0x5db: {  	[tilespmem:v40+s18+$0x0] =	vst.idx.msk $0xffff, v38  }
0x5dc: {  	v38 =	vld.idx.msk [tilespmem:v41+s23+$0x0], $0xffff  }
0x5dd: {  	v39 =	vld.idx.msk [tilespmem:v42+s23+$0x0], $0xffff  }
0x5de: {  	v40 =	vadd.s32 v26, v37;
	_ =	sdelay $0x3  }
0x5df: {  	v38 =	vmul.f32 v38, v11  }
0x5e0: {  	v41 =	vadd.s32 v24, v37;
	v42 =	vadd.s32 v25, v37;
	v39 =	vmul.f32 v39, v12;
	_ =	sdelay $0x1  }
0x5e1: {  	v38 =	vadd.f32 v39, v38;
	_ =	sdelay $0x1  }
0x5e2: {  	[tilespmem:v40+s18+$0x0] =	vst.idx.msk $0xffff, v38  }
0x5e3: {  	v38 =	vld.idx.msk [tilespmem:v41+s23+$0x0], $0xffff  }
0x5e4: {  	v40 =	vadd.s32 v29, v37;
	v39 =	vld.idx.msk [tilespmem:v42+s23+$0x0], $0xffff;
	_ =	sdelay $0x4  }
0x5e5: {  	v38 =	vmul.f32 v38, v11  }
0x5e6: {  	v41 =	vadd.s32 v27, v37;
	v42 =	vadd.s32 v28, v37;
	v39 =	vmul.f32 v39, v12;
	_ =	sdelay $0x1  }
0x5e7: {  	v38 =	vadd.f32 v39, v38;
	_ =	sdelay $0x1  }
0x5e8: {  	[tilespmem:v40+s18+$0x0] =	vst.idx.msk $0xffff, v38  }
0x5e9: {  	v39 =	vadd.s32 v32, v37;
	v38 =	vld.idx.msk [tilespmem:v41+s23+$0x0], $0xffff  }
0x5ea: {  	v40 =	vld.idx.msk [tilespmem:v42+s23+$0x0], $0xffff;
	_ =	sdelay $0x4  }
0x5eb: {  	v38 =	vmul.f32 v38, v11  }
0x5ec: {  	v41 =	vadd.s32 v30, v37;
	v42 =	vadd.s32 v31, v37;
	v40 =	vmul.f32 v40, v12;
	_ =	sdelay $0x1  }
0x5ed: {  	v38 =	vadd.f32 v40, v38;
	_ =	sdelay $0x1  }
0x5ee: {  	[tilespmem:v39+s18+$0x0] =	vst.idx.msk $0xffff, v38;
	v39 =	vadd.s32 v35, v37  }
0x5ef: {  	v38 =	vld.idx.msk [tilespmem:v41+s23+$0x0], $0xffff  }
0x5f0: {  	v40 =	vld.idx.msk [tilespmem:v42+s23+$0x0], $0xffff;
	_ =	sdelay $0x4  }
0x5f1: {  	v38 =	vmul.f32 v38, v11  }
0x5f2: {  	v41 =	vadd.s32 v33, v37;
	v42 =	vadd.s32 v34, v37;
	v40 =	vmul.f32 v40, v12;
	_ =	sdelay $0x1  }
0x5f3: {  	v40 =	vadd.f32 v40, v38  }
.Ltmp10:
0x5f4: {  	v38 =	vadd.s32 v36, v37;
	(pc) =	sbr.rel @p0 .LBB2_23-.Ltmp10, $4  }
0x5f5: {  	[tilespmem:v39+s18+$0x0] =	vst.idx.msk $0xffff, v40  }
0x5f6: {  	v39 =	vld.idx.msk [tilespmem:v41+s23+$0x0], $0xffff  }
0x5f7: {  	s14 =	sadd.s32 $0x80, s14;
	v40 =	vld.idx.msk [tilespmem:v42+s23+$0x0], $0xffff  }
0x5f8: {  	v37 =	vmov s14  }
0x5f9: {  	v37 =	vshrl.u32 v37, $0x7  }
0x5fa: {  	v37 =	vshll.u32 v37, $0xA  }
0x5fb: {  	v37 =	vbroadcast v37, $0x0;
	_ =	sdelay $0x1  }
0x5fc: {  	v39 =	vmul.f32 v39, v11;
	v40 =	vmul.f32 v40, v12;
	v13 =	vor.u32 v13, v37  }
0x5fd: {  	v14 =	vor.u32 v14, v37  }
0x5fe: {  	v39 =	vadd.f32 v40, v39;
	_ =	sdelay $0x1  }
0x5ff: {  	[tilespmem:v38+s18+$0x0] =	vst.idx.msk $0xffff, v39  }
0x600: {  	v13 =	vld.idx.msk [tilespmem:v13+s23+$0x0], $0xffff  }
0x601: {  	v14 =	vld.idx.msk [tilespmem:v14+s23+$0x0], $0xffff;
	_ =	sdelay $0x3  }
0x602: {  	v17 =	vor.u32 v17, v37  }
0x603: {  	v15 =	vadd.s32 v15, v37;
	v13 =	vmul.f32 v13, v11;
	v14 =	vmul.f32 v14, v12  }
0x604: {  	v16 =	vadd.s32 v16, v37  }
0x605: {  	v13 =	vadd.f32 v14, v13;
	_ =	sdelay $0x1  }
0x606: {  	[tilespmem:v17+s18+$0x0] =	vst.idx.msk $0xffff, v13  }
0x607: {  	v13 =	vld.idx.msk [tilespmem:v15+s23+$0x0], $0xffff  }
0x608: {  	v63 =	vld.idx.msk [tilespmem:v16+s23+$0x0], $0xffff;
	_ =	sdelay $0x3  }
0x609: {  	v38 =	vadd.s32 v20, v37  }
0x60a: {  	v39 =	vadd.s32 v18, v37;
	v13 =	vmul.f32 v13, v11;
	v14 =	vmul.f32 v63, v12  }
0x60b: {  	v40 =	vadd.s32 v19, v37  }
0x60c: {  	v13 =	vadd.f32 v14, v13;
	_ =	sdelay $0x1  }
0x60d: {  	[tilespmem:v38+s18+$0x0] =	vst.idx.msk $0xffff, v13  }
0x60e: {  	v13 =	vld.idx.msk [tilespmem:v39+s23+$0x0], $0xffff  }
0x60f: {  	v41 =	vld.idx.msk [tilespmem:v40+s23+$0x0], $0xffff;
	_ =	sdelay $0x3  }
0x610: {  	v42 =	vadd.s32 v23, v37  }
0x611: {  	v43 =	vadd.s32 v21, v37;
	v13 =	vmul.f32 v13, v11;
	v14 =	vmul.f32 v41, v12  }
0x612: {  	v44 =	vadd.s32 v22, v37  }
0x613: {  	v13 =	vadd.f32 v14, v13;
	_ =	sdelay $0x1  }
0x614: {  	[tilespmem:v42+s18+$0x0] =	vst.idx.msk $0xffff, v13  }
0x615: {  	v13 =	vld.idx.msk [tilespmem:v43+s23+$0x0], $0xffff  }
0x616: {  	v45 =	vld.idx.msk [tilespmem:v44+s23+$0x0], $0xffff;
	_ =	sdelay $0x3  }
0x617: {  	v46 =	vadd.s32 v26, v37  }
0x618: {  	v47 =	vadd.s32 v24, v37;
	v13 =	vmul.f32 v13, v11;
	v14 =	vmul.f32 v45, v12  }
0x619: {  	v48 =	vadd.s32 v25, v37  }
0x61a: {  	v13 =	vadd.f32 v14, v13;
	_ =	sdelay $0x1  }
0x61b: {  	[tilespmem:v46+s18+$0x0] =	vst.idx.msk $0xffff, v13  }
0x61c: {  	v13 =	vld.idx.msk [tilespmem:v47+s23+$0x0], $0xffff  }
0x61d: {  	v49 =	vld.idx.msk [tilespmem:v48+s23+$0x0], $0xffff;
	_ =	sdelay $0x3  }
0x61e: {  	v50 =	vadd.s32 v29, v37  }
0x61f: {  	v51 =	vadd.s32 v27, v37;
	v13 =	vmul.f32 v13, v11;
	v14 =	vmul.f32 v49, v12  }
0x620: {  	v52 =	vadd.s32 v28, v37  }
0x621: {  	v13 =	vadd.f32 v14, v13;
	_ =	sdelay $0x1  }
0x622: {  	[tilespmem:v50+s18+$0x0] =	vst.idx.msk $0xffff, v13  }
0x623: {  	v13 =	vld.idx.msk [tilespmem:v51+s23+$0x0], $0xffff  }
0x624: {  	v53 =	vld.idx.msk [tilespmem:v52+s23+$0x0], $0xffff;
	_ =	sdelay $0x3  }
0x625: {  	v54 =	vadd.s32 v32, v37  }
0x626: {  	v55 =	vadd.s32 v30, v37;
	v13 =	vmul.f32 v13, v11;
	v14 =	vmul.f32 v53, v12  }
0x627: {  	v56 =	vadd.s32 v31, v37  }
0x628: {  	v13 =	vadd.f32 v14, v13;
	_ =	sdelay $0x1  }
0x629: {  	[tilespmem:v54+s18+$0x0] =	vst.idx.msk $0xffff, v13  }
0x62a: {  	v13 =	vld.idx.msk [tilespmem:v55+s23+$0x0], $0xffff  }
0x62b: {  	v57 =	vld.idx.msk [tilespmem:v56+s23+$0x0], $0xffff;
	_ =	sdelay $0x3  }
0x62c: {  	v58 =	vadd.s32 v35, v37  }
0x62d: {  	v59 =	vadd.s32 v33, v37;
	v13 =	vmul.f32 v13, v11;
	v14 =	vmul.f32 v57, v12  }
0x62e: {  	v60 =	vadd.s32 v34, v37  }
0x62f: {  	v13 =	vadd.f32 v14, v13;
	_ =	sdelay $0x1  }
0x630: {  	[tilespmem:v58+s18+$0x0] =	vst.idx.msk $0xffff, v13  }
0x631: {  	v13 =	vld.idx.msk [tilespmem:v59+s23+$0x0], $0xffff  }
0x632: {  	v61 =	vld.idx.msk [tilespmem:v60+s23+$0x0], $0xffff;
	_ =	sdelay $0x2  }
0x633: {  	s28 =	sadd.s32 $0x1, s28  }
0x634: {  	p0 =	sne.s32 s28, $0x10;
	v62 =	vadd.s32 v36, v37  }
.Ltmp11:
0x635: {  	v11 =	vmul.f32 v13, v11;
	v63 =	vmul.f32 v61, v12;
	(pc) =	sbr.rel @p0 .LBB2_22-.Ltmp11, $3  }
0x636: {  	_ = 	snop  }
0x637: {  	v11 =	vadd.f32 v63, v11;
	_ =	sdelay $0x1  }
0x638: {  	[tilespmem:v62+s18+$0x0] =	vst.idx.msk $0xffff, v11  }
0x639: {  	s25 =	simm.s32 $0x0;
	s4 =	rddreg [dreg:$0x18]  }
0x63a: {  	[hbm4b:s4+s25] =	stream.linear.scatter [tilespmem:s18], [sflag:$0x4], $0x4000, $0x38;
	[tilespmem:$0x18200] =	vst v63  }
0x63b: {  	_ =	swait.ge [sflag:s20], $0x8000  }
0x63c: {  	[sflag:s20] =	ssyncset.done $0x0  }
0x63d: {  	s14 =	simm.s32 $0x80;
	s4 =	rddreg [dreg:$0x11];
	[sflag:s20] =	ssyncadd.s32 $0xFFFF8000  }
0x63e: {  	[tilespmem:s14], [sflag:$0x5] =	stream.linear.gather [hbm4b:s4+s25], $0x20, $0x38;
	[tilespmem:$0x18200] =	vst v63  }
0x63f: {  	_ =	swait.ge [sflag:s0], $0x20  }
0x640: {  	[sflag:s0] =	ssyncset.done $0x0  }
0x641: {  	s14 =	rddreg [dreg:$0x12];
	[sflag:s0] =	ssyncadd.s32 $0xFFFFFFE0  }
0x642: {  	[tilespmem:s22], [sflag:$0x5] =	stream.linear.gather [hbm4b:s14+s25], $0x20, $0x38;
	[tilespmem:$0x18200] =	vst v63  }
0x643: {  	_ =	swait.ge [sflag:s0], $0x20  }
0x644: {  	[sflag:s0] =	ssyncset.done $0x0  }
0x645: {  	[sflag:s0] =	ssyncadd.s32 $0xFFFFFFE0  }
0x646: {  	v11 =	vld [tilespmem:$0x80];
	_ =	sdelay $0x4  }
0x647: {  	v12 =	vshll.u32 v11, $0x3  }
0x648: {  	v11 =	vand.u32 $0x7, v11;
	v12 =	vand.u32 $0xFFFFFFC0, v12  }
0x649: {  	v11 =	vor.u32 v11, v12  }
0x64a: {  	v12 =	vperm.xlane v11, v1;
	_ =	sdelay $0x1  }
0x64b: {  	v12 =	vadd.s32 v2, v12;
	_ =	sdelay $0x4  }
0x64c: {  	[tilespmem:s23], [sflag:$0x2] =	stream.indirect_vreg.gather [hbm4b:s26+s25], $0x80, v12, vm0, $0xb8;
	[tilespmem:$0x18200] =	vst v63  }
0x64d: {  	s14 =	simm.s32 $0x8A00;
	v11 =	vperm.xlane v11, v3  }
0x64e: {  	[tilespmem:s14], [sflag:$0x2] =	stream.indirect_vreg.gather [hbm4b:s29+s25], $0x80, v12, vm0, $0xb8;
	[tilespmem:$0x18200] =	vst v63  }
0x64f: {  	v11 =	vadd.s32 v2, v11;
	s14 =	simm.s32 $0x9200  }
0x650: {  	[tilespmem:s14], [sflag:$0x2] =	stream.indirect_vreg.gather [hbm4b:s30+s25], $0x80, v12, vm0, $0xb8;
	[tilespmem:$0x18200] =	vst v63  }
0x651: {  	s14 =	simm.s32 $0x9A00  }
0x652: {  	[tilespmem:s14], [sflag:$0x2] =	stream.indirect_vreg.gather [hbm4b:s31+s25], $0x80, v12, vm0, $0xb8;
	[tilespmem:$0x18200] =	vst v63  }
0x653: {  	s14 =	simm.s32 $0xA200  }
0x654: {  	[tilespmem:s14], [sflag:$0x2] =	stream.indirect_vreg.gather [hbm4b:s26+s25], $0x80, v11, vm0, $0xb8;
	[tilespmem:$0x18200] =	vst v63  }
0x655: {  	s14 =	simm.s32 $0xAA00  }
0x656: {  	[tilespmem:s14], [sflag:$0x2] =	stream.indirect_vreg.gather [hbm4b:s29+s25], $0x80, v11, vm0, $0xb8;
	[tilespmem:$0x18200] =	vst v63  }
0x657: {  	_ = 	snop  }
0x658: {  	[tilespmem:s5], [sflag:$0x2] =	stream.indirect_vreg.gather [hbm4b:s30+s25], $0x80, v11, vm0, $0xb8;
	[tilespmem:$0x18200] =	vst v63  }
0x659: {  	_ = 	snop  }
0x65a: {  	[tilespmem:s6], [sflag:$0x2] =	stream.indirect_vreg.gather [hbm4b:s31+s25], $0x80, v11, vm0, $0xb8;
	[tilespmem:$0x18200] =	vst v63  }
0x65b: {  	v11 =	vld [tilespmem:$0x90];
	_ =	sdelay $0x4  }
0x65c: {  	v63 =	vshll.u32 v11, $0x3  }
0x65d: {  	v11 =	vand.u32 $0x7, v11;
	v12 =	vand.u32 $0xFFFFFFC0, v63  }
0x65e: {  	v11 =	vor.u32 v11, v12  }
0x65f: {  	v12 =	vperm.xlane v11, v1;
	_ =	sdelay $0x1  }
0x660: {  	v12 =	vadd.s32 v2, v12;
	_ =	sdelay $0x4  }
0x661: {  	[tilespmem:s7], [sflag:$0x2] =	stream.indirect_vreg.gather [hbm4b:s26+s25], $0x80, v12, vm0, $0xb8;
	[tilespmem:$0x18200] =	vst v63  }
0x662: {  	v11 =	vperm.xlane v11, v3  }
0x663: {  	[tilespmem:s8], [sflag:$0x2] =	stream.indirect_vreg.gather [hbm4b:s29+s25], $0x80, v12, vm0, $0xb8;
	[tilespmem:$0x18200] =	vst v63  }
0x664: {  	v11 =	vadd.s32 v2, v11  }
0x665: {  	[tilespmem:s9], [sflag:$0x2] =	stream.indirect_vreg.gather [hbm4b:s30+s25], $0x80, v12, vm0, $0xb8;
	[tilespmem:$0x18200] =	vst v63  }
0x666: {  	_ = 	snop  }
0x667: {  	[tilespmem:s10], [sflag:$0x2] =	stream.indirect_vreg.gather [hbm4b:s31+s25], $0x80, v12, vm0, $0xb8;
	[tilespmem:$0x18200] =	vst v63  }
0x668: {  	_ = 	snop  }
0x669: {  	[tilespmem:s11], [sflag:$0x2] =	stream.indirect_vreg.gather [hbm4b:s26+s25], $0x80, v11, vm0, $0xb8;
	[tilespmem:$0x18200] =	vst v63  }
0x66a: {  	_ = 	snop  }
0x66b: {  	[tilespmem:s12], [sflag:$0x2] =	stream.indirect_vreg.gather [hbm4b:s29+s25], $0x80, v11, vm0, $0xb8;
	[tilespmem:$0x18200] =	vst v63  }
0x66c: {  	_ = 	snop  }
0x66d: {  	[tilespmem:s13], [sflag:$0x2] =	stream.indirect_vreg.gather [hbm4b:s30+s25], $0x80, v11, vm0, $0xb8;
	[tilespmem:$0x18200] =	vst v63  }
0x66e: {  	_ = 	snop  }
0x66f: {  	[tilespmem:s15], [sflag:$0x2] =	stream.indirect_vreg.gather [hbm4b:s31+s25], $0x80, v11, vm0, $0xb8;
	[tilespmem:$0x18200] =	vst v63  }
0x670: {  	_ =	swait.ge [sflag:s19], $0x4000  }
0x671: {  	[sflag:s19] =	ssyncset.done $0x0  }
0x672: {  	s28 =	simm.s32 $0x0;
	[sflag:s19] =	ssyncadd.s32 $0xFFFFC000  }
.LBB2_26:
0x673: {  	s4 =	sshll.u32 s28, $0x1  }
0x674: {  	v11 =	vmov s4  }
0x675: {  	v12 =	vshll.u32 v11, $0xA;
	v13 =	vshll.u32 v11, $0x7  }
0x676: {  	s14 =	sshllo.u32 s28, $0x1;
	v14 =	vmov s25;
	v12 =	vand.u32 $0x6000, v12;
	v13 =	vand.u32 $0x300, v13  }
0x677: {  	v15 =	vmov s14;
	v33 =	vor.u32 v13, v12;
	v12 =	vshrl.u32 v14, $0x7  }
0x678: {  	v13 =	vshll.u32 v15, $0xA;
	v14 =	vshll.u32 v15, $0x7;
	v12 =	vshll.u32 v12, $0xA  }
0x679: {  	v16 =	vand.u32 $0x6000, v13;
	v14 =	vand.u32 $0x380, v14;
	v37 =	vbroadcast v12, $0x0  }
0x67a: {  	v13 =	vor.u32 v0, v33;
	v34 =	vor.u32 v14, v16  }
0x67b: {  	v14 =	vor.u32 v0, v34;
	v16 =	vor.u32 v13, v37  }
0x67c: {  	v17 =	vor.u32 v14, v37;
	_ =	sdelay $0x1  }
0x67d: {  	v11 =	vld.idx.msk [tilespmem:v11+s2+$0x0], $0xffff  }
0x67e: {  	v12 =	vld.idx.msk [tilespmem:v15+s2+$0x0], $0xffff  }
0x67f: {  	v15 =	vmov s28;
	v18 =	vld.idx.msk [tilespmem:v16+s3+$0x0], $0xffff  }
0x680: {  	v16 =	vshll.u32 v15, $0xA;
	v15 =	vshll.u32 v15, $0x7;
	v19 =	vld.idx.msk [tilespmem:v17+s3+$0x0], $0xffff  }
0x681: {  	v16 =	vand.u32 $0x2000, v16;
	v15 =	vand.u32 $0x380, v15  }
0x682: {  	v36 =	vor.u32 v15, v16  }
0x683: {  	v17 =	vor.u32 v0, v36  }
0x684: {  	v15 =	vor.u32 v4, v33;
	v16 =	vor.u32 v4, v34;
	v20 =	vor.u32 v17, v37  }
0x685: {  	v21 =	vadd.s32 v15, v37;
	v18 =	vmul.f32 v18, v11;
	v19 =	vmul.f32 v19, v12  }
0x686: {  	v22 =	vadd.s32 v16, v37  }
0x687: {  	v18 =	vadd.f32 v19, v18;
	_ =	sdelay $0x1  }
0x688: {  	[tilespmem:v20+s16+$0x0] =	vst.idx.msk $0xffff, v18  }
0x689: {  	v21 =	vld.idx.msk [tilespmem:v21+s3+$0x0], $0xffff  }
0x68a: {  	v22 =	vld.idx.msk [tilespmem:v22+s3+$0x0], $0xffff;
	_ =	sdelay $0x2  }
0x68b: {  	v20 =	vor.u32 v4, v36  }
0x68c: {  	v19 =	vor.u32 v5, v34;
	v18 =	vor.u32 v5, v33;
	v23 =	vadd.s32 v20, v37  }
0x68d: {  	v24 =	vadd.s32 v18, v37;
	v21 =	vmul.f32 v21, v11;
	v22 =	vmul.f32 v22, v12  }
0x68e: {  	v25 =	vadd.s32 v19, v37  }
0x68f: {  	v21 =	vadd.f32 v22, v21;
	_ =	sdelay $0x1  }
0x690: {  	[tilespmem:v23+s16+$0x0] =	vst.idx.msk $0xffff, v21  }
0x691: {  	v24 =	vld.idx.msk [tilespmem:v24+s3+$0x0], $0xffff  }
0x692: {  	v25 =	vld.idx.msk [tilespmem:v25+s3+$0x0], $0xffff;
	_ =	sdelay $0x2  }
0x693: {  	v23 =	vor.u32 v5, v36  }
0x694: {  	v22 =	vor.u32 v6, v34;
	v21 =	vor.u32 v6, v33;
	v26 =	vadd.s32 v23, v37  }
0x695: {  	v27 =	vadd.s32 v21, v37;
	v24 =	vmul.f32 v24, v11;
	v25 =	vmul.f32 v25, v12  }
0x696: {  	v28 =	vadd.s32 v22, v37  }
0x697: {  	v24 =	vadd.f32 v25, v24;
	_ =	sdelay $0x1  }
0x698: {  	[tilespmem:v26+s16+$0x0] =	vst.idx.msk $0xffff, v24  }
0x699: {  	v27 =	vld.idx.msk [tilespmem:v27+s3+$0x0], $0xffff  }
0x69a: {  	v28 =	vld.idx.msk [tilespmem:v28+s3+$0x0], $0xffff;
	_ =	sdelay $0x2  }
0x69b: {  	v26 =	vor.u32 v6, v36  }
0x69c: {  	v25 =	vor.u32 v7, v34;
	v24 =	vor.u32 v7, v33;
	v29 =	vadd.s32 v26, v37  }
0x69d: {  	v30 =	vadd.s32 v24, v37;
	v27 =	vmul.f32 v27, v11;
	v28 =	vmul.f32 v28, v12  }
0x69e: {  	v31 =	vadd.s32 v25, v37  }
0x69f: {  	v27 =	vadd.f32 v28, v27;
	_ =	sdelay $0x1  }
0x6a0: {  	[tilespmem:v29+s16+$0x0] =	vst.idx.msk $0xffff, v27  }
0x6a1: {  	v30 =	vld.idx.msk [tilespmem:v30+s3+$0x0], $0xffff  }
0x6a2: {  	v31 =	vld.idx.msk [tilespmem:v31+s3+$0x0], $0xffff;
	_ =	sdelay $0x2  }
0x6a3: {  	v29 =	vor.u32 v7, v36  }
0x6a4: {  	v28 =	vor.u32 v8, v34;
	v27 =	vor.u32 v8, v33;
	v32 =	vadd.s32 v29, v37  }
0x6a5: {  	v35 =	vadd.s32 v27, v37;
	v30 =	vmul.f32 v30, v11;
	v31 =	vmul.f32 v31, v12  }
0x6a6: {  	v38 =	vadd.s32 v28, v37  }
0x6a7: {  	v30 =	vadd.f32 v31, v30;
	_ =	sdelay $0x1  }
0x6a8: {  	[tilespmem:v32+s16+$0x0] =	vst.idx.msk $0xffff, v30  }
0x6a9: {  	v35 =	vld.idx.msk [tilespmem:v35+s3+$0x0], $0xffff  }
0x6aa: {  	v38 =	vld.idx.msk [tilespmem:v38+s3+$0x0], $0xffff;
	_ =	sdelay $0x2  }
0x6ab: {  	v32 =	vor.u32 v8, v36  }
0x6ac: {  	v31 =	vor.u32 v9, v34;
	v30 =	vor.u32 v9, v33;
	v39 =	vadd.s32 v32, v37  }
0x6ad: {  	v40 =	vadd.s32 v30, v37;
	v35 =	vmul.f32 v35, v11;
	v38 =	vmul.f32 v38, v12  }
0x6ae: {  	v41 =	vadd.s32 v31, v37  }
0x6af: {  	v35 =	vadd.f32 v38, v35;
	_ =	sdelay $0x1  }
0x6b0: {  	[tilespmem:v39+s16+$0x0] =	vst.idx.msk $0xffff, v35  }
0x6b1: {  	v61 =	vld.idx.msk [tilespmem:v40+s3+$0x0], $0xffff  }
0x6b2: {  	v39 =	vld.idx.msk [tilespmem:v41+s3+$0x0], $0xffff;
	_ =	sdelay $0x2  }
0x6b3: {  	v35 =	vor.u32 v9, v36  }
0x6b4: {  	v34 =	vor.u32 v10, v34;
	v33 =	vor.u32 v10, v33;
	v62 =	vadd.s32 v35, v37  }
0x6b5: {  	v63 =	vadd.s32 v33, v37;
	v38 =	vmul.f32 v61, v11;
	v39 =	vmul.f32 v39, v12  }
0x6b6: {  	v42 =	vadd.s32 v34, v37  }
0x6b7: {  	v38 =	vadd.f32 v39, v38;
	_ =	sdelay $0x1  }
0x6b8: {  	[tilespmem:v62+s16+$0x0] =	vst.idx.msk $0xffff, v38  }
0x6b9: {  	s14 =	simm.s32 $0x80;
	v36 =	vor.u32 v10, v36;
	v39 =	vld.idx.msk [tilespmem:v63+s3+$0x0], $0xffff  }
0x6ba: {  	s4 =	simm.s32 $0x8;
	v38 =	vadd.s32 v36, v37;
	v37 =	vmov s14;
	v40 =	vld.idx.msk [tilespmem:v42+s3+$0x0], $0xffff  }
.LBB2_27:
0x6bb: {  	s4 =	sadd.s32 $0x8, s4;
	v37 =	vshrl.u32 v37, $0x7  }
0x6bc: {  	p0 =	slt.u32 s4, $0x38;
	v37 =	vshll.u32 v37, $0xA  }
0x6bd: {  	v37 =	vbroadcast v37, $0x0  }
0x6be: {  	v39 =	vmul.f32 v39, v11  }
0x6bf: {  	v40 =	vmul.f32 v40, v12;
	v41 =	vor.u32 v13, v37;
	v42 =	vor.u32 v14, v37;
	_ =	sdelay $0x1  }
0x6c0: {  	v39 =	vadd.f32 v40, v39;
	_ =	sdelay $0x1  }
0x6c1: {  	[tilespmem:v38+s16+$0x0] =	vst.idx.msk $0xffff, v39  }
0x6c2: {  	v38 =	vld.idx.msk [tilespmem:v41+s3+$0x0], $0xffff  }
0x6c3: {  	v39 =	vld.idx.msk [tilespmem:v42+s3+$0x0], $0xffff;
	_ =	sdelay $0x3  }
0x6c4: {  	v40 =	vor.u32 v17, v37  }
0x6c5: {  	v38 =	vmul.f32 v38, v11  }
0x6c6: {  	v41 =	vadd.s32 v15, v37;
	v42 =	vadd.s32 v16, v37;
	v39 =	vmul.f32 v39, v12;
	_ =	sdelay $0x1  }
0x6c7: {  	v38 =	vadd.f32 v39, v38;
	_ =	sdelay $0x1  }
0x6c8: {  	[tilespmem:v40+s16+$0x0] =	vst.idx.msk $0xffff, v38  }
0x6c9: {  	v38 =	vld.idx.msk [tilespmem:v41+s3+$0x0], $0xffff  }
0x6ca: {  	v39 =	vld.idx.msk [tilespmem:v42+s3+$0x0], $0xffff;
	_ =	sdelay $0x2  }
0x6cb: {  	v40 =	vadd.s32 v20, v37;
	_ =	sdelay $0x1  }
0x6cc: {  	v38 =	vmul.f32 v38, v11  }
0x6cd: {  	v41 =	vadd.s32 v18, v37;
	v42 =	vadd.s32 v19, v37;
	v39 =	vmul.f32 v39, v12;
	_ =	sdelay $0x1  }
0x6ce: {  	v38 =	vadd.f32 v39, v38;
	_ =	sdelay $0x1  }
0x6cf: {  	[tilespmem:v40+s16+$0x0] =	vst.idx.msk $0xffff, v38  }
0x6d0: {  	v38 =	vld.idx.msk [tilespmem:v41+s3+$0x0], $0xffff  }
0x6d1: {  	v39 =	vld.idx.msk [tilespmem:v42+s3+$0x0], $0xffff;
	_ =	sdelay $0x1  }
0x6d2: {  	v40 =	vadd.s32 v23, v37;
	_ =	sdelay $0x2  }
0x6d3: {  	v38 =	vmul.f32 v38, v11  }
0x6d4: {  	v41 =	vadd.s32 v21, v37;
	v42 =	vadd.s32 v22, v37;
	v39 =	vmul.f32 v39, v12;
	_ =	sdelay $0x1  }
0x6d5: {  	v38 =	vadd.f32 v39, v38;
	_ =	sdelay $0x1  }
0x6d6: {  	[tilespmem:v40+s16+$0x0] =	vst.idx.msk $0xffff, v38  }
0x6d7: {  	v38 =	vld.idx.msk [tilespmem:v41+s3+$0x0], $0xffff  }
0x6d8: {  	v39 =	vld.idx.msk [tilespmem:v42+s3+$0x0], $0xffff  }
0x6d9: {  	v40 =	vadd.s32 v26, v37;
	_ =	sdelay $0x3  }
0x6da: {  	v38 =	vmul.f32 v38, v11  }
0x6db: {  	v41 =	vadd.s32 v24, v37;
	v42 =	vadd.s32 v25, v37;
	v39 =	vmul.f32 v39, v12;
	_ =	sdelay $0x1  }
0x6dc: {  	v38 =	vadd.f32 v39, v38;
	_ =	sdelay $0x1  }
0x6dd: {  	[tilespmem:v40+s16+$0x0] =	vst.idx.msk $0xffff, v38  }
0x6de: {  	v38 =	vld.idx.msk [tilespmem:v41+s3+$0x0], $0xffff  }
0x6df: {  	v40 =	vadd.s32 v29, v37;
	v39 =	vld.idx.msk [tilespmem:v42+s3+$0x0], $0xffff;
	_ =	sdelay $0x4  }
0x6e0: {  	v38 =	vmul.f32 v38, v11  }
0x6e1: {  	v41 =	vadd.s32 v27, v37;
	v42 =	vadd.s32 v28, v37;
	v39 =	vmul.f32 v39, v12;
	_ =	sdelay $0x1  }
0x6e2: {  	v38 =	vadd.f32 v39, v38;
	_ =	sdelay $0x1  }
0x6e3: {  	[tilespmem:v40+s16+$0x0] =	vst.idx.msk $0xffff, v38  }
0x6e4: {  	v39 =	vadd.s32 v32, v37;
	v38 =	vld.idx.msk [tilespmem:v41+s3+$0x0], $0xffff  }
0x6e5: {  	v40 =	vld.idx.msk [tilespmem:v42+s3+$0x0], $0xffff;
	_ =	sdelay $0x4  }
0x6e6: {  	v38 =	vmul.f32 v38, v11  }
0x6e7: {  	v41 =	vadd.s32 v30, v37;
	v42 =	vadd.s32 v31, v37;
	v40 =	vmul.f32 v40, v12;
	_ =	sdelay $0x1  }
0x6e8: {  	v38 =	vadd.f32 v40, v38;
	_ =	sdelay $0x1  }
0x6e9: {  	[tilespmem:v39+s16+$0x0] =	vst.idx.msk $0xffff, v38;
	v39 =	vadd.s32 v35, v37  }
0x6ea: {  	v38 =	vld.idx.msk [tilespmem:v41+s3+$0x0], $0xffff  }
0x6eb: {  	v40 =	vld.idx.msk [tilespmem:v42+s3+$0x0], $0xffff;
	_ =	sdelay $0x4  }
0x6ec: {  	v38 =	vmul.f32 v38, v11  }
0x6ed: {  	v41 =	vadd.s32 v33, v37;
	v42 =	vadd.s32 v34, v37;
	v40 =	vmul.f32 v40, v12;
	_ =	sdelay $0x1  }
0x6ee: {  	v40 =	vadd.f32 v40, v38  }
.Ltmp12:
0x6ef: {  	v38 =	vadd.s32 v36, v37;
	(pc) =	sbr.rel @p0 .LBB2_27-.Ltmp12, $4  }
0x6f0: {  	[tilespmem:v39+s16+$0x0] =	vst.idx.msk $0xffff, v40  }
0x6f1: {  	v39 =	vld.idx.msk [tilespmem:v41+s3+$0x0], $0xffff  }
0x6f2: {  	s14 =	sadd.s32 $0x80, s14;
	v40 =	vld.idx.msk [tilespmem:v42+s3+$0x0], $0xffff  }
0x6f3: {  	v37 =	vmov s14  }
0x6f4: {  	v37 =	vshrl.u32 v37, $0x7  }
0x6f5: {  	v37 =	vshll.u32 v37, $0xA  }
0x6f6: {  	v37 =	vbroadcast v37, $0x0;
	_ =	sdelay $0x1  }
0x6f7: {  	v39 =	vmul.f32 v39, v11;
	v40 =	vmul.f32 v40, v12;
	v13 =	vor.u32 v13, v37  }
0x6f8: {  	v14 =	vor.u32 v14, v37  }
0x6f9: {  	v39 =	vadd.f32 v40, v39;
	_ =	sdelay $0x1  }
0x6fa: {  	[tilespmem:v38+s16+$0x0] =	vst.idx.msk $0xffff, v39  }
0x6fb: {  	v13 =	vld.idx.msk [tilespmem:v13+s3+$0x0], $0xffff  }
0x6fc: {  	v14 =	vld.idx.msk [tilespmem:v14+s3+$0x0], $0xffff;
	_ =	sdelay $0x3  }
0x6fd: {  	v17 =	vor.u32 v17, v37  }
0x6fe: {  	v15 =	vadd.s32 v15, v37;
	v13 =	vmul.f32 v13, v11;
	v14 =	vmul.f32 v14, v12  }
0x6ff: {  	v16 =	vadd.s32 v16, v37  }
0x700: {  	v13 =	vadd.f32 v14, v13;
	_ =	sdelay $0x1  }
0x701: {  	[tilespmem:v17+s16+$0x0] =	vst.idx.msk $0xffff, v13  }
0x702: {  	v13 =	vld.idx.msk [tilespmem:v15+s3+$0x0], $0xffff  }
0x703: {  	v63 =	vld.idx.msk [tilespmem:v16+s3+$0x0], $0xffff;
	_ =	sdelay $0x3  }
0x704: {  	v38 =	vadd.s32 v20, v37  }
0x705: {  	v39 =	vadd.s32 v18, v37;
	v13 =	vmul.f32 v13, v11;
	v14 =	vmul.f32 v63, v12  }
0x706: {  	v40 =	vadd.s32 v19, v37  }
0x707: {  	v13 =	vadd.f32 v14, v13;
	_ =	sdelay $0x1  }
0x708: {  	[tilespmem:v38+s16+$0x0] =	vst.idx.msk $0xffff, v13  }
0x709: {  	v13 =	vld.idx.msk [tilespmem:v39+s3+$0x0], $0xffff  }
0x70a: {  	v41 =	vld.idx.msk [tilespmem:v40+s3+$0x0], $0xffff;
	_ =	sdelay $0x3  }
0x70b: {  	v42 =	vadd.s32 v23, v37  }
0x70c: {  	v43 =	vadd.s32 v21, v37;
	v13 =	vmul.f32 v13, v11;
	v14 =	vmul.f32 v41, v12  }
0x70d: {  	v44 =	vadd.s32 v22, v37  }
0x70e: {  	v13 =	vadd.f32 v14, v13;
	_ =	sdelay $0x1  }
0x70f: {  	[tilespmem:v42+s16+$0x0] =	vst.idx.msk $0xffff, v13  }
0x710: {  	v13 =	vld.idx.msk [tilespmem:v43+s3+$0x0], $0xffff  }
0x711: {  	v45 =	vld.idx.msk [tilespmem:v44+s3+$0x0], $0xffff;
	_ =	sdelay $0x3  }
0x712: {  	v46 =	vadd.s32 v26, v37  }
0x713: {  	v47 =	vadd.s32 v24, v37;
	v13 =	vmul.f32 v13, v11;
	v14 =	vmul.f32 v45, v12  }
0x714: {  	v48 =	vadd.s32 v25, v37  }
0x715: {  	v13 =	vadd.f32 v14, v13;
	_ =	sdelay $0x1  }
0x716: {  	[tilespmem:v46+s16+$0x0] =	vst.idx.msk $0xffff, v13  }
0x717: {  	v13 =	vld.idx.msk [tilespmem:v47+s3+$0x0], $0xffff  }
0x718: {  	v49 =	vld.idx.msk [tilespmem:v48+s3+$0x0], $0xffff;
	_ =	sdelay $0x3  }
0x719: {  	v50 =	vadd.s32 v29, v37  }
0x71a: {  	v51 =	vadd.s32 v27, v37;
	v13 =	vmul.f32 v13, v11;
	v14 =	vmul.f32 v49, v12  }
0x71b: {  	v52 =	vadd.s32 v28, v37  }
0x71c: {  	v13 =	vadd.f32 v14, v13;
	_ =	sdelay $0x1  }
0x71d: {  	[tilespmem:v50+s16+$0x0] =	vst.idx.msk $0xffff, v13  }
0x71e: {  	v13 =	vld.idx.msk [tilespmem:v51+s3+$0x0], $0xffff  }
0x71f: {  	v53 =	vld.idx.msk [tilespmem:v52+s3+$0x0], $0xffff;
	_ =	sdelay $0x3  }
0x720: {  	v54 =	vadd.s32 v32, v37  }
0x721: {  	v55 =	vadd.s32 v30, v37;
	v13 =	vmul.f32 v13, v11;
	v14 =	vmul.f32 v53, v12  }
0x722: {  	v56 =	vadd.s32 v31, v37  }
0x723: {  	v13 =	vadd.f32 v14, v13;
	_ =	sdelay $0x1  }
0x724: {  	[tilespmem:v54+s16+$0x0] =	vst.idx.msk $0xffff, v13  }
0x725: {  	v13 =	vld.idx.msk [tilespmem:v55+s3+$0x0], $0xffff  }
0x726: {  	v57 =	vld.idx.msk [tilespmem:v56+s3+$0x0], $0xffff;
	_ =	sdelay $0x3  }
0x727: {  	v58 =	vadd.s32 v35, v37  }
0x728: {  	v59 =	vadd.s32 v33, v37;
	v13 =	vmul.f32 v13, v11;
	v14 =	vmul.f32 v57, v12  }
0x729: {  	v60 =	vadd.s32 v34, v37  }
0x72a: {  	v13 =	vadd.f32 v14, v13;
	_ =	sdelay $0x1  }
0x72b: {  	[tilespmem:v58+s16+$0x0] =	vst.idx.msk $0xffff, v13  }
0x72c: {  	v13 =	vld.idx.msk [tilespmem:v59+s3+$0x0], $0xffff  }
0x72d: {  	v61 =	vld.idx.msk [tilespmem:v60+s3+$0x0], $0xffff;
	_ =	sdelay $0x2  }
0x72e: {  	s28 =	sadd.s32 $0x1, s28  }
0x72f: {  	p0 =	sne.s32 s28, $0x10;
	v62 =	vadd.s32 v36, v37  }
.Ltmp13:
0x730: {  	v11 =	vmul.f32 v13, v11;
	v63 =	vmul.f32 v61, v12;
	(pc) =	sbr.rel @p0 .LBB2_26-.Ltmp13, $3  }
0x731: {  	_ = 	snop  }
0x732: {  	v11 =	vadd.f32 v63, v11;
	_ =	sdelay $0x1  }
0x733: {  	[tilespmem:v62+s16+$0x0] =	vst.idx.msk $0xffff, v11  }
0x734: {  	s25 =	simm.s32 $0x0;
	s4 =	rddreg [dreg:$0x19]  }
0x735: {  	[hbm4b:s4+s25] =	stream.linear.scatter [tilespmem:s16], [sflag:$0x3], $0x4000, $0x38;
	[tilespmem:$0x18200] =	vst v63  }
0x736: {  	_ =	swait.ge [sflag:s17], $0x8000  }
0x737: {  	[sflag:s17] =	ssyncset.done $0x0  }
0x738: {  	[sflag:s17] =	ssyncadd.s32 $0xFFFF8000  }
0x739: {  	_ =	swait.ge [sflag:s21], $0x4000  }
0x73a: {  	[sflag:s21] =	ssyncset.done $0x0  }
0x73b: {  	s28 =	simm.s32 $0x0;
	[sflag:s21] =	ssyncadd.s32 $0xFFFFC000  }
.LBB2_30:
0x73c: {  	s4 =	sshll.u32 s28, $0x1  }
0x73d: {  	v11 =	vmov s4  }
0x73e: {  	v12 =	vshll.u32 v11, $0xA;
	v13 =	vshll.u32 v11, $0x7  }
0x73f: {  	s14 =	sshllo.u32 s28, $0x1;
	v14 =	vmov s25;
	v12 =	vand.u32 $0x6000, v12;
	v13 =	vand.u32 $0x300, v13  }
0x740: {  	v15 =	vmov s14;
	v33 =	vor.u32 v13, v12;
	v12 =	vshrl.u32 v14, $0x7  }
0x741: {  	v13 =	vshll.u32 v15, $0xA;
	v14 =	vshll.u32 v15, $0x7;
	v12 =	vshll.u32 v12, $0xA  }
0x742: {  	v16 =	vand.u32 $0x6000, v13;
	v14 =	vand.u32 $0x380, v14;
	v37 =	vbroadcast v12, $0x0  }
0x743: {  	v13 =	vor.u32 v0, v33;
	v34 =	vor.u32 v14, v16  }
0x744: {  	v14 =	vor.u32 v0, v34;
	v16 =	vor.u32 v13, v37  }
0x745: {  	v17 =	vor.u32 v14, v37;
	_ =	sdelay $0x1  }
0x746: {  	v11 =	vld.idx.msk [tilespmem:v11+s22+$0x0], $0xffff  }
0x747: {  	v12 =	vld.idx.msk [tilespmem:v15+s22+$0x0], $0xffff  }
0x748: {  	v15 =	vmov s28;
	v18 =	vld.idx.msk [tilespmem:v16+s23+$0x0], $0xffff  }
0x749: {  	v16 =	vshll.u32 v15, $0xA;
	v15 =	vshll.u32 v15, $0x7;
	v19 =	vld.idx.msk [tilespmem:v17+s23+$0x0], $0xffff  }
0x74a: {  	v16 =	vand.u32 $0x2000, v16;
	v15 =	vand.u32 $0x380, v15  }
0x74b: {  	v36 =	vor.u32 v15, v16  }
0x74c: {  	v17 =	vor.u32 v0, v36  }
0x74d: {  	v15 =	vor.u32 v4, v33;
	v16 =	vor.u32 v4, v34;
	v20 =	vor.u32 v17, v37  }
0x74e: {  	v21 =	vadd.s32 v15, v37;
	v18 =	vmul.f32 v18, v11;
	v19 =	vmul.f32 v19, v12  }
0x74f: {  	v22 =	vadd.s32 v16, v37  }
0x750: {  	v18 =	vadd.f32 v19, v18;
	_ =	sdelay $0x1  }
0x751: {  	[tilespmem:v20+s18+$0x0] =	vst.idx.msk $0xffff, v18  }
0x752: {  	v21 =	vld.idx.msk [tilespmem:v21+s23+$0x0], $0xffff  }
0x753: {  	v22 =	vld.idx.msk [tilespmem:v22+s23+$0x0], $0xffff;
	_ =	sdelay $0x2  }
0x754: {  	v20 =	vor.u32 v4, v36  }
0x755: {  	v19 =	vor.u32 v5, v34;
	v18 =	vor.u32 v5, v33;
	v23 =	vadd.s32 v20, v37  }
0x756: {  	v24 =	vadd.s32 v18, v37;
	v21 =	vmul.f32 v21, v11;
	v22 =	vmul.f32 v22, v12  }
0x757: {  	v25 =	vadd.s32 v19, v37  }
0x758: {  	v21 =	vadd.f32 v22, v21;
	_ =	sdelay $0x1  }
0x759: {  	[tilespmem:v23+s18+$0x0] =	vst.idx.msk $0xffff, v21  }
0x75a: {  	v24 =	vld.idx.msk [tilespmem:v24+s23+$0x0], $0xffff  }
0x75b: {  	v25 =	vld.idx.msk [tilespmem:v25+s23+$0x0], $0xffff;
	_ =	sdelay $0x2  }
0x75c: {  	v23 =	vor.u32 v5, v36  }
0x75d: {  	v22 =	vor.u32 v6, v34;
	v21 =	vor.u32 v6, v33;
	v26 =	vadd.s32 v23, v37  }
0x75e: {  	v27 =	vadd.s32 v21, v37;
	v24 =	vmul.f32 v24, v11;
	v25 =	vmul.f32 v25, v12  }
0x75f: {  	v28 =	vadd.s32 v22, v37  }
0x760: {  	v24 =	vadd.f32 v25, v24;
	_ =	sdelay $0x1  }
0x761: {  	[tilespmem:v26+s18+$0x0] =	vst.idx.msk $0xffff, v24  }
0x762: {  	v27 =	vld.idx.msk [tilespmem:v27+s23+$0x0], $0xffff  }
0x763: {  	v28 =	vld.idx.msk [tilespmem:v28+s23+$0x0], $0xffff;
	_ =	sdelay $0x2  }
0x764: {  	v26 =	vor.u32 v6, v36  }
0x765: {  	v25 =	vor.u32 v7, v34;
	v24 =	vor.u32 v7, v33;
	v29 =	vadd.s32 v26, v37  }
0x766: {  	v30 =	vadd.s32 v24, v37;
	v27 =	vmul.f32 v27, v11;
	v28 =	vmul.f32 v28, v12  }
0x767: {  	v31 =	vadd.s32 v25, v37  }
0x768: {  	v27 =	vadd.f32 v28, v27;
	_ =	sdelay $0x1  }
0x769: {  	[tilespmem:v29+s18+$0x0] =	vst.idx.msk $0xffff, v27  }
0x76a: {  	v30 =	vld.idx.msk [tilespmem:v30+s23+$0x0], $0xffff  }
0x76b: {  	v31 =	vld.idx.msk [tilespmem:v31+s23+$0x0], $0xffff;
	_ =	sdelay $0x2  }
0x76c: {  	v29 =	vor.u32 v7, v36  }
0x76d: {  	v28 =	vor.u32 v8, v34;
	v27 =	vor.u32 v8, v33;
	v32 =	vadd.s32 v29, v37  }
0x76e: {  	v35 =	vadd.s32 v27, v37;
	v30 =	vmul.f32 v30, v11;
	v31 =	vmul.f32 v31, v12  }
0x76f: {  	v38 =	vadd.s32 v28, v37  }
0x770: {  	v30 =	vadd.f32 v31, v30;
	_ =	sdelay $0x1  }
0x771: {  	[tilespmem:v32+s18+$0x0] =	vst.idx.msk $0xffff, v30  }
0x772: {  	v35 =	vld.idx.msk [tilespmem:v35+s23+$0x0], $0xffff  }
0x773: {  	v38 =	vld.idx.msk [tilespmem:v38+s23+$0x0], $0xffff;
	_ =	sdelay $0x2  }
0x774: {  	v32 =	vor.u32 v8, v36  }
0x775: {  	v31 =	vor.u32 v9, v34;
	v30 =	vor.u32 v9, v33;
	v39 =	vadd.s32 v32, v37  }
0x776: {  	v40 =	vadd.s32 v30, v37;
	v35 =	vmul.f32 v35, v11;
	v38 =	vmul.f32 v38, v12  }
0x777: {  	v41 =	vadd.s32 v31, v37  }
0x778: {  	v35 =	vadd.f32 v38, v35;
	_ =	sdelay $0x1  }
0x779: {  	[tilespmem:v39+s18+$0x0] =	vst.idx.msk $0xffff, v35  }
0x77a: {  	v61 =	vld.idx.msk [tilespmem:v40+s23+$0x0], $0xffff  }
0x77b: {  	v39 =	vld.idx.msk [tilespmem:v41+s23+$0x0], $0xffff;
	_ =	sdelay $0x2  }
0x77c: {  	v35 =	vor.u32 v9, v36  }
0x77d: {  	v34 =	vor.u32 v10, v34;
	v33 =	vor.u32 v10, v33;
	v62 =	vadd.s32 v35, v37  }
0x77e: {  	v63 =	vadd.s32 v33, v37;
	v38 =	vmul.f32 v61, v11;
	v39 =	vmul.f32 v39, v12  }
0x77f: {  	v42 =	vadd.s32 v34, v37  }
0x780: {  	v38 =	vadd.f32 v39, v38;
	_ =	sdelay $0x1  }
0x781: {  	[tilespmem:v62+s18+$0x0] =	vst.idx.msk $0xffff, v38  }
0x782: {  	s14 =	simm.s32 $0x80;
	v36 =	vor.u32 v10, v36;
	v39 =	vld.idx.msk [tilespmem:v63+s23+$0x0], $0xffff  }
0x783: {  	s4 =	simm.s32 $0x8;
	v38 =	vadd.s32 v36, v37;
	v37 =	vmov s14;
	v40 =	vld.idx.msk [tilespmem:v42+s23+$0x0], $0xffff  }
.LBB2_31:
0x784: {  	s4 =	sadd.s32 $0x8, s4;
	v37 =	vshrl.u32 v37, $0x7  }
0x785: {  	p0 =	slt.u32 s4, $0x38;
	v37 =	vshll.u32 v37, $0xA  }
0x786: {  	v37 =	vbroadcast v37, $0x0  }
0x787: {  	v39 =	vmul.f32 v39, v11  }
0x788: {  	v40 =	vmul.f32 v40, v12;
	v41 =	vor.u32 v13, v37;
	v42 =	vor.u32 v14, v37;
	_ =	sdelay $0x1  }
0x789: {  	v39 =	vadd.f32 v40, v39;
	_ =	sdelay $0x1  }
0x78a: {  	[tilespmem:v38+s18+$0x0] =	vst.idx.msk $0xffff, v39  }
0x78b: {  	v38 =	vld.idx.msk [tilespmem:v41+s23+$0x0], $0xffff  }
0x78c: {  	v39 =	vld.idx.msk [tilespmem:v42+s23+$0x0], $0xffff;
	_ =	sdelay $0x3  }
0x78d: {  	v40 =	vor.u32 v17, v37  }
0x78e: {  	v38 =	vmul.f32 v38, v11  }
0x78f: {  	v41 =	vadd.s32 v15, v37;
	v42 =	vadd.s32 v16, v37;
	v39 =	vmul.f32 v39, v12;
	_ =	sdelay $0x1  }
0x790: {  	v38 =	vadd.f32 v39, v38;
	_ =	sdelay $0x1  }
0x791: {  	[tilespmem:v40+s18+$0x0] =	vst.idx.msk $0xffff, v38  }
0x792: {  	v38 =	vld.idx.msk [tilespmem:v41+s23+$0x0], $0xffff  }
0x793: {  	v39 =	vld.idx.msk [tilespmem:v42+s23+$0x0], $0xffff;
	_ =	sdelay $0x2  }
0x794: {  	v40 =	vadd.s32 v20, v37;
	_ =	sdelay $0x1  }
0x795: {  	v38 =	vmul.f32 v38, v11  }
0x796: {  	v41 =	vadd.s32 v18, v37;
	v42 =	vadd.s32 v19, v37;
	v39 =	vmul.f32 v39, v12;
	_ =	sdelay $0x1  }
0x797: {  	v38 =	vadd.f32 v39, v38;
	_ =	sdelay $0x1  }
0x798: {  	[tilespmem:v40+s18+$0x0] =	vst.idx.msk $0xffff, v38  }
0x799: {  	v38 =	vld.idx.msk [tilespmem:v41+s23+$0x0], $0xffff  }
0x79a: {  	v39 =	vld.idx.msk [tilespmem:v42+s23+$0x0], $0xffff;
	_ =	sdelay $0x1  }
0x79b: {  	v40 =	vadd.s32 v23, v37;
	_ =	sdelay $0x2  }
0x79c: {  	v38 =	vmul.f32 v38, v11  }
0x79d: {  	v41 =	vadd.s32 v21, v37;
	v42 =	vadd.s32 v22, v37;
	v39 =	vmul.f32 v39, v12;
	_ =	sdelay $0x1  }
0x79e: {  	v38 =	vadd.f32 v39, v38;
	_ =	sdelay $0x1  }
0x79f: {  	[tilespmem:v40+s18+$0x0] =	vst.idx.msk $0xffff, v38  }
0x7a0: {  	v38 =	vld.idx.msk [tilespmem:v41+s23+$0x0], $0xffff  }
0x7a1: {  	v39 =	vld.idx.msk [tilespmem:v42+s23+$0x0], $0xffff  }
0x7a2: {  	v40 =	vadd.s32 v26, v37;
	_ =	sdelay $0x3  }
0x7a3: {  	v38 =	vmul.f32 v38, v11  }
0x7a4: {  	v41 =	vadd.s32 v24, v37;
	v42 =	vadd.s32 v25, v37;
	v39 =	vmul.f32 v39, v12;
	_ =	sdelay $0x1  }
0x7a5: {  	v38 =	vadd.f32 v39, v38;
	_ =	sdelay $0x1  }
0x7a6: {  	[tilespmem:v40+s18+$0x0] =	vst.idx.msk $0xffff, v38  }
0x7a7: {  	v38 =	vld.idx.msk [tilespmem:v41+s23+$0x0], $0xffff  }
0x7a8: {  	v40 =	vadd.s32 v29, v37;
	v39 =	vld.idx.msk [tilespmem:v42+s23+$0x0], $0xffff;
	_ =	sdelay $0x4  }
0x7a9: {  	v38 =	vmul.f32 v38, v11  }
0x7aa: {  	v41 =	vadd.s32 v27, v37;
	v42 =	vadd.s32 v28, v37;
	v39 =	vmul.f32 v39, v12;
	_ =	sdelay $0x1  }
0x7ab: {  	v38 =	vadd.f32 v39, v38;
	_ =	sdelay $0x1  }
0x7ac: {  	[tilespmem:v40+s18+$0x0] =	vst.idx.msk $0xffff, v38  }
0x7ad: {  	v39 =	vadd.s32 v32, v37;
	v38 =	vld.idx.msk [tilespmem:v41+s23+$0x0], $0xffff  }
0x7ae: {  	v40 =	vld.idx.msk [tilespmem:v42+s23+$0x0], $0xffff;
	_ =	sdelay $0x4  }
0x7af: {  	v38 =	vmul.f32 v38, v11  }
0x7b0: {  	v41 =	vadd.s32 v30, v37;
	v42 =	vadd.s32 v31, v37;
	v40 =	vmul.f32 v40, v12;
	_ =	sdelay $0x1  }
0x7b1: {  	v38 =	vadd.f32 v40, v38;
	_ =	sdelay $0x1  }
0x7b2: {  	[tilespmem:v39+s18+$0x0] =	vst.idx.msk $0xffff, v38;
	v39 =	vadd.s32 v35, v37  }
0x7b3: {  	v38 =	vld.idx.msk [tilespmem:v41+s23+$0x0], $0xffff  }
0x7b4: {  	v40 =	vld.idx.msk [tilespmem:v42+s23+$0x0], $0xffff;
	_ =	sdelay $0x4  }
0x7b5: {  	v38 =	vmul.f32 v38, v11  }
0x7b6: {  	v41 =	vadd.s32 v33, v37;
	v42 =	vadd.s32 v34, v37;
	v40 =	vmul.f32 v40, v12;
	_ =	sdelay $0x1  }
0x7b7: {  	v40 =	vadd.f32 v40, v38  }
.Ltmp14:
0x7b8: {  	v38 =	vadd.s32 v36, v37;
	(pc) =	sbr.rel @p0 .LBB2_31-.Ltmp14, $4  }
0x7b9: {  	[tilespmem:v39+s18+$0x0] =	vst.idx.msk $0xffff, v40  }
0x7ba: {  	v39 =	vld.idx.msk [tilespmem:v41+s23+$0x0], $0xffff  }
0x7bb: {  	s14 =	sadd.s32 $0x80, s14;
	v40 =	vld.idx.msk [tilespmem:v42+s23+$0x0], $0xffff  }
0x7bc: {  	v37 =	vmov s14  }
0x7bd: {  	v37 =	vshrl.u32 v37, $0x7  }
0x7be: {  	v37 =	vshll.u32 v37, $0xA  }
0x7bf: {  	v37 =	vbroadcast v37, $0x0;
	_ =	sdelay $0x1  }
0x7c0: {  	v39 =	vmul.f32 v39, v11;
	v40 =	vmul.f32 v40, v12;
	v13 =	vor.u32 v13, v37  }
0x7c1: {  	v14 =	vor.u32 v14, v37  }
0x7c2: {  	v39 =	vadd.f32 v40, v39;
	_ =	sdelay $0x1  }
0x7c3: {  	[tilespmem:v38+s18+$0x0] =	vst.idx.msk $0xffff, v39  }
0x7c4: {  	v13 =	vld.idx.msk [tilespmem:v13+s23+$0x0], $0xffff  }
0x7c5: {  	v14 =	vld.idx.msk [tilespmem:v14+s23+$0x0], $0xffff;
	_ =	sdelay $0x3  }
0x7c6: {  	v17 =	vor.u32 v17, v37  }
0x7c7: {  	v15 =	vadd.s32 v15, v37;
	v13 =	vmul.f32 v13, v11;
	v14 =	vmul.f32 v14, v12  }
0x7c8: {  	v16 =	vadd.s32 v16, v37  }
0x7c9: {  	v13 =	vadd.f32 v14, v13;
	_ =	sdelay $0x1  }
0x7ca: {  	[tilespmem:v17+s18+$0x0] =	vst.idx.msk $0xffff, v13  }
0x7cb: {  	v13 =	vld.idx.msk [tilespmem:v15+s23+$0x0], $0xffff  }
0x7cc: {  	v63 =	vld.idx.msk [tilespmem:v16+s23+$0x0], $0xffff;
	_ =	sdelay $0x3  }
0x7cd: {  	v38 =	vadd.s32 v20, v37  }
0x7ce: {  	v39 =	vadd.s32 v18, v37;
	v13 =	vmul.f32 v13, v11;
	v14 =	vmul.f32 v63, v12  }
0x7cf: {  	v40 =	vadd.s32 v19, v37  }
0x7d0: {  	v13 =	vadd.f32 v14, v13;
	_ =	sdelay $0x1  }
0x7d1: {  	[tilespmem:v38+s18+$0x0] =	vst.idx.msk $0xffff, v13  }
0x7d2: {  	v13 =	vld.idx.msk [tilespmem:v39+s23+$0x0], $0xffff  }
0x7d3: {  	v41 =	vld.idx.msk [tilespmem:v40+s23+$0x0], $0xffff;
	_ =	sdelay $0x3  }
0x7d4: {  	v42 =	vadd.s32 v23, v37  }
0x7d5: {  	v43 =	vadd.s32 v21, v37;
	v13 =	vmul.f32 v13, v11;
	v14 =	vmul.f32 v41, v12  }
0x7d6: {  	v44 =	vadd.s32 v22, v37  }
0x7d7: {  	v13 =	vadd.f32 v14, v13;
	_ =	sdelay $0x1  }
0x7d8: {  	[tilespmem:v42+s18+$0x0] =	vst.idx.msk $0xffff, v13  }
0x7d9: {  	v13 =	vld.idx.msk [tilespmem:v43+s23+$0x0], $0xffff  }
0x7da: {  	v45 =	vld.idx.msk [tilespmem:v44+s23+$0x0], $0xffff;
	_ =	sdelay $0x3  }
0x7db: {  	v46 =	vadd.s32 v26, v37  }
0x7dc: {  	v47 =	vadd.s32 v24, v37;
	v13 =	vmul.f32 v13, v11;
	v14 =	vmul.f32 v45, v12  }
0x7dd: {  	v48 =	vadd.s32 v25, v37  }
0x7de: {  	v13 =	vadd.f32 v14, v13;
	_ =	sdelay $0x1  }
0x7df: {  	[tilespmem:v46+s18+$0x0] =	vst.idx.msk $0xffff, v13  }
0x7e0: {  	v13 =	vld.idx.msk [tilespmem:v47+s23+$0x0], $0xffff  }
0x7e1: {  	v49 =	vld.idx.msk [tilespmem:v48+s23+$0x0], $0xffff;
	_ =	sdelay $0x3  }
0x7e2: {  	v50 =	vadd.s32 v29, v37  }
0x7e3: {  	v51 =	vadd.s32 v27, v37;
	v13 =	vmul.f32 v13, v11;
	v14 =	vmul.f32 v49, v12  }
0x7e4: {  	v52 =	vadd.s32 v28, v37  }
0x7e5: {  	v13 =	vadd.f32 v14, v13;
	_ =	sdelay $0x1  }
0x7e6: {  	[tilespmem:v50+s18+$0x0] =	vst.idx.msk $0xffff, v13  }
0x7e7: {  	v13 =	vld.idx.msk [tilespmem:v51+s23+$0x0], $0xffff  }
0x7e8: {  	v53 =	vld.idx.msk [tilespmem:v52+s23+$0x0], $0xffff;
	_ =	sdelay $0x3  }
0x7e9: {  	v54 =	vadd.s32 v32, v37  }
0x7ea: {  	v55 =	vadd.s32 v30, v37;
	v13 =	vmul.f32 v13, v11;
	v14 =	vmul.f32 v53, v12  }
0x7eb: {  	v56 =	vadd.s32 v31, v37  }
0x7ec: {  	v13 =	vadd.f32 v14, v13;
	_ =	sdelay $0x1  }
0x7ed: {  	[tilespmem:v54+s18+$0x0] =	vst.idx.msk $0xffff, v13  }
0x7ee: {  	v13 =	vld.idx.msk [tilespmem:v55+s23+$0x0], $0xffff  }
0x7ef: {  	v57 =	vld.idx.msk [tilespmem:v56+s23+$0x0], $0xffff;
	_ =	sdelay $0x3  }
0x7f0: {  	v58 =	vadd.s32 v35, v37  }
0x7f1: {  	v59 =	vadd.s32 v33, v37;
	v13 =	vmul.f32 v13, v11;
	v14 =	vmul.f32 v57, v12  }
0x7f2: {  	v60 =	vadd.s32 v34, v37  }
0x7f3: {  	v13 =	vadd.f32 v14, v13;
	_ =	sdelay $0x1  }
0x7f4: {  	[tilespmem:v58+s18+$0x0] =	vst.idx.msk $0xffff, v13  }
0x7f5: {  	v13 =	vld.idx.msk [tilespmem:v59+s23+$0x0], $0xffff  }
0x7f6: {  	v61 =	vld.idx.msk [tilespmem:v60+s23+$0x0], $0xffff;
	_ =	sdelay $0x2  }
0x7f7: {  	s28 =	sadd.s32 $0x1, s28  }
0x7f8: {  	p0 =	sne.s32 s28, $0x10;
	v62 =	vadd.s32 v36, v37  }
.Ltmp15:
0x7f9: {  	v11 =	vmul.f32 v13, v11;
	v63 =	vmul.f32 v61, v12;
	(pc) =	sbr.rel @p0 .LBB2_30-.Ltmp15, $3  }
0x7fa: {  	_ = 	snop  }
0x7fb: {  	v11 =	vadd.f32 v63, v11;
	_ =	sdelay $0x1  }
0x7fc: {  	[tilespmem:v62+s18+$0x0] =	vst.idx.msk $0xffff, v11  }
0x7fd: {  	s4 =	rddreg [dreg:$0x1a]  }
0x7fe: {  	[hbm4b:s4+s1] =	stream.linear.scatter [tilespmem:s18], [sflag:$0x4], $0x4000, $0x38;
	[tilespmem:$0x18200] =	vst v63  }
0x7ff: {  	_ =	swait.ge [sflag:s19], $0x4000  }
0x800: {  	[sflag:s19] =	ssyncset.done $0x0  }
0x801: {  	[sflag:s19] =	ssyncadd.s32 $0xFFFFC000  }
0x802: {  	_ =	swait.ge [sflag:s21], $0x4000  }
0x803: {  	s24 =	sadd.s32 $0x1, s24;
	s28 =	rddreg [dreg:$0x1b]  }
0x804: {  	p0 =	sne.s32 s24, s28  }
.Ltmp16:
0x805: {  	_ = 	snop;
	(pc) =	sbr.rel @p0 .LBB2_1-.Ltmp16, $3  }
0x806: {  	_ =	sdelay $0x1  }
0x807: {  	[sflag:s21] =	ssyncset.done $0x0  }
0x808: {  	[sflag:s21] =	ssyncadd.s32 $0xFFFFC000  }
0x809: {  	_ =	sfence.sel $0x180000  }
0x80a: {  	[bflag:$0x0] =	sbarrier.arrive $0xFFFF  }
0x80b: {  	_ =	strace $0x9000004A  }
0x80c: {  	s0 =	stileid.u32;
	[bflag:$0x2] =	sbarrier.arrive $0xFFFF  }
0x80d: {  	p0 =	sne.s32 s0, $0x0;
	s0 =	rddreg [dreg:$0x2]  }
0x80e: {  	s0 =	sadd.s32 @!p0 $0x100000, s0  }
0x80f: {  	[sflag:s0] =	ssyncadd.tile.s32 @!p0 $0x1;
	_ =	shalt  }
.Lfunc_end2:
_tile_overlayer_lowered:
.L_overlay_start_2:
0x810: {  	(tag) =	ssettag $0x2  }
0x811: {  	s0 =	rddreg [dreg:$0x0];
	s2 =	stileid.u32  }
0x812: {  	s1 =	rddreg [dreg:$0x1];
	p0 =	sne.s32 s2, $0x0  }
0x813: {  	s3 =	rddreg [dreg:$0x2];
	[bflag:$0x3] =	sbarrier.arrive $0xFFFF;
	s2 =	simm.s32 @!p0 $0x1C05  }
0x814: {  	[timem:s3], [sflag:s2] =	dma.local @!p0 [hbm:s0], s1  }
0x815: {  	s0 =	simm.s32 @!p0 $0x5  }
0x816: {  	_ =	swait.ge @!p0 [sflag:s0], s1  }
0x817: {  	s1 =	ssub.s32 @!p0 $0x0, s1;
	[sflag:s0] =	ssyncset.done @!p0 $0x0  }
0x818: {  	[sflag:s0] =	ssyncadd.s32 @!p0 s1  }
0x819: {  	[bflag:$0x3] =	sbarrier.arrive $0xFFFF  }
0x81a: {  	_ =	shalt  }

</sc_bundles>
